<compile_context>
chip_gen: v7x
topology: tpu7x:2x2x1
jax: 0.10.2.dev20260603
libtpu: 0.0.44.dev20260713+nightly
codegen_flags: <defaults>
</compile_context>

<pallas_src>
import functools

import jax
import jax.numpy as jnp
from jax import lax
from jax.experimental import pallas as pl
from jax.experimental.pallas import tpu as pltpu
from jax.experimental.pallas import tpu_sc as plsc

N_NODES = 10000
N_HE = 10000
NNZ = 320000
C = 128
TEMB_C = 512
HALF = 64
W = 72
NC = 2
NS = 16
L = 16
EPS = NNZ // NS
CH = 250
NCH = EPS // CH
N_PAD = 10240
RPS = N_PAD // NS
RCH = 128
NRCH = RPS // RCH
RB = 1000
GRID = N_NODES // RB


def _pre_x_body(x_ref, wc_ref, xaug_ref):
    xt = jnp.dot(x_ref[...], wc_ref[...], preferred_element_type=jnp.float32)
    r = xt.shape[0]
    ones = jnp.ones((r, 1), jnp.float32)
    pad = jnp.zeros((r, W - HALF - 1), jnp.float32)
    h0 = jnp.concatenate([xt[:, :HALF], ones, pad], axis=1)
    h1 = jnp.concatenate([xt[:, HALF:], ones, pad], axis=1)
    xaug_ref[...] = jnp.stack([h0, h1], axis=0)





def _post_body(oa_ref, temb_ref, wt_ref, bt_ref, bh_ref, wp_ref, bp_ref,
               h_ref, res_ref):
    s = temb_ref[...]
    s = s * jax.nn.sigmoid(s)
    t = jnp.dot(s, wt_ref[...], preferred_element_type=jnp.float32) + bt_ref[...]
    o = jnp.concatenate([oa_ref[0, :, :HALF], oa_ref[1, :, :HALF]], axis=1)
    o = o + bh_ref[...]
    hh = jnp.dot(o, wp_ref[...], preferred_element_type=jnp.float32)
    hh = hh + bp_ref[...] + t
    h_ref[...] = hh * jax.nn.sigmoid(hh)
    res_ref[...] = jnp.zeros_like(res_ref)


def _sc_body(xaug_hbm, idxn_hbm, idxh_hbm,
             out_hbm, he_hbm,
             idxn_v, idxh_v, grows_v, acc_sh, gsem0, gsem1, ssem0, ssem1):
    srows_v = grows_v.at[0].at[pl.ds(0, RCH)]
    c = lax.axis_index("c")
    s = lax.axis_index("s")

    pltpu.sync_copy(idxn_hbm.at[s], idxn_v)
    pltpu.sync_copy(idxh_hbm.at[s], idxh_v)

    def zero_srows():
        zv = jnp.zeros((L,), jnp.float32)

        def zrow(rr, carry):
            for off in (0, 16, 32, 48, 56):
                srows_v[rr, pl.ds(off, L)] = zv
            return carry
        lax.fori_loop(0, RCH, zrow, 0)

    def zero_acc():
        for q in range(NRCH):
            base = s * RPS + q * RCH
            pltpu.sync_copy(srows_v, acc_sh.at[pl.ds(base, RCH)])

    def scale_srows():
        def srow(r, carry):
            tail = srows_v[r, pl.ds(56, L)]
            invvec = jnp.where(tail > 0.0, 1.0 / tail, 0.0)
            vinv = jnp.full((L,), invvec[8], jnp.float32)
            for g in range(4):
                srows_v[r, pl.ds(g * L, L)] = srows_v[r, pl.ds(g * L, L)] * vinv
            srows_v[r, pl.ds(56, L)] = tail * vinv
            return carry
        lax.fori_loop(0, RCH, srow, 0)

    zero_srows()
    zero_acc()
    plsc.subcore_barrier()

    def run_pass(gather_from, idxg_v, idxs_v):
        def g_start(j, b, sm):
            pltpu.async_copy(gather_from.at[idxg_v.at[j]], grows_v.at[b], sm)

        def g_wait(j, b, sm):
            pltpu.make_async_copy(gather_from.at[idxg_v.at[j]],
                                  grows_v.at[b], sm).wait()

        def s_start(j, b, sm):
            pltpu.async_copy(grows_v.at[b], acc_sh.at[idxs_v.at[j]], sm, add=True)

        def s_wait(j, b, sm):
            pltpu.make_async_copy(grows_v.at[b],
                                  acc_sh.at[idxs_v.at[j]], sm).wait()

        g_start(0, 0, gsem0)
        g_start(1, 1, gsem1)

        def body(k, carry):
            j0 = 2 * k
            j1 = 2 * k + 1
            j2 = lax.rem(2 * k + 2, NCH)
            j3 = lax.rem(2 * k + 3, NCH)
            g_wait(j0, 0, gsem0)
            s_start(j0, 0, ssem0)
            g_wait(j1, 1, gsem1)
            s_start(j1, 1, ssem1)
            s_wait(j0, 0, ssem0)
            g_start(j2, 0, gsem0)
            s_wait(j1, 1, ssem1)
            g_start(j3, 1, gsem1)
            return carry
        lax.fori_loop(0, NCH // 2, body, 0)
        g_wait(0, 0, gsem0)
        g_wait(1, 1, gsem1)

    run_pass(xaug_hbm.at[c], idxn_v, idxh_v)
    plsc.subcore_barrier()

    with jax.named_scope("ph2_scale_he"):
        for q in range(NRCH):
            base = s * RPS + q * RCH
            pltpu.sync_copy(acc_sh.at[pl.ds(base, RCH)], srows_v)
            scale_srows()
            pltpu.sync_copy(srows_v, he_hbm.at[c].at[pl.ds(base, RCH)])
        zero_srows()
        zero_acc()
        plsc.subcore_barrier()

    with jax.named_scope("ph3_pass2"):
        run_pass(he_hbm.at[c], idxh_v, idxn_v)
        plsc.subcore_barrier()

    with jax.named_scope("ph4_scale_out"):
        for q in range(NRCH):
            base = s * RPS + q * RCH
            pltpu.sync_copy(acc_sh.at[pl.ds(base, RCH)], srows_v)
            scale_srows()
            pltpu.sync_copy(srows_v, out_hbm.at[c].at[pl.ds(base, RCH)])


def _make_calls():
    pre_x = pl.pallas_call(
        _pre_x_body,
        grid=(GRID,),
        in_specs=[
            pl.BlockSpec((RB, C), lambda i: (i, 0)),
            pl.BlockSpec((C, C), lambda i: (0, 0)),
        ],
        out_specs=pl.BlockSpec((NC, RB, W), lambda i: (0, i, 0)),
        out_shape=jax.ShapeDtypeStruct((NC, N_NODES, W), jnp.float32),
    )
    post = pl.pallas_call(
        _post_body,
        grid=(GRID,),
        in_specs=[
            pl.BlockSpec((NC, RB, W), lambda i: (0, i, 0)),
            pl.BlockSpec((RB, TEMB_C), lambda i: (i, 0)),
            pl.BlockSpec((TEMB_C, C), lambda i: (0, 0)),
            pl.BlockSpec((1, C), lambda i: (0, 0)),
            pl.BlockSpec((1, C), lambda i: (0, 0)),
            pl.BlockSpec((C, C), lambda i: (0, 0)),
            pl.BlockSpec((1, C), lambda i: (0, 0)),
        ],
        out_specs=[
            pl.BlockSpec((RB, C), lambda i: (i, 0)),
            pl.BlockSpec((RB, C), lambda i: (i, 0)),
        ],
        out_shape=[
            jax.ShapeDtypeStruct((N_NODES, C), jnp.float32),
            jax.ShapeDtypeStruct((N_NODES, C), jnp.float32),
        ],
    )
    sc = pl.kernel(
        _sc_body,
        out_type=[
            jax.ShapeDtypeStruct((NC, N_PAD, W), jnp.float32),
            jax.ShapeDtypeStruct((NC, N_PAD, W), jnp.float32),
        ],
        mesh=plsc.VectorSubcoreMesh(
            core_axis_name="c", subcore_axis_name="s",
            num_cores=NC, num_subcores=NS,
        ),
        scratch_types=[
            pltpu.VMEM((NCH, CH), jnp.int32),
            pltpu.VMEM((NCH, CH), jnp.int32),
            pltpu.VMEM((2, CH, W), jnp.float32),
            pltpu.VMEM_SHARED((N_PAD, W), jnp.float32),
            pltpu.SemaphoreType.DMA,
            pltpu.SemaphoreType.DMA,
            pltpu.SemaphoreType.DMA,
            pltpu.SemaphoreType.DMA,
        ],
        compiler_params=pltpu.CompilerParams(use_tc_tiling_on_sc=False),
    )
    return pre_x, post, sc


def kernel(x, incidence_matrix, temb, W_conv, b_hconv, W_proj, b_proj, W_time, b_time):
    pre_x, post, sc = _make_calls()
    node_idx = incidence_matrix[0]
    he_idx = incidence_matrix[1]
    xaug = pre_x(x, W_conv)
    idxn = node_idx.reshape(NS, NCH, CH)
    idxh = he_idx.reshape(NS, NCH, CH)
    outpad, _he = sc(xaug, idxn, idxh)
    h, res_out = post(outpad, temb, W_time, b_time.reshape(1, C),
                      b_hconv.reshape(1, C), W_proj, b_proj.reshape(1, C))
    return (h, res_out)

# --- scband reference (transcript-rebuilt; emitter-appended) ---
"""Pipeline reference for scband-conv-block-22067541967143 (READ-ONLY COPY).

The authoritative reference and input builder live on the scoring server;
editing this copy changes nothing except your own understanding.
"""

import jax, jax.numpy as jnp
import numpy as np

N_NODES = 10000
NUM_HYPEREDGES = 10000
NNZ = 320000
IN_C = 128
OUT_C = 128
TEMB_C = 512


def silu(v):
    return v * jax.nn.sigmoid(v)


def setup_inputs(seed: int = 0) -> dict:
    key = jax.random.key(seed)
    ks = jax.random.split(key, 8)
    x = jax.random.normal(ks[0], (N_NODES, IN_C), dtype=jnp.float32)
    incidence_matrix = jax.random.randint(ks[1], (2, NNZ), 0, N_NODES, dtype=jnp.int32)
    temb = jax.random.normal(ks[2], (N_NODES, TEMB_C), dtype=jnp.float32)
    W_conv = jax.random.normal(ks[3], (IN_C, OUT_C), dtype=jnp.float32) / np.sqrt(IN_C)
    b_hconv = jnp.zeros((OUT_C,), dtype=jnp.float32)
    W_proj = jax.random.normal(ks[4], (OUT_C, OUT_C), dtype=jnp.float32) / np.sqrt(OUT_C)
    b_proj = jnp.zeros((OUT_C,), dtype=jnp.float32)
    W_time = jax.random.normal(ks[5], (TEMB_C, OUT_C), dtype=jnp.float32) / np.sqrt(TEMB_C)
    b_time = jnp.zeros((OUT_C,), dtype=jnp.float32)
    return {"x": x, "incidence_matrix": incidence_matrix, "temb": temb,
            "W_conv": W_conv, "b_hconv": b_hconv, "W_proj": W_proj,
            "b_proj": b_proj, "W_time": W_time, "b_time": b_time}


def hypergraph_conv(x, node_idx, he_idx, W, b):
    # PyG HypergraphConv, use_attention=False => heads=1, lin has no bias
    x_t = x @ W
    hyperedge_weight = jnp.ones((NUM_HYPEREDGES,), dtype=jnp.float32)
    # node degree D_i = sum_e w_e over incident hyperedges
    D = jax.ops.segment_sum(hyperedge_weight[he_idx], node_idx, num_segments=N_NODES)
    D_inv = jnp.where(D > 0, 1.0 / D, 0.0)
    # hyperedge degree B_e = number of incident nodes
    B = jax.ops.segment_sum(jnp.ones((NNZ,), dtype=jnp.float32), he_idx, num_segments=NUM_HYPEREDGES)
    B_inv = jnp.where(B > 0, 1.0 / B, 0.0)
    # propagate node -> hyperedge: message = B_inv[target] * x_t[source]
    m1 = B_inv[he_idx][:, None] * x_t[node_idx]
    he_feat = jax.ops.segment_sum(m1, he_idx, num_segments=NUM_HYPEREDGES)
    # propagate hyperedge -> node: message = D_inv[target] * he_feat[source]
    m2 = D_inv[node_idx][:, None] * he_feat[he_idx]
    out = jax.ops.segment_sum(m2, node_idx, num_segments=N_NODES)
    return out + b


def reference(x, incidence_matrix, temb, W_conv, b_hconv, W_proj, b_proj, W_time, b_time):
    node_idx = incidence_matrix[0]
    he_idx = incidence_matrix[1]
    h = hypergraph_conv(x, node_idx, he_idx, W_conv, b_hconv)
    h = h @ W_proj + b_proj
    t = silu(temb)
    t = t @ W_time + b_time
    h = h + t
    h = silu(h)
    # dropout omitted (eval mode)
    res_out = jnp.zeros_like(x)
    return (h, res_out)

if __name__ == "__main__":
    import jax
    _d = setup_inputs()
    print(jax.jit(kernel)(*tuple(_d.values())))

</pallas_src>

<mosaic_0001>
#map = affine_map<(d0, d1) -> (0, 0, 0)>
module attributes {stable_mosaic.version = 14 : i64} {
  func.func @_sc_body(%arg0: i32, %arg1: i32, %arg2: memref<2x10000x72xf32, #tpu.memory_space<hbm>>, %arg3: memref<16x80x250xi32, #tpu.memory_space<hbm>>, %arg4: memref<16x80x250xi32, #tpu.memory_space<hbm>>, %arg5: memref<2x10240x72xf32, #tpu.memory_space<hbm>>, %arg6: memref<2x10240x72xf32, #tpu.memory_space<hbm>>, %arg7: memref<80x250xi32, #tpu.memory_space<vmem>>, %arg8: memref<80x250xi32, #tpu.memory_space<vmem>>, %arg9: memref<2x250x72xf32, #tpu.memory_space<vmem>>, %arg10: memref<10240x72xf32, #tpu.memory_space<vmem_shared>>, %arg11: memref<!tpu.dma_semaphore, #tpu.memory_space<semaphore_mem>>, %arg12: memref<!tpu.dma_semaphore, #tpu.memory_space<semaphore_mem>>, %arg13: memref<!tpu.dma_semaphore, #tpu.memory_space<semaphore_mem>>, %arg14: memref<!tpu.dma_semaphore, #tpu.memory_space<semaphore_mem>>) attributes {dimension_semantics = [#tpu.dimension_semantics<core_parallel>, #tpu.dimension_semantics<subcore_parallel>], iteration_bounds = array<i64: 2, 16>, scalar_prefetch = 0 : i64, scratch_operands = 8 : i64, tpu.core_type = #tpu.core_type<sc_vector_subcore>, window_params = [{transform_indices = #map}, {transform_indices = #map}, {transform_indices = #map}, {transform_indices = #map}, {transform_indices = #map}]} {
    "tpu.region"() ({
      %run_scoped3A_334 = tpu.sem_alloc : memref<!tpu.dma_semaphore, #tpu.memory_space<semaphore_mem>>
      %dma_start3A_335 = arith.constant 0 : i32
      %dma_start3A_336 = arith.constant 0 : i32
      %dma_start3A_337 = tpu.memref_slice %arg3[%arg1, %dma_start3A_335, %dma_start3A_336] : memref<16x80x250xi32, #tpu.memory_space<hbm>> -> memref<1x80x250xi32, #tpu.memory_space<hbm>>
      %dma_start3A_338 = tpu.memref_squeeze %dma_start3A_337 : memref<1x80x250xi32, #tpu.memory_space<hbm>> -> memref<80x250xi32, #tpu.memory_space<hbm>>
      %dma_start3A_339 = arith.constant 0 : i32
      %dma_start3A_340 = arith.constant 0 : i32
      %dma_start3A_341 = tpu.memref_slice %arg3[%arg1, %dma_start3A_339, %dma_start3A_340] : memref<16x80x250xi32, #tpu.memory_space<hbm>> -> memref<1x80x250xi32, #tpu.memory_space<hbm>>
      %dma_start3A_342 = tpu.memref_squeeze %dma_start3A_341 : memref<1x80x250xi32, #tpu.memory_space<hbm>> -> memref<80x250xi32, #tpu.memory_space<hbm>>
      tpu.enqueue_dma source(%dma_start3A_342 : memref<80x250xi32, #tpu.memory_space<hbm>>) target(%arg7 : memref<80x250xi32, #tpu.memory_space<vmem>>) target_semaphore(%run_scoped3A_334 : memref<!tpu.dma_semaphore, #tpu.memory_space<semaphore_mem>>)
      %dma_wait3A_343 = arith.constant 0 : i32
      %dma_wait3A_344 = arith.constant 0 : i32
      %dma_wait3A_345 = tpu.memref_slice %arg3[%arg1, %dma_wait3A_343, %dma_wait3A_344] : memref<16x80x250xi32, #tpu.memory_space<hbm>> -> memref<1x80x250xi32, #tpu.memory_space<hbm>>
      %dma_wait3A_346 = tpu.memref_squeeze %dma_wait3A_345 : memref<1x80x250xi32, #tpu.memory_space<hbm>> -> memref<80x250xi32, #tpu.memory_space<hbm>>
      %dma_wait3A_347 = arith.constant 0 : i32
      %dma_wait3A_348 = arith.constant 0 : i32
      %dma_wait3A_349 = tpu.memref_slice %arg3[%arg1, %dma_wait3A_347, %dma_wait3A_348] : memref<16x80x250xi32, #tpu.memory_space<hbm>> -> memref<1x80x250xi32, #tpu.memory_space<hbm>>
      %dma_wait3A_350 = tpu.memref_squeeze %dma_wait3A_349 : memref<1x80x250xi32, #tpu.memory_space<hbm>> -> memref<80x250xi32, #tpu.memory_space<hbm>>
      tpu.wait_dma2 semaphore(%run_scoped3A_334 : memref<!tpu.dma_semaphore, #tpu.memory_space<semaphore_mem>>) src(%dma_wait3A_350 : memref<80x250xi32, #tpu.memory_space<hbm>>) dst(%arg7 : memref<80x250xi32, #tpu.memory_space<vmem>>)
      tpu.yield
    }) : () -> ()
    "tpu.region"() ({
      %run_scoped3A_334 = tpu.sem_alloc : memref<!tpu.dma_semaphore, #tpu.memory_space<semaphore_mem>>
      %dma_start3A_335 = arith.constant 0 : i32
      %dma_start3A_336 = arith.constant 0 : i32
      %dma_start3A_337 = tpu.memref_slice %arg4[%arg1, %dma_start3A_335, %dma_start3A_336] : memref<16x80x250xi32, #tpu.memory_space<hbm>> -> memref<1x80x250xi32, #tpu.memory_space<hbm>>
      %dma_start3A_338 = tpu.memref_squeeze %dma_start3A_337 : memref<1x80x250xi32, #tpu.memory_space<hbm>> -> memref<80x250xi32, #tpu.memory_space<hbm>>
      %dma_start3A_339 = arith.constant 0 : i32
      %dma_start3A_340 = arith.constant 0 : i32
      %dma_start3A_341 = tpu.memref_slice %arg4[%arg1, %dma_start3A_339, %dma_start3A_340] : memref<16x80x250xi32, #tpu.memory_space<hbm>> -> memref<1x80x250xi32, #tpu.memory_space<hbm>>
      %dma_start3A_342 = tpu.memref_squeeze %dma_start3A_341 : memref<1x80x250xi32, #tpu.memory_space<hbm>> -> memref<80x250xi32, #tpu.memory_space<hbm>>
      tpu.enqueue_dma source(%dma_start3A_342 : memref<80x250xi32, #tpu.memory_space<hbm>>) target(%arg8 : memref<80x250xi32, #tpu.memory_space<vmem>>) target_semaphore(%run_scoped3A_334 : memref<!tpu.dma_semaphore, #tpu.memory_space<semaphore_mem>>)
      %dma_wait3A_343 = arith.constant 0 : i32
      %dma_wait3A_344 = arith.constant 0 : i32
      %dma_wait3A_345 = tpu.memref_slice %arg4[%arg1, %dma_wait3A_343, %dma_wait3A_344] : memref<16x80x250xi32, #tpu.memory_space<hbm>> -> memref<1x80x250xi32, #tpu.memory_space<hbm>>
      %dma_wait3A_346 = tpu.memref_squeeze %dma_wait3A_345 : memref<1x80x250xi32, #tpu.memory_space<hbm>> -> memref<80x250xi32, #tpu.memory_space<hbm>>
      %dma_wait3A_347 = arith.constant 0 : i32
      %dma_wait3A_348 = arith.constant 0 : i32
      %dma_wait3A_349 = tpu.memref_slice %arg4[%arg1, %dma_wait3A_347, %dma_wait3A_348] : memref<16x80x250xi32, #tpu.memory_space<hbm>> -> memref<1x80x250xi32, #tpu.memory_space<hbm>>
      %dma_wait3A_350 = tpu.memref_squeeze %dma_wait3A_349 : memref<1x80x250xi32, #tpu.memory_space<hbm>> -> memref<80x250xi32, #tpu.memory_space<hbm>>
      tpu.wait_dma2 semaphore(%run_scoped3A_334 : memref<!tpu.dma_semaphore, #tpu.memory_space<semaphore_mem>>) src(%dma_wait3A_350 : memref<80x250xi32, #tpu.memory_space<hbm>>) dst(%arg8 : memref<80x250xi32, #tpu.memory_space<vmem>>)
      tpu.yield
    }) : () -> ()
    %broadcast_in_dim3A = arith.constant 0.000000e+00 : f32
    %broadcast_in_dim3A_0 = vector.broadcast %broadcast_in_dim3A : f32 to vector<16xf32>
    %scan3A = arith.constant 0 : i32
    %scan3A_1 = arith.constant 0 : i32
    %scan3A_2 = arith.constant 0 : i32
    %scan3A_3 = arith.constant 128 : i32
    %scan3A_4 = arith.addi %scan3A_2, %scan3A_3 : i32
    %scan3A_5 = arith.constant 1 : i32
    scf.for %scan3A_334 = %scan3A_2 to %scan3A_4 step %scan3A_5  : i32 {
      %swap3A = arith.constant 0 : i32
      %swap3A_335 = arith.constant 0 : i32
      %swap3A_336 = tpu.memref_slice %arg9[%scan3A_1, %swap3A, %swap3A_335] : memref<2x250x72xf32, #tpu.memory_space<vmem>> -> memref<1x250x72xf32, #tpu.memory_space<vmem>>
      %swap3A_337 = tpu.memref_squeeze %swap3A_336 : memref<1x250x72xf32, #tpu.memory_space<vmem>> -> memref<250x72xf32, #tpu.memory_space<vmem>>
      %swap3A_338 = arith.constant 0 : i32
      %swap3A_339 = arith.constant 0 : i32
      %swap3A_340 = tpu.memref_slice %swap3A_337[%swap3A_338, %swap3A_339] : memref<250x72xf32, #tpu.memory_space<vmem>> -> memref<128x72xf32, #tpu.memory_space<vmem>>
      %swap3A_341 = arith.index_cast %scan3A_334 : i32 to index
      %swap3A_342 = arith.constant 0 : index
      %swap3A_343 = tpu.vector_load %swap3A_340[%swap3A_341, %swap3A_342] {strides = array<i32>} : memref<128x72xf32, #tpu.memory_space<vmem>>, vector<1x16xf32>,
      %swap3A_344 = vector.shape_cast %swap3A_343 : vector<1x16xf32> to vector<16xf32>
      %swap3A_345 = vector.shape_cast %broadcast_in_dim3A_0 : vector<16xf32> to vector<1x16xf32>
      tpu.vector_store %swap3A_340[%swap3A_341, %swap3A_342], %swap3A_345 {strides = array<i32>} : memref<128x72xf32, #tpu.memory_space<vmem>>, vector<1x16xf32>,
      %swap3A_346 = arith.constant 0 : i32
      %swap3A_347 = arith.constant 0 : i32
      %swap3A_348 = tpu.memref_slice %arg9[%scan3A_1, %swap3A_346, %swap3A_347] : memref<2x250x72xf32, #tpu.memory_space<vmem>> -> memref<1x250x72xf32, #tpu.memory_space<vmem>>
      %swap3A_349 = tpu.memref_squeeze %swap3A_348 : memref<1x250x72xf32, #tpu.memory_space<vmem>> -> memref<250x72xf32, #tpu.memory_space<vmem>>
      %swap3A_350 = arith.constant 0 : i32
      %swap3A_351 = arith.constant 0 : i32
      %swap3A_352 = tpu.memref_slice %swap3A_349[%swap3A_350, %swap3A_351] : memref<250x72xf32, #tpu.memory_space<vmem>> -> memref<128x72xf32, #tpu.memory_space<vmem>>
      %swap3A_353 = arith.index_cast %scan3A_334 : i32 to index
      %swap3A_354 = arith.constant 16 : index
      %swap3A_355 = tpu.vector_load %swap3A_352[%swap3A_353, %swap3A_354] {strides = array<i32>} : memref<128x72xf32, #tpu.memory_space<vmem>>, vector<1x16xf32>,
      %swap3A_356 = vector.shape_cast %swap3A_355 : vector<1x16xf32> to vector<16xf32>
      %swap3A_357 = vector.shape_cast %broadcast_in_dim3A_0 : vector<16xf32> to vector<1x16xf32>
      tpu.vector_store %swap3A_352[%swap3A_353, %swap3A_354], %swap3A_357 {strides = array<i32>} : memref<128x72xf32, #tpu.memory_space<vmem>>, vector<1x16xf32>,
      %swap3A_358 = arith.constant 0 : i32
      %swap3A_359 = arith.constant 0 : i32
      %swap3A_360 = tpu.memref_slice %arg9[%scan3A_1, %swap3A_358, %swap3A_359] : memref<2x250x72xf32, #tpu.memory_space<vmem>> -> memref<1x250x72xf32, #tpu.memory_space<vmem>>
      %swap3A_361 = tpu.memref_squeeze %swap3A_360 : memref<1x250x72xf32, #tpu.memory_space<vmem>> -> memref<250x72xf32, #tpu.memory_space<vmem>>
      %swap3A_362 = arith.constant 0 : i32
      %swap3A_363 = arith.constant 0 : i32
      %swap3A_364 = tpu.memref_slice %swap3A_361[%swap3A_362, %swap3A_363] : memref<250x72xf32, #tpu.memory_space<vmem>> -> memref<128x72xf32, #tpu.memory_space<vmem>>
      %swap3A_365 = arith.index_cast %scan3A_334 : i32 to index
      %swap3A_366 = arith.constant 32 : index
      %swap3A_367 = tpu.vector_load %swap3A_364[%swap3A_365, %swap3A_366] {strides = array<i32>} : memref<128x72xf32, #tpu.memory_space<vmem>>, vector<1x16xf32>,
      %swap3A_368 = vector.shape_cast %swap3A_367 : vector<1x16xf32> to vector<16xf32>
      %swap3A_369 = vector.shape_cast %broadcast_in_dim3A_0 : vector<16xf32> to vector<1x16xf32>
      tpu.vector_store %swap3A_364[%swap3A_365, %swap3A_366], %swap3A_369 {strides = array<i32>} : memref<128x72xf32, #tpu.memory_space<vmem>>, vector<1x16xf32>,
      %swap3A_370 = arith.constant 0 : i32
      %swap3A_371 = arith.constant 0 : i32
      %swap3A_372 = tpu.memref_slice %arg9[%scan3A_1, %swap3A_370, %swap3A_371] : memref<2x250x72xf32, #tpu.memory_space<vmem>> -> memref<1x250x72xf32, #tpu.memory_space<vmem>>
      %swap3A_373 = tpu.memref_squeeze %swap3A_372 : memref<1x250x72xf32, #tpu.memory_space<vmem>> -> memref<250x72xf32, #tpu.memory_space<vmem>>
      %swap3A_374 = arith.constant 0 : i32
      %swap3A_375 = arith.constant 0 : i32
      %swap3A_376 = tpu.memref_slice %swap3A_373[%swap3A_374, %swap3A_375] : memref<250x72xf32, #tpu.memory_space<vmem>> -> memref<128x72xf32, #tpu.memory_space<vmem>>
      %swap3A_377 = arith.index_cast %scan3A_334 : i32 to index
      %swap3A_378 = arith.constant 48 : index
      %swap3A_379 = tpu.vector_load %swap3A_376[%swap3A_377, %swap3A_378] {strides = array<i32>} : memref<128x72xf32, #tpu.memory_space<vmem>>, vector<1x16xf32>,
      %swap3A_380 = vector.shape_cast %swap3A_379 : vector<1x16xf32> to vector<16xf32>
      %swap3A_381 = vector.shape_cast %broadcast_in_dim3A_0 : vector<16xf32> to vector<1x16xf32>
      tpu.vector_store %swap3A_376[%swap3A_377, %swap3A_378], %swap3A_381 {strides = array<i32>} : memref<128x72xf32, #tpu.memory_space<vmem>>, vector<1x16xf32>,
      %swap3A_382 = arith.constant 0 : i32
      %swap3A_383 = arith.constant 0 : i32
      %swap3A_384 = tpu.memref_slice %arg9[%scan3A_1, %swap3A_382, %swap3A_383] : memref<2x250x72xf32, #tpu.memory_space<vmem>> -> memref<1x250x72xf32, #tpu.memory_space<vmem>>
      %swap3A_385 = tpu.memref_squeeze %swap3A_384 : memref<1x250x72xf32, #tpu.memory_space<vmem>> -> memref<250x72xf32, #tpu.memory_space<vmem>>
      %swap3A_386 = arith.constant 0 : i32
      %swap3A_387 = arith.constant 0 : i32
      %swap3A_388 = tpu.memref_slice %swap3A_385[%swap3A_386, %swap3A_387] : memref<250x72xf32, #tpu.memory_space<vmem>> -> memref<128x72xf32, #tpu.memory_space<vmem>>
      %swap3A_389 = arith.index_cast %scan3A_334 : i32 to index
      %swap3A_390 = arith.constant 56 : index
      %swap3A_391 = tpu.vector_load %swap3A_388[%swap3A_389, %swap3A_390] {strides = array<i32>} : memref<128x72xf32, #tpu.memory_space<vmem>>, vector<1x16xf32>,
      %swap3A_392 = vector.shape_cast %swap3A_391 : vector<1x16xf32> to vector<16xf32>
      %swap3A_393 = vector.shape_cast %broadcast_in_dim3A_0 : vector<16xf32> to vector<1x16xf32>
      tpu.vector_store %swap3A_388[%swap3A_389, %swap3A_390], %swap3A_393 {strides = array<i32>} : memref<128x72xf32, #tpu.memory_space<vmem>>, vector<1x16xf32>,
    }
    %scan3A_6 = arith.constant 128 : i32
    %mul3A = arith.constant 640 : i32
    %mul3A_7 = arith.muli %arg1, %mul3A : i32
    %add3A = arith.constant 0 : i32
    %add3A_8 = arith.addi %mul3A_7, %add3A : i32
    %run_scoped3A = arith.constant 0 : i32
    "tpu.region"() ({
      %run_scoped3A_334 = tpu.sem_alloc : memref<!tpu.dma_semaphore, #tpu.memory_space<semaphore_mem>>
      %dma_start3A_335 = arith.constant 0 : i32
      %dma_start3A_336 = arith.constant 0 : i32
      %dma_start3A_337 = tpu.memref_slice %arg9[%run_scoped3A, %dma_start3A_335, %dma_start3A_336] : memref<2x250x72xf32, #tpu.memory_space<vmem>> -> memref<1x250x72xf32, #tpu.memory_space<vmem>>
      %dma_start3A_338 = tpu.memref_squeeze %dma_start3A_337 : memref<1x250x72xf32, #tpu.memory_space<vmem>> -> memref<250x72xf32, #tpu.memory_space<vmem>>
      %dma_start3A_339 = arith.constant 0 : i32
      %dma_start3A_340 = arith.constant 0 : i32
      %dma_start3A_341 = tpu.memref_slice %dma_start3A_338[%dma_start3A_339, %dma_start3A_340] : memref<250x72xf32, #tpu.memory_space<vmem>> -> memref<128x72xf32, #tpu.memory_space<vmem>>
      %dma_start3A_342 = arith.constant 0 : i32
      %dma_start3A_343 = tpu.memref_slice %arg10[%add3A_8, %dma_start3A_342] : memref<10240x72xf32, #tpu.memory_space<vmem_shared>> -> memref<128x72xf32, #tpu.memory_space<vmem_shared>>
      %dma_start3A_344 = arith.constant 0 : i32
      %dma_start3A_345 = tpu.memref_slice %arg10[%add3A_8, %dma_start3A_344] : memref<10240x72xf32, #tpu.memory_space<vmem_shared>> -> memref<128x72xf32, #tpu.memory_space<vmem_shared>>
      %dma_start3A_346 = arith.constant 0 : i32
      %dma_start3A_347 = arith.constant 0 : i32
      %dma_start3A_348 = tpu.memref_slice %arg9[%run_scoped3A, %dma_start3A_346, %dma_start3A_347] : memref<2x250x72xf32, #tpu.memory_space<vmem>> -> memref<1x250x72xf32, #tpu.memory_space<vmem>>
      %dma_start3A_349 = tpu.memref_squeeze %dma_start3A_348 : memref<1x250x72xf32, #tpu.memory_space<vmem>> -> memref<250x72xf32, #tpu.memory_space<vmem>>
      %dma_start3A_350 = arith.constant 0 : i32
      %dma_start3A_351 = arith.constant 0 : i32
      %dma_start3A_352 = tpu.memref_slice %dma_start3A_349[%dma_start3A_350, %dma_start3A_351] : memref<250x72xf32, #tpu.memory_space<vmem>> -> memref<128x72xf32, #tpu.memory_space<vmem>>
      tpu.enqueue_dma source(%dma_start3A_352 : memref<128x72xf32, #tpu.memory_space<vmem>>) target(%dma_start3A_345 : memref<128x72xf32, #tpu.memory_space<vmem_shared>>) target_semaphore(%run_scoped3A_334 : memref<!tpu.dma_semaphore, #tpu.memory_space<semaphore_mem>>)
      %dma_wait3A_353 = arith.constant 0 : i32
      %dma_wait3A_354 = arith.constant 0 : i32
      %dma_wait3A_355 = tpu.memref_slice %arg9[%run_scoped3A, %dma_wait3A_353, %dma_wait3A_354] : memref<2x250x72xf32, #tpu.memory_space<vmem>> -> memref<1x250x72xf32, #tpu.memory_space<vmem>>
      %dma_wait3A_356 = tpu.memref_squeeze %dma_wait3A_355 : memref<1x250x72xf32, #tpu.memory_space<vmem>> -> memref<250x72xf32, #tpu.memory_space<vmem>>
      %dma_wait3A_357 = arith.constant 0 : i32
      %dma_wait3A_358 = arith.constant 0 : i32
      %dma_wait3A_359 = tpu.memref_slice %dma_wait3A_356[%dma_wait3A_357, %dma_wait3A_358] : memref<250x72xf32, #tpu.memory_space<vmem>> -> memref<128x72xf32, #tpu.memory_space<vmem>>
      %dma_wait3A_360 = arith.constant 0 : i32
      %dma_wait3A_361 = tpu.memref_slice %arg10[%add3A_8, %dma_wait3A_360] : memref<10240x72xf32, #tpu.memory_space<vmem_shared>> -> memref<128x72xf32, #tpu.memory_space<vmem_shared>>
      %dma_wait3A_362 = arith.constant 0 : i32
      %dma_wait3A_363 = tpu.memref_slice %arg10[%add3A_8, %dma_wait3A_362] : memref<10240x72xf32, #tpu.memory_space<vmem_shared>> -> memref<128x72xf32, #tpu.memory_space<vmem_shared>>
      %dma_wait3A_364 = arith.constant 0 : i32
      %dma_wait3A_365 = arith.constant 0 : i32
      %dma_wait3A_366 = tpu.memref_slice %arg9[%run_scoped3A, %dma_wait3A_364, %dma_wait3A_365] : memref<2x250x72xf32, #tpu.memory_space<vmem>> -> memref<1x250x72xf32, #tpu.memory_space<vmem>>
      %dma_wait3A_367 = tpu.memref_squeeze %dma_wait3A_366 : memref<1x250x72xf32, #tpu.memory_space<vmem>> -> memref<250x72xf32, #tpu.memory_space<vmem>>
      %dma_wait3A_368 = arith.constant 0 : i32
      %dma_wait3A_369 = arith.constant 0 : i32
      %dma_wait3A_370 = tpu.memref_slice %dma_wait3A_367[%dma_wait3A_368, %dma_wait3A_369] : memref<250x72xf32, #tpu.memory_space<vmem>> -> memref<128x72xf32, #tpu.memory_space<vmem>>
      tpu.wait_dma2 semaphore(%run_scoped3A_334 : memref<!tpu.dma_semaphore, #tpu.memory_space<semaphore_mem>>) src(%dma_wait3A_370 : memref<128x72xf32, #tpu.memory_space<vmem>>) dst(%dma_wait3A_363 : memref<128x72xf32, #tpu.memory_space<vmem_shared>>)
      tpu.yield
    }) : () -> ()
    %mul3A_9 = arith.constant 640 : i32
    %mul3A_10 = arith.muli %arg1, %mul3A_9 : i32
    %add3A_11 = arith.constant 128 : i32
    %add3A_12 = arith.addi %mul3A_10, %add3A_11 : i32
    %run_scoped3A_13 = arith.constant 0 : i32
    "tpu.region"() ({
      %run_scoped3A_334 = tpu.sem_alloc : memref<!tpu.dma_semaphore, #tpu.memory_space<semaphore_mem>>
      %dma_start3A_335 = arith.constant 0 : i32
      %dma_start3A_336 = arith.constant 0 : i32
      %dma_start3A_337 = tpu.memref_slice %arg9[%run_scoped3A_13, %dma_start3A_335, %dma_start3A_336] : memref<2x250x72xf32, #tpu.memory_space<vmem>> -> memref<1x250x72xf32, #tpu.memory_space<vmem>>
      %dma_start3A_338 = tpu.memref_squeeze %dma_start3A_337 : memref<1x250x72xf32, #tpu.memory_space<vmem>> -> memref<250x72xf32, #tpu.memory_space<vmem>>
      %dma_start3A_339 = arith.constant 0 : i32
      %dma_start3A_340 = arith.constant 0 : i32
      %dma_start3A_341 = tpu.memref_slice %dma_start3A_338[%dma_start3A_339, %dma_start3A_340] : memref<250x72xf32, #tpu.memory_space<vmem>> -> memref<128x72xf32, #tpu.memory_space<vmem>>
      %dma_start3A_342 = arith.constant 0 : i32
      %dma_start3A_343 = tpu.memref_slice %arg10[%add3A_12, %dma_start3A_342] : memref<10240x72xf32, #tpu.memory_space<vmem_shared>> -> memref<128x72xf32, #tpu.memory_space<vmem_shared>>
      %dma_start3A_344 = arith.constant 0 : i32
      %dma_start3A_345 = tpu.memref_slice %arg10[%add3A_12, %dma_start3A_344] : memref<10240x72xf32, #tpu.memory_space<vmem_shared>> -> memref<128x72xf32, #tpu.memory_space<vmem_shared>>
      %dma_start3A_346 = arith.constant 0 : i32
      %dma_start3A_347 = arith.constant 0 : i32
      %dma_start3A_348 = tpu.memref_slice %arg9[%run_scoped3A_13, %dma_start3A_346, %dma_start3A_347] : memref<2x250x72xf32, #tpu.memory_space<vmem>> -> memref<1x250x72xf32, #tpu.memory_space<vmem>>
      %dma_start3A_349 = tpu.memref_squeeze %dma_start3A_348 : memref<1x250x72xf32, #tpu.memory_space<vmem>> -> memref<250x72xf32, #tpu.memory_space<vmem>>
      %dma_start3A_350 = arith.constant 0 : i32
      %dma_start3A_351 = arith.constant 0 : i32
      %dma_start3A_352 = tpu.memref_slice %dma_start3A_349[%dma_start3A_350, %dma_start3A_351] : memref<250x72xf32, #tpu.memory_space<vmem>> -> memref<128x72xf32, #tpu.memory_space<vmem>>
      tpu.enqueue_dma source(%dma_start3A_352 : memref<128x72xf32, #tpu.memory_space<vmem>>) target(%dma_start3A_345 : memref<128x72xf32, #tpu.memory_space<vmem_shared>>) target_semaphore(%run_scoped3A_334 : memref<!tpu.dma_semaphore, #tpu.memory_space<semaphore_mem>>)
      %dma_wait3A_353 = arith.constant 0 : i32
      %dma_wait3A_354 = arith.constant 0 : i32
      %dma_wait3A_355 = tpu.memref_slice %arg9[%run_scoped3A_13, %dma_wait3A_353, %dma_wait3A_354] : memref<2x250x72xf32, #tpu.memory_space<vmem>> -> memref<1x250x72xf32, #tpu.memory_space<vmem>>
      %dma_wait3A_356 = tpu.memref_squeeze %dma_wait3A_355 : memref<1x250x72xf32, #tpu.memory_space<vmem>> -> memref<250x72xf32, #tpu.memory_space<vmem>>
      %dma_wait3A_357 = arith.constant 0 : i32
      %dma_wait3A_358 = arith.constant 0 : i32
      %dma_wait3A_359 = tpu.memref_slice %dma_wait3A_356[%dma_wait3A_357, %dma_wait3A_358] : memref<250x72xf32, #tpu.memory_space<vmem>> -> memref<128x72xf32, #tpu.memory_space<vmem>>
      %dma_wait3A_360 = arith.constant 0 : i32
      %dma_wait3A_361 = tpu.memref_slice %arg10[%add3A_12, %dma_wait3A_360] : memref<10240x72xf32, #tpu.memory_space<vmem_shared>> -> memref<128x72xf32, #tpu.memory_space<vmem_shared>>
      %dma_wait3A_362 = arith.constant 0 : i32
      %dma_wait3A_363 = tpu.memref_slice %arg10[%add3A_12, %dma_wait3A_362] : memref<10240x72xf32, #tpu.memory_space<vmem_shared>> -> memref<128x72xf32, #tpu.memory_space<vmem_shared>>
      %dma_wait3A_364 = arith.constant 0 : i32
      %dma_wait3A_365 = arith.constant 0 : i32
      %dma_wait3A_366 = tpu.memref_slice %arg9[%run_scoped3A_13, %dma_wait3A_364, %dma_wait3A_365] : memref<2x250x72xf32, #tpu.memory_space<vmem>> -> memref<1x250x72xf32, #tpu.memory_space<vmem>>
      %dma_wait3A_367 = tpu.memref_squeeze %dma_wait3A_366 : memref<1x250x72xf32, #tpu.memory_space<vmem>> -> memref<250x72xf32, #tpu.memory_space<vmem>>
      %dma_wait3A_368 = arith.constant 0 : i32
      %dma_wait3A_369 = arith.constant 0 : i32
      %dma_wait3A_370 = tpu.memref_slice %dma_wait3A_367[%dma_wait3A_368, %dma_wait3A_369] : memref<250x72xf32, #tpu.memory_space<vmem>> -> memref<128x72xf32, #tpu.memory_space<vmem>>
      tpu.wait_dma2 semaphore(%run_scoped3A_334 : memref<!tpu.dma_semaphore, #tpu.memory_space<semaphore_mem>>) src(%dma_wait3A_370 : memref<128x72xf32, #tpu.memory_space<vmem>>) dst(%dma_wait3A_363 : memref<128x72xf32, #tpu.memory_space<vmem_shared>>)
      tpu.yield
    }) : () -> ()
    %mul3A_14 = arith.constant 640 : i32
    %mul3A_15 = arith.muli %arg1, %mul3A_14 : i32
    %add3A_16 = arith.constant 256 : i32
    %add3A_17 = arith.addi %mul3A_15, %add3A_16 : i32
    %run_scoped3A_18 = arith.constant 0 : i32
    "tpu.region"() ({
      %run_scoped3A_334 = tpu.sem_alloc : memref<!tpu.dma_semaphore, #tpu.memory_space<semaphore_mem>>
      %dma_start3A_335 = arith.constant 0 : i32
      %dma_start3A_336 = arith.constant 0 : i32
      %dma_start3A_337 = tpu.memref_slice %arg9[%run_scoped3A_18, %dma_start3A_335, %dma_start3A_336] : memref<2x250x72xf32, #tpu.memory_space<vmem>> -> memref<1x250x72xf32, #tpu.memory_space<vmem>>
      %dma_start3A_338 = tpu.memref_squeeze %dma_start3A_337 : memref<1x250x72xf32, #tpu.memory_space<vmem>> -> memref<250x72xf32, #tpu.memory_space<vmem>>
      %dma_start3A_339 = arith.constant 0 : i32
      %dma_start3A_340 = arith.constant 0 : i32
      %dma_start3A_341 = tpu.memref_slice %dma_start3A_338[%dma_start3A_339, %dma_start3A_340] : memref<250x72xf32, #tpu.memory_space<vmem>> -> memref<128x72xf32, #tpu.memory_space<vmem>>
      %dma_start3A_342 = arith.constant 0 : i32
      %dma_start3A_343 = tpu.memref_slice %arg10[%add3A_17, %dma_start3A_342] : memref<10240x72xf32, #tpu.memory_space<vmem_shared>> -> memref<128x72xf32, #tpu.memory_space<vmem_shared>>
      %dma_start3A_344 = arith.constant 0 : i32
      %dma_start3A_345 = tpu.memref_slice %arg10[%add3A_17, %dma_start3A_344] : memref<10240x72xf32, #tpu.memory_space<vmem_shared>> -> memref<128x72xf32, #tpu.memory_space<vmem_shared>>
      %dma_start3A_346 = arith.constant 0 : i32
      %dma_start3A_347 = arith.constant 0 : i32
      %dma_start3A_348 = tpu.memref_slice %arg9[%run_scoped3A_18, %dma_start3A_346, %dma_start3A_347] : memref<2x250x72xf32, #tpu.memory_space<vmem>> -> memref<1x250x72xf32, #tpu.memory_space<vmem>>
      %dma_start3A_349 = tpu.memref_squeeze %dma_start3A_348 : memref<1x250x72xf32, #tpu.memory_space<vmem>> -> memref<250x72xf32, #tpu.memory_space<vmem>>
      %dma_start3A_350 = arith.constant 0 : i32
      %dma_start3A_351 = arith.constant 0 : i32
      %dma_start3A_352 = tpu.memref_slice %dma_start3A_349[%dma_start3A_350, %dma_start3A_351] : memref<250x72xf32, #tpu.memory_space<vmem>> -> memref<128x72xf32, #tpu.memory_space<vmem>>
      tpu.enqueue_dma source(%dma_start3A_352 : memref<128x72xf32, #tpu.memory_space<vmem>>) target(%dma_start3A_345 : memref<128x72xf32, #tpu.memory_space<vmem_shared>>) target_semaphore(%run_scoped3A_334 : memref<!tpu.dma_semaphore, #tpu.memory_space<semaphore_mem>>)
      %dma_wait3A_353 = arith.constant 0 : i32
      %dma_wait3A_354 = arith.constant 0 : i32
      %dma_wait3A_355 = tpu.memref_slice %arg9[%run_scoped3A_18, %dma_wait3A_353, %dma_wait3A_354] : memref<2x250x72xf32, #tpu.memory_space<vmem>> -> memref<1x250x72xf32, #tpu.memory_space<vmem>>
      %dma_wait3A_356 = tpu.memref_squeeze %dma_wait3A_355 : memref<1x250x72xf32, #tpu.memory_space<vmem>> -> memref<250x72xf32, #tpu.memory_space<vmem>>
      %dma_wait3A_357 = arith.constant 0 : i32
      %dma_wait3A_358 = arith.constant 0 : i32
      %dma_wait3A_359 = tpu.memref_slice %dma_wait3A_356[%dma_wait3A_357, %dma_wait3A_358] : memref<250x72xf32, #tpu.memory_space<vmem>> -> memref<128x72xf32, #tpu.memory_space<vmem>>
      %dma_wait3A_360 = arith.constant 0 : i32
      %dma_wait3A_361 = tpu.memref_slice %arg10[%add3A_17, %dma_wait3A_360] : memref<10240x72xf32, #tpu.memory_space<vmem_shared>> -> memref<128x72xf32, #tpu.memory_space<vmem_shared>>
      %dma_wait3A_362 = arith.constant 0 : i32
      %dma_wait3A_363 = tpu.memref_slice %arg10[%add3A_17, %dma_wait3A_362] : memref<10240x72xf32, #tpu.memory_space<vmem_shared>> -> memref<128x72xf32, #tpu.memory_space<vmem_shared>>
      %dma_wait3A_364 = arith.constant 0 : i32
      %dma_wait3A_365 = arith.constant 0 : i32
      %dma_wait3A_366 = tpu.memref_slice %arg9[%run_scoped3A_18, %dma_wait3A_364, %dma_wait3A_365] : memref<2x250x72xf32, #tpu.memory_space<vmem>> -> memref<1x250x72xf32, #tpu.memory_space<vmem>>
      %dma_wait3A_367 = tpu.memref_squeeze %dma_wait3A_366 : memref<1x250x72xf32, #tpu.memory_space<vmem>> -> memref<250x72xf32, #tpu.memory_space<vmem>>
      %dma_wait3A_368 = arith.constant 0 : i32
      %dma_wait3A_369 = arith.constant 0 : i32
      %dma_wait3A_370 = tpu.memref_slice %dma_wait3A_367[%dma_wait3A_368, %dma_wait3A_369] : memref<250x72xf32, #tpu.memory_space<vmem>> -> memref<128x72xf32, #tpu.memory_space<vmem>>
      tpu.wait_dma2 semaphore(%run_scoped3A_334 : memref<!tpu.dma_semaphore, #tpu.memory_space<semaphore_mem>>) src(%dma_wait3A_370 : memref<128x72xf32, #tpu.memory_space<vmem>>) dst(%dma_wait3A_363 : memref<128x72xf32, #tpu.memory_space<vmem_shared>>)
      tpu.yield
    }) : () -> ()
    %mul3A_19 = arith.constant 640 : i32
    %mul3A_20 = arith.muli %arg1, %mul3A_19 : i32
    %add3A_21 = arith.constant 384 : i32
    %add3A_22 = arith.addi %mul3A_20, %add3A_21 : i32
    %run_scoped3A_23 = arith.constant 0 : i32
    "tpu.region"() ({
      %run_scoped3A_334 = tpu.sem_alloc : memref<!tpu.dma_semaphore, #tpu.memory_space<semaphore_mem>>
      %dma_start3A_335 = arith.constant 0 : i32
      %dma_start3A_336 = arith.constant 0 : i32
      %dma_start3A_337 = tpu.memref_slice %arg9[%run_scoped3A_23, %dma_start3A_335, %dma_start3A_336] : memref<2x250x72xf32, #tpu.memory_space<vmem>> -> memref<1x250x72xf32, #tpu.memory_space<vmem>>
      %dma_start3A_338 = tpu.memref_squeeze %dma_start3A_337 : memref<1x250x72xf32, #tpu.memory_space<vmem>> -> memref<250x72xf32, #tpu.memory_space<vmem>>
      %dma_start3A_339 = arith.constant 0 : i32
      %dma_start3A_340 = arith.constant 0 : i32
      %dma_start3A_341 = tpu.memref_slice %dma_start3A_338[%dma_start3A_339, %dma_start3A_340] : memref<250x72xf32, #tpu.memory_space<vmem>> -> memref<128x72xf32, #tpu.memory_space<vmem>>
      %dma_start3A_342 = arith.constant 0 : i32
      %dma_start3A_343 = tpu.memref_slice %arg10[%add3A_22, %dma_start3A_342] : memref<10240x72xf32, #tpu.memory_space<vmem_shared>> -> memref<128x72xf32, #tpu.memory_space<vmem_shared>>
      %dma_start3A_344 = arith.constant 0 : i32
      %dma_start3A_345 = tpu.memref_slice %arg10[%add3A_22, %dma_start3A_344] : memref<10240x72xf32, #tpu.memory_space<vmem_shared>> -> memref<128x72xf32, #tpu.memory_space<vmem_shared>>
      %dma_start3A_346 = arith.constant 0 : i32
      %dma_start3A_347 = arith.constant 0 : i32
      %dma_start3A_348 = tpu.memref_slice %arg9[%run_scoped3A_23, %dma_start3A_346, %dma_start3A_347] : memref<2x250x72xf32, #tpu.memory_space<vmem>> -> memref<1x250x72xf32, #tpu.memory_space<vmem>>
      %dma_start3A_349 = tpu.memref_squeeze %dma_start3A_348 : memref<1x250x72xf32, #tpu.memory_space<vmem>> -> memref<250x72xf32, #tpu.memory_space<vmem>>
      %dma_start3A_350 = arith.constant 0 : i32
      %dma_start3A_351 = arith.constant 0 : i32
      %dma_start3A_352 = tpu.memref_slice %dma_start3A_349[%dma_start3A_350, %dma_start3A_351] : memref<250x72xf32, #tpu.memory_space<vmem>> -> memref<128x72xf32, #tpu.memory_space<vmem>>
      tpu.enqueue_dma source(%dma_start3A_352 : memref<128x72xf32, #tpu.memory_space<vmem>>) target(%dma_start3A_345 : memref<128x72xf32, #tpu.memory_space<vmem_shared>>) target_semaphore(%run_scoped3A_334 : memref<!tpu.dma_semaphore, #tpu.memory_space<semaphore_mem>>)
      %dma_wait3A_353 = arith.constant 0 : i32
      %dma_wait3A_354 = arith.constant 0 : i32
      %dma_wait3A_355 = tpu.memref_slice %arg9[%run_scoped3A_23, %dma_wait3A_353, %dma_wait3A_354] : memref<2x250x72xf32, #tpu.memory_space<vmem>> -> memref<1x250x72xf32, #tpu.memory_space<vmem>>
      %dma_wait3A_356 = tpu.memref_squeeze %dma_wait3A_355 : memref<1x250x72xf32, #tpu.memory_space<vmem>> -> memref<250x72xf32, #tpu.memory_space<vmem>>
      %dma_wait3A_357 = arith.constant 0 : i32
      %dma_wait3A_358 = arith.constant 0 : i32
      %dma_wait3A_359 = tpu.memref_slice %dma_wait3A_356[%dma_wait3A_357, %dma_wait3A_358] : memref<250x72xf32, #tpu.memory_space<vmem>> -> memref<128x72xf32, #tpu.memory_space<vmem>>
      %dma_wait3A_360 = arith.constant 0 : i32
      %dma_wait3A_361 = tpu.memref_slice %arg10[%add3A_22, %dma_wait3A_360] : memref<10240x72xf32, #tpu.memory_space<vmem_shared>> -> memref<128x72xf32, #tpu.memory_space<vmem_shared>>
      %dma_wait3A_362 = arith.constant 0 : i32
      %dma_wait3A_363 = tpu.memref_slice %arg10[%add3A_22, %dma_wait3A_362] : memref<10240x72xf32, #tpu.memory_space<vmem_shared>> -> memref<128x72xf32, #tpu.memory_space<vmem_shared>>
      %dma_wait3A_364 = arith.constant 0 : i32
      %dma_wait3A_365 = arith.constant 0 : i32
      %dma_wait3A_366 = tpu.memref_slice %arg9[%run_scoped3A_23, %dma_wait3A_364, %dma_wait3A_365] : memref<2x250x72xf32, #tpu.memory_space<vmem>> -> memref<1x250x72xf32, #tpu.memory_space<vmem>>
      %dma_wait3A_367 = tpu.memref_squeeze %dma_wait3A_366 : memref<1x250x72xf32, #tpu.memory_space<vmem>> -> memref<250x72xf32, #tpu.memory_space<vmem>>
      %dma_wait3A_368 = arith.constant 0 : i32
      %dma_wait3A_369 = arith.constant 0 : i32
      %dma_wait3A_370 = tpu.memref_slice %dma_wait3A_367[%dma_wait3A_368, %dma_wait3A_369] : memref<250x72xf32, #tpu.memory_space<vmem>> -> memref<128x72xf32, #tpu.memory_space<vmem>>
      tpu.wait_dma2 semaphore(%run_scoped3A_334 : memref<!tpu.dma_semaphore, #tpu.memory_space<semaphore_mem>>) src(%dma_wait3A_370 : memref<128x72xf32, #tpu.memory_space<vmem>>) dst(%dma_wait3A_363 : memref<128x72xf32, #tpu.memory_space<vmem_shared>>)
      tpu.yield
    }) : () -> ()
    %mul3A_24 = arith.constant 640 : i32
    %mul3A_25 = arith.muli %arg1, %mul3A_24 : i32
    %add3A_26 = arith.constant 512 : i32
    %add3A_27 = arith.addi %mul3A_25, %add3A_26 : i32
    %run_scoped3A_28 = arith.constant 0 : i32
    "tpu.region"() ({
      %run_scoped3A_334 = tpu.sem_alloc : memref<!tpu.dma_semaphore, #tpu.memory_space<semaphore_mem>>
      %dma_start3A_335 = arith.constant 0 : i32
      %dma_start3A_336 = arith.constant 0 : i32
      %dma_start3A_337 = tpu.memref_slice %arg9[%run_scoped3A_28, %dma_start3A_335, %dma_start3A_336] : memref<2x250x72xf32, #tpu.memory_space<vmem>> -> memref<1x250x72xf32, #tpu.memory_space<vmem>>
      %dma_start3A_338 = tpu.memref_squeeze %dma_start3A_337 : memref<1x250x72xf32, #tpu.memory_space<vmem>> -> memref<250x72xf32, #tpu.memory_space<vmem>>
      %dma_start3A_339 = arith.constant 0 : i32
      %dma_start3A_340 = arith.constant 0 : i32
      %dma_start3A_341 = tpu.memref_slice %dma_start3A_338[%dma_start3A_339, %dma_start3A_340] : memref<250x72xf32, #tpu.memory_space<vmem>> -> memref<128x72xf32, #tpu.memory_space<vmem>>
      %dma_start3A_342 = arith.constant 0 : i32
      %dma_start3A_343 = tpu.memref_slice %arg10[%add3A_27, %dma_start3A_342] : memref<10240x72xf32, #tpu.memory_space<vmem_shared>> -> memref<128x72xf32, #tpu.memory_space<vmem_shared>>
      %dma_start3A_344 = arith.constant 0 : i32
      %dma_start3A_345 = tpu.memref_slice %arg10[%add3A_27, %dma_start3A_344] : memref<10240x72xf32, #tpu.memory_space<vmem_shared>> -> memref<128x72xf32, #tpu.memory_space<vmem_shared>>
      %dma_start3A_346 = arith.constant 0 : i32
      %dma_start3A_347 = arith.constant 0 : i32
      %dma_start3A_348 = tpu.memref_slice %arg9[%run_scoped3A_28, %dma_start3A_346, %dma_start3A_347] : memref<2x250x72xf32, #tpu.memory_space<vmem>> -> memref<1x250x72xf32, #tpu.memory_space<vmem>>
      %dma_start3A_349 = tpu.memref_squeeze %dma_start3A_348 : memref<1x250x72xf32, #tpu.memory_space<vmem>> -> memref<250x72xf32, #tpu.memory_space<vmem>>
      %dma_start3A_350 = arith.constant 0 : i32
      %dma_start3A_351 = arith.constant 0 : i32
      %dma_start3A_352 = tpu.memref_slice %dma_start3A_349[%dma_start3A_350, %dma_start3A_351] : memref<250x72xf32, #tpu.memory_space<vmem>> -> memref<128x72xf32, #tpu.memory_space<vmem>>
      tpu.enqueue_dma source(%dma_start3A_352 : memref<128x72xf32, #tpu.memory_space<vmem>>) target(%dma_start3A_345 : memref<128x72xf32, #tpu.memory_space<vmem_shared>>) target_semaphore(%run_scoped3A_334 : memref<!tpu.dma_semaphore, #tpu.memory_space<semaphore_mem>>)
      %dma_wait3A_353 = arith.constant 0 : i32
      %dma_wait3A_354 = arith.constant 0 : i32
      %dma_wait3A_355 = tpu.memref_slice %arg9[%run_scoped3A_28, %dma_wait3A_353, %dma_wait3A_354] : memref<2x250x72xf32, #tpu.memory_space<vmem>> -> memref<1x250x72xf32, #tpu.memory_space<vmem>>
      %dma_wait3A_356 = tpu.memref_squeeze %dma_wait3A_355 : memref<1x250x72xf32, #tpu.memory_space<vmem>> -> memref<250x72xf32, #tpu.memory_space<vmem>>
      %dma_wait3A_357 = arith.constant 0 : i32
      %dma_wait3A_358 = arith.constant 0 : i32
      %dma_wait3A_359 = tpu.memref_slice %dma_wait3A_356[%dma_wait3A_357, %dma_wait3A_358] : memref<250x72xf32, #tpu.memory_space<vmem>> -> memref<128x72xf32, #tpu.memory_space<vmem>>
      %dma_wait3A_360 = arith.constant 0 : i32
      %dma_wait3A_361 = tpu.memref_slice %arg10[%add3A_27, %dma_wait3A_360] : memref<10240x72xf32, #tpu.memory_space<vmem_shared>> -> memref<128x72xf32, #tpu.memory_space<vmem_shared>>
      %dma_wait3A_362 = arith.constant 0 : i32
      %dma_wait3A_363 = tpu.memref_slice %arg10[%add3A_27, %dma_wait3A_362] : memref<10240x72xf32, #tpu.memory_space<vmem_shared>> -> memref<128x72xf32, #tpu.memory_space<vmem_shared>>
      %dma_wait3A_364 = arith.constant 0 : i32
      %dma_wait3A_365 = arith.constant 0 : i32
      %dma_wait3A_366 = tpu.memref_slice %arg9[%run_scoped3A_28, %dma_wait3A_364, %dma_wait3A_365] : memref<2x250x72xf32, #tpu.memory_space<vmem>> -> memref<1x250x72xf32, #tpu.memory_space<vmem>>
      %dma_wait3A_367 = tpu.memref_squeeze %dma_wait3A_366 : memref<1x250x72xf32, #tpu.memory_space<vmem>> -> memref<250x72xf32, #tpu.memory_space<vmem>>
      %dma_wait3A_368 = arith.constant 0 : i32
      %dma_wait3A_369 = arith.constant 0 : i32
      %dma_wait3A_370 = tpu.memref_slice %dma_wait3A_367[%dma_wait3A_368, %dma_wait3A_369] : memref<250x72xf32, #tpu.memory_space<vmem>> -> memref<128x72xf32, #tpu.memory_space<vmem>>
      tpu.wait_dma2 semaphore(%run_scoped3A_334 : memref<!tpu.dma_semaphore, #tpu.memory_space<semaphore_mem>>) src(%dma_wait3A_370 : memref<128x72xf32, #tpu.memory_space<vmem>>) dst(%dma_wait3A_363 : memref<128x72xf32, #tpu.memory_space<vmem_shared>>)
      tpu.yield
    }) : () -> ()
    %barrier3A = arith.constant 0 : index
    tpu.barrier barrier_id(%barrier3A)
    %dma_start3A = arith.constant 0 : i32
    %dma_start3A_29 = arith.constant 0 : i32
    %dma_start3A_30 = arith.constant 0 : i32
    %dma_start3A_31 = arith.constant 0 : i32
    %dma_start3A_32 = tpu.memref_slice %arg9[%dma_start3A_29, %dma_start3A_30, %dma_start3A_31] : memref<2x250x72xf32, #tpu.memory_space<vmem>> -> memref<1x250x72xf32, #tpu.memory_space<vmem>>
    %dma_start3A_33 = tpu.memref_squeeze %dma_start3A_32 : memref<1x250x72xf32, #tpu.memory_space<vmem>> -> memref<250x72xf32, #tpu.memory_space<vmem>>
    %dma_start3A_34 = arith.constant 0 : i32
    %dma_start3A_35 = tpu.memref_slice %arg7[%dma_start3A, %dma_start3A_34] : memref<80x250xi32, #tpu.memory_space<vmem>> -> memref<1x250xi32, #tpu.memory_space<vmem>>
    %dma_start3A_36 = tpu.memref_squeeze %dma_start3A_35 : memref<1x250xi32, #tpu.memory_space<vmem>> -> memref<250xi32, #tpu.memory_space<vmem>>
    %dma_start3A_37 = arith.constant 0 : i32
    %dma_start3A_38 = arith.constant 0 : i32
    %dma_start3A_39 = tpu.memref_slice %arg2[%arg0, %dma_start3A_37, %dma_start3A_38] : memref<2x10000x72xf32, #tpu.memory_space<hbm>> -> memref<1x10000x72xf32, #tpu.memory_space<hbm>>
    %dma_start3A_40 = tpu.memref_squeeze %dma_start3A_39 : memref<1x10000x72xf32, #tpu.memory_space<hbm>> -> memref<10000x72xf32, #tpu.memory_space<hbm>>
    %dma_start3A_41 = arith.constant 0 : i32
    %dma_start3A_42 = arith.constant 0 : i32
    %dma_start3A_43 = tpu.memref_slice %dma_start3A_40[%dma_start3A_41, %dma_start3A_42] : memref<10000x72xf32, #tpu.memory_space<hbm>> -> memref<10000x72xf32, #tpu.memory_space<hbm>>
    tpu.enqueue_indirect_dma source(%dma_start3A_43 : memref<10000x72xf32, #tpu.memory_space<hbm>>) target(%dma_start3A_33 : memref<250x72xf32, #tpu.memory_space<vmem>>) offsets(%dma_start3A_36 : memref<250xi32, #tpu.memory_space<vmem>>) semaphore(%arg11 : memref<!tpu.dma_semaphore, #tpu.memory_space<semaphore_mem>>)
    %dma_start3A_44 = arith.constant 1 : i32
    %dma_start3A_45 = arith.constant 1 : i32
    %dma_start3A_46 = arith.constant 0 : i32
    %dma_start3A_47 = arith.constant 0 : i32
    %dma_start3A_48 = tpu.memref_slice %arg9[%dma_start3A_45, %dma_start3A_46, %dma_start3A_47] : memref<2x250x72xf32, #tpu.memory_space<vmem>> -> memref<1x250x72xf32, #tpu.memory_space<vmem>>
    %dma_start3A_49 = tpu.memref_squeeze %dma_start3A_48 : memref<1x250x72xf32, #tpu.memory_space<vmem>> -> memref<250x72xf32, #tpu.memory_space<vmem>>
    %dma_start3A_50 = arith.constant 0 : i32
    %dma_start3A_51 = tpu.memref_slice %arg7[%dma_start3A_44, %dma_start3A_50] : memref<80x250xi32, #tpu.memory_space<vmem>> -> memref<1x250xi32, #tpu.memory_space<vmem>>
    %dma_start3A_52 = tpu.memref_squeeze %dma_start3A_51 : memref<1x250xi32, #tpu.memory_space<vmem>> -> memref<250xi32, #tpu.memory_space<vmem>>
    %dma_start3A_53 = arith.constant 0 : i32
    %dma_start3A_54 = arith.constant 0 : i32
    %dma_start3A_55 = tpu.memref_slice %arg2[%arg0, %dma_start3A_53, %dma_start3A_54] : memref<2x10000x72xf32, #tpu.memory_space<hbm>> -> memref<1x10000x72xf32, #tpu.memory_space<hbm>>
    %dma_start3A_56 = tpu.memref_squeeze %dma_start3A_55 : memref<1x10000x72xf32, #tpu.memory_space<hbm>> -> memref<10000x72xf32, #tpu.memory_space<hbm>>
    %dma_start3A_57 = arith.constant 0 : i32
    %dma_start3A_58 = arith.constant 0 : i32
    %dma_start3A_59 = tpu.memref_slice %dma_start3A_56[%dma_start3A_57, %dma_start3A_58] : memref<10000x72xf32, #tpu.memory_space<hbm>> -> memref<10000x72xf32, #tpu.memory_space<hbm>>
    tpu.enqueue_indirect_dma source(%dma_start3A_59 : memref<10000x72xf32, #tpu.memory_space<hbm>>) target(%dma_start3A_49 : memref<250x72xf32, #tpu.memory_space<vmem>>) offsets(%dma_start3A_52 : memref<250xi32, #tpu.memory_space<vmem>>) semaphore(%arg12 : memref<!tpu.dma_semaphore, #tpu.memory_space<semaphore_mem>>)
    %scan3A_60 = arith.constant 0 : i32
    %scan3A_61 = arith.constant 0 : i32
    %scan3A_62 = arith.constant 40 : i32
    %scan3A_63 = arith.addi %scan3A_61, %scan3A_62 : i32
    %scan3A_64 = arith.constant 1 : i32
    scf.for %scan3A_334 = %scan3A_61 to %scan3A_63 step %scan3A_64  : i32 {
      %mul3A_335 = arith.constant 2 : i32
      %mul3A_336 = arith.muli %mul3A_335, %scan3A_334 : i32
      %mul3A_337 = arith.constant 2 : i32
      %mul3A_338 = arith.muli %mul3A_337, %scan3A_334 : i32
      %add3A_339 = arith.constant 1 : i32
      %add3A_340 = arith.addi %mul3A_338, %add3A_339 : i32
      %mul3A_341 = arith.constant 2 : i32
      %mul3A_342 = arith.muli %mul3A_341, %scan3A_334 : i32
      %add3A_343 = arith.constant 2 : i32
      %add3A_344 = arith.addi %mul3A_342, %add3A_343 : i32
      %rem3A = arith.constant 80 : i32
      %rem3A_345 = arith.remsi %add3A_344, %rem3A : i32
      %mul3A_346 = arith.constant 2 : i32
      %mul3A_347 = arith.muli %mul3A_346, %scan3A_334 : i32
      %add3A_348 = arith.constant 3 : i32
      %add3A_349 = arith.addi %mul3A_347, %add3A_348 : i32
      %rem3A_350 = arith.constant 80 : i32
      %rem3A_351 = arith.remsi %add3A_349, %rem3A_350 : i32
      %dma_wait3A_352 = arith.constant 0 : i32
      %dma_wait3A_353 = arith.constant 0 : i32
      %dma_wait3A_354 = arith.constant 0 : i32
      %dma_wait3A_355 = tpu.memref_slice %arg9[%dma_wait3A_352, %dma_wait3A_353, %dma_wait3A_354] : memref<2x250x72xf32, #tpu.memory_space<vmem>> -> memref<1x250x72xf32, #tpu.memory_space<vmem>>
      %dma_wait3A_356 = tpu.memref_squeeze %dma_wait3A_355 : memref<1x250x72xf32, #tpu.memory_space<vmem>> -> memref<250x72xf32, #tpu.memory_space<vmem>>
      %dma_wait3A_357 = arith.constant 0 : i32
      %dma_wait3A_358 = tpu.memref_slice %arg7[%mul3A_336, %dma_wait3A_357] : memref<80x250xi32, #tpu.memory_space<vmem>> -> memref<1x250xi32, #tpu.memory_space<vmem>>
      %dma_wait3A_359 = tpu.memref_squeeze %dma_wait3A_358 : memref<1x250xi32, #tpu.memory_space<vmem>> -> memref<250xi32, #tpu.memory_space<vmem>>
      %dma_wait3A_360 = arith.constant 0 : i32
      %dma_wait3A_361 = arith.constant 0 : i32
      %dma_wait3A_362 = tpu.memref_slice %arg2[%arg0, %dma_wait3A_360, %dma_wait3A_361] : memref<2x10000x72xf32, #tpu.memory_space<hbm>> -> memref<1x10000x72xf32, #tpu.memory_space<hbm>>
      %dma_wait3A_363 = tpu.memref_squeeze %dma_wait3A_362 : memref<1x10000x72xf32, #tpu.memory_space<hbm>> -> memref<10000x72xf32, #tpu.memory_space<hbm>>
      %dma_wait3A_364 = arith.constant 0 : i32
      %dma_wait3A_365 = arith.constant 0 : i32
      %dma_wait3A_366 = tpu.memref_slice %dma_wait3A_363[%dma_wait3A_364, %dma_wait3A_365] : memref<10000x72xf32, #tpu.memory_space<hbm>> -> memref<10000x72xf32, #tpu.memory_space<hbm>>
      tpu.wait_indirect_dma semaphore(%arg11 : memref<!tpu.dma_semaphore, #tpu.memory_space<semaphore_mem>>) src(%dma_wait3A_366 : memref<10000x72xf32, #tpu.memory_space<hbm>>) dst(%dma_wait3A_356 : memref<250x72xf32, #tpu.memory_space<vmem>>)
      %dma_start3A_367 = arith.constant 0 : i32
      %dma_start3A_368 = arith.constant 0 : i32
      %dma_start3A_369 = arith.constant 0 : i32
      %dma_start3A_370 = tpu.memref_slice %arg9[%dma_start3A_367, %dma_start3A_368, %dma_start3A_369] : memref<2x250x72xf32, #tpu.memory_space<vmem>> -> memref<1x250x72xf32, #tpu.memory_space<vmem>>
      %dma_start3A_371 = tpu.memref_squeeze %dma_start3A_370 : memref<1x250x72xf32, #tpu.memory_space<vmem>> -> memref<250x72xf32, #tpu.memory_space<vmem>>
      %dma_start3A_372 = arith.constant 0 : i32
      %dma_start3A_373 = tpu.memref_slice %arg8[%mul3A_336, %dma_start3A_372] : memref<80x250xi32, #tpu.memory_space<vmem>> -> memref<1x250xi32, #tpu.memory_space<vmem>>
      %dma_start3A_374 = tpu.memref_squeeze %dma_start3A_373 : memref<1x250xi32, #tpu.memory_space<vmem>> -> memref<250xi32, #tpu.memory_space<vmem>>
      %dma_start3A_375 = arith.constant 0 : i32
      %dma_start3A_376 = arith.constant 0 : i32
      %dma_start3A_377 = tpu.memref_slice %arg10[%dma_start3A_375, %dma_start3A_376] : memref<10240x72xf32, #tpu.memory_space<vmem_shared>> -> memref<10240x72xf32, #tpu.memory_space<vmem_shared>>
      tpu.enqueue_indirect_dma source(%dma_start3A_371 : memref<250x72xf32, #tpu.memory_space<vmem>>) target(%dma_start3A_377 : memref<10240x72xf32, #tpu.memory_space<vmem_shared>>) offsets(%dma_start3A_374 : memref<250xi32, #tpu.memory_space<vmem>>) semaphore(%arg13 : memref<!tpu.dma_semaphore, #tpu.memory_space<semaphore_mem>>) {add = true}
      %dma_wait3A_378 = arith.constant 1 : i32
      %dma_wait3A_379 = arith.constant 0 : i32
      %dma_wait3A_380 = arith.constant 0 : i32
      %dma_wait3A_381 = tpu.memref_slice %arg9[%dma_wait3A_378, %dma_wait3A_379, %dma_wait3A_380] : memref<2x250x72xf32, #tpu.memory_space<vmem>> -> memref<1x250x72xf32, #tpu.memory_space<vmem>>
      %dma_wait3A_382 = tpu.memref_squeeze %dma_wait3A_381 : memref<1x250x72xf32, #tpu.memory_space<vmem>> -> memref<250x72xf32, #tpu.memory_space<vmem>>
      %dma_wait3A_383 = arith.constant 0 : i32
      %dma_wait3A_384 = tpu.memref_slice %arg7[%add3A_340, %dma_wait3A_383] : memref<80x250xi32, #tpu.memory_space<vmem>> -> memref<1x250xi32, #tpu.memory_space<vmem>>
      %dma_wait3A_385 = tpu.memref_squeeze %dma_wait3A_384 : memref<1x250xi32, #tpu.memory_space<vmem>> -> memref<250xi32, #tpu.memory_space<vmem>>
      %dma_wait3A_386 = arith.constant 0 : i32
      %dma_wait3A_387 = arith.constant 0 : i32
      %dma_wait3A_388 = tpu.memref_slice %arg2[%arg0, %dma_wait3A_386, %dma_wait3A_387] : memref<2x10000x72xf32, #tpu.memory_space<hbm>> -> memref<1x10000x72xf32, #tpu.memory_space<hbm>>
      %dma_wait3A_389 = tpu.memref_squeeze %dma_wait3A_388 : memref<1x10000x72xf32, #tpu.memory_space<hbm>> -> memref<10000x72xf32, #tpu.memory_space<hbm>>
      %dma_wait3A_390 = arith.constant 0 : i32
      %dma_wait3A_391 = arith.constant 0 : i32
      %dma_wait3A_392 = tpu.memref_slice %dma_wait3A_389[%dma_wait3A_390, %dma_wait3A_391] : memref<10000x72xf32, #tpu.memory_space<hbm>> -> memref<10000x72xf32, #tpu.memory_space<hbm>>
      tpu.wait_indirect_dma semaphore(%arg12 : memref<!tpu.dma_semaphore, #tpu.memory_space<semaphore_mem>>) src(%dma_wait3A_392 : memref<10000x72xf32, #tpu.memory_space<hbm>>) dst(%dma_wait3A_382 : memref<250x72xf32, #tpu.memory_space<vmem>>)
      %dma_start3A_393 = arith.constant 1 : i32
      %dma_start3A_394 = arith.constant 0 : i32
      %dma_start3A_395 = arith.constant 0 : i32
      %dma_start3A_396 = tpu.memref_slice %arg9[%dma_start3A_393, %dma_start3A_394, %dma_start3A_395] : memref<2x250x72xf32, #tpu.memory_space<vmem>> -> memref<1x250x72xf32, #tpu.memory_space<vmem>>
      %dma_start3A_397 = tpu.memref_squeeze %dma_start3A_396 : memref<1x250x72xf32, #tpu.memory_space<vmem>> -> memref<250x72xf32, #tpu.memory_space<vmem>>
      %dma_start3A_398 = arith.constant 0 : i32
      %dma_start3A_399 = tpu.memref_slice %arg8[%add3A_340, %dma_start3A_398] : memref<80x250xi32, #tpu.memory_space<vmem>> -> memref<1x250xi32, #tpu.memory_space<vmem>>
      %dma_start3A_400 = tpu.memref_squeeze %dma_start3A_399 : memref<1x250xi32, #tpu.memory_space<vmem>> -> memref<250xi32, #tpu.memory_space<vmem>>
      %dma_start3A_401 = arith.constant 0 : i32
      %dma_start3A_402 = arith.constant 0 : i32
      %dma_start3A_403 = tpu.memref_slice %arg10[%dma_start3A_401, %dma_start3A_402] : memref<10240x72xf32, #tpu.memory_space<vmem_shared>> -> memref<10240x72xf32, #tpu.memory_space<vmem_shared>>
      tpu.enqueue_indirect_dma source(%dma_start3A_397 : memref<250x72xf32, #tpu.memory_space<vmem>>) target(%dma_start3A_403 : memref<10240x72xf32, #tpu.memory_space<vmem_shared>>) offsets(%dma_start3A_400 : memref<250xi32, #tpu.memory_space<vmem>>) semaphore(%arg14 : memref<!tpu.dma_semaphore, #tpu.memory_space<semaphore_mem>>) {add = true}
      %dma_wait3A_404 = arith.constant 0 : i32
      %dma_wait3A_405 = arith.constant 0 : i32
      %dma_wait3A_406 = arith.constant 0 : i32
      %dma_wait3A_407 = tpu.memref_slice %arg9[%dma_wait3A_404, %dma_wait3A_405, %dma_wait3A_406] : memref<2x250x72xf32, #tpu.memory_space<vmem>> -> memref<1x250x72xf32, #tpu.memory_space<vmem>>
      %dma_wait3A_408 = tpu.memref_squeeze %dma_wait3A_407 : memref<1x250x72xf32, #tpu.memory_space<vmem>> -> memref<250x72xf32, #tpu.memory_space<vmem>>
      %dma_wait3A_409 = arith.constant 0 : i32
      %dma_wait3A_410 = tpu.memref_slice %arg8[%mul3A_336, %dma_wait3A_409] : memref<80x250xi32, #tpu.memory_space<vmem>> -> memref<1x250xi32, #tpu.memory_space<vmem>>
      %dma_wait3A_411 = tpu.memref_squeeze %dma_wait3A_410 : memref<1x250xi32, #tpu.memory_space<vmem>> -> memref<250xi32, #tpu.memory_space<vmem>>
      %dma_wait3A_412 = arith.constant 0 : i32
      %dma_wait3A_413 = arith.constant 0 : i32
      %dma_wait3A_414 = tpu.memref_slice %arg10[%dma_wait3A_412, %dma_wait3A_413] : memref<10240x72xf32, #tpu.memory_space<vmem_shared>> -> memref<10240x72xf32, #tpu.memory_space<vmem_shared>>
      tpu.wait_indirect_dma semaphore(%arg13 : memref<!tpu.dma_semaphore, #tpu.memory_space<semaphore_mem>>) src(%dma_wait3A_408 : memref<250x72xf32, #tpu.memory_space<vmem>>) dst(%dma_wait3A_414 : memref<10240x72xf32, #tpu.memory_space<vmem_shared>>)
      %dma_start3A_415 = arith.constant 0 : i32
      %dma_start3A_416 = arith.constant 0 : i32
      %dma_start3A_417 = arith.constant 0 : i32
      %dma_start3A_418 = tpu.memref_slice %arg9[%dma_start3A_415, %dma_start3A_416, %dma_start3A_417] : memref<2x250x72xf32, #tpu.memory_space<vmem>> -> memref<1x250x72xf32, #tpu.memory_space<vmem>>
      %dma_start3A_419 = tpu.memref_squeeze %dma_start3A_418 : memref<1x250x72xf32, #tpu.memory_space<vmem>> -> memref<250x72xf32, #tpu.memory_space<vmem>>
      %dma_start3A_420 = arith.constant 0 : i32
      %dma_start3A_421 = tpu.memref_slice %arg7[%rem3A_345, %dma_start3A_420] : memref<80x250xi32, #tpu.memory_space<vmem>> -> memref<1x250xi32, #tpu.memory_space<vmem>>
      %dma_start3A_422 = tpu.memref_squeeze %dma_start3A_421 : memref<1x250xi32, #tpu.memory_space<vmem>> -> memref<250xi32, #tpu.memory_space<vmem>>
      %dma_start3A_423 = arith.constant 0 : i32
      %dma_start3A_424 = arith.constant 0 : i32
      %dma_start3A_425 = tpu.memref_slice %arg2[%arg0, %dma_start3A_423, %dma_start3A_424] : memref<2x10000x72xf32, #tpu.memory_space<hbm>> -> memref<1x10000x72xf32, #tpu.memory_space<hbm>>
      %dma_start3A_426 = tpu.memref_squeeze %dma_start3A_425 : memref<1x10000x72xf32, #tpu.memory_space<hbm>> -> memref<10000x72xf32, #tpu.memory_space<hbm>>
      %dma_start3A_427 = arith.constant 0 : i32
      %dma_start3A_428 = arith.constant 0 : i32
      %dma_start3A_429 = tpu.memref_slice %dma_start3A_426[%dma_start3A_427, %dma_start3A_428] : memref<10000x72xf32, #tpu.memory_space<hbm>> -> memref<10000x72xf32, #tpu.memory_space<hbm>>
      tpu.enqueue_indirect_dma source(%dma_start3A_429 : memref<10000x72xf32, #tpu.memory_space<hbm>>) target(%dma_start3A_419 : memref<250x72xf32, #tpu.memory_space<vmem>>) offsets(%dma_start3A_422 : memref<250xi32, #tpu.memory_space<vmem>>) semaphore(%arg11 : memref<!tpu.dma_semaphore, #tpu.memory_space<semaphore_mem>>)
      %dma_wait3A_430 = arith.constant 1 : i32
      %dma_wait3A_431 = arith.constant 0 : i32
      %dma_wait3A_432 = arith.constant 0 : i32
      %dma_wait3A_433 = tpu.memref_slice %arg9[%dma_wait3A_430, %dma_wait3A_431, %dma_wait3A_432] : memref<2x250x72xf32, #tpu.memory_space<vmem>> -> memref<1x250x72xf32, #tpu.memory_space<vmem>>
      %dma_wait3A_434 = tpu.memref_squeeze %dma_wait3A_433 : memref<1x250x72xf32, #tpu.memory_space<vmem>> -> memref<250x72xf32, #tpu.memory_space<vmem>>
      %dma_wait3A_435 = arith.constant 0 : i32
      %dma_wait3A_436 = tpu.memref_slice %arg8[%add3A_340, %dma_wait3A_435] : memref<80x250xi32, #tpu.memory_space<vmem>> -> memref<1x250xi32, #tpu.memory_space<vmem>>
      %dma_wait3A_437 = tpu.memref_squeeze %dma_wait3A_436 : memref<1x250xi32, #tpu.memory_space<vmem>> -> memref<250xi32, #tpu.memory_space<vmem>>
      %dma_wait3A_438 = arith.constant 0 : i32
      %dma_wait3A_439 = arith.constant 0 : i32
      %dma_wait3A_440 = tpu.memref_slice %arg10[%dma_wait3A_438, %dma_wait3A_439] : memref<10240x72xf32, #tpu.memory_space<vmem_shared>> -> memref<10240x72xf32, #tpu.memory_space<vmem_shared>>
      tpu.wait_indirect_dma semaphore(%arg14 : memref<!tpu.dma_semaphore, #tpu.memory_space<semaphore_mem>>) src(%dma_wait3A_434 : memref<250x72xf32, #tpu.memory_space<vmem>>) dst(%dma_wait3A_440 : memref<10240x72xf32, #tpu.memory_space<vmem_shared>>)
      %dma_start3A_441 = arith.constant 1 : i32
      %dma_start3A_442 = arith.constant 0 : i32
      %dma_start3A_443 = arith.constant 0 : i32
      %dma_start3A_444 = tpu.memref_slice %arg9[%dma_start3A_441, %dma_start3A_442, %dma_start3A_443] : memref<2x250x72xf32, #tpu.memory_space<vmem>> -> memref<1x250x72xf32, #tpu.memory_space<vmem>>
      %dma_start3A_445 = tpu.memref_squeeze %dma_start3A_444 : memref<1x250x72xf32, #tpu.memory_space<vmem>> -> memref<250x72xf32, #tpu.memory_space<vmem>>
      %dma_start3A_446 = arith.constant 0 : i32
      %dma_start3A_447 = tpu.memref_slice %arg7[%rem3A_351, %dma_start3A_446] : memref<80x250xi32, #tpu.memory_space<vmem>> -> memref<1x250xi32, #tpu.memory_space<vmem>>
      %dma_start3A_448 = tpu.memref_squeeze %dma_start3A_447 : memref<1x250xi32, #tpu.memory_space<vmem>> -> memref<250xi32, #tpu.memory_space<vmem>>
      %dma_start3A_449 = arith.constant 0 : i32
      %dma_start3A_450 = arith.constant 0 : i32
      %dma_start3A_451 = tpu.memref_slice %arg2[%arg0, %dma_start3A_449, %dma_start3A_450] : memref<2x10000x72xf32, #tpu.memory_space<hbm>> -> memref<1x10000x72xf32, #tpu.memory_space<hbm>>
      %dma_start3A_452 = tpu.memref_squeeze %dma_start3A_451 : memref<1x10000x72xf32, #tpu.memory_space<hbm>> -> memref<10000x72xf32, #tpu.memory_space<hbm>>
      %dma_start3A_453 = arith.constant 0 : i32
      %dma_start3A_454 = arith.constant 0 : i32
      %dma_start3A_455 = tpu.memref_slice %dma_start3A_452[%dma_start3A_453, %dma_start3A_454] : memref<10000x72xf32, #tpu.memory_space<hbm>> -> memref<10000x72xf32, #tpu.memory_space<hbm>>
      tpu.enqueue_indirect_dma source(%dma_start3A_455 : memref<10000x72xf32, #tpu.memory_space<hbm>>) target(%dma_start3A_445 : memref<250x72xf32, #tpu.memory_space<vmem>>) offsets(%dma_start3A_448 : memref<250xi32, #tpu.memory_space<vmem>>) semaphore(%arg12 : memref<!tpu.dma_semaphore, #tpu.memory_space<semaphore_mem>>)
    }
    %scan3A_65 = arith.constant 40 : i32
    %dma_wait3A = arith.constant 0 : i32
    %dma_wait3A_66 = arith.constant 0 : i32
    %dma_wait3A_67 = arith.constant 0 : i32
    %dma_wait3A_68 = arith.constant 0 : i32
    %dma_wait3A_69 = tpu.memref_slice %arg9[%dma_wait3A_66, %dma_wait3A_67, %dma_wait3A_68] : memref<2x250x72xf32, #tpu.memory_space<vmem>> -> memref<1x250x72xf32, #tpu.memory_space<vmem>>
    %dma_wait3A_70 = tpu.memref_squeeze %dma_wait3A_69 : memref<1x250x72xf32, #tpu.memory_space<vmem>> -> memref<250x72xf32, #tpu.memory_space<vmem>>
    %dma_wait3A_71 = arith.constant 0 : i32
    %dma_wait3A_72 = tpu.memref_slice %arg7[%dma_wait3A, %dma_wait3A_71] : memref<80x250xi32, #tpu.memory_space<vmem>> -> memref<1x250xi32, #tpu.memory_space<vmem>>
    %dma_wait3A_73 = tpu.memref_squeeze %dma_wait3A_72 : memref<1x250xi32, #tpu.memory_space<vmem>> -> memref<250xi32, #tpu.memory_space<vmem>>
    %dma_wait3A_74 = arith.constant 0 : i32
    %dma_wait3A_75 = arith.constant 0 : i32
    %dma_wait3A_76 = tpu.memref_slice %arg2[%arg0, %dma_wait3A_74, %dma_wait3A_75] : memref<2x10000x72xf32, #tpu.memory_space<hbm>> -> memref<1x10000x72xf32, #tpu.memory_space<hbm>>
    %dma_wait3A_77 = tpu.memref_squeeze %dma_wait3A_76 : memref<1x10000x72xf32, #tpu.memory_space<hbm>> -> memref<10000x72xf32, #tpu.memory_space<hbm>>
    %dma_wait3A_78 = arith.constant 0 : i32
    %dma_wait3A_79 = arith.constant 0 : i32
    %dma_wait3A_80 = tpu.memref_slice %dma_wait3A_77[%dma_wait3A_78, %dma_wait3A_79] : memref<10000x72xf32, #tpu.memory_space<hbm>> -> memref<10000x72xf32, #tpu.memory_space<hbm>>
    tpu.wait_indirect_dma semaphore(%arg11 : memref<!tpu.dma_semaphore, #tpu.memory_space<semaphore_mem>>) src(%dma_wait3A_80 : memref<10000x72xf32, #tpu.memory_space<hbm>>) dst(%dma_wait3A_70 : memref<250x72xf32, #tpu.memory_space<vmem>>)
    %dma_wait3A_81 = arith.constant 1 : i32
    %dma_wait3A_82 = arith.constant 1 : i32
    %dma_wait3A_83 = arith.constant 0 : i32
    %dma_wait3A_84 = arith.constant 0 : i32
    %dma_wait3A_85 = tpu.memref_slice %arg9[%dma_wait3A_82, %dma_wait3A_83, %dma_wait3A_84] : memref<2x250x72xf32, #tpu.memory_space<vmem>> -> memref<1x250x72xf32, #tpu.memory_space<vmem>>
    %dma_wait3A_86 = tpu.memref_squeeze %dma_wait3A_85 : memref<1x250x72xf32, #tpu.memory_space<vmem>> -> memref<250x72xf32, #tpu.memory_space<vmem>>
    %dma_wait3A_87 = arith.constant 0 : i32
    %dma_wait3A_88 = tpu.memref_slice %arg7[%dma_wait3A_81, %dma_wait3A_87] : memref<80x250xi32, #tpu.memory_space<vmem>> -> memref<1x250xi32, #tpu.memory_space<vmem>>
    %dma_wait3A_89 = tpu.memref_squeeze %dma_wait3A_88 : memref<1x250xi32, #tpu.memory_space<vmem>> -> memref<250xi32, #tpu.memory_space<vmem>>
    %dma_wait3A_90 = arith.constant 0 : i32
    %dma_wait3A_91 = arith.constant 0 : i32
    %dma_wait3A_92 = tpu.memref_slice %arg2[%arg0, %dma_wait3A_90, %dma_wait3A_91] : memref<2x10000x72xf32, #tpu.memory_space<hbm>> -> memref<1x10000x72xf32, #tpu.memory_space<hbm>>
    %dma_wait3A_93 = tpu.memref_squeeze %dma_wait3A_92 : memref<1x10000x72xf32, #tpu.memory_space<hbm>> -> memref<10000x72xf32, #tpu.memory_space<hbm>>
    %dma_wait3A_94 = arith.constant 0 : i32
    %dma_wait3A_95 = arith.constant 0 : i32
    %dma_wait3A_96 = tpu.memref_slice %dma_wait3A_93[%dma_wait3A_94, %dma_wait3A_95] : memref<10000x72xf32, #tpu.memory_space<hbm>> -> memref<10000x72xf32, #tpu.memory_space<hbm>>
    tpu.wait_indirect_dma semaphore(%arg12 : memref<!tpu.dma_semaphore, #tpu.memory_space<semaphore_mem>>) src(%dma_wait3A_96 : memref<10000x72xf32, #tpu.memory_space<hbm>>) dst(%dma_wait3A_86 : memref<250x72xf32, #tpu.memory_space<vmem>>)
    %barrier3A_97 = arith.constant 0 : index
    tpu.barrier barrier_id(%barrier3A_97)
    "tpu.trace_start"() <{level = 10 : i32, message = "ph2_scale_he"}> : () -> ()
    %mul3A_98 = arith.constant 640 : i32
    %mul3A_99 = arith.muli %arg1, %mul3A_98 : i32
    %add3A_100 = arith.constant 0 : i32
    %add3A_101 = arith.addi %mul3A_99, %add3A_100 : i32
    %run_scoped3A_102 = arith.constant 0 : i32
    "tpu.region"() ({
      %run_scoped3A_334 = tpu.sem_alloc : memref<!tpu.dma_semaphore, #tpu.memory_space<semaphore_mem>>
      %dma_start3A_335 = arith.constant 0 : i32
      %dma_start3A_336 = arith.constant 0 : i32
      %dma_start3A_337 = tpu.memref_slice %arg9[%run_scoped3A_102, %dma_start3A_335, %dma_start3A_336] : memref<2x250x72xf32, #tpu.memory_space<vmem>> -> memref<1x250x72xf32, #tpu.memory_space<vmem>>
      %dma_start3A_338 = tpu.memref_squeeze %dma_start3A_337 : memref<1x250x72xf32, #tpu.memory_space<vmem>> -> memref<250x72xf32, #tpu.memory_space<vmem>>
      %dma_start3A_339 = arith.constant 0 : i32
      %dma_start3A_340 = arith.constant 0 : i32
      %dma_start3A_341 = tpu.memref_slice %dma_start3A_338[%dma_start3A_339, %dma_start3A_340] : memref<250x72xf32, #tpu.memory_space<vmem>> -> memref<128x72xf32, #tpu.memory_space<vmem>>
      %dma_start3A_342 = arith.constant 0 : i32
      %dma_start3A_343 = tpu.memref_slice %arg10[%add3A_101, %dma_start3A_342] : memref<10240x72xf32, #tpu.memory_space<vmem_shared>> -> memref<128x72xf32, #tpu.memory_space<vmem_shared>>
      %dma_start3A_344 = arith.constant 0 : i32
      %dma_start3A_345 = arith.constant 0 : i32
      %dma_start3A_346 = tpu.memref_slice %arg9[%run_scoped3A_102, %dma_start3A_344, %dma_start3A_345] : memref<2x250x72xf32, #tpu.memory_space<vmem>> -> memref<1x250x72xf32, #tpu.memory_space<vmem>>
      %dma_start3A_347 = tpu.memref_squeeze %dma_start3A_346 : memref<1x250x72xf32, #tpu.memory_space<vmem>> -> memref<250x72xf32, #tpu.memory_space<vmem>>
      %dma_start3A_348 = arith.constant 0 : i32
      %dma_start3A_349 = arith.constant 0 : i32
      %dma_start3A_350 = tpu.memref_slice %dma_start3A_347[%dma_start3A_348, %dma_start3A_349] : memref<250x72xf32, #tpu.memory_space<vmem>> -> memref<128x72xf32, #tpu.memory_space<vmem>>
      %dma_start3A_351 = arith.constant 0 : i32
      %dma_start3A_352 = tpu.memref_slice %arg10[%add3A_101, %dma_start3A_351] : memref<10240x72xf32, #tpu.memory_space<vmem_shared>> -> memref<128x72xf32, #tpu.memory_space<vmem_shared>>
      tpu.enqueue_dma source(%dma_start3A_352 : memref<128x72xf32, #tpu.memory_space<vmem_shared>>) target(%dma_start3A_350 : memref<128x72xf32, #tpu.memory_space<vmem>>) target_semaphore(%run_scoped3A_334 : memref<!tpu.dma_semaphore, #tpu.memory_space<semaphore_mem>>)
      %dma_wait3A_353 = arith.constant 0 : i32
      %dma_wait3A_354 = arith.constant 0 : i32
      %dma_wait3A_355 = tpu.memref_slice %arg9[%run_scoped3A_102, %dma_wait3A_353, %dma_wait3A_354] : memref<2x250x72xf32, #tpu.memory_space<vmem>> -> memref<1x250x72xf32, #tpu.memory_space<vmem>>
      %dma_wait3A_356 = tpu.memref_squeeze %dma_wait3A_355 : memref<1x250x72xf32, #tpu.memory_space<vmem>> -> memref<250x72xf32, #tpu.memory_space<vmem>>
      %dma_wait3A_357 = arith.constant 0 : i32
      %dma_wait3A_358 = arith.constant 0 : i32
      %dma_wait3A_359 = tpu.memref_slice %dma_wait3A_356[%dma_wait3A_357, %dma_wait3A_358] : memref<250x72xf32, #tpu.memory_space<vmem>> -> memref<128x72xf32, #tpu.memory_space<vmem>>
      %dma_wait3A_360 = arith.constant 0 : i32
      %dma_wait3A_361 = tpu.memref_slice %arg10[%add3A_101, %dma_wait3A_360] : memref<10240x72xf32, #tpu.memory_space<vmem_shared>> -> memref<128x72xf32, #tpu.memory_space<vmem_shared>>
      %dma_wait3A_362 = arith.constant 0 : i32
      %dma_wait3A_363 = arith.constant 0 : i32
      %dma_wait3A_364 = tpu.memref_slice %arg9[%run_scoped3A_102, %dma_wait3A_362, %dma_wait3A_363] : memref<2x250x72xf32, #tpu.memory_space<vmem>> -> memref<1x250x72xf32, #tpu.memory_space<vmem>>
      %dma_wait3A_365 = tpu.memref_squeeze %dma_wait3A_364 : memref<1x250x72xf32, #tpu.memory_space<vmem>> -> memref<250x72xf32, #tpu.memory_space<vmem>>
      %dma_wait3A_366 = arith.constant 0 : i32
      %dma_wait3A_367 = arith.constant 0 : i32
      %dma_wait3A_368 = tpu.memref_slice %dma_wait3A_365[%dma_wait3A_366, %dma_wait3A_367] : memref<250x72xf32, #tpu.memory_space<vmem>> -> memref<128x72xf32, #tpu.memory_space<vmem>>
      %dma_wait3A_369 = arith.constant 0 : i32
      %dma_wait3A_370 = tpu.memref_slice %arg10[%add3A_101, %dma_wait3A_369] : memref<10240x72xf32, #tpu.memory_space<vmem_shared>> -> memref<128x72xf32, #tpu.memory_space<vmem_shared>>
      tpu.wait_dma2 semaphore(%run_scoped3A_334 : memref<!tpu.dma_semaphore, #tpu.memory_space<semaphore_mem>>) src(%dma_wait3A_370 : memref<128x72xf32, #tpu.memory_space<vmem_shared>>) dst(%dma_wait3A_368 : memref<128x72xf32, #tpu.memory_space<vmem>>)
      tpu.yield
    }) : () -> ()
    %scan3A_103 = arith.constant 0 : i32
    %scan3A_104 = arith.constant 0 : i32
    %scan3A_105 = arith.constant 0 : i32
    %scan3A_106 = arith.constant 128 : i32
    %scan3A_107 = arith.addi %scan3A_105, %scan3A_106 : i32
    %scan3A_108 = arith.constant 1 : i32
    scf.for %scan3A_334 = %scan3A_105 to %scan3A_107 step %scan3A_108  : i32 {
      %get3A = arith.constant 0 : i32
      %get3A_335 = arith.constant 0 : i32
      %get3A_336 = tpu.memref_slice %arg9[%scan3A_104, %get3A, %get3A_335] : memref<2x250x72xf32, #tpu.memory_space<vmem>> -> memref<1x250x72xf32, #tpu.memory_space<vmem>>
      %get3A_337 = tpu.memref_squeeze %get3A_336 : memref<1x250x72xf32, #tpu.memory_space<vmem>> -> memref<250x72xf32, #tpu.memory_space<vmem>>
      %get3A_338 = arith.constant 0 : i32
      %get3A_339 = arith.constant 0 : i32
      %get3A_340 = tpu.memref_slice %get3A_337[%get3A_338, %get3A_339] : memref<250x72xf32, #tpu.memory_space<vmem>> -> memref<128x72xf32, #tpu.memory_space<vmem>>
      %get3A_341 = arith.index_cast %scan3A_334 : i32 to index
      %get3A_342 = arith.constant 56 : index
      %get3A_343 = tpu.vector_load %get3A_340[%get3A_341, %get3A_342] {strides = array<i32>} : memref<128x72xf32, #tpu.memory_space<vmem>>, vector<1x16xf32>,
      %get3A_344 = vector.shape_cast %get3A_343 : vector<1x16xf32> to vector<16xf32>
      %gt3A = arith.constant 0.000000e+00 : f32
      %gt3A_345 = vector.broadcast %gt3A : f32 to vector<16xf32>
      %gt3A_346 = arith.cmpf ogt, %get3A_344, %gt3A_345 : vector<16xf32>
      %div3A = arith.constant 1.000000e+00 : f32
      %div3A_347 = vector.broadcast %div3A : f32 to vector<16xf32>
      %div3A_348 = arith.divf %div3A_347, %get3A_344 : vector<16xf32>
      %jit3A = arith.constant 0.000000e+00 : f32
      %broadcast_in_dim3A_349 = vector.broadcast %jit3A : f32 to vector<16xf32>
      %select_n3A = arith.select %gt3A_346, %div3A_348, %broadcast_in_dim3A_349 : vector<16xi1>, vector<16xf32>
      %slice3A = vector.extract_strided_slice %select_n3A {offsets = [8], sizes = [1], strides = [1]} : vector<16xf32> to vector<1xf32>
      %squeeze3A = vector.extract %slice3A[0] : f32 from vector<1xf32>
      %broadcast_in_dim3A_350 = vector.broadcast %squeeze3A : f32 to vector<16xf32>
      %get3A_351 = arith.constant 0 : i32
      %get3A_352 = arith.constant 0 : i32
      %get3A_353 = tpu.memref_slice %arg9[%scan3A_104, %get3A_351, %get3A_352] : memref<2x250x72xf32, #tpu.memory_space<vmem>> -> memref<1x250x72xf32, #tpu.memory_space<vmem>>
      %get3A_354 = tpu.memref_squeeze %get3A_353 : memref<1x250x72xf32, #tpu.memory_space<vmem>> -> memref<250x72xf32, #tpu.memory_space<vmem>>
      %get3A_355 = arith.constant 0 : i32
      %get3A_356 = arith.constant 0 : i32
      %get3A_357 = tpu.memref_slice %get3A_354[%get3A_355, %get3A_356] : memref<250x72xf32, #tpu.memory_space<vmem>> -> memref<128x72xf32, #tpu.memory_space<vmem>>
      %get3A_358 = arith.index_cast %scan3A_334 : i32 to index
      %get3A_359 = arith.constant 0 : index
      %get3A_360 = tpu.vector_load %get3A_357[%get3A_358, %get3A_359] {strides = array<i32>} : memref<128x72xf32, #tpu.memory_space<vmem>>, vector<1x16xf32>,
      %get3A_361 = vector.shape_cast %get3A_360 : vector<1x16xf32> to vector<16xf32>
      %mul3A_362 = arith.mulf %get3A_361, %broadcast_in_dim3A_350 : vector<16xf32>
      %swap3A = arith.constant 0 : i32
      %swap3A_363 = arith.constant 0 : i32
      %swap3A_364 = tpu.memref_slice %arg9[%scan3A_104, %swap3A, %swap3A_363] : memref<2x250x72xf32, #tpu.memory_space<vmem>> -> memref<1x250x72xf32, #tpu.memory_space<vmem>>
      %swap3A_365 = tpu.memref_squeeze %swap3A_364 : memref<1x250x72xf32, #tpu.memory_space<vmem>> -> memref<250x72xf32, #tpu.memory_space<vmem>>
      %swap3A_366 = arith.constant 0 : i32
      %swap3A_367 = arith.constant 0 : i32
      %swap3A_368 = tpu.memref_slice %swap3A_365[%swap3A_366, %swap3A_367] : memref<250x72xf32, #tpu.memory_space<vmem>> -> memref<128x72xf32, #tpu.memory_space<vmem>>
      %swap3A_369 = arith.index_cast %scan3A_334 : i32 to index
      %swap3A_370 = arith.constant 0 : index
      %swap3A_371 = tpu.vector_load %swap3A_368[%swap3A_369, %swap3A_370] {strides = array<i32>} : memref<128x72xf32, #tpu.memory_space<vmem>>, vector<1x16xf32>,
      %swap3A_372 = vector.shape_cast %swap3A_371 : vector<1x16xf32> to vector<16xf32>
      %swap3A_373 = vector.shape_cast %mul3A_362 : vector<16xf32> to vector<1x16xf32>
      tpu.vector_store %swap3A_368[%swap3A_369, %swap3A_370], %swap3A_373 {strides = array<i32>} : memref<128x72xf32, #tpu.memory_space<vmem>>, vector<1x16xf32>,
      %get3A_374 = arith.constant 0 : i32
      %get3A_375 = arith.constant 0 : i32
      %get3A_376 = tpu.memref_slice %arg9[%scan3A_104, %get3A_374, %get3A_375] : memref<2x250x72xf32, #tpu.memory_space<vmem>> -> memref<1x250x72xf32, #tpu.memory_space<vmem>>
      %get3A_377 = tpu.memref_squeeze %get3A_376 : memref<1x250x72xf32, #tpu.memory_space<vmem>> -> memref<250x72xf32, #tpu.memory_space<vmem>>
      %get3A_378 = arith.constant 0 : i32
      %get3A_379 = arith.constant 0 : i32
      %get3A_380 = tpu.memref_slice %get3A_377[%get3A_378, %get3A_379] : memref<250x72xf32, #tpu.memory_space<vmem>> -> memref<128x72xf32, #tpu.memory_space<vmem>>
      %get3A_381 = arith.index_cast %scan3A_334 : i32 to index
      %get3A_382 = arith.constant 16 : index
      %get3A_383 = tpu.vector_load %get3A_380[%get3A_381, %get3A_382] {strides = array<i32>} : memref<128x72xf32, #tpu.memory_space<vmem>>, vector<1x16xf32>,
      %get3A_384 = vector.shape_cast %get3A_383 : vector<1x16xf32> to vector<16xf32>
      %mul3A_385 = arith.mulf %get3A_384, %broadcast_in_dim3A_350 : vector<16xf32>
      %swap3A_386 = arith.constant 0 : i32
      %swap3A_387 = arith.constant 0 : i32
      %swap3A_388 = tpu.memref_slice %arg9[%scan3A_104, %swap3A_386, %swap3A_387] : memref<2x250x72xf32, #tpu.memory_space<vmem>> -> memref<1x250x72xf32, #tpu.memory_space<vmem>>
      %swap3A_389 = tpu.memref_squeeze %swap3A_388 : memref<1x250x72xf32, #tpu.memory_space<vmem>> -> memref<250x72xf32, #tpu.memory_space<vmem>>
      %swap3A_390 = arith.constant 0 : i32
      %swap3A_391 = arith.constant 0 : i32
      %swap3A_392 = tpu.memref_slice %swap3A_389[%swap3A_390, %swap3A_391] : memref<250x72xf32, #tpu.memory_space<vmem>> -> memref<128x72xf32, #tpu.memory_space<vmem>>
      %swap3A_393 = arith.index_cast %scan3A_334 : i32 to index
      %swap3A_394 = arith.constant 16 : index
      %swap3A_395 = tpu.vector_load %swap3A_392[%swap3A_393, %swap3A_394] {strides = array<i32>} : memref<128x72xf32, #tpu.memory_space<vmem>>, vector<1x16xf32>,
      %swap3A_396 = vector.shape_cast %swap3A_395 : vector<1x16xf32> to vector<16xf32>
      %swap3A_397 = vector.shape_cast %mul3A_385 : vector<16xf32> to vector<1x16xf32>
      tpu.vector_store %swap3A_392[%swap3A_393, %swap3A_394], %swap3A_397 {strides = array<i32>} : memref<128x72xf32, #tpu.memory_space<vmem>>, vector<1x16xf32>,
      %get3A_398 = arith.constant 0 : i32
      %get3A_399 = arith.constant 0 : i32
      %get3A_400 = tpu.memref_slice %arg9[%scan3A_104, %get3A_398, %get3A_399] : memref<2x250x72xf32, #tpu.memory_space<vmem>> -> memref<1x250x72xf32, #tpu.memory_space<vmem>>
      %get3A_401 = tpu.memref_squeeze %get3A_400 : memref<1x250x72xf32, #tpu.memory_space<vmem>> -> memref<250x72xf32, #tpu.memory_space<vmem>>
      %get3A_402 = arith.constant 0 : i32
      %get3A_403 = arith.constant 0 : i32
      %get3A_404 = tpu.memref_slice %get3A_401[%get3A_402, %get3A_403] : memref<250x72xf32, #tpu.memory_space<vmem>> -> memref<128x72xf32, #tpu.memory_space<vmem>>
      %get3A_405 = arith.index_cast %scan3A_334 : i32 to index
      %get3A_406 = arith.constant 32 : index
      %get3A_407 = tpu.vector_load %get3A_404[%get3A_405, %get3A_406] {strides = array<i32>} : memref<128x72xf32, #tpu.memory_space<vmem>>, vector<1x16xf32>,
      %get3A_408 = vector.shape_cast %get3A_407 : vector<1x16xf32> to vector<16xf32>
      %mul3A_409 = arith.mulf %get3A_408, %broadcast_in_dim3A_350 : vector<16xf32>
      %swap3A_410 = arith.constant 0 : i32
      %swap3A_411 = arith.constant 0 : i32
      %swap3A_412 = tpu.memref_slice %arg9[%scan3A_104, %swap3A_410, %swap3A_411] : memref<2x250x72xf32, #tpu.memory_space<vmem>> -> memref<1x250x72xf32, #tpu.memory_space<vmem>>
      %swap3A_413 = tpu.memref_squeeze %swap3A_412 : memref<1x250x72xf32, #tpu.memory_space<vmem>> -> memref<250x72xf32, #tpu.memory_space<vmem>>
      %swap3A_414 = arith.constant 0 : i32
      %swap3A_415 = arith.constant 0 : i32
      %swap3A_416 = tpu.memref_slice %swap3A_413[%swap3A_414, %swap3A_415] : memref<250x72xf32, #tpu.memory_space<vmem>> -> memref<128x72xf32, #tpu.memory_space<vmem>>
      %swap3A_417 = arith.index_cast %scan3A_334 : i32 to index
      %swap3A_418 = arith.constant 32 : index
      %swap3A_419 = tpu.vector_load %swap3A_416[%swap3A_417, %swap3A_418] {strides = array<i32>} : memref<128x72xf32, #tpu.memory_space<vmem>>, vector<1x16xf32>,
      %swap3A_420 = vector.shape_cast %swap3A_419 : vector<1x16xf32> to vector<16xf32>
      %swap3A_421 = vector.shape_cast %mul3A_409 : vector<16xf32> to vector<1x16xf32>
      tpu.vector_store %swap3A_416[%swap3A_417, %swap3A_418], %swap3A_421 {strides = array<i32>} : memref<128x72xf32, #tpu.memory_space<vmem>>, vector<1x16xf32>,
      %get3A_422 = arith.constant 0 : i32
      %get3A_423 = arith.constant 0 : i32
      %get3A_424 = tpu.memref_slice %arg9[%scan3A_104, %get3A_422, %get3A_423] : memref<2x250x72xf32, #tpu.memory_space<vmem>> -> memref<1x250x72xf32, #tpu.memory_space<vmem>>
      %get3A_425 = tpu.memref_squeeze %get3A_424 : memref<1x250x72xf32, #tpu.memory_space<vmem>> -> memref<250x72xf32, #tpu.memory_space<vmem>>
      %get3A_426 = arith.constant 0 : i32
      %get3A_427 = arith.constant 0 : i32
      %get3A_428 = tpu.memref_slice %get3A_425[%get3A_426, %get3A_427] : memref<250x72xf32, #tpu.memory_space<vmem>> -> memref<128x72xf32, #tpu.memory_space<vmem>>
      %get3A_429 = arith.index_cast %scan3A_334 : i32 to index
      %get3A_430 = arith.constant 48 : index
      %get3A_431 = tpu.vector_load %get3A_428[%get3A_429, %get3A_430] {strides = array<i32>} : memref<128x72xf32, #tpu.memory_space<vmem>>, vector<1x16xf32>,
      %get3A_432 = vector.shape_cast %get3A_431 : vector<1x16xf32> to vector<16xf32>
      %mul3A_433 = arith.mulf %get3A_432, %broadcast_in_dim3A_350 : vector<16xf32>
      %swap3A_434 = arith.constant 0 : i32
      %swap3A_435 = arith.constant 0 : i32
      %swap3A_436 = tpu.memref_slice %arg9[%scan3A_104, %swap3A_434, %swap3A_435] : memref<2x250x72xf32, #tpu.memory_space<vmem>> -> memref<1x250x72xf32, #tpu.memory_space<vmem>>
      %swap3A_437 = tpu.memref_squeeze %swap3A_436 : memref<1x250x72xf32, #tpu.memory_space<vmem>> -> memref<250x72xf32, #tpu.memory_space<vmem>>
      %swap3A_438 = arith.constant 0 : i32
      %swap3A_439 = arith.constant 0 : i32
      %swap3A_440 = tpu.memref_slice %swap3A_437[%swap3A_438, %swap3A_439] : memref<250x72xf32, #tpu.memory_space<vmem>> -> memref<128x72xf32, #tpu.memory_space<vmem>>
      %swap3A_441 = arith.index_cast %scan3A_334 : i32 to index
      %swap3A_442 = arith.constant 48 : index
      %swap3A_443 = tpu.vector_load %swap3A_440[%swap3A_441, %swap3A_442] {strides = array<i32>} : memref<128x72xf32, #tpu.memory_space<vmem>>, vector<1x16xf32>,
      %swap3A_444 = vector.shape_cast %swap3A_443 : vector<1x16xf32> to vector<16xf32>
      %swap3A_445 = vector.shape_cast %mul3A_433 : vector<16xf32> to vector<1x16xf32>
      tpu.vector_store %swap3A_440[%swap3A_441, %swap3A_442], %swap3A_445 {strides = array<i32>} : memref<128x72xf32, #tpu.memory_space<vmem>>, vector<1x16xf32>,
      %mul3A_446 = arith.mulf %get3A_344, %broadcast_in_dim3A_350 : vector<16xf32>
      %swap3A_447 = arith.constant 0 : i32
      %swap3A_448 = arith.constant 0 : i32
      %swap3A_449 = tpu.memref_slice %arg9[%scan3A_104, %swap3A_447, %swap3A_448] : memref<2x250x72xf32, #tpu.memory_space<vmem>> -> memref<1x250x72xf32, #tpu.memory_space<vmem>>
      %swap3A_450 = tpu.memref_squeeze %swap3A_449 : memref<1x250x72xf32, #tpu.memory_space<vmem>> -> memref<250x72xf32, #tpu.memory_space<vmem>>
      %swap3A_451 = arith.constant 0 : i32
      %swap3A_452 = arith.constant 0 : i32
      %swap3A_453 = tpu.memref_slice %swap3A_450[%swap3A_451, %swap3A_452] : memref<250x72xf32, #tpu.memory_space<vmem>> -> memref<128x72xf32, #tpu.memory_space<vmem>>
      %swap3A_454 = arith.index_cast %scan3A_334 : i32 to index
      %swap3A_455 = arith.constant 56 : index
      %swap3A_456 = tpu.vector_load %swap3A_453[%swap3A_454, %swap3A_455] {strides = array<i32>} : memref<128x72xf32, #tpu.memory_space<vmem>>, vector<1x16xf32>,
      %swap3A_457 = vector.shape_cast %swap3A_456 : vector<1x16xf32> to vector<16xf32>
      %swap3A_458 = vector.shape_cast %mul3A_446 : vector<16xf32> to vector<1x16xf32>
      tpu.vector_store %swap3A_453[%swap3A_454, %swap3A_455], %swap3A_458 {strides = array<i32>} : memref<128x72xf32, #tpu.memory_space<vmem>>, vector<1x16xf32>,
    }
    %scan3A_109 = arith.constant 128 : i32
    %run_scoped3A_110 = arith.constant 0 : i32
    "tpu.region"() ({
      %run_scoped3A_334 = tpu.sem_alloc : memref<!tpu.dma_semaphore, #tpu.memory_space<semaphore_mem>>
      %dma_start3A_335 = arith.constant 0 : i32
      %dma_start3A_336 = arith.constant 0 : i32
      %dma_start3A_337 = tpu.memref_slice %arg9[%run_scoped3A_110, %dma_start3A_335, %dma_start3A_336] : memref<2x250x72xf32, #tpu.memory_space<vmem>> -> memref<1x250x72xf32, #tpu.memory_space<vmem>>
      %dma_start3A_338 = tpu.memref_squeeze %dma_start3A_337 : memref<1x250x72xf32, #tpu.memory_space<vmem>> -> memref<250x72xf32, #tpu.memory_space<vmem>>
      %dma_start3A_339 = arith.constant 0 : i32
      %dma_start3A_340 = arith.constant 0 : i32
      %dma_start3A_341 = tpu.memref_slice %dma_start3A_338[%dma_start3A_339, %dma_start3A_340] : memref<250x72xf32, #tpu.memory_space<vmem>> -> memref<128x72xf32, #tpu.memory_space<vmem>>
      %dma_start3A_342 = arith.constant 0 : i32
      %dma_start3A_343 = arith.constant 0 : i32
      %dma_start3A_344 = tpu.memref_slice %arg6[%arg0, %dma_start3A_342, %dma_start3A_343] : memref<2x10240x72xf32, #tpu.memory_space<hbm>> -> memref<1x10240x72xf32, #tpu.memory_space<hbm>>
      %dma_start3A_345 = tpu.memref_squeeze %dma_start3A_344 : memref<1x10240x72xf32, #tpu.memory_space<hbm>> -> memref<10240x72xf32, #tpu.memory_space<hbm>>
      %dma_start3A_346 = arith.constant 0 : i32
      %dma_start3A_347 = tpu.memref_slice %dma_start3A_345[%add3A_101, %dma_start3A_346] : memref<10240x72xf32, #tpu.memory_space<hbm>> -> memref<128x72xf32, #tpu.memory_space<hbm>>
      %dma_start3A_348 = arith.constant 0 : i32
      %dma_start3A_349 = arith.constant 0 : i32
      %dma_start3A_350 = tpu.memref_slice %arg6[%arg0, %dma_start3A_348, %dma_start3A_349] : memref<2x10240x72xf32, #tpu.memory_space<hbm>> -> memref<1x10240x72xf32, #tpu.memory_space<hbm>>
      %dma_start3A_351 = tpu.memref_squeeze %dma_start3A_350 : memref<1x10240x72xf32, #tpu.memory_space<hbm>> -> memref<10240x72xf32, #tpu.memory_space<hbm>>
      %dma_start3A_352 = arith.constant 0 : i32
      %dma_start3A_353 = tpu.memref_slice %dma_start3A_351[%add3A_101, %dma_start3A_352] : memref<10240x72xf32, #tpu.memory_space<hbm>> -> memref<128x72xf32, #tpu.memory_space<hbm>>
      %dma_start3A_354 = arith.constant 0 : i32
      %dma_start3A_355 = arith.constant 0 : i32
      %dma_start3A_356 = tpu.memref_slice %arg9[%run_scoped3A_110, %dma_start3A_354, %dma_start3A_355] : memref<2x250x72xf32, #tpu.memory_space<vmem>> -> memref<1x250x72xf32, #tpu.memory_space<vmem>>
      %dma_start3A_357 = tpu.memref_squeeze %dma_start3A_356 : memref<1x250x72xf32, #tpu.memory_space<vmem>> -> memref<250x72xf32, #tpu.memory_space<vmem>>
      %dma_start3A_358 = arith.constant 0 : i32
      %dma_start3A_359 = arith.constant 0 : i32
      %dma_start3A_360 = tpu.memref_slice %dma_start3A_357[%dma_start3A_358, %dma_start3A_359] : memref<250x72xf32, #tpu.memory_space<vmem>> -> memref<128x72xf32, #tpu.memory_space<vmem>>
      tpu.enqueue_dma source(%dma_start3A_360 : memref<128x72xf32, #tpu.memory_space<vmem>>) target(%dma_start3A_353 : memref<128x72xf32, #tpu.memory_space<hbm>>) target_semaphore(%run_scoped3A_334 : memref<!tpu.dma_semaphore, #tpu.memory_space<semaphore_mem>>)
      %dma_wait3A_361 = arith.constant 0 : i32
      %dma_wait3A_362 = arith.constant 0 : i32
      %dma_wait3A_363 = tpu.memref_slice %arg9[%run_scoped3A_110, %dma_wait3A_361, %dma_wait3A_362] : memref<2x250x72xf32, #tpu.memory_space<vmem>> -> memref<1x250x72xf32, #tpu.memory_space<vmem>>
      %dma_wait3A_364 = tpu.memref_squeeze %dma_wait3A_363 : memref<1x250x72xf32, #tpu.memory_space<vmem>> -> memref<250x72xf32, #tpu.memory_space<vmem>>
      %dma_wait3A_365 = arith.constant 0 : i32
      %dma_wait3A_366 = arith.constant 0 : i32
      %dma_wait3A_367 = tpu.memref_slice %dma_wait3A_364[%dma_wait3A_365, %dma_wait3A_366] : memref<250x72xf32, #tpu.memory_space<vmem>> -> memref<128x72xf32, #tpu.memory_space<vmem>>
      %dma_wait3A_368 = arith.constant 0 : i32
      %dma_wait3A_369 = arith.constant 0 : i32
      %dma_wait3A_370 = tpu.memref_slice %arg6[%arg0, %dma_wait3A_368, %dma_wait3A_369] : memref<2x10240x72xf32, #tpu.memory_space<hbm>> -> memref<1x10240x72xf32, #tpu.memory_space<hbm>>
      %dma_wait3A_371 = tpu.memref_squeeze %dma_wait3A_370 : memref<1x10240x72xf32, #tpu.memory_space<hbm>> -> memref<10240x72xf32, #tpu.memory_space<hbm>>
      %dma_wait3A_372 = arith.constant 0 : i32
      %dma_wait3A_373 = tpu.memref_slice %dma_wait3A_371[%add3A_101, %dma_wait3A_372] : memref<10240x72xf32, #tpu.memory_space<hbm>> -> memref<128x72xf32, #tpu.memory_space<hbm>>
      %dma_wait3A_374 = arith.constant 0 : i32
      %dma_wait3A_375 = arith.constant 0 : i32
      %dma_wait3A_376 = tpu.memref_slice %arg6[%arg0, %dma_wait3A_374, %dma_wait3A_375] : memref<2x10240x72xf32, #tpu.memory_space<hbm>> -> memref<1x10240x72xf32, #tpu.memory_space<hbm>>
      %dma_wait3A_377 = tpu.memref_squeeze %dma_wait3A_376 : memref<1x10240x72xf32, #tpu.memory_space<hbm>> -> memref<10240x72xf32, #tpu.memory_space<hbm>>
      %dma_wait3A_378 = arith.constant 0 : i32
      %dma_wait3A_379 = tpu.memref_slice %dma_wait3A_377[%add3A_101, %dma_wait3A_378] : memref<10240x72xf32, #tpu.memory_space<hbm>> -> memref<128x72xf32, #tpu.memory_space<hbm>>
      %dma_wait3A_380 = arith.constant 0 : i32
      %dma_wait3A_381 = arith.constant 0 : i32
      %dma_wait3A_382 = tpu.memref_slice %arg9[%run_scoped3A_110, %dma_wait3A_380, %dma_wait3A_381] : memref<2x250x72xf32, #tpu.memory_space<vmem>> -> memref<1x250x72xf32, #tpu.memory_space<vmem>>
      %dma_wait3A_383 = tpu.memref_squeeze %dma_wait3A_382 : memref<1x250x72xf32, #tpu.memory_space<vmem>> -> memref<250x72xf32, #tpu.memory_space<vmem>>
      %dma_wait3A_384 = arith.constant 0 : i32
      %dma_wait3A_385 = arith.constant 0 : i32
      %dma_wait3A_386 = tpu.memref_slice %dma_wait3A_383[%dma_wait3A_384, %dma_wait3A_385] : memref<250x72xf32, #tpu.memory_space<vmem>> -> memref<128x72xf32, #tpu.memory_space<vmem>>
      tpu.wait_dma2 semaphore(%run_scoped3A_334 : memref<!tpu.dma_semaphore, #tpu.memory_space<semaphore_mem>>) src(%dma_wait3A_386 : memref<128x72xf32, #tpu.memory_space<vmem>>) dst(%dma_wait3A_379 : memref<128x72xf32, #tpu.memory_space<hbm>>)
      tpu.yield
    }) : () -> ()
    %mul3A_111 = arith.constant 640 : i32
    %mul3A_112 = arith.muli %arg1, %mul3A_111 : i32
    %add3A_113 = arith.constant 128 : i32
    %add3A_114 = arith.addi %mul3A_112, %add3A_113 : i32
    %run_scoped3A_115 = arith.constant 0 : i32
    "tpu.region"() ({
      %run_scoped3A_334 = tpu.sem_alloc : memref<!tpu.dma_semaphore, #tpu.memory_space<semaphore_mem>>
      %dma_start3A_335 = arith.constant 0 : i32
      %dma_start3A_336 = arith.constant 0 : i32
      %dma_start3A_337 = tpu.memref_slice %arg9[%run_scoped3A_115, %dma_start3A_335, %dma_start3A_336] : memref<2x250x72xf32, #tpu.memory_space<vmem>> -> memref<1x250x72xf32, #tpu.memory_space<vmem>>
      %dma_start3A_338 = tpu.memref_squeeze %dma_start3A_337 : memref<1x250x72xf32, #tpu.memory_space<vmem>> -> memref<250x72xf32, #tpu.memory_space<vmem>>
      %dma_start3A_339 = arith.constant 0 : i32
      %dma_start3A_340 = arith.constant 0 : i32
      %dma_start3A_341 = tpu.memref_slice %dma_start3A_338[%dma_start3A_339, %dma_start3A_340] : memref<250x72xf32, #tpu.memory_space<vmem>> -> memref<128x72xf32, #tpu.memory_space<vmem>>
      %dma_start3A_342 = arith.constant 0 : i32
      %dma_start3A_343 = tpu.memref_slice %arg10[%add3A_114, %dma_start3A_342] : memref<10240x72xf32, #tpu.memory_space<vmem_shared>> -> memref<128x72xf32, #tpu.memory_space<vmem_shared>>
      %dma_start3A_344 = arith.constant 0 : i32
      %dma_start3A_345 = arith.constant 0 : i32
      %dma_start3A_346 = tpu.memref_slice %arg9[%run_scoped3A_115, %dma_start3A_344, %dma_start3A_345] : memref<2x250x72xf32, #tpu.memory_space<vmem>> -> memref<1x250x72xf32, #tpu.memory_space<vmem>>
      %dma_start3A_347 = tpu.memref_squeeze %dma_start3A_346 : memref<1x250x72xf32, #tpu.memory_space<vmem>> -> memref<250x72xf32, #tpu.memory_space<vmem>>
      %dma_start3A_348 = arith.constant 0 : i32
      %dma_start3A_349 = arith.constant 0 : i32
      %dma_start3A_350 = tpu.memref_slice %dma_start3A_347[%dma_start3A_348, %dma_start3A_349] : memref<250x72xf32, #tpu.memory_space<vmem>> -> memref<128x72xf32, #tpu.memory_space<vmem>>
      %dma_start3A_351 = arith.constant 0 : i32
      %dma_start3A_352 = tpu.memref_slice %arg10[%add3A_114, %dma_start3A_351] : memref<10240x72xf32, #tpu.memory_space<vmem_shared>> -> memref<128x72xf32, #tpu.memory_space<vmem_shared>>
      tpu.enqueue_dma source(%dma_start3A_352 : memref<128x72xf32, #tpu.memory_space<vmem_shared>>) target(%dma_start3A_350 : memref<128x72xf32, #tpu.memory_space<vmem>>) target_semaphore(%run_scoped3A_334 : memref<!tpu.dma_semaphore, #tpu.memory_space<semaphore_mem>>)
      %dma_wait3A_353 = arith.constant 0 : i32
      %dma_wait3A_354 = arith.constant 0 : i32
      %dma_wait3A_355 = tpu.memref_slice %arg9[%run_scoped3A_115, %dma_wait3A_353, %dma_wait3A_354] : memref<2x250x72xf32, #tpu.memory_space<vmem>> -> memref<1x250x72xf32, #tpu.memory_space<vmem>>
      %dma_wait3A_356 = tpu.memref_squeeze %dma_wait3A_355 : memref<1x250x72xf32, #tpu.memory_space<vmem>> -> memref<250x72xf32, #tpu.memory_space<vmem>>
      %dma_wait3A_357 = arith.constant 0 : i32
      %dma_wait3A_358 = arith.constant 0 : i32
      %dma_wait3A_359 = tpu.memref_slice %dma_wait3A_356[%dma_wait3A_357, %dma_wait3A_358] : memref<250x72xf32, #tpu.memory_space<vmem>> -> memref<128x72xf32, #tpu.memory_space<vmem>>
      %dma_wait3A_360 = arith.constant 0 : i32
      %dma_wait3A_361 = tpu.memref_slice %arg10[%add3A_114, %dma_wait3A_360] : memref<10240x72xf32, #tpu.memory_space<vmem_shared>> -> memref<128x72xf32, #tpu.memory_space<vmem_shared>>
      %dma_wait3A_362 = arith.constant 0 : i32
      %dma_wait3A_363 = arith.constant 0 : i32
      %dma_wait3A_364 = tpu.memref_slice %arg9[%run_scoped3A_115, %dma_wait3A_362, %dma_wait3A_363] : memref<2x250x72xf32, #tpu.memory_space<vmem>> -> memref<1x250x72xf32, #tpu.memory_space<vmem>>
      %dma_wait3A_365 = tpu.memref_squeeze %dma_wait3A_364 : memref<1x250x72xf32, #tpu.memory_space<vmem>> -> memref<250x72xf32, #tpu.memory_space<vmem>>
      %dma_wait3A_366 = arith.constant 0 : i32
      %dma_wait3A_367 = arith.constant 0 : i32
      %dma_wait3A_368 = tpu.memref_slice %dma_wait3A_365[%dma_wait3A_366, %dma_wait3A_367] : memref<250x72xf32, #tpu.memory_space<vmem>> -> memref<128x72xf32, #tpu.memory_space<vmem>>
      %dma_wait3A_369 = arith.constant 0 : i32
      %dma_wait3A_370 = tpu.memref_slice %arg10[%add3A_114, %dma_wait3A_369] : memref<10240x72xf32, #tpu.memory_space<vmem_shared>> -> memref<128x72xf32, #tpu.memory_space<vmem_shared>>
      tpu.wait_dma2 semaphore(%run_scoped3A_334 : memref<!tpu.dma_semaphore, #tpu.memory_space<semaphore_mem>>) src(%dma_wait3A_370 : memref<128x72xf32, #tpu.memory_space<vmem_shared>>) dst(%dma_wait3A_368 : memref<128x72xf32, #tpu.memory_space<vmem>>)
      tpu.yield
    }) : () -> ()
    %scan3A_116 = arith.constant 0 : i32
    %scan3A_117 = arith.constant 0 : i32
    %scan3A_118 = arith.constant 0 : i32
    %scan3A_119 = arith.constant 128 : i32
    %scan3A_120 = arith.addi %scan3A_118, %scan3A_119 : i32
    %scan3A_121 = arith.constant 1 : i32
    scf.for %scan3A_334 = %scan3A_118 to %scan3A_120 step %scan3A_121  : i32 {
      %get3A = arith.constant 0 : i32
      %get3A_335 = arith.constant 0 : i32
      %get3A_336 = tpu.memref_slice %arg9[%scan3A_117, %get3A, %get3A_335] : memref<2x250x72xf32, #tpu.memory_space<vmem>> -> memref<1x250x72xf32, #tpu.memory_space<vmem>>
      %get3A_337 = tpu.memref_squeeze %get3A_336 : memref<1x250x72xf32, #tpu.memory_space<vmem>> -> memref<250x72xf32, #tpu.memory_space<vmem>>
      %get3A_338 = arith.constant 0 : i32
      %get3A_339 = arith.constant 0 : i32
      %get3A_340 = tpu.memref_slice %get3A_337[%get3A_338, %get3A_339] : memref<250x72xf32, #tpu.memory_space<vmem>> -> memref<128x72xf32, #tpu.memory_space<vmem>>
      %get3A_341 = arith.index_cast %scan3A_334 : i32 to index
      %get3A_342 = arith.constant 56 : index
      %get3A_343 = tpu.vector_load %get3A_340[%get3A_341, %get3A_342] {strides = array<i32>} : memref<128x72xf32, #tpu.memory_space<vmem>>, vector<1x16xf32>,
      %get3A_344 = vector.shape_cast %get3A_343 : vector<1x16xf32> to vector<16xf32>
      %gt3A = arith.constant 0.000000e+00 : f32
      %gt3A_345 = vector.broadcast %gt3A : f32 to vector<16xf32>
      %gt3A_346 = arith.cmpf ogt, %get3A_344, %gt3A_345 : vector<16xf32>
      %div3A = arith.constant 1.000000e+00 : f32
      %div3A_347 = vector.broadcast %div3A : f32 to vector<16xf32>
      %div3A_348 = arith.divf %div3A_347, %get3A_344 : vector<16xf32>
      %jit3A = arith.constant 0.000000e+00 : f32
      %broadcast_in_dim3A_349 = vector.broadcast %jit3A : f32 to vector<16xf32>
      %select_n3A = arith.select %gt3A_346, %div3A_348, %broadcast_in_dim3A_349 : vector<16xi1>, vector<16xf32>
      %slice3A = vector.extract_strided_slice %select_n3A {offsets = [8], sizes = [1], strides = [1]} : vector<16xf32> to vector<1xf32>
      %squeeze3A = vector.extract %slice3A[0] : f32 from vector<1xf32>
      %broadcast_in_dim3A_350 = vector.broadcast %squeeze3A : f32 to vector<16xf32>
      %get3A_351 = arith.constant 0 : i32
      %get3A_352 = arith.constant 0 : i32
      %get3A_353 = tpu.memref_slice %arg9[%scan3A_117, %get3A_351, %get3A_352] : memref<2x250x72xf32, #tpu.memory_space<vmem>> -> memref<1x250x72xf32, #tpu.memory_space<vmem>>
      %get3A_354 = tpu.memref_squeeze %get3A_353 : memref<1x250x72xf32, #tpu.memory_space<vmem>> -> memref<250x72xf32, #tpu.memory_space<vmem>>
      %get3A_355 = arith.constant 0 : i32
      %get3A_356 = arith.constant 0 : i32
      %get3A_357 = tpu.memref_slice %get3A_354[%get3A_355, %get3A_356] : memref<250x72xf32, #tpu.memory_space<vmem>> -> memref<128x72xf32, #tpu.memory_space<vmem>>
      %get3A_358 = arith.index_cast %scan3A_334 : i32 to index
      %get3A_359 = arith.constant 0 : index
      %get3A_360 = tpu.vector_load %get3A_357[%get3A_358, %get3A_359] {strides = array<i32>} : memref<128x72xf32, #tpu.memory_space<vmem>>, vector<1x16xf32>,
      %get3A_361 = vector.shape_cast %get3A_360 : vector<1x16xf32> to vector<16xf32>
      %mul3A_362 = arith.mulf %get3A_361, %broadcast_in_dim3A_350 : vector<16xf32>
      %swap3A = arith.constant 0 : i32
      %swap3A_363 = arith.constant 0 : i32
      %swap3A_364 = tpu.memref_slice %arg9[%scan3A_117, %swap3A, %swap3A_363] : memref<2x250x72xf32, #tpu.memory_space<vmem>> -> memref<1x250x72xf32, #tpu.memory_space<vmem>>
      %swap3A_365 = tpu.memref_squeeze %swap3A_364 : memref<1x250x72xf32, #tpu.memory_space<vmem>> -> memref<250x72xf32, #tpu.memory_space<vmem>>
      %swap3A_366 = arith.constant 0 : i32
      %swap3A_367 = arith.constant 0 : i32
      %swap3A_368 = tpu.memref_slice %swap3A_365[%swap3A_366, %swap3A_367] : memref<250x72xf32, #tpu.memory_space<vmem>> -> memref<128x72xf32, #tpu.memory_space<vmem>>
      %swap3A_369 = arith.index_cast %scan3A_334 : i32 to index
      %swap3A_370 = arith.constant 0 : index
      %swap3A_371 = tpu.vector_load %swap3A_368[%swap3A_369, %swap3A_370] {strides = array<i32>} : memref<128x72xf32, #tpu.memory_space<vmem>>, vector<1x16xf32>,
      %swap3A_372 = vector.shape_cast %swap3A_371 : vector<1x16xf32> to vector<16xf32>
      %swap3A_373 = vector.shape_cast %mul3A_362 : vector<16xf32> to vector<1x16xf32>
      tpu.vector_store %swap3A_368[%swap3A_369, %swap3A_370], %swap3A_373 {strides = array<i32>} : memref<128x72xf32, #tpu.memory_space<vmem>>, vector<1x16xf32>,
      %get3A_374 = arith.constant 0 : i32
      %get3A_375 = arith.constant 0 : i32
      %get3A_376 = tpu.memref_slice %arg9[%scan3A_117, %get3A_374, %get3A_375] : memref<2x250x72xf32, #tpu.memory_space<vmem>> -> memref<1x250x72xf32, #tpu.memory_space<vmem>>
      %get3A_377 = tpu.memref_squeeze %get3A_376 : memref<1x250x72xf32, #tpu.memory_space<vmem>> -> memref<250x72xf32, #tpu.memory_space<vmem>>
      %get3A_378 = arith.constant 0 : i32
      %get3A_379 = arith.constant 0 : i32
      %get3A_380 = tpu.memref_slice %get3A_377[%get3A_378, %get3A_379] : memref<250x72xf32, #tpu.memory_space<vmem>> -> memref<128x72xf32, #tpu.memory_space<vmem>>
      %get3A_381 = arith.index_cast %scan3A_334 : i32 to index
      %get3A_382 = arith.constant 16 : index
      %get3A_383 = tpu.vector_load %get3A_380[%get3A_381, %get3A_382] {strides = array<i32>} : memref<128x72xf32, #tpu.memory_space<vmem>>, vector<1x16xf32>,
      %get3A_384 = vector.shape_cast %get3A_383 : vector<1x16xf32> to vector<16xf32>
      %mul3A_385 = arith.mulf %get3A_384, %broadcast_in_dim3A_350 : vector<16xf32>
      %swap3A_386 = arith.constant 0 : i32
      %swap3A_387 = arith.constant 0 : i32
      %swap3A_388 = tpu.memref_slice %arg9[%scan3A_117, %swap3A_386, %swap3A_387] : memref<2x250x72xf32, #tpu.memory_space<vmem>> -> memref<1x250x72xf32, #tpu.memory_space<vmem>>
      %swap3A_389 = tpu.memref_squeeze %swap3A_388 : memref<1x250x72xf32, #tpu.memory_space<vmem>> -> memref<250x72xf32, #tpu.memory_space<vmem>>
      %swap3A_390 = arith.constant 0 : i32
      %swap3A_391 = arith.constant 0 : i32
      %swap3A_392 = tpu.memref_slice %swap3A_389[%swap3A_390, %swap3A_391] : memref<250x72xf32, #tpu.memory_space<vmem>> -> memref<128x72xf32, #tpu.memory_space<vmem>>
      %swap3A_393 = arith.index_cast %scan3A_334 : i32 to index
      %swap3A_394 = arith.constant 16 : index
      %swap3A_395 = tpu.vector_load %swap3A_392[%swap3A_393, %swap3A_394] {strides = array<i32>} : memref<128x72xf32, #tpu.memory_space<vmem>>, vector<1x16xf32>,
      %swap3A_396 = vector.shape_cast %swap3A_395 : vector<1x16xf32> to vector<16xf32>
      %swap3A_397 = vector.shape_cast %mul3A_385 : vector<16xf32> to vector<1x16xf32>
      tpu.vector_store %swap3A_392[%swap3A_393, %swap3A_394], %swap3A_397 {strides = array<i32>} : memref<128x72xf32, #tpu.memory_space<vmem>>, vector<1x16xf32>,
      %get3A_398 = arith.constant 0 : i32
      %get3A_399 = arith.constant 0 : i32
      %get3A_400 = tpu.memref_slice %arg9[%scan3A_117, %get3A_398, %get3A_399] : memref<2x250x72xf32, #tpu.memory_space<vmem>> -> memref<1x250x72xf32, #tpu.memory_space<vmem>>
      %get3A_401 = tpu.memref_squeeze %get3A_400 : memref<1x250x72xf32, #tpu.memory_space<vmem>> -> memref<250x72xf32, #tpu.memory_space<vmem>>
      %get3A_402 = arith.constant 0 : i32
      %get3A_403 = arith.constant 0 : i32
      %get3A_404 = tpu.memref_slice %get3A_401[%get3A_402, %get3A_403] : memref<250x72xf32, #tpu.memory_space<vmem>> -> memref<128x72xf32, #tpu.memory_space<vmem>>
      %get3A_405 = arith.index_cast %scan3A_334 : i32 to index
      %get3A_406 = arith.constant 32 : index
      %get3A_407 = tpu.vector_load %get3A_404[%get3A_405, %get3A_406] {strides = array<i32>} : memref<128x72xf32, #tpu.memory_space<vmem>>, vector<1x16xf32>,
      %get3A_408 = vector.shape_cast %get3A_407 : vector<1x16xf32> to vector<16xf32>
      %mul3A_409 = arith.mulf %get3A_408, %broadcast_in_dim3A_350 : vector<16xf32>
      %swap3A_410 = arith.constant 0 : i32
      %swap3A_411 = arith.constant 0 : i32
      %swap3A_412 = tpu.memref_slice %arg9[%scan3A_117, %swap3A_410, %swap3A_411] : memref<2x250x72xf32, #tpu.memory_space<vmem>> -> memref<1x250x72xf32, #tpu.memory_space<vmem>>
      %swap3A_413 = tpu.memref_squeeze %swap3A_412 : memref<1x250x72xf32, #tpu.memory_space<vmem>> -> memref<250x72xf32, #tpu.memory_space<vmem>>
      %swap3A_414 = arith.constant 0 : i32
      %swap3A_415 = arith.constant 0 : i32
      %swap3A_416 = tpu.memref_slice %swap3A_413[%swap3A_414, %swap3A_415] : memref<250x72xf32, #tpu.memory_space<vmem>> -> memref<128x72xf32, #tpu.memory_space<vmem>>
      %swap3A_417 = arith.index_cast %scan3A_334 : i32 to index
      %swap3A_418 = arith.constant 32 : index
      %swap3A_419 = tpu.vector_load %swap3A_416[%swap3A_417, %swap3A_418] {strides = array<i32>} : memref<128x72xf32, #tpu.memory_space<vmem>>, vector<1x16xf32>,
      %swap3A_420 = vector.shape_cast %swap3A_419 : vector<1x16xf32> to vector<16xf32>
      %swap3A_421 = vector.shape_cast %mul3A_409 : vector<16xf32> to vector<1x16xf32>
      tpu.vector_store %swap3A_416[%swap3A_417, %swap3A_418], %swap3A_421 {strides = array<i32>} : memref<128x72xf32, #tpu.memory_space<vmem>>, vector<1x16xf32>,
      %get3A_422 = arith.constant 0 : i32
      %get3A_423 = arith.constant 0 : i32
      %get3A_424 = tpu.memref_slice %arg9[%scan3A_117, %get3A_422, %get3A_423] : memref<2x250x72xf32, #tpu.memory_space<vmem>> -> memref<1x250x72xf32, #tpu.memory_space<vmem>>
      %get3A_425 = tpu.memref_squeeze %get3A_424 : memref<1x250x72xf32, #tpu.memory_space<vmem>> -> memref<250x72xf32, #tpu.memory_space<vmem>>
      %get3A_426 = arith.constant 0 : i32
      %get3A_427 = arith.constant 0 : i32
      %get3A_428 = tpu.memref_slice %get3A_425[%get3A_426, %get3A_427] : memref<250x72xf32, #tpu.memory_space<vmem>> -> memref<128x72xf32, #tpu.memory_space<vmem>>
      %get3A_429 = arith.index_cast %scan3A_334 : i32 to index
      %get3A_430 = arith.constant 48 : index
      %get3A_431 = tpu.vector_load %get3A_428[%get3A_429, %get3A_430] {strides = array<i32>} : memref<128x72xf32, #tpu.memory_space<vmem>>, vector<1x16xf32>,
      %get3A_432 = vector.shape_cast %get3A_431 : vector<1x16xf32> to vector<16xf32>
      %mul3A_433 = arith.mulf %get3A_432, %broadcast_in_dim3A_350 : vector<16xf32>
      %swap3A_434 = arith.constant 0 : i32
      %swap3A_435 = arith.constant 0 : i32
      %swap3A_436 = tpu.memref_slice %arg9[%scan3A_117, %swap3A_434, %swap3A_435] : memref<2x250x72xf32, #tpu.memory_space<vmem>> -> memref<1x250x72xf32, #tpu.memory_space<vmem>>
      %swap3A_437 = tpu.memref_squeeze %swap3A_436 : memref<1x250x72xf32, #tpu.memory_space<vmem>> -> memref<250x72xf32, #tpu.memory_space<vmem>>
      %swap3A_438 = arith.constant 0 : i32
      %swap3A_439 = arith.constant 0 : i32
      %swap3A_440 = tpu.memref_slice %swap3A_437[%swap3A_438, %swap3A_439] : memref<250x72xf32, #tpu.memory_space<vmem>> -> memref<128x72xf32, #tpu.memory_space<vmem>>
      %swap3A_441 = arith.index_cast %scan3A_334 : i32 to index
      %swap3A_442 = arith.constant 48 : index
      %swap3A_443 = tpu.vector_load %swap3A_440[%swap3A_441, %swap3A_442] {strides = array<i32>} : memref<128x72xf32, #tpu.memory_space<vmem>>, vector<1x16xf32>,
      %swap3A_444 = vector.shape_cast %swap3A_443 : vector<1x16xf32> to vector<16xf32>
      %swap3A_445 = vector.shape_cast %mul3A_433 : vector<16xf32> to vector<1x16xf32>
      tpu.vector_store %swap3A_440[%swap3A_441, %swap3A_442], %swap3A_445 {strides = array<i32>} : memref<128x72xf32, #tpu.memory_space<vmem>>, vector<1x16xf32>,
      %mul3A_446 = arith.mulf %get3A_344, %broadcast_in_dim3A_350 : vector<16xf32>
      %swap3A_447 = arith.constant 0 : i32
      %swap3A_448 = arith.constant 0 : i32
      %swap3A_449 = tpu.memref_slice %arg9[%scan3A_117, %swap3A_447, %swap3A_448] : memref<2x250x72xf32, #tpu.memory_space<vmem>> -> memref<1x250x72xf32, #tpu.memory_space<vmem>>
      %swap3A_450 = tpu.memref_squeeze %swap3A_449 : memref<1x250x72xf32, #tpu.memory_space<vmem>> -> memref<250x72xf32, #tpu.memory_space<vmem>>
      %swap3A_451 = arith.constant 0 : i32
      %swap3A_452 = arith.constant 0 : i32
      %swap3A_453 = tpu.memref_slice %swap3A_450[%swap3A_451, %swap3A_452] : memref<250x72xf32, #tpu.memory_space<vmem>> -> memref<128x72xf32, #tpu.memory_space<vmem>>
      %swap3A_454 = arith.index_cast %scan3A_334 : i32 to index
      %swap3A_455 = arith.constant 56 : index
      %swap3A_456 = tpu.vector_load %swap3A_453[%swap3A_454, %swap3A_455] {strides = array<i32>} : memref<128x72xf32, #tpu.memory_space<vmem>>, vector<1x16xf32>,
      %swap3A_457 = vector.shape_cast %swap3A_456 : vector<1x16xf32> to vector<16xf32>
      %swap3A_458 = vector.shape_cast %mul3A_446 : vector<16xf32> to vector<1x16xf32>
      tpu.vector_store %swap3A_453[%swap3A_454, %swap3A_455], %swap3A_458 {strides = array<i32>} : memref<128x72xf32, #tpu.memory_space<vmem>>, vector<1x16xf32>,
    }
    %scan3A_122 = arith.constant 128 : i32
    %run_scoped3A_123 = arith.constant 0 : i32
    "tpu.region"() ({
      %run_scoped3A_334 = tpu.sem_alloc : memref<!tpu.dma_semaphore, #tpu.memory_space<semaphore_mem>>
      %dma_start3A_335 = arith.constant 0 : i32
      %dma_start3A_336 = arith.constant 0 : i32
      %dma_start3A_337 = tpu.memref_slice %arg9[%run_scoped3A_123, %dma_start3A_335, %dma_start3A_336] : memref<2x250x72xf32, #tpu.memory_space<vmem>> -> memref<1x250x72xf32, #tpu.memory_space<vmem>>
      %dma_start3A_338 = tpu.memref_squeeze %dma_start3A_337 : memref<1x250x72xf32, #tpu.memory_space<vmem>> -> memref<250x72xf32, #tpu.memory_space<vmem>>
      %dma_start3A_339 = arith.constant 0 : i32
      %dma_start3A_340 = arith.constant 0 : i32
      %dma_start3A_341 = tpu.memref_slice %dma_start3A_338[%dma_start3A_339, %dma_start3A_340] : memref<250x72xf32, #tpu.memory_space<vmem>> -> memref<128x72xf32, #tpu.memory_space<vmem>>
      %dma_start3A_342 = arith.constant 0 : i32
      %dma_start3A_343 = arith.constant 0 : i32
      %dma_start3A_344 = tpu.memref_slice %arg6[%arg0, %dma_start3A_342, %dma_start3A_343] : memref<2x10240x72xf32, #tpu.memory_space<hbm>> -> memref<1x10240x72xf32, #tpu.memory_space<hbm>>
      %dma_start3A_345 = tpu.memref_squeeze %dma_start3A_344 : memref<1x10240x72xf32, #tpu.memory_space<hbm>> -> memref<10240x72xf32, #tpu.memory_space<hbm>>
      %dma_start3A_346 = arith.constant 0 : i32
      %dma_start3A_347 = tpu.memref_slice %dma_start3A_345[%add3A_114, %dma_start3A_346] : memref<10240x72xf32, #tpu.memory_space<hbm>> -> memref<128x72xf32, #tpu.memory_space<hbm>>
      %dma_start3A_348 = arith.constant 0 : i32
      %dma_start3A_349 = arith.constant 0 : i32
      %dma_start3A_350 = tpu.memref_slice %arg6[%arg0, %dma_start3A_348, %dma_start3A_349] : memref<2x10240x72xf32, #tpu.memory_space<hbm>> -> memref<1x10240x72xf32, #tpu.memory_space<hbm>>
      %dma_start3A_351 = tpu.memref_squeeze %dma_start3A_350 : memref<1x10240x72xf32, #tpu.memory_space<hbm>> -> memref<10240x72xf32, #tpu.memory_space<hbm>>
      %dma_start3A_352 = arith.constant 0 : i32
      %dma_start3A_353 = tpu.memref_slice %dma_start3A_351[%add3A_114, %dma_start3A_352] : memref<10240x72xf32, #tpu.memory_space<hbm>> -> memref<128x72xf32, #tpu.memory_space<hbm>>
      %dma_start3A_354 = arith.constant 0 : i32
      %dma_start3A_355 = arith.constant 0 : i32
      %dma_start3A_356 = tpu.memref_slice %arg9[%run_scoped3A_123, %dma_start3A_354, %dma_start3A_355] : memref<2x250x72xf32, #tpu.memory_space<vmem>> -> memref<1x250x72xf32, #tpu.memory_space<vmem>>
      %dma_start3A_357 = tpu.memref_squeeze %dma_start3A_356 : memref<1x250x72xf32, #tpu.memory_space<vmem>> -> memref<250x72xf32, #tpu.memory_space<vmem>>
      %dma_start3A_358 = arith.constant 0 : i32
      %dma_start3A_359 = arith.constant 0 : i32
      %dma_start3A_360 = tpu.memref_slice %dma_start3A_357[%dma_start3A_358, %dma_start3A_359] : memref<250x72xf32, #tpu.memory_space<vmem>> -> memref<128x72xf32, #tpu.memory_space<vmem>>
      tpu.enqueue_dma source(%dma_start3A_360 : memref<128x72xf32, #tpu.memory_space<vmem>>) target(%dma_start3A_353 : memref<128x72xf32, #tpu.memory_space<hbm>>) target_semaphore(%run_scoped3A_334 : memref<!tpu.dma_semaphore, #tpu.memory_space<semaphore_mem>>)
      %dma_wait3A_361 = arith.constant 0 : i32
      %dma_wait3A_362 = arith.constant 0 : i32
      %dma_wait3A_363 = tpu.memref_slice %arg9[%run_scoped3A_123, %dma_wait3A_361, %dma_wait3A_362] : memref<2x250x72xf32, #tpu.memory_space<vmem>> -> memref<1x250x72xf32, #tpu.memory_space<vmem>>
      %dma_wait3A_364 = tpu.memref_squeeze %dma_wait3A_363 : memref<1x250x72xf32, #tpu.memory_space<vmem>> -> memref<250x72xf32, #tpu.memory_space<vmem>>
      %dma_wait3A_365 = arith.constant 0 : i32
      %dma_wait3A_366 = arith.constant 0 : i32
      %dma_wait3A_367 = tpu.memref_slice %dma_wait3A_364[%dma_wait3A_365, %dma_wait3A_366] : memref<250x72xf32, #tpu.memory_space<vmem>> -> memref<128x72xf32, #tpu.memory_space<vmem>>
      %dma_wait3A_368 = arith.constant 0 : i32
      %dma_wait3A_369 = arith.constant 0 : i32
      %dma_wait3A_370 = tpu.memref_slice %arg6[%arg0, %dma_wait3A_368, %dma_wait3A_369] : memref<2x10240x72xf32, #tpu.memory_space<hbm>> -> memref<1x10240x72xf32, #tpu.memory_space<hbm>>
      %dma_wait3A_371 = tpu.memref_squeeze %dma_wait3A_370 : memref<1x10240x72xf32, #tpu.memory_space<hbm>> -> memref<10240x72xf32, #tpu.memory_space<hbm>>
      %dma_wait3A_372 = arith.constant 0 : i32
      %dma_wait3A_373 = tpu.memref_slice %dma_wait3A_371[%add3A_114, %dma_wait3A_372] : memref<10240x72xf32, #tpu.memory_space<hbm>> -> memref<128x72xf32, #tpu.memory_space<hbm>>
      %dma_wait3A_374 = arith.constant 0 : i32
      %dma_wait3A_375 = arith.constant 0 : i32
      %dma_wait3A_376 = tpu.memref_slice %arg6[%arg0, %dma_wait3A_374, %dma_wait3A_375] : memref<2x10240x72xf32, #tpu.memory_space<hbm>> -> memref<1x10240x72xf32, #tpu.memory_space<hbm>>
      %dma_wait3A_377 = tpu.memref_squeeze %dma_wait3A_376 : memref<1x10240x72xf32, #tpu.memory_space<hbm>> -> memref<10240x72xf32, #tpu.memory_space<hbm>>
      %dma_wait3A_378 = arith.constant 0 : i32
      %dma_wait3A_379 = tpu.memref_slice %dma_wait3A_377[%add3A_114, %dma_wait3A_378] : memref<10240x72xf32, #tpu.memory_space<hbm>> -> memref<128x72xf32, #tpu.memory_space<hbm>>
      %dma_wait3A_380 = arith.constant 0 : i32
      %dma_wait3A_381 = arith.constant 0 : i32
      %dma_wait3A_382 = tpu.memref_slice %arg9[%run_scoped3A_123, %dma_wait3A_380, %dma_wait3A_381] : memref<2x250x72xf32, #tpu.memory_space<vmem>> -> memref<1x250x72xf32, #tpu.memory_space<vmem>>
      %dma_wait3A_383 = tpu.memref_squeeze %dma_wait3A_382 : memref<1x250x72xf32, #tpu.memory_space<vmem>> -> memref<250x72xf32, #tpu.memory_space<vmem>>
      %dma_wait3A_384 = arith.constant 0 : i32
      %dma_wait3A_385 = arith.constant 0 : i32
      %dma_wait3A_386 = tpu.memref_slice %dma_wait3A_383[%dma_wait3A_384, %dma_wait3A_385] : memref<250x72xf32, #tpu.memory_space<vmem>> -> memref<128x72xf32, #tpu.memory_space<vmem>>
      tpu.wait_dma2 semaphore(%run_scoped3A_334 : memref<!tpu.dma_semaphore, #tpu.memory_space<semaphore_mem>>) src(%dma_wait3A_386 : memref<128x72xf32, #tpu.memory_space<vmem>>) dst(%dma_wait3A_379 : memref<128x72xf32, #tpu.memory_space<hbm>>)
      tpu.yield
    }) : () -> ()
    %mul3A_124 = arith.constant 640 : i32
    %mul3A_125 = arith.muli %arg1, %mul3A_124 : i32
    %add3A_126 = arith.constant 256 : i32
    %add3A_127 = arith.addi %mul3A_125, %add3A_126 : i32
    %run_scoped3A_128 = arith.constant 0 : i32
    "tpu.region"() ({
      %run_scoped3A_334 = tpu.sem_alloc : memref<!tpu.dma_semaphore, #tpu.memory_space<semaphore_mem>>
      %dma_start3A_335 = arith.constant 0 : i32
      %dma_start3A_336 = arith.constant 0 : i32
      %dma_start3A_337 = tpu.memref_slice %arg9[%run_scoped3A_128, %dma_start3A_335, %dma_start3A_336] : memref<2x250x72xf32, #tpu.memory_space<vmem>> -> memref<1x250x72xf32, #tpu.memory_space<vmem>>
      %dma_start3A_338 = tpu.memref_squeeze %dma_start3A_337 : memref<1x250x72xf32, #tpu.memory_space<vmem>> -> memref<250x72xf32, #tpu.memory_space<vmem>>
      %dma_start3A_339 = arith.constant 0 : i32
      %dma_start3A_340 = arith.constant 0 : i32
      %dma_start3A_341 = tpu.memref_slice %dma_start3A_338[%dma_start3A_339, %dma_start3A_340] : memref<250x72xf32, #tpu.memory_space<vmem>> -> memref<128x72xf32, #tpu.memory_space<vmem>>
      %dma_start3A_342 = arith.constant 0 : i32
      %dma_start3A_343 = tpu.memref_slice %arg10[%add3A_127, %dma_start3A_342] : memref<10240x72xf32, #tpu.memory_space<vmem_shared>> -> memref<128x72xf32, #tpu.memory_space<vmem_shared>>
      %dma_start3A_344 = arith.constant 0 : i32
      %dma_start3A_345 = arith.constant 0 : i32
      %dma_start3A_346 = tpu.memref_slice %arg9[%run_scoped3A_128, %dma_start3A_344, %dma_start3A_345] : memref<2x250x72xf32, #tpu.memory_space<vmem>> -> memref<1x250x72xf32, #tpu.memory_space<vmem>>
      %dma_start3A_347 = tpu.memref_squeeze %dma_start3A_346 : memref<1x250x72xf32, #tpu.memory_space<vmem>> -> memref<250x72xf32, #tpu.memory_space<vmem>>
      %dma_start3A_348 = arith.constant 0 : i32
      %dma_start3A_349 = arith.constant 0 : i32
      %dma_start3A_350 = tpu.memref_slice %dma_start3A_347[%dma_start3A_348, %dma_start3A_349] : memref<250x72xf32, #tpu.memory_space<vmem>> -> memref<128x72xf32, #tpu.memory_space<vmem>>
      %dma_start3A_351 = arith.constant 0 : i32
      %dma_start3A_352 = tpu.memref_slice %arg10[%add3A_127, %dma_start3A_351] : memref<10240x72xf32, #tpu.memory_space<vmem_shared>> -> memref<128x72xf32, #tpu.memory_space<vmem_shared>>
      tpu.enqueue_dma source(%dma_start3A_352 : memref<128x72xf32, #tpu.memory_space<vmem_shared>>) target(%dma_start3A_350 : memref<128x72xf32, #tpu.memory_space<vmem>>) target_semaphore(%run_scoped3A_334 : memref<!tpu.dma_semaphore, #tpu.memory_space<semaphore_mem>>)
      %dma_wait3A_353 = arith.constant 0 : i32
      %dma_wait3A_354 = arith.constant 0 : i32
      %dma_wait3A_355 = tpu.memref_slice %arg9[%run_scoped3A_128, %dma_wait3A_353, %dma_wait3A_354] : memref<2x250x72xf32, #tpu.memory_space<vmem>> -> memref<1x250x72xf32, #tpu.memory_space<vmem>>
      %dma_wait3A_356 = tpu.memref_squeeze %dma_wait3A_355 : memref<1x250x72xf32, #tpu.memory_space<vmem>> -> memref<250x72xf32, #tpu.memory_space<vmem>>
      %dma_wait3A_357 = arith.constant 0 : i32
      %dma_wait3A_358 = arith.constant 0 : i32
      %dma_wait3A_359 = tpu.memref_slice %dma_wait3A_356[%dma_wait3A_357, %dma_wait3A_358] : memref<250x72xf32, #tpu.memory_space<vmem>> -> memref<128x72xf32, #tpu.memory_space<vmem>>
      %dma_wait3A_360 = arith.constant 0 : i32
      %dma_wait3A_361 = tpu.memref_slice %arg10[%add3A_127, %dma_wait3A_360] : memref<10240x72xf32, #tpu.memory_space<vmem_shared>> -> memref<128x72xf32, #tpu.memory_space<vmem_shared>>
      %dma_wait3A_362 = arith.constant 0 : i32
      %dma_wait3A_363 = arith.constant 0 : i32
      %dma_wait3A_364 = tpu.memref_slice %arg9[%run_scoped3A_128, %dma_wait3A_362, %dma_wait3A_363] : memref<2x250x72xf32, #tpu.memory_space<vmem>> -> memref<1x250x72xf32, #tpu.memory_space<vmem>>
      %dma_wait3A_365 = tpu.memref_squeeze %dma_wait3A_364 : memref<1x250x72xf32, #tpu.memory_space<vmem>> -> memref<250x72xf32, #tpu.memory_space<vmem>>
      %dma_wait3A_366 = arith.constant 0 : i32
      %dma_wait3A_367 = arith.constant 0 : i32
      %dma_wait3A_368 = tpu.memref_slice %dma_wait3A_365[%dma_wait3A_366, %dma_wait3A_367] : memref<250x72xf32, #tpu.memory_space<vmem>> -> memref<128x72xf32, #tpu.memory_space<vmem>>
      %dma_wait3A_369 = arith.constant 0 : i32
      %dma_wait3A_370 = tpu.memref_slice %arg10[%add3A_127, %dma_wait3A_369] : memref<10240x72xf32, #tpu.memory_space<vmem_shared>> -> memref<128x72xf32, #tpu.memory_space<vmem_shared>>
      tpu.wait_dma2 semaphore(%run_scoped3A_334 : memref<!tpu.dma_semaphore, #tpu.memory_space<semaphore_mem>>) src(%dma_wait3A_370 : memref<128x72xf32, #tpu.memory_space<vmem_shared>>) dst(%dma_wait3A_368 : memref<128x72xf32, #tpu.memory_space<vmem>>)
      tpu.yield
    }) : () -> ()
    %scan3A_129 = arith.constant 0 : i32
    %scan3A_130 = arith.constant 0 : i32
    %scan3A_131 = arith.constant 0 : i32
    %scan3A_132 = arith.constant 128 : i32
    %scan3A_133 = arith.addi %scan3A_131, %scan3A_132 : i32
    %scan3A_134 = arith.constant 1 : i32
    scf.for %scan3A_334 = %scan3A_131 to %scan3A_133 step %scan3A_134  : i32 {
      %get3A = arith.constant 0 : i32
      %get3A_335 = arith.constant 0 : i32
      %get3A_336 = tpu.memref_slice %arg9[%scan3A_130, %get3A, %get3A_335] : memref<2x250x72xf32, #tpu.memory_space<vmem>> -> memref<1x250x72xf32, #tpu.memory_space<vmem>>
      %get3A_337 = tpu.memref_squeeze %get3A_336 : memref<1x250x72xf32, #tpu.memory_space<vmem>> -> memref<250x72xf32, #tpu.memory_space<vmem>>
      %get3A_338 = arith.constant 0 : i32
      %get3A_339 = arith.constant 0 : i32
      %get3A_340 = tpu.memref_slice %get3A_337[%get3A_338, %get3A_339] : memref<250x72xf32, #tpu.memory_space<vmem>> -> memref<128x72xf32, #tpu.memory_space<vmem>>
      %get3A_341 = arith.index_cast %scan3A_334 : i32 to index
      %get3A_342 = arith.constant 56 : index
      %get3A_343 = tpu.vector_load %get3A_340[%get3A_341, %get3A_342] {strides = array<i32>} : memref<128x72xf32, #tpu.memory_space<vmem>>, vector<1x16xf32>,
      %get3A_344 = vector.shape_cast %get3A_343 : vector<1x16xf32> to vector<16xf32>
      %gt3A = arith.constant 0.000000e+00 : f32
      %gt3A_345 = vector.broadcast %gt3A : f32 to vector<16xf32>
      %gt3A_346 = arith.cmpf ogt, %get3A_344, %gt3A_345 : vector<16xf32>
      %div3A = arith.constant 1.000000e+00 : f32
      %div3A_347 = vector.broadcast %div3A : f32 to vector<16xf32>
      %div3A_348 = arith.divf %div3A_347, %get3A_344 : vector<16xf32>
      %jit3A = arith.constant 0.000000e+00 : f32
      %broadcast_in_dim3A_349 = vector.broadcast %jit3A : f32 to vector<16xf32>
      %select_n3A = arith.select %gt3A_346, %div3A_348, %broadcast_in_dim3A_349 : vector<16xi1>, vector<16xf32>
      %slice3A = vector.extract_strided_slice %select_n3A {offsets = [8], sizes = [1], strides = [1]} : vector<16xf32> to vector<1xf32>
      %squeeze3A = vector.extract %slice3A[0] : f32 from vector<1xf32>
      %broadcast_in_dim3A_350 = vector.broadcast %squeeze3A : f32 to vector<16xf32>
      %get3A_351 = arith.constant 0 : i32
      %get3A_352 = arith.constant 0 : i32
      %get3A_353 = tpu.memref_slice %arg9[%scan3A_130, %get3A_351, %get3A_352] : memref<2x250x72xf32, #tpu.memory_space<vmem>> -> memref<1x250x72xf32, #tpu.memory_space<vmem>>
      %get3A_354 = tpu.memref_squeeze %get3A_353 : memref<1x250x72xf32, #tpu.memory_space<vmem>> -> memref<250x72xf32, #tpu.memory_space<vmem>>
      %get3A_355 = arith.constant 0 : i32
      %get3A_356 = arith.constant 0 : i32
      %get3A_357 = tpu.memref_slice %get3A_354[%get3A_355, %get3A_356] : memref<250x72xf32, #tpu.memory_space<vmem>> -> memref<128x72xf32, #tpu.memory_space<vmem>>
      %get3A_358 = arith.index_cast %scan3A_334 : i32 to index
      %get3A_359 = arith.constant 0 : index
      %get3A_360 = tpu.vector_load %get3A_357[%get3A_358, %get3A_359] {strides = array<i32>} : memref<128x72xf32, #tpu.memory_space<vmem>>, vector<1x16xf32>,
      %get3A_361 = vector.shape_cast %get3A_360 : vector<1x16xf32> to vector<16xf32>
      %mul3A_362 = arith.mulf %get3A_361, %broadcast_in_dim3A_350 : vector<16xf32>
      %swap3A = arith.constant 0 : i32
      %swap3A_363 = arith.constant 0 : i32
      %swap3A_364 = tpu.memref_slice %arg9[%scan3A_130, %swap3A, %swap3A_363] : memref<2x250x72xf32, #tpu.memory_space<vmem>> -> memref<1x250x72xf32, #tpu.memory_space<vmem>>
      %swap3A_365 = tpu.memref_squeeze %swap3A_364 : memref<1x250x72xf32, #tpu.memory_space<vmem>> -> memref<250x72xf32, #tpu.memory_space<vmem>>
      %swap3A_366 = arith.constant 0 : i32
      %swap3A_367 = arith.constant 0 : i32
      %swap3A_368 = tpu.memref_slice %swap3A_365[%swap3A_366, %swap3A_367] : memref<250x72xf32, #tpu.memory_space<vmem>> -> memref<128x72xf32, #tpu.memory_space<vmem>>
      %swap3A_369 = arith.index_cast %scan3A_334 : i32 to index
      %swap3A_370 = arith.constant 0 : index
      %swap3A_371 = tpu.vector_load %swap3A_368[%swap3A_369, %swap3A_370] {strides = array<i32>} : memref<128x72xf32, #tpu.memory_space<vmem>>, vector<1x16xf32>,
      %swap3A_372 = vector.shape_cast %swap3A_371 : vector<1x16xf32> to vector<16xf32>
      %swap3A_373 = vector.shape_cast %mul3A_362 : vector<16xf32> to vector<1x16xf32>
      tpu.vector_store %swap3A_368[%swap3A_369, %swap3A_370], %swap3A_373 {strides = array<i32>} : memref<128x72xf32, #tpu.memory_space<vmem>>, vector<1x16xf32>,
      %get3A_374 = arith.constant 0 : i32
      %get3A_375 = arith.constant 0 : i32
      %get3A_376 = tpu.memref_slice %arg9[%scan3A_130, %get3A_374, %get3A_375] : memref<2x250x72xf32, #tpu.memory_space<vmem>> -> memref<1x250x72xf32, #tpu.memory_space<vmem>>
      %get3A_377 = tpu.memref_squeeze %get3A_376 : memref<1x250x72xf32, #tpu.memory_space<vmem>> -> memref<250x72xf32, #tpu.memory_space<vmem>>
      %get3A_378 = arith.constant 0 : i32
      %get3A_379 = arith.constant 0 : i32
      %get3A_380 = tpu.memref_slice %get3A_377[%get3A_378, %get3A_379] : memref<250x72xf32, #tpu.memory_space<vmem>> -> memref<128x72xf32, #tpu.memory_space<vmem>>
      %get3A_381 = arith.index_cast %scan3A_334 : i32 to index
      %get3A_382 = arith.constant 16 : index
      %get3A_383 = tpu.vector_load %get3A_380[%get3A_381, %get3A_382] {strides = array<i32>} : memref<128x72xf32, #tpu.memory_space<vmem>>, vector<1x16xf32>,
      %get3A_384 = vector.shape_cast %get3A_383 : vector<1x16xf32> to vector<16xf32>
      %mul3A_385 = arith.mulf %get3A_384, %broadcast_in_dim3A_350 : vector<16xf32>
      %swap3A_386 = arith.constant 0 : i32
      %swap3A_387 = arith.constant 0 : i32
      %swap3A_388 = tpu.memref_slice %arg9[%scan3A_130, %swap3A_386, %swap3A_387] : memref<2x250x72xf32, #tpu.memory_space<vmem>> -> memref<1x250x72xf32, #tpu.memory_space<vmem>>
      %swap3A_389 = tpu.memref_squeeze %swap3A_388 : memref<1x250x72xf32, #tpu.memory_space<vmem>> -> memref<250x72xf32, #tpu.memory_space<vmem>>
      %swap3A_390 = arith.constant 0 : i32
      %swap3A_391 = arith.constant 0 : i32
      %swap3A_392 = tpu.memref_slice %swap3A_389[%swap3A_390, %swap3A_391] : memref<250x72xf32, #tpu.memory_space<vmem>> -> memref<128x72xf32, #tpu.memory_space<vmem>>
      %swap3A_393 = arith.index_cast %scan3A_334 : i32 to index
      %swap3A_394 = arith.constant 16 : index
      %swap3A_395 = tpu.vector_load %swap3A_392[%swap3A_393, %swap3A_394] {strides = array<i32>} : memref<128x72xf32, #tpu.memory_space<vmem>>, vector<1x16xf32>,
      %swap3A_396 = vector.shape_cast %swap3A_395 : vector<1x16xf32> to vector<16xf32>
      %swap3A_397 = vector.shape_cast %mul3A_385 : vector<16xf32> to vector<1x16xf32>
      tpu.vector_store %swap3A_392[%swap3A_393, %swap3A_394], %swap3A_397 {strides = array<i32>} : memref<128x72xf32, #tpu.memory_space<vmem>>, vector<1x16xf32>,
      %get3A_398 = arith.constant 0 : i32
      %get3A_399 = arith.constant 0 : i32
      %get3A_400 = tpu.memref_slice %arg9[%scan3A_130, %get3A_398, %get3A_399] : memref<2x250x72xf32, #tpu.memory_space<vmem>> -> memref<1x250x72xf32, #tpu.memory_space<vmem>>
      %get3A_401 = tpu.memref_squeeze %get3A_400 : memref<1x250x72xf32, #tpu.memory_space<vmem>> -> memref<250x72xf32, #tpu.memory_space<vmem>>
      %get3A_402 = arith.constant 0 : i32
      %get3A_403 = arith.constant 0 : i32
      %get3A_404 = tpu.memref_slice %get3A_401[%get3A_402, %get3A_403] : memref<250x72xf32, #tpu.memory_space<vmem>> -> memref<128x72xf32, #tpu.memory_space<vmem>>
      %get3A_405 = arith.index_cast %scan3A_334 : i32 to index
      %get3A_406 = arith.constant 32 : index
      %get3A_407 = tpu.vector_load %get3A_404[%get3A_405, %get3A_406] {strides = array<i32>} : memref<128x72xf32, #tpu.memory_space<vmem>>, vector<1x16xf32>,
      %get3A_408 = vector.shape_cast %get3A_407 : vector<1x16xf32> to vector<16xf32>
      %mul3A_409 = arith.mulf %get3A_408, %broadcast_in_dim3A_350 : vector<16xf32>
      %swap3A_410 = arith.constant 0 : i32
      %swap3A_411 = arith.constant 0 : i32
      %swap3A_412 = tpu.memref_slice %arg9[%scan3A_130, %swap3A_410, %swap3A_411] : memref<2x250x72xf32, #tpu.memory_space<vmem>> -> memref<1x250x72xf32, #tpu.memory_space<vmem>>
      %swap3A_413 = tpu.memref_squeeze %swap3A_412 : memref<1x250x72xf32, #tpu.memory_space<vmem>> -> memref<250x72xf32, #tpu.memory_space<vmem>>
      %swap3A_414 = arith.constant 0 : i32
      %swap3A_415 = arith.constant 0 : i32
      %swap3A_416 = tpu.memref_slice %swap3A_413[%swap3A_414, %swap3A_415] : memref<250x72xf32, #tpu.memory_space<vmem>> -> memref<128x72xf32, #tpu.memory_space<vmem>>
      %swap3A_417 = arith.index_cast %scan3A_334 : i32 to index
      %swap3A_418 = arith.constant 32 : index
      %swap3A_419 = tpu.vector_load %swap3A_416[%swap3A_417, %swap3A_418] {strides = array<i32>} : memref<128x72xf32, #tpu.memory_space<vmem>>, vector<1x16xf32>,
      %swap3A_420 = vector.shape_cast %swap3A_419 : vector<1x16xf32> to vector<16xf32>
      %swap3A_421 = vector.shape_cast %mul3A_409 : vector<16xf32> to vector<1x16xf32>
      tpu.vector_store %swap3A_416[%swap3A_417, %swap3A_418], %swap3A_421 {strides = array<i32>} : memref<128x72xf32, #tpu.memory_space<vmem>>, vector<1x16xf32>,
      %get3A_422 = arith.constant 0 : i32
      %get3A_423 = arith.constant 0 : i32
      %get3A_424 = tpu.memref_slice %arg9[%scan3A_130, %get3A_422, %get3A_423] : memref<2x250x72xf32, #tpu.memory_space<vmem>> -> memref<1x250x72xf32, #tpu.memory_space<vmem>>
      %get3A_425 = tpu.memref_squeeze %get3A_424 : memref<1x250x72xf32, #tpu.memory_space<vmem>> -> memref<250x72xf32, #tpu.memory_space<vmem>>
      %get3A_426 = arith.constant 0 : i32
      %get3A_427 = arith.constant 0 : i32
      %get3A_428 = tpu.memref_slice %get3A_425[%get3A_426, %get3A_427] : memref<250x72xf32, #tpu.memory_space<vmem>> -> memref<128x72xf32, #tpu.memory_space<vmem>>
      %get3A_429 = arith.index_cast %scan3A_334 : i32 to index
      %get3A_430 = arith.constant 48 : index
      %get3A_431 = tpu.vector_load %get3A_428[%get3A_429, %get3A_430] {strides = array<i32>} : memref<128x72xf32, #tpu.memory_space<vmem>>, vector<1x16xf32>,
      %get3A_432 = vector.shape_cast %get3A_431 : vector<1x16xf32> to vector<16xf32>
      %mul3A_433 = arith.mulf %get3A_432, %broadcast_in_dim3A_350 : vector<16xf32>
      %swap3A_434 = arith.constant 0 : i32
      %swap3A_435 = arith.constant 0 : i32
      %swap3A_436 = tpu.memref_slice %arg9[%scan3A_130, %swap3A_434, %swap3A_435] : memref<2x250x72xf32, #tpu.memory_space<vmem>> -> memref<1x250x72xf32, #tpu.memory_space<vmem>>
      %swap3A_437 = tpu.memref_squeeze %swap3A_436 : memref<1x250x72xf32, #tpu.memory_space<vmem>> -> memref<250x72xf32, #tpu.memory_space<vmem>>
      %swap3A_438 = arith.constant 0 : i32
      %swap3A_439 = arith.constant 0 : i32
      %swap3A_440 = tpu.memref_slice %swap3A_437[%swap3A_438, %swap3A_439] : memref<250x72xf32, #tpu.memory_space<vmem>> -> memref<128x72xf32, #tpu.memory_space<vmem>>
      %swap3A_441 = arith.index_cast %scan3A_334 : i32 to index
      %swap3A_442 = arith.constant 48 : index
      %swap3A_443 = tpu.vector_load %swap3A_440[%swap3A_441, %swap3A_442] {strides = array<i32>} : memref<128x72xf32, #tpu.memory_space<vmem>>, vector<1x16xf32>,
      %swap3A_444 = vector.shape_cast %swap3A_443 : vector<1x16xf32> to vector<16xf32>
      %swap3A_445 = vector.shape_cast %mul3A_433 : vector<16xf32> to vector<1x16xf32>
      tpu.vector_store %swap3A_440[%swap3A_441, %swap3A_442], %swap3A_445 {strides = array<i32>} : memref<128x72xf32, #tpu.memory_space<vmem>>, vector<1x16xf32>,
      %mul3A_446 = arith.mulf %get3A_344, %broadcast_in_dim3A_350 : vector<16xf32>
      %swap3A_447 = arith.constant 0 : i32
      %swap3A_448 = arith.constant 0 : i32
      %swap3A_449 = tpu.memref_slice %arg9[%scan3A_130, %swap3A_447, %swap3A_448] : memref<2x250x72xf32, #tpu.memory_space<vmem>> -> memref<1x250x72xf32, #tpu.memory_space<vmem>>
      %swap3A_450 = tpu.memref_squeeze %swap3A_449 : memref<1x250x72xf32, #tpu.memory_space<vmem>> -> memref<250x72xf32, #tpu.memory_space<vmem>>
      %swap3A_451 = arith.constant 0 : i32
      %swap3A_452 = arith.constant 0 : i32
      %swap3A_453 = tpu.memref_slice %swap3A_450[%swap3A_451, %swap3A_452] : memref<250x72xf32, #tpu.memory_space<vmem>> -> memref<128x72xf32, #tpu.memory_space<vmem>>
      %swap3A_454 = arith.index_cast %scan3A_334 : i32 to index
      %swap3A_455 = arith.constant 56 : index
      %swap3A_456 = tpu.vector_load %swap3A_453[%swap3A_454, %swap3A_455] {strides = array<i32>} : memref<128x72xf32, #tpu.memory_space<vmem>>, vector<1x16xf32>,
      %swap3A_457 = vector.shape_cast %swap3A_456 : vector<1x16xf32> to vector<16xf32>
      %swap3A_458 = vector.shape_cast %mul3A_446 : vector<16xf32> to vector<1x16xf32>
      tpu.vector_store %swap3A_453[%swap3A_454, %swap3A_455], %swap3A_458 {strides = array<i32>} : memref<128x72xf32, #tpu.memory_space<vmem>>, vector<1x16xf32>,
    }
    %scan3A_135 = arith.constant 128 : i32
    %run_scoped3A_136 = arith.constant 0 : i32
    "tpu.region"() ({
      %run_scoped3A_334 = tpu.sem_alloc : memref<!tpu.dma_semaphore, #tpu.memory_space<semaphore_mem>>
      %dma_start3A_335 = arith.constant 0 : i32
      %dma_start3A_336 = arith.constant 0 : i32
      %dma_start3A_337 = tpu.memref_slice %arg9[%run_scoped3A_136, %dma_start3A_335, %dma_start3A_336] : memref<2x250x72xf32, #tpu.memory_space<vmem>> -> memref<1x250x72xf32, #tpu.memory_space<vmem>>
      %dma_start3A_338 = tpu.memref_squeeze %dma_start3A_337 : memref<1x250x72xf32, #tpu.memory_space<vmem>> -> memref<250x72xf32, #tpu.memory_space<vmem>>
      %dma_start3A_339 = arith.constant 0 : i32
      %dma_start3A_340 = arith.constant 0 : i32
      %dma_start3A_341 = tpu.memref_slice %dma_start3A_338[%dma_start3A_339, %dma_start3A_340] : memref<250x72xf32, #tpu.memory_space<vmem>> -> memref<128x72xf32, #tpu.memory_space<vmem>>
      %dma_start3A_342 = arith.constant 0 : i32
      %dma_start3A_343 = arith.constant 0 : i32
      %dma_start3A_344 = tpu.memref_slice %arg6[%arg0, %dma_start3A_342, %dma_start3A_343] : memref<2x10240x72xf32, #tpu.memory_space<hbm>> -> memref<1x10240x72xf32, #tpu.memory_space<hbm>>
      %dma_start3A_345 = tpu.memref_squeeze %dma_start3A_344 : memref<1x10240x72xf32, #tpu.memory_space<hbm>> -> memref<10240x72xf32, #tpu.memory_space<hbm>>
      %dma_start3A_346 = arith.constant 0 : i32
      %dma_start3A_347 = tpu.memref_slice %dma_start3A_345[%add3A_127, %dma_start3A_346] : memref<10240x72xf32, #tpu.memory_space<hbm>> -> memref<128x72xf32, #tpu.memory_space<hbm>>
      %dma_start3A_348 = arith.constant 0 : i32
      %dma_start3A_349 = arith.constant 0 : i32
      %dma_start3A_350 = tpu.memref_slice %arg6[%arg0, %dma_start3A_348, %dma_start3A_349] : memref<2x10240x72xf32, #tpu.memory_space<hbm>> -> memref<1x10240x72xf32, #tpu.memory_space<hbm>>
      %dma_start3A_351 = tpu.memref_squeeze %dma_start3A_350 : memref<1x10240x72xf32, #tpu.memory_space<hbm>> -> memref<10240x72xf32, #tpu.memory_space<hbm>>
      %dma_start3A_352 = arith.constant 0 : i32
      %dma_start3A_353 = tpu.memref_slice %dma_start3A_351[%add3A_127, %dma_start3A_352] : memref<10240x72xf32, #tpu.memory_space<hbm>> -> memref<128x72xf32, #tpu.memory_space<hbm>>
      %dma_start3A_354 = arith.constant 0 : i32
      %dma_start3A_355 = arith.constant 0 : i32
      %dma_start3A_356 = tpu.memref_slice %arg9[%run_scoped3A_136, %dma_start3A_354, %dma_start3A_355] : memref<2x250x72xf32, #tpu.memory_space<vmem>> -> memref<1x250x72xf32, #tpu.memory_space<vmem>>
      %dma_start3A_357 = tpu.memref_squeeze %dma_start3A_356 : memref<1x250x72xf32, #tpu.memory_space<vmem>> -> memref<250x72xf32, #tpu.memory_space<vmem>>
      %dma_start3A_358 = arith.constant 0 : i32
      %dma_start3A_359 = arith.constant 0 : i32
      %dma_start3A_360 = tpu.memref_slice %dma_start3A_357[%dma_start3A_358, %dma_start3A_359] : memref<250x72xf32, #tpu.memory_space<vmem>> -> memref<128x72xf32, #tpu.memory_space<vmem>>
      tpu.enqueue_dma source(%dma_start3A_360 : memref<128x72xf32, #tpu.memory_space<vmem>>) target(%dma_start3A_353 : memref<128x72xf32, #tpu.memory_space<hbm>>) target_semaphore(%run_scoped3A_334 : memref<!tpu.dma_semaphore, #tpu.memory_space<semaphore_mem>>)
      %dma_wait3A_361 = arith.constant 0 : i32
      %dma_wait3A_362 = arith.constant 0 : i32
      %dma_wait3A_363 = tpu.memref_slice %arg9[%run_scoped3A_136, %dma_wait3A_361, %dma_wait3A_362] : memref<2x250x72xf32, #tpu.memory_space<vmem>> -> memref<1x250x72xf32, #tpu.memory_space<vmem>>
      %dma_wait3A_364 = tpu.memref_squeeze %dma_wait3A_363 : memref<1x250x72xf32, #tpu.memory_space<vmem>> -> memref<250x72xf32, #tpu.memory_space<vmem>>
      %dma_wait3A_365 = arith.constant 0 : i32
      %dma_wait3A_366 = arith.constant 0 : i32
      %dma_wait3A_367 = tpu.memref_slice %dma_wait3A_364[%dma_wait3A_365, %dma_wait3A_366] : memref<250x72xf32, #tpu.memory_space<vmem>> -> memref<128x72xf32, #tpu.memory_space<vmem>>
      %dma_wait3A_368 = arith.constant 0 : i32
      %dma_wait3A_369 = arith.constant 0 : i32
      %dma_wait3A_370 = tpu.memref_slice %arg6[%arg0, %dma_wait3A_368, %dma_wait3A_369] : memref<2x10240x72xf32, #tpu.memory_space<hbm>> -> memref<1x10240x72xf32, #tpu.memory_space<hbm>>
      %dma_wait3A_371 = tpu.memref_squeeze %dma_wait3A_370 : memref<1x10240x72xf32, #tpu.memory_space<hbm>> -> memref<10240x72xf32, #tpu.memory_space<hbm>>
      %dma_wait3A_372 = arith.constant 0 : i32
      %dma_wait3A_373 = tpu.memref_slice %dma_wait3A_371[%add3A_127, %dma_wait3A_372] : memref<10240x72xf32, #tpu.memory_space<hbm>> -> memref<128x72xf32, #tpu.memory_space<hbm>>
      %dma_wait3A_374 = arith.constant 0 : i32
      %dma_wait3A_375 = arith.constant 0 : i32
      %dma_wait3A_376 = tpu.memref_slice %arg6[%arg0, %dma_wait3A_374, %dma_wait3A_375] : memref<2x10240x72xf32, #tpu.memory_space<hbm>> -> memref<1x10240x72xf32, #tpu.memory_space<hbm>>
      %dma_wait3A_377 = tpu.memref_squeeze %dma_wait3A_376 : memref<1x10240x72xf32, #tpu.memory_space<hbm>> -> memref<10240x72xf32, #tpu.memory_space<hbm>>
      %dma_wait3A_378 = arith.constant 0 : i32
      %dma_wait3A_379 = tpu.memref_slice %dma_wait3A_377[%add3A_127, %dma_wait3A_378] : memref<10240x72xf32, #tpu.memory_space<hbm>> -> memref<128x72xf32, #tpu.memory_space<hbm>>
      %dma_wait3A_380 = arith.constant 0 : i32
      %dma_wait3A_381 = arith.constant 0 : i32
      %dma_wait3A_382 = tpu.memref_slice %arg9[%run_scoped3A_136, %dma_wait3A_380, %dma_wait3A_381] : memref<2x250x72xf32, #tpu.memory_space<vmem>> -> memref<1x250x72xf32, #tpu.memory_space<vmem>>
      %dma_wait3A_383 = tpu.memref_squeeze %dma_wait3A_382 : memref<1x250x72xf32, #tpu.memory_space<vmem>> -> memref<250x72xf32, #tpu.memory_space<vmem>>
      %dma_wait3A_384 = arith.constant 0 : i32
      %dma_wait3A_385 = arith.constant 0 : i32
      %dma_wait3A_386 = tpu.memref_slice %dma_wait3A_383[%dma_wait3A_384, %dma_wait3A_385] : memref<250x72xf32, #tpu.memory_space<vmem>> -> memref<128x72xf32, #tpu.memory_space<vmem>>
      tpu.wait_dma2 semaphore(%run_scoped3A_334 : memref<!tpu.dma_semaphore, #tpu.memory_space<semaphore_mem>>) src(%dma_wait3A_386 : memref<128x72xf32, #tpu.memory_space<vmem>>) dst(%dma_wait3A_379 : memref<128x72xf32, #tpu.memory_space<hbm>>)
      tpu.yield
    }) : () -> ()
    %mul3A_137 = arith.constant 640 : i32
    %mul3A_138 = arith.muli %arg1, %mul3A_137 : i32
    %add3A_139 = arith.constant 384 : i32
    %add3A_140 = arith.addi %mul3A_138, %add3A_139 : i32
    %run_scoped3A_141 = arith.constant 0 : i32
    "tpu.region"() ({
      %run_scoped3A_334 = tpu.sem_alloc : memref<!tpu.dma_semaphore, #tpu.memory_space<semaphore_mem>>
      %dma_start3A_335 = arith.constant 0 : i32
      %dma_start3A_336 = arith.constant 0 : i32
      %dma_start3A_337 = tpu.memref_slice %arg9[%run_scoped3A_141, %dma_start3A_335, %dma_start3A_336] : memref<2x250x72xf32, #tpu.memory_space<vmem>> -> memref<1x250x72xf32, #tpu.memory_space<vmem>>
      %dma_start3A_338 = tpu.memref_squeeze %dma_start3A_337 : memref<1x250x72xf32, #tpu.memory_space<vmem>> -> memref<250x72xf32, #tpu.memory_space<vmem>>
      %dma_start3A_339 = arith.constant 0 : i32
      %dma_start3A_340 = arith.constant 0 : i32
      %dma_start3A_341 = tpu.memref_slice %dma_start3A_338[%dma_start3A_339, %dma_start3A_340] : memref<250x72xf32, #tpu.memory_space<vmem>> -> memref<128x72xf32, #tpu.memory_space<vmem>>
      %dma_start3A_342 = arith.constant 0 : i32
      %dma_start3A_343 = tpu.memref_slice %arg10[%add3A_140, %dma_start3A_342] : memref<10240x72xf32, #tpu.memory_space<vmem_shared>> -> memref<128x72xf32, #tpu.memory_space<vmem_shared>>
      %dma_start3A_344 = arith.constant 0 : i32
      %dma_start3A_345 = arith.constant 0 : i32
      %dma_start3A_346 = tpu.memref_slice %arg9[%run_scoped3A_141, %dma_start3A_344, %dma_start3A_345] : memref<2x250x72xf32, #tpu.memory_space<vmem>> -> memref<1x250x72xf32, #tpu.memory_space<vmem>>
      %dma_start3A_347 = tpu.memref_squeeze %dma_start3A_346 : memref<1x250x72xf32, #tpu.memory_space<vmem>> -> memref<250x72xf32, #tpu.memory_space<vmem>>
      %dma_start3A_348 = arith.constant 0 : i32
      %dma_start3A_349 = arith.constant 0 : i32
      %dma_start3A_350 = tpu.memref_slice %dma_start3A_347[%dma_start3A_348, %dma_start3A_349] : memref<250x72xf32, #tpu.memory_space<vmem>> -> memref<128x72xf32, #tpu.memory_space<vmem>>
      %dma_start3A_351 = arith.constant 0 : i32
      %dma_start3A_352 = tpu.memref_slice %arg10[%add3A_140, %dma_start3A_351] : memref<10240x72xf32, #tpu.memory_space<vmem_shared>> -> memref<128x72xf32, #tpu.memory_space<vmem_shared>>
      tpu.enqueue_dma source(%dma_start3A_352 : memref<128x72xf32, #tpu.memory_space<vmem_shared>>) target(%dma_start3A_350 : memref<128x72xf32, #tpu.memory_space<vmem>>) target_semaphore(%run_scoped3A_334 : memref<!tpu.dma_semaphore, #tpu.memory_space<semaphore_mem>>)
      %dma_wait3A_353 = arith.constant 0 : i32
      %dma_wait3A_354 = arith.constant 0 : i32
      %dma_wait3A_355 = tpu.memref_slice %arg9[%run_scoped3A_141, %dma_wait3A_353, %dma_wait3A_354] : memref<2x250x72xf32, #tpu.memory_space<vmem>> -> memref<1x250x72xf32, #tpu.memory_space<vmem>>
      %dma_wait3A_356 = tpu.memref_squeeze %dma_wait3A_355 : memref<1x250x72xf32, #tpu.memory_space<vmem>> -> memref<250x72xf32, #tpu.memory_space<vmem>>
      %dma_wait3A_357 = arith.constant 0 : i32
      %dma_wait3A_358 = arith.constant 0 : i32
      %dma_wait3A_359 = tpu.memref_slice %dma_wait3A_356[%dma_wait3A_357, %dma_wait3A_358] : memref<250x72xf32, #tpu.memory_space<vmem>> -> memref<128x72xf32, #tpu.memory_space<vmem>>
      %dma_wait3A_360 = arith.constant 0 : i32
      %dma_wait3A_361 = tpu.memref_slice %arg10[%add3A_140, %dma_wait3A_360] : memref<10240x72xf32, #tpu.memory_space<vmem_shared>> -> memref<128x72xf32, #tpu.memory_space<vmem_shared>>
      %dma_wait3A_362 = arith.constant 0 : i32
      %dma_wait3A_363 = arith.constant 0 : i32
      %dma_wait3A_364 = tpu.memref_slice %arg9[%run_scoped3A_141, %dma_wait3A_362, %dma_wait3A_363] : memref<2x250x72xf32, #tpu.memory_space<vmem>> -> memref<1x250x72xf32, #tpu.memory_space<vmem>>
      %dma_wait3A_365 = tpu.memref_squeeze %dma_wait3A_364 : memref<1x250x72xf32, #tpu.memory_space<vmem>> -> memref<250x72xf32, #tpu.memory_space<vmem>>
      %dma_wait3A_366 = arith.constant 0 : i32
      %dma_wait3A_367 = arith.constant 0 : i32
      %dma_wait3A_368 = tpu.memref_slice %dma_wait3A_365[%dma_wait3A_366, %dma_wait3A_367] : memref<250x72xf32, #tpu.memory_space<vmem>> -> memref<128x72xf32, #tpu.memory_space<vmem>>
      %dma_wait3A_369 = arith.constant 0 : i32
      %dma_wait3A_370 = tpu.memref_slice %arg10[%add3A_140, %dma_wait3A_369] : memref<10240x72xf32, #tpu.memory_space<vmem_shared>> -> memref<128x72xf32, #tpu.memory_space<vmem_shared>>
      tpu.wait_dma2 semaphore(%run_scoped3A_334 : memref<!tpu.dma_semaphore, #tpu.memory_space<semaphore_mem>>) src(%dma_wait3A_370 : memref<128x72xf32, #tpu.memory_space<vmem_shared>>) dst(%dma_wait3A_368 : memref<128x72xf32, #tpu.memory_space<vmem>>)
      tpu.yield
    }) : () -> ()
    %scan3A_142 = arith.constant 0 : i32
    %scan3A_143 = arith.constant 0 : i32
    %scan3A_144 = arith.constant 0 : i32
    %scan3A_145 = arith.constant 128 : i32
    %scan3A_146 = arith.addi %scan3A_144, %scan3A_145 : i32
    %scan3A_147 = arith.constant 1 : i32
    scf.for %scan3A_334 = %scan3A_144 to %scan3A_146 step %scan3A_147  : i32 {
      %get3A = arith.constant 0 : i32
      %get3A_335 = arith.constant 0 : i32
      %get3A_336 = tpu.memref_slice %arg9[%scan3A_143, %get3A, %get3A_335] : memref<2x250x72xf32, #tpu.memory_space<vmem>> -> memref<1x250x72xf32, #tpu.memory_space<vmem>>
      %get3A_337 = tpu.memref_squeeze %get3A_336 : memref<1x250x72xf32, #tpu.memory_space<vmem>> -> memref<250x72xf32, #tpu.memory_space<vmem>>
      %get3A_338 = arith.constant 0 : i32
      %get3A_339 = arith.constant 0 : i32
      %get3A_340 = tpu.memref_slice %get3A_337[%get3A_338, %get3A_339] : memref<250x72xf32, #tpu.memory_space<vmem>> -> memref<128x72xf32, #tpu.memory_space<vmem>>
      %get3A_341 = arith.index_cast %scan3A_334 : i32 to index
      %get3A_342 = arith.constant 56 : index
      %get3A_343 = tpu.vector_load %get3A_340[%get3A_341, %get3A_342] {strides = array<i32>} : memref<128x72xf32, #tpu.memory_space<vmem>>, vector<1x16xf32>,
      %get3A_344 = vector.shape_cast %get3A_343 : vector<1x16xf32> to vector<16xf32>
      %gt3A = arith.constant 0.000000e+00 : f32
      %gt3A_345 = vector.broadcast %gt3A : f32 to vector<16xf32>
      %gt3A_346 = arith.cmpf ogt, %get3A_344, %gt3A_345 : vector<16xf32>
      %div3A = arith.constant 1.000000e+00 : f32
      %div3A_347 = vector.broadcast %div3A : f32 to vector<16xf32>
      %div3A_348 = arith.divf %div3A_347, %get3A_344 : vector<16xf32>
      %jit3A = arith.constant 0.000000e+00 : f32
      %broadcast_in_dim3A_349 = vector.broadcast %jit3A : f32 to vector<16xf32>
      %select_n3A = arith.select %gt3A_346, %div3A_348, %broadcast_in_dim3A_349 : vector<16xi1>, vector<16xf32>
      %slice3A = vector.extract_strided_slice %select_n3A {offsets = [8], sizes = [1], strides = [1]} : vector<16xf32> to vector<1xf32>
      %squeeze3A = vector.extract %slice3A[0] : f32 from vector<1xf32>
      %broadcast_in_dim3A_350 = vector.broadcast %squeeze3A : f32 to vector<16xf32>
      %get3A_351 = arith.constant 0 : i32
      %get3A_352 = arith.constant 0 : i32
      %get3A_353 = tpu.memref_slice %arg9[%scan3A_143, %get3A_351, %get3A_352] : memref<2x250x72xf32, #tpu.memory_space<vmem>> -> memref<1x250x72xf32, #tpu.memory_space<vmem>>
      %get3A_354 = tpu.memref_squeeze %get3A_353 : memref<1x250x72xf32, #tpu.memory_space<vmem>> -> memref<250x72xf32, #tpu.memory_space<vmem>>
      %get3A_355 = arith.constant 0 : i32
      %get3A_356 = arith.constant 0 : i32
      %get3A_357 = tpu.memref_slice %get3A_354[%get3A_355, %get3A_356] : memref<250x72xf32, #tpu.memory_space<vmem>> -> memref<128x72xf32, #tpu.memory_space<vmem>>
      %get3A_358 = arith.index_cast %scan3A_334 : i32 to index
      %get3A_359 = arith.constant 0 : index
      %get3A_360 = tpu.vector_load %get3A_357[%get3A_358, %get3A_359] {strides = array<i32>} : memref<128x72xf32, #tpu.memory_space<vmem>>, vector<1x16xf32>,
      %get3A_361 = vector.shape_cast %get3A_360 : vector<1x16xf32> to vector<16xf32>
      %mul3A_362 = arith.mulf %get3A_361, %broadcast_in_dim3A_350 : vector<16xf32>
      %swap3A = arith.constant 0 : i32
      %swap3A_363 = arith.constant 0 : i32
      %swap3A_364 = tpu.memref_slice %arg9[%scan3A_143, %swap3A, %swap3A_363] : memref<2x250x72xf32, #tpu.memory_space<vmem>> -> memref<1x250x72xf32, #tpu.memory_space<vmem>>
      %swap3A_365 = tpu.memref_squeeze %swap3A_364 : memref<1x250x72xf32, #tpu.memory_space<vmem>> -> memref<250x72xf32, #tpu.memory_space<vmem>>
      %swap3A_366 = arith.constant 0 : i32
      %swap3A_367 = arith.constant 0 : i32
      %swap3A_368 = tpu.memref_slice %swap3A_365[%swap3A_366, %swap3A_367] : memref<250x72xf32, #tpu.memory_space<vmem>> -> memref<128x72xf32, #tpu.memory_space<vmem>>
      %swap3A_369 = arith.index_cast %scan3A_334 : i32 to index
      %swap3A_370 = arith.constant 0 : index
      %swap3A_371 = tpu.vector_load %swap3A_368[%swap3A_369, %swap3A_370] {strides = array<i32>} : memref<128x72xf32, #tpu.memory_space<vmem>>, vector<1x16xf32>,
      %swap3A_372 = vector.shape_cast %swap3A_371 : vector<1x16xf32> to vector<16xf32>
      %swap3A_373 = vector.shape_cast %mul3A_362 : vector<16xf32> to vector<1x16xf32>
      tpu.vector_store %swap3A_368[%swap3A_369, %swap3A_370], %swap3A_373 {strides = array<i32>} : memref<128x72xf32, #tpu.memory_space<vmem>>, vector<1x16xf32>,
      %get3A_374 = arith.constant 0 : i32
      %get3A_375 = arith.constant 0 : i32
      %get3A_376 = tpu.memref_slice %arg9[%scan3A_143, %get3A_374, %get3A_375] : memref<2x250x72xf32, #tpu.memory_space<vmem>> -> memref<1x250x72xf32, #tpu.memory_space<vmem>>
      %get3A_377 = tpu.memref_squeeze %get3A_376 : memref<1x250x72xf32, #tpu.memory_space<vmem>> -> memref<250x72xf32, #tpu.memory_space<vmem>>
      %get3A_378 = arith.constant 0 : i32
      %get3A_379 = arith.constant 0 : i32
      %get3A_380 = tpu.memref_slice %get3A_377[%get3A_378, %get3A_379] : memref<250x72xf32, #tpu.memory_space<vmem>> -> memref<128x72xf32, #tpu.memory_space<vmem>>
      %get3A_381 = arith.index_cast %scan3A_334 : i32 to index
      %get3A_382 = arith.constant 16 : index
      %get3A_383 = tpu.vector_load %get3A_380[%get3A_381, %get3A_382] {strides = array<i32>} : memref<128x72xf32, #tpu.memory_space<vmem>>, vector<1x16xf32>,
      %get3A_384 = vector.shape_cast %get3A_383 : vector<1x16xf32> to vector<16xf32>
      %mul3A_385 = arith.mulf %get3A_384, %broadcast_in_dim3A_350 : vector<16xf32>
      %swap3A_386 = arith.constant 0 : i32
      %swap3A_387 = arith.constant 0 : i32
      %swap3A_388 = tpu.memref_slice %arg9[%scan3A_143, %swap3A_386, %swap3A_387] : memref<2x250x72xf32, #tpu.memory_space<vmem>> -> memref<1x250x72xf32, #tpu.memory_space<vmem>>
      %swap3A_389 = tpu.memref_squeeze %swap3A_388 : memref<1x250x72xf32, #tpu.memory_space<vmem>> -> memref<250x72xf32, #tpu.memory_space<vmem>>
      %swap3A_390 = arith.constant 0 : i32
      %swap3A_391 = arith.constant 0 : i32
      %swap3A_392 = tpu.memref_slice %swap3A_389[%swap3A_390, %swap3A_391] : memref<250x72xf32, #tpu.memory_space<vmem>> -> memref<128x72xf32, #tpu.memory_space<vmem>>
      %swap3A_393 = arith.index_cast %scan3A_334 : i32 to index
      %swap3A_394 = arith.constant 16 : index
      %swap3A_395 = tpu.vector_load %swap3A_392[%swap3A_393, %swap3A_394] {strides = array<i32>} : memref<128x72xf32, #tpu.memory_space<vmem>>, vector<1x16xf32>,
      %swap3A_396 = vector.shape_cast %swap3A_395 : vector<1x16xf32> to vector<16xf32>
      %swap3A_397 = vector.shape_cast %mul3A_385 : vector<16xf32> to vector<1x16xf32>
      tpu.vector_store %swap3A_392[%swap3A_393, %swap3A_394], %swap3A_397 {strides = array<i32>} : memref<128x72xf32, #tpu.memory_space<vmem>>, vector<1x16xf32>,
      %get3A_398 = arith.constant 0 : i32
      %get3A_399 = arith.constant 0 : i32
      %get3A_400 = tpu.memref_slice %arg9[%scan3A_143, %get3A_398, %get3A_399] : memref<2x250x72xf32, #tpu.memory_space<vmem>> -> memref<1x250x72xf32, #tpu.memory_space<vmem>>
      %get3A_401 = tpu.memref_squeeze %get3A_400 : memref<1x250x72xf32, #tpu.memory_space<vmem>> -> memref<250x72xf32, #tpu.memory_space<vmem>>
      %get3A_402 = arith.constant 0 : i32
      %get3A_403 = arith.constant 0 : i32
      %get3A_404 = tpu.memref_slice %get3A_401[%get3A_402, %get3A_403] : memref<250x72xf32, #tpu.memory_space<vmem>> -> memref<128x72xf32, #tpu.memory_space<vmem>>
      %get3A_405 = arith.index_cast %scan3A_334 : i32 to index
      %get3A_406 = arith.constant 32 : index
      %get3A_407 = tpu.vector_load %get3A_404[%get3A_405, %get3A_406] {strides = array<i32>} : memref<128x72xf32, #tpu.memory_space<vmem>>, vector<1x16xf32>,
      %get3A_408 = vector.shape_cast %get3A_407 : vector<1x16xf32> to vector<16xf32>
      %mul3A_409 = arith.mulf %get3A_408, %broadcast_in_dim3A_350 : vector<16xf32>
      %swap3A_410 = arith.constant 0 : i32
      %swap3A_411 = arith.constant 0 : i32
      %swap3A_412 = tpu.memref_slice %arg9[%scan3A_143, %swap3A_410, %swap3A_411] : memref<2x250x72xf32, #tpu.memory_space<vmem>> -> memref<1x250x72xf32, #tpu.memory_space<vmem>>
      %swap3A_413 = tpu.memref_squeeze %swap3A_412 : memref<1x250x72xf32, #tpu.memory_space<vmem>> -> memref<250x72xf32, #tpu.memory_space<vmem>>
      %swap3A_414 = arith.constant 0 : i32
      %swap3A_415 = arith.constant 0 : i32
      %swap3A_416 = tpu.memref_slice %swap3A_413[%swap3A_414, %swap3A_415] : memref<250x72xf32, #tpu.memory_space<vmem>> -> memref<128x72xf32, #tpu.memory_space<vmem>>
      %swap3A_417 = arith.index_cast %scan3A_334 : i32 to index
      %swap3A_418 = arith.constant 32 : index
      %swap3A_419 = tpu.vector_load %swap3A_416[%swap3A_417, %swap3A_418] {strides = array<i32>} : memref<128x72xf32, #tpu.memory_space<vmem>>, vector<1x16xf32>,
      %swap3A_420 = vector.shape_cast %swap3A_419 : vector<1x16xf32> to vector<16xf32>
      %swap3A_421 = vector.shape_cast %mul3A_409 : vector<16xf32> to vector<1x16xf32>
      tpu.vector_store %swap3A_416[%swap3A_417, %swap3A_418], %swap3A_421 {strides = array<i32>} : memref<128x72xf32, #tpu.memory_space<vmem>>, vector<1x16xf32>,
      %get3A_422 = arith.constant 0 : i32
      %get3A_423 = arith.constant 0 : i32
      %get3A_424 = tpu.memref_slice %arg9[%scan3A_143, %get3A_422, %get3A_423] : memref<2x250x72xf32, #tpu.memory_space<vmem>> -> memref<1x250x72xf32, #tpu.memory_space<vmem>>
      %get3A_425 = tpu.memref_squeeze %get3A_424 : memref<1x250x72xf32, #tpu.memory_space<vmem>> -> memref<250x72xf32, #tpu.memory_space<vmem>>
      %get3A_426 = arith.constant 0 : i32
      %get3A_427 = arith.constant 0 : i32
      %get3A_428 = tpu.memref_slice %get3A_425[%get3A_426, %get3A_427] : memref<250x72xf32, #tpu.memory_space<vmem>> -> memref<128x72xf32, #tpu.memory_space<vmem>>
      %get3A_429 = arith.index_cast %scan3A_334 : i32 to index
      %get3A_430 = arith.constant 48 : index
      %get3A_431 = tpu.vector_load %get3A_428[%get3A_429, %get3A_430] {strides = array<i32>} : memref<128x72xf32, #tpu.memory_space<vmem>>, vector<1x16xf32>,
      %get3A_432 = vector.shape_cast %get3A_431 : vector<1x16xf32> to vector<16xf32>
      %mul3A_433 = arith.mulf %get3A_432, %broadcast_in_dim3A_350 : vector<16xf32>
      %swap3A_434 = arith.constant 0 : i32
      %swap3A_435 = arith.constant 0 : i32
      %swap3A_436 = tpu.memref_slice %arg9[%scan3A_143, %swap3A_434, %swap3A_435] : memref<2x250x72xf32, #tpu.memory_space<vmem>> -> memref<1x250x72xf32, #tpu.memory_space<vmem>>
      %swap3A_437 = tpu.memref_squeeze %swap3A_436 : memref<1x250x72xf32, #tpu.memory_space<vmem>> -> memref<250x72xf32, #tpu.memory_space<vmem>>
      %swap3A_438 = arith.constant 0 : i32
      %swap3A_439 = arith.constant 0 : i32
      %swap3A_440 = tpu.memref_slice %swap3A_437[%swap3A_438, %swap3A_439] : memref<250x72xf32, #tpu.memory_space<vmem>> -> memref<128x72xf32, #tpu.memory_space<vmem>>
      %swap3A_441 = arith.index_cast %scan3A_334 : i32 to index
      %swap3A_442 = arith.constant 48 : index
      %swap3A_443 = tpu.vector_load %swap3A_440[%swap3A_441, %swap3A_442] {strides = array<i32>} : memref<128x72xf32, #tpu.memory_space<vmem>>, vector<1x16xf32>,
      %swap3A_444 = vector.shape_cast %swap3A_443 : vector<1x16xf32> to vector<16xf32>
      %swap3A_445 = vector.shape_cast %mul3A_433 : vector<16xf32> to vector<1x16xf32>
      tpu.vector_store %swap3A_440[%swap3A_441, %swap3A_442], %swap3A_445 {strides = array<i32>} : memref<128x72xf32, #tpu.memory_space<vmem>>, vector<1x16xf32>,
      %mul3A_446 = arith.mulf %get3A_344, %broadcast_in_dim3A_350 : vector<16xf32>
      %swap3A_447 = arith.constant 0 : i32
      %swap3A_448 = arith.constant 0 : i32
      %swap3A_449 = tpu.memref_slice %arg9[%scan3A_143, %swap3A_447, %swap3A_448] : memref<2x250x72xf32, #tpu.memory_space<vmem>> -> memref<1x250x72xf32, #tpu.memory_space<vmem>>
      %swap3A_450 = tpu.memref_squeeze %swap3A_449 : memref<1x250x72xf32, #tpu.memory_space<vmem>> -> memref<250x72xf32, #tpu.memory_space<vmem>>
      %swap3A_451 = arith.constant 0 : i32
      %swap3A_452 = arith.constant 0 : i32
      %swap3A_453 = tpu.memref_slice %swap3A_450[%swap3A_451, %swap3A_452] : memref<250x72xf32, #tpu.memory_space<vmem>> -> memref<128x72xf32, #tpu.memory_space<vmem>>
      %swap3A_454 = arith.index_cast %scan3A_334 : i32 to index
      %swap3A_455 = arith.constant 56 : index
      %swap3A_456 = tpu.vector_load %swap3A_453[%swap3A_454, %swap3A_455] {strides = array<i32>} : memref<128x72xf32, #tpu.memory_space<vmem>>, vector<1x16xf32>,
      %swap3A_457 = vector.shape_cast %swap3A_456 : vector<1x16xf32> to vector<16xf32>
      %swap3A_458 = vector.shape_cast %mul3A_446 : vector<16xf32> to vector<1x16xf32>
      tpu.vector_store %swap3A_453[%swap3A_454, %swap3A_455], %swap3A_458 {strides = array<i32>} : memref<128x72xf32, #tpu.memory_space<vmem>>, vector<1x16xf32>,
    }
    %scan3A_148 = arith.constant 128 : i32
    %run_scoped3A_149 = arith.constant 0 : i32
    "tpu.region"() ({
      %run_scoped3A_334 = tpu.sem_alloc : memref<!tpu.dma_semaphore, #tpu.memory_space<semaphore_mem>>
      %dma_start3A_335 = arith.constant 0 : i32
      %dma_start3A_336 = arith.constant 0 : i32
      %dma_start3A_337 = tpu.memref_slice %arg9[%run_scoped3A_149, %dma_start3A_335, %dma_start3A_336] : memref<2x250x72xf32, #tpu.memory_space<vmem>> -> memref<1x250x72xf32, #tpu.memory_space<vmem>>
      %dma_start3A_338 = tpu.memref_squeeze %dma_start3A_337 : memref<1x250x72xf32, #tpu.memory_space<vmem>> -> memref<250x72xf32, #tpu.memory_space<vmem>>
      %dma_start3A_339 = arith.constant 0 : i32
      %dma_start3A_340 = arith.constant 0 : i32
      %dma_start3A_341 = tpu.memref_slice %dma_start3A_338[%dma_start3A_339, %dma_start3A_340] : memref<250x72xf32, #tpu.memory_space<vmem>> -> memref<128x72xf32, #tpu.memory_space<vmem>>
      %dma_start3A_342 = arith.constant 0 : i32
      %dma_start3A_343 = arith.constant 0 : i32
      %dma_start3A_344 = tpu.memref_slice %arg6[%arg0, %dma_start3A_342, %dma_start3A_343] : memref<2x10240x72xf32, #tpu.memory_space<hbm>> -> memref<1x10240x72xf32, #tpu.memory_space<hbm>>
      %dma_start3A_345 = tpu.memref_squeeze %dma_start3A_344 : memref<1x10240x72xf32, #tpu.memory_space<hbm>> -> memref<10240x72xf32, #tpu.memory_space<hbm>>
      %dma_start3A_346 = arith.constant 0 : i32
      %dma_start3A_347 = tpu.memref_slice %dma_start3A_345[%add3A_140, %dma_start3A_346] : memref<10240x72xf32, #tpu.memory_space<hbm>> -> memref<128x72xf32, #tpu.memory_space<hbm>>
      %dma_start3A_348 = arith.constant 0 : i32
      %dma_start3A_349 = arith.constant 0 : i32
      %dma_start3A_350 = tpu.memref_slice %arg6[%arg0, %dma_start3A_348, %dma_start3A_349] : memref<2x10240x72xf32, #tpu.memory_space<hbm>> -> memref<1x10240x72xf32, #tpu.memory_space<hbm>>
      %dma_start3A_351 = tpu.memref_squeeze %dma_start3A_350 : memref<1x10240x72xf32, #tpu.memory_space<hbm>> -> memref<10240x72xf32, #tpu.memory_space<hbm>>
      %dma_start3A_352 = arith.constant 0 : i32
      %dma_start3A_353 = tpu.memref_slice %dma_start3A_351[%add3A_140, %dma_start3A_352] : memref<10240x72xf32, #tpu.memory_space<hbm>> -> memref<128x72xf32, #tpu.memory_space<hbm>>
      %dma_start3A_354 = arith.constant 0 : i32
      %dma_start3A_355 = arith.constant 0 : i32
      %dma_start3A_356 = tpu.memref_slice %arg9[%run_scoped3A_149, %dma_start3A_354, %dma_start3A_355] : memref<2x250x72xf32, #tpu.memory_space<vmem>> -> memref<1x250x72xf32, #tpu.memory_space<vmem>>
      %dma_start3A_357 = tpu.memref_squeeze %dma_start3A_356 : memref<1x250x72xf32, #tpu.memory_space<vmem>> -> memref<250x72xf32, #tpu.memory_space<vmem>>
      %dma_start3A_358 = arith.constant 0 : i32
      %dma_start3A_359 = arith.constant 0 : i32
      %dma_start3A_360 = tpu.memref_slice %dma_start3A_357[%dma_start3A_358, %dma_start3A_359] : memref<250x72xf32, #tpu.memory_space<vmem>> -> memref<128x72xf32, #tpu.memory_space<vmem>>
      tpu.enqueue_dma source(%dma_start3A_360 : memref<128x72xf32, #tpu.memory_space<vmem>>) target(%dma_start3A_353 : memref<128x72xf32, #tpu.memory_space<hbm>>) target_semaphore(%run_scoped3A_334 : memref<!tpu.dma_semaphore, #tpu.memory_space<semaphore_mem>>)
      %dma_wait3A_361 = arith.constant 0 : i32
      %dma_wait3A_362 = arith.constant 0 : i32
      %dma_wait3A_363 = tpu.memref_slice %arg9[%run_scoped3A_149, %dma_wait3A_361, %dma_wait3A_362] : memref<2x250x72xf32, #tpu.memory_space<vmem>> -> memref<1x250x72xf32, #tpu.memory_space<vmem>>
      %dma_wait3A_364 = tpu.memref_squeeze %dma_wait3A_363 : memref<1x250x72xf32, #tpu.memory_space<vmem>> -> memref<250x72xf32, #tpu.memory_space<vmem>>
      %dma_wait3A_365 = arith.constant 0 : i32
      %dma_wait3A_366 = arith.constant 0 : i32
      %dma_wait3A_367 = tpu.memref_slice %dma_wait3A_364[%dma_wait3A_365, %dma_wait3A_366] : memref<250x72xf32, #tpu.memory_space<vmem>> -> memref<128x72xf32, #tpu.memory_space<vmem>>
      %dma_wait3A_368 = arith.constant 0 : i32
      %dma_wait3A_369 = arith.constant 0 : i32
      %dma_wait3A_370 = tpu.memref_slice %arg6[%arg0, %dma_wait3A_368, %dma_wait3A_369] : memref<2x10240x72xf32, #tpu.memory_space<hbm>> -> memref<1x10240x72xf32, #tpu.memory_space<hbm>>
      %dma_wait3A_371 = tpu.memref_squeeze %dma_wait3A_370 : memref<1x10240x72xf32, #tpu.memory_space<hbm>> -> memref<10240x72xf32, #tpu.memory_space<hbm>>
      %dma_wait3A_372 = arith.constant 0 : i32
      %dma_wait3A_373 = tpu.memref_slice %dma_wait3A_371[%add3A_140, %dma_wait3A_372] : memref<10240x72xf32, #tpu.memory_space<hbm>> -> memref<128x72xf32, #tpu.memory_space<hbm>>
      %dma_wait3A_374 = arith.constant 0 : i32
      %dma_wait3A_375 = arith.constant 0 : i32
      %dma_wait3A_376 = tpu.memref_slice %arg6[%arg0, %dma_wait3A_374, %dma_wait3A_375] : memref<2x10240x72xf32, #tpu.memory_space<hbm>> -> memref<1x10240x72xf32, #tpu.memory_space<hbm>>
      %dma_wait3A_377 = tpu.memref_squeeze %dma_wait3A_376 : memref<1x10240x72xf32, #tpu.memory_space<hbm>> -> memref<10240x72xf32, #tpu.memory_space<hbm>>
      %dma_wait3A_378 = arith.constant 0 : i32
      %dma_wait3A_379 = tpu.memref_slice %dma_wait3A_377[%add3A_140, %dma_wait3A_378] : memref<10240x72xf32, #tpu.memory_space<hbm>> -> memref<128x72xf32, #tpu.memory_space<hbm>>
      %dma_wait3A_380 = arith.constant 0 : i32
      %dma_wait3A_381 = arith.constant 0 : i32
      %dma_wait3A_382 = tpu.memref_slice %arg9[%run_scoped3A_149, %dma_wait3A_380, %dma_wait3A_381] : memref<2x250x72xf32, #tpu.memory_space<vmem>> -> memref<1x250x72xf32, #tpu.memory_space<vmem>>
      %dma_wait3A_383 = tpu.memref_squeeze %dma_wait3A_382 : memref<1x250x72xf32, #tpu.memory_space<vmem>> -> memref<250x72xf32, #tpu.memory_space<vmem>>
      %dma_wait3A_384 = arith.constant 0 : i32
      %dma_wait3A_385 = arith.constant 0 : i32
      %dma_wait3A_386 = tpu.memref_slice %dma_wait3A_383[%dma_wait3A_384, %dma_wait3A_385] : memref<250x72xf32, #tpu.memory_space<vmem>> -> memref<128x72xf32, #tpu.memory_space<vmem>>
      tpu.wait_dma2 semaphore(%run_scoped3A_334 : memref<!tpu.dma_semaphore, #tpu.memory_space<semaphore_mem>>) src(%dma_wait3A_386 : memref<128x72xf32, #tpu.memory_space<vmem>>) dst(%dma_wait3A_379 : memref<128x72xf32, #tpu.memory_space<hbm>>)
      tpu.yield
    }) : () -> ()
    %mul3A_150 = arith.constant 640 : i32
    %mul3A_151 = arith.muli %arg1, %mul3A_150 : i32
    %add3A_152 = arith.constant 512 : i32
    %add3A_153 = arith.addi %mul3A_151, %add3A_152 : i32
    %run_scoped3A_154 = arith.constant 0 : i32
    "tpu.region"() ({
      %run_scoped3A_334 = tpu.sem_alloc : memref<!tpu.dma_semaphore, #tpu.memory_space<semaphore_mem>>
      %dma_start3A_335 = arith.constant 0 : i32
      %dma_start3A_336 = arith.constant 0 : i32
      %dma_start3A_337 = tpu.memref_slice %arg9[%run_scoped3A_154, %dma_start3A_335, %dma_start3A_336] : memref<2x250x72xf32, #tpu.memory_space<vmem>> -> memref<1x250x72xf32, #tpu.memory_space<vmem>>
      %dma_start3A_338 = tpu.memref_squeeze %dma_start3A_337 : memref<1x250x72xf32, #tpu.memory_space<vmem>> -> memref<250x72xf32, #tpu.memory_space<vmem>>
      %dma_start3A_339 = arith.constant 0 : i32
      %dma_start3A_340 = arith.constant 0 : i32
      %dma_start3A_341 = tpu.memref_slice %dma_start3A_338[%dma_start3A_339, %dma_start3A_340] : memref<250x72xf32, #tpu.memory_space<vmem>> -> memref<128x72xf32, #tpu.memory_space<vmem>>
      %dma_start3A_342 = arith.constant 0 : i32
      %dma_start3A_343 = tpu.memref_slice %arg10[%add3A_153, %dma_start3A_342] : memref<10240x72xf32, #tpu.memory_space<vmem_shared>> -> memref<128x72xf32, #tpu.memory_space<vmem_shared>>
      %dma_start3A_344 = arith.constant 0 : i32
      %dma_start3A_345 = arith.constant 0 : i32
      %dma_start3A_346 = tpu.memref_slice %arg9[%run_scoped3A_154, %dma_start3A_344, %dma_start3A_345] : memref<2x250x72xf32, #tpu.memory_space<vmem>> -> memref<1x250x72xf32, #tpu.memory_space<vmem>>
      %dma_start3A_347 = tpu.memref_squeeze %dma_start3A_346 : memref<1x250x72xf32, #tpu.memory_space<vmem>> -> memref<250x72xf32, #tpu.memory_space<vmem>>
      %dma_start3A_348 = arith.constant 0 : i32
      %dma_start3A_349 = arith.constant 0 : i32
      %dma_start3A_350 = tpu.memref_slice %dma_start3A_347[%dma_start3A_348, %dma_start3A_349] : memref<250x72xf32, #tpu.memory_space<vmem>> -> memref<128x72xf32, #tpu.memory_space<vmem>>
      %dma_start3A_351 = arith.constant 0 : i32
      %dma_start3A_352 = tpu.memref_slice %arg10[%add3A_153, %dma_start3A_351] : memref<10240x72xf32, #tpu.memory_space<vmem_shared>> -> memref<128x72xf32, #tpu.memory_space<vmem_shared>>
      tpu.enqueue_dma source(%dma_start3A_352 : memref<128x72xf32, #tpu.memory_space<vmem_shared>>) target(%dma_start3A_350 : memref<128x72xf32, #tpu.memory_space<vmem>>) target_semaphore(%run_scoped3A_334 : memref<!tpu.dma_semaphore, #tpu.memory_space<semaphore_mem>>)
      %dma_wait3A_353 = arith.constant 0 : i32
      %dma_wait3A_354 = arith.constant 0 : i32
      %dma_wait3A_355 = tpu.memref_slice %arg9[%run_scoped3A_154, %dma_wait3A_353, %dma_wait3A_354] : memref<2x250x72xf32, #tpu.memory_space<vmem>> -> memref<1x250x72xf32, #tpu.memory_space<vmem>>
      %dma_wait3A_356 = tpu.memref_squeeze %dma_wait3A_355 : memref<1x250x72xf32, #tpu.memory_space<vmem>> -> memref<250x72xf32, #tpu.memory_space<vmem>>
      %dma_wait3A_357 = arith.constant 0 : i32
      %dma_wait3A_358 = arith.constant 0 : i32
      %dma_wait3A_359 = tpu.memref_slice %dma_wait3A_356[%dma_wait3A_357, %dma_wait3A_358] : memref<250x72xf32, #tpu.memory_space<vmem>> -> memref<128x72xf32, #tpu.memory_space<vmem>>
      %dma_wait3A_360 = arith.constant 0 : i32
      %dma_wait3A_361 = tpu.memref_slice %arg10[%add3A_153, %dma_wait3A_360] : memref<10240x72xf32, #tpu.memory_space<vmem_shared>> -> memref<128x72xf32, #tpu.memory_space<vmem_shared>>
      %dma_wait3A_362 = arith.constant 0 : i32
      %dma_wait3A_363 = arith.constant 0 : i32
      %dma_wait3A_364 = tpu.memref_slice %arg9[%run_scoped3A_154, %dma_wait3A_362, %dma_wait3A_363] : memref<2x250x72xf32, #tpu.memory_space<vmem>> -> memref<1x250x72xf32, #tpu.memory_space<vmem>>
      %dma_wait3A_365 = tpu.memref_squeeze %dma_wait3A_364 : memref<1x250x72xf32, #tpu.memory_space<vmem>> -> memref<250x72xf32, #tpu.memory_space<vmem>>
      %dma_wait3A_366 = arith.constant 0 : i32
      %dma_wait3A_367 = arith.constant 0 : i32
      %dma_wait3A_368 = tpu.memref_slice %dma_wait3A_365[%dma_wait3A_366, %dma_wait3A_367] : memref<250x72xf32, #tpu.memory_space<vmem>> -> memref<128x72xf32, #tpu.memory_space<vmem>>
      %dma_wait3A_369 = arith.constant 0 : i32
      %dma_wait3A_370 = tpu.memref_slice %arg10[%add3A_153, %dma_wait3A_369] : memref<10240x72xf32, #tpu.memory_space<vmem_shared>> -> memref<128x72xf32, #tpu.memory_space<vmem_shared>>
      tpu.wait_dma2 semaphore(%run_scoped3A_334 : memref<!tpu.dma_semaphore, #tpu.memory_space<semaphore_mem>>) src(%dma_wait3A_370 : memref<128x72xf32, #tpu.memory_space<vmem_shared>>) dst(%dma_wait3A_368 : memref<128x72xf32, #tpu.memory_space<vmem>>)
      tpu.yield
    }) : () -> ()
    %scan3A_155 = arith.constant 0 : i32
    %scan3A_156 = arith.constant 0 : i32
    %scan3A_157 = arith.constant 0 : i32
    %scan3A_158 = arith.constant 128 : i32
    %scan3A_159 = arith.addi %scan3A_157, %scan3A_158 : i32
    %scan3A_160 = arith.constant 1 : i32
    scf.for %scan3A_334 = %scan3A_157 to %scan3A_159 step %scan3A_160  : i32 {
      %get3A = arith.constant 0 : i32
      %get3A_335 = arith.constant 0 : i32
      %get3A_336 = tpu.memref_slice %arg9[%scan3A_156, %get3A, %get3A_335] : memref<2x250x72xf32, #tpu.memory_space<vmem>> -> memref<1x250x72xf32, #tpu.memory_space<vmem>>
      %get3A_337 = tpu.memref_squeeze %get3A_336 : memref<1x250x72xf32, #tpu.memory_space<vmem>> -> memref<250x72xf32, #tpu.memory_space<vmem>>
      %get3A_338 = arith.constant 0 : i32
      %get3A_339 = arith.constant 0 : i32
      %get3A_340 = tpu.memref_slice %get3A_337[%get3A_338, %get3A_339] : memref<250x72xf32, #tpu.memory_space<vmem>> -> memref<128x72xf32, #tpu.memory_space<vmem>>
      %get3A_341 = arith.index_cast %scan3A_334 : i32 to index
      %get3A_342 = arith.constant 56 : index
      %get3A_343 = tpu.vector_load %get3A_340[%get3A_341, %get3A_342] {strides = array<i32>} : memref<128x72xf32, #tpu.memory_space<vmem>>, vector<1x16xf32>,
      %get3A_344 = vector.shape_cast %get3A_343 : vector<1x16xf32> to vector<16xf32>
      %gt3A = arith.constant 0.000000e+00 : f32
      %gt3A_345 = vector.broadcast %gt3A : f32 to vector<16xf32>
      %gt3A_346 = arith.cmpf ogt, %get3A_344, %gt3A_345 : vector<16xf32>
      %div3A = arith.constant 1.000000e+00 : f32
      %div3A_347 = vector.broadcast %div3A : f32 to vector<16xf32>
      %div3A_348 = arith.divf %div3A_347, %get3A_344 : vector<16xf32>
      %jit3A = arith.constant 0.000000e+00 : f32
      %broadcast_in_dim3A_349 = vector.broadcast %jit3A : f32 to vector<16xf32>
      %select_n3A = arith.select %gt3A_346, %div3A_348, %broadcast_in_dim3A_349 : vector<16xi1>, vector<16xf32>
      %slice3A = vector.extract_strided_slice %select_n3A {offsets = [8], sizes = [1], strides = [1]} : vector<16xf32> to vector<1xf32>
      %squeeze3A = vector.extract %slice3A[0] : f32 from vector<1xf32>
      %broadcast_in_dim3A_350 = vector.broadcast %squeeze3A : f32 to vector<16xf32>
      %get3A_351 = arith.constant 0 : i32
      %get3A_352 = arith.constant 0 : i32
      %get3A_353 = tpu.memref_slice %arg9[%scan3A_156, %get3A_351, %get3A_352] : memref<2x250x72xf32, #tpu.memory_space<vmem>> -> memref<1x250x72xf32, #tpu.memory_space<vmem>>
      %get3A_354 = tpu.memref_squeeze %get3A_353 : memref<1x250x72xf32, #tpu.memory_space<vmem>> -> memref<250x72xf32, #tpu.memory_space<vmem>>
      %get3A_355 = arith.constant 0 : i32
      %get3A_356 = arith.constant 0 : i32
      %get3A_357 = tpu.memref_slice %get3A_354[%get3A_355, %get3A_356] : memref<250x72xf32, #tpu.memory_space<vmem>> -> memref<128x72xf32, #tpu.memory_space<vmem>>
      %get3A_358 = arith.index_cast %scan3A_334 : i32 to index
      %get3A_359 = arith.constant 0 : index
      %get3A_360 = tpu.vector_load %get3A_357[%get3A_358, %get3A_359] {strides = array<i32>} : memref<128x72xf32, #tpu.memory_space<vmem>>, vector<1x16xf32>,
      %get3A_361 = vector.shape_cast %get3A_360 : vector<1x16xf32> to vector<16xf32>
      %mul3A_362 = arith.mulf %get3A_361, %broadcast_in_dim3A_350 : vector<16xf32>
      %swap3A = arith.constant 0 : i32
      %swap3A_363 = arith.constant 0 : i32
      %swap3A_364 = tpu.memref_slice %arg9[%scan3A_156, %swap3A, %swap3A_363] : memref<2x250x72xf32, #tpu.memory_space<vmem>> -> memref<1x250x72xf32, #tpu.memory_space<vmem>>
      %swap3A_365 = tpu.memref_squeeze %swap3A_364 : memref<1x250x72xf32, #tpu.memory_space<vmem>> -> memref<250x72xf32, #tpu.memory_space<vmem>>
      %swap3A_366 = arith.constant 0 : i32
      %swap3A_367 = arith.constant 0 : i32
      %swap3A_368 = tpu.memref_slice %swap3A_365[%swap3A_366, %swap3A_367] : memref<250x72xf32, #tpu.memory_space<vmem>> -> memref<128x72xf32, #tpu.memory_space<vmem>>
      %swap3A_369 = arith.index_cast %scan3A_334 : i32 to index
      %swap3A_370 = arith.constant 0 : index
      %swap3A_371 = tpu.vector_load %swap3A_368[%swap3A_369, %swap3A_370] {strides = array<i32>} : memref<128x72xf32, #tpu.memory_space<vmem>>, vector<1x16xf32>,
      %swap3A_372 = vector.shape_cast %swap3A_371 : vector<1x16xf32> to vector<16xf32>
      %swap3A_373 = vector.shape_cast %mul3A_362 : vector<16xf32> to vector<1x16xf32>
      tpu.vector_store %swap3A_368[%swap3A_369, %swap3A_370], %swap3A_373 {strides = array<i32>} : memref<128x72xf32, #tpu.memory_space<vmem>>, vector<1x16xf32>,
      %get3A_374 = arith.constant 0 : i32
      %get3A_375 = arith.constant 0 : i32
      %get3A_376 = tpu.memref_slice %arg9[%scan3A_156, %get3A_374, %get3A_375] : memref<2x250x72xf32, #tpu.memory_space<vmem>> -> memref<1x250x72xf32, #tpu.memory_space<vmem>>
      %get3A_377 = tpu.memref_squeeze %get3A_376 : memref<1x250x72xf32, #tpu.memory_space<vmem>> -> memref<250x72xf32, #tpu.memory_space<vmem>>
      %get3A_378 = arith.constant 0 : i32
      %get3A_379 = arith.constant 0 : i32
      %get3A_380 = tpu.memref_slice %get3A_377[%get3A_378, %get3A_379] : memref<250x72xf32, #tpu.memory_space<vmem>> -> memref<128x72xf32, #tpu.memory_space<vmem>>
      %get3A_381 = arith.index_cast %scan3A_334 : i32 to index
      %get3A_382 = arith.constant 16 : index
      %get3A_383 = tpu.vector_load %get3A_380[%get3A_381, %get3A_382] {strides = array<i32>} : memref<128x72xf32, #tpu.memory_space<vmem>>, vector<1x16xf32>,
      %get3A_384 = vector.shape_cast %get3A_383 : vector<1x16xf32> to vector<16xf32>
      %mul3A_385 = arith.mulf %get3A_384, %broadcast_in_dim3A_350 : vector<16xf32>
      %swap3A_386 = arith.constant 0 : i32
      %swap3A_387 = arith.constant 0 : i32
      %swap3A_388 = tpu.memref_slice %arg9[%scan3A_156, %swap3A_386, %swap3A_387] : memref<2x250x72xf32, #tpu.memory_space<vmem>> -> memref<1x250x72xf32, #tpu.memory_space<vmem>>
      %swap3A_389 = tpu.memref_squeeze %swap3A_388 : memref<1x250x72xf32, #tpu.memory_space<vmem>> -> memref<250x72xf32, #tpu.memory_space<vmem>>
      %swap3A_390 = arith.constant 0 : i32
      %swap3A_391 = arith.constant 0 : i32
      %swap3A_392 = tpu.memref_slice %swap3A_389[%swap3A_390, %swap3A_391] : memref<250x72xf32, #tpu.memory_space<vmem>> -> memref<128x72xf32, #tpu.memory_space<vmem>>
      %swap3A_393 = arith.index_cast %scan3A_334 : i32 to index
      %swap3A_394 = arith.constant 16 : index
      %swap3A_395 = tpu.vector_load %swap3A_392[%swap3A_393, %swap3A_394] {strides = array<i32>} : memref<128x72xf32, #tpu.memory_space<vmem>>, vector<1x16xf32>,
      %swap3A_396 = vector.shape_cast %swap3A_395 : vector<1x16xf32> to vector<16xf32>
      %swap3A_397 = vector.shape_cast %mul3A_385 : vector<16xf32> to vector<1x16xf32>
      tpu.vector_store %swap3A_392[%swap3A_393, %swap3A_394], %swap3A_397 {strides = array<i32>} : memref<128x72xf32, #tpu.memory_space<vmem>>, vector<1x16xf32>,
      %get3A_398 = arith.constant 0 : i32
      %get3A_399 = arith.constant 0 : i32
      %get3A_400 = tpu.memref_slice %arg9[%scan3A_156, %get3A_398, %get3A_399] : memref<2x250x72xf32, #tpu.memory_space<vmem>> -> memref<1x250x72xf32, #tpu.memory_space<vmem>>
      %get3A_401 = tpu.memref_squeeze %get3A_400 : memref<1x250x72xf32, #tpu.memory_space<vmem>> -> memref<250x72xf32, #tpu.memory_space<vmem>>
      %get3A_402 = arith.constant 0 : i32
      %get3A_403 = arith.constant 0 : i32
      %get3A_404 = tpu.memref_slice %get3A_401[%get3A_402, %get3A_403] : memref<250x72xf32, #tpu.memory_space<vmem>> -> memref<128x72xf32, #tpu.memory_space<vmem>>
      %get3A_405 = arith.index_cast %scan3A_334 : i32 to index
      %get3A_406 = arith.constant 32 : index
      %get3A_407 = tpu.vector_load %get3A_404[%get3A_405, %get3A_406] {strides = array<i32>} : memref<128x72xf32, #tpu.memory_space<vmem>>, vector<1x16xf32>,
      %get3A_408 = vector.shape_cast %get3A_407 : vector<1x16xf32> to vector<16xf32>
      %mul3A_409 = arith.mulf %get3A_408, %broadcast_in_dim3A_350 : vector<16xf32>
      %swap3A_410 = arith.constant 0 : i32
      %swap3A_411 = arith.constant 0 : i32
      %swap3A_412 = tpu.memref_slice %arg9[%scan3A_156, %swap3A_410, %swap3A_411] : memref<2x250x72xf32, #tpu.memory_space<vmem>> -> memref<1x250x72xf32, #tpu.memory_space<vmem>>
      %swap3A_413 = tpu.memref_squeeze %swap3A_412 : memref<1x250x72xf32, #tpu.memory_space<vmem>> -> memref<250x72xf32, #tpu.memory_space<vmem>>
      %swap3A_414 = arith.constant 0 : i32
      %swap3A_415 = arith.constant 0 : i32
      %swap3A_416 = tpu.memref_slice %swap3A_413[%swap3A_414, %swap3A_415] : memref<250x72xf32, #tpu.memory_space<vmem>> -> memref<128x72xf32, #tpu.memory_space<vmem>>
      %swap3A_417 = arith.index_cast %scan3A_334 : i32 to index
      %swap3A_418 = arith.constant 32 : index
      %swap3A_419 = tpu.vector_load %swap3A_416[%swap3A_417, %swap3A_418] {strides = array<i32>} : memref<128x72xf32, #tpu.memory_space<vmem>>, vector<1x16xf32>,
      %swap3A_420 = vector.shape_cast %swap3A_419 : vector<1x16xf32> to vector<16xf32>
      %swap3A_421 = vector.shape_cast %mul3A_409 : vector<16xf32> to vector<1x16xf32>
      tpu.vector_store %swap3A_416[%swap3A_417, %swap3A_418], %swap3A_421 {strides = array<i32>} : memref<128x72xf32, #tpu.memory_space<vmem>>, vector<1x16xf32>,
      %get3A_422 = arith.constant 0 : i32
      %get3A_423 = arith.constant 0 : i32
      %get3A_424 = tpu.memref_slice %arg9[%scan3A_156, %get3A_422, %get3A_423] : memref<2x250x72xf32, #tpu.memory_space<vmem>> -> memref<1x250x72xf32, #tpu.memory_space<vmem>>
      %get3A_425 = tpu.memref_squeeze %get3A_424 : memref<1x250x72xf32, #tpu.memory_space<vmem>> -> memref<250x72xf32, #tpu.memory_space<vmem>>
      %get3A_426 = arith.constant 0 : i32
      %get3A_427 = arith.constant 0 : i32
      %get3A_428 = tpu.memref_slice %get3A_425[%get3A_426, %get3A_427] : memref<250x72xf32, #tpu.memory_space<vmem>> -> memref<128x72xf32, #tpu.memory_space<vmem>>
      %get3A_429 = arith.index_cast %scan3A_334 : i32 to index
      %get3A_430 = arith.constant 48 : index
      %get3A_431 = tpu.vector_load %get3A_428[%get3A_429, %get3A_430] {strides = array<i32>} : memref<128x72xf32, #tpu.memory_space<vmem>>, vector<1x16xf32>,
      %get3A_432 = vector.shape_cast %get3A_431 : vector<1x16xf32> to vector<16xf32>
      %mul3A_433 = arith.mulf %get3A_432, %broadcast_in_dim3A_350 : vector<16xf32>
      %swap3A_434 = arith.constant 0 : i32
      %swap3A_435 = arith.constant 0 : i32
      %swap3A_436 = tpu.memref_slice %arg9[%scan3A_156, %swap3A_434, %swap3A_435] : memref<2x250x72xf32, #tpu.memory_space<vmem>> -> memref<1x250x72xf32, #tpu.memory_space<vmem>>
      %swap3A_437 = tpu.memref_squeeze %swap3A_436 : memref<1x250x72xf32, #tpu.memory_space<vmem>> -> memref<250x72xf32, #tpu.memory_space<vmem>>
      %swap3A_438 = arith.constant 0 : i32
      %swap3A_439 = arith.constant 0 : i32
      %swap3A_440 = tpu.memref_slice %swap3A_437[%swap3A_438, %swap3A_439] : memref<250x72xf32, #tpu.memory_space<vmem>> -> memref<128x72xf32, #tpu.memory_space<vmem>>
      %swap3A_441 = arith.index_cast %scan3A_334 : i32 to index
      %swap3A_442 = arith.constant 48 : index
      %swap3A_443 = tpu.vector_load %swap3A_440[%swap3A_441, %swap3A_442] {strides = array<i32>} : memref<128x72xf32, #tpu.memory_space<vmem>>, vector<1x16xf32>,
      %swap3A_444 = vector.shape_cast %swap3A_443 : vector<1x16xf32> to vector<16xf32>
      %swap3A_445 = vector.shape_cast %mul3A_433 : vector<16xf32> to vector<1x16xf32>
      tpu.vector_store %swap3A_440[%swap3A_441, %swap3A_442], %swap3A_445 {strides = array<i32>} : memref<128x72xf32, #tpu.memory_space<vmem>>, vector<1x16xf32>,
      %mul3A_446 = arith.mulf %get3A_344, %broadcast_in_dim3A_350 : vector<16xf32>
      %swap3A_447 = arith.constant 0 : i32
      %swap3A_448 = arith.constant 0 : i32
      %swap3A_449 = tpu.memref_slice %arg9[%scan3A_156, %swap3A_447, %swap3A_448] : memref<2x250x72xf32, #tpu.memory_space<vmem>> -> memref<1x250x72xf32, #tpu.memory_space<vmem>>
      %swap3A_450 = tpu.memref_squeeze %swap3A_449 : memref<1x250x72xf32, #tpu.memory_space<vmem>> -> memref<250x72xf32, #tpu.memory_space<vmem>>
      %swap3A_451 = arith.constant 0 : i32
      %swap3A_452 = arith.constant 0 : i32
      %swap3A_453 = tpu.memref_slice %swap3A_450[%swap3A_451, %swap3A_452] : memref<250x72xf32, #tpu.memory_space<vmem>> -> memref<128x72xf32, #tpu.memory_space<vmem>>
      %swap3A_454 = arith.index_cast %scan3A_334 : i32 to index
      %swap3A_455 = arith.constant 56 : index
      %swap3A_456 = tpu.vector_load %swap3A_453[%swap3A_454, %swap3A_455] {strides = array<i32>} : memref<128x72xf32, #tpu.memory_space<vmem>>, vector<1x16xf32>,
      %swap3A_457 = vector.shape_cast %swap3A_456 : vector<1x16xf32> to vector<16xf32>
      %swap3A_458 = vector.shape_cast %mul3A_446 : vector<16xf32> to vector<1x16xf32>
      tpu.vector_store %swap3A_453[%swap3A_454, %swap3A_455], %swap3A_458 {strides = array<i32>} : memref<128x72xf32, #tpu.memory_space<vmem>>, vector<1x16xf32>,
    }
    %scan3A_161 = arith.constant 128 : i32
    %run_scoped3A_162 = arith.constant 0 : i32
    "tpu.region"() ({
      %run_scoped3A_334 = tpu.sem_alloc : memref<!tpu.dma_semaphore, #tpu.memory_space<semaphore_mem>>
      %dma_start3A_335 = arith.constant 0 : i32
      %dma_start3A_336 = arith.constant 0 : i32
      %dma_start3A_337 = tpu.memref_slice %arg9[%run_scoped3A_162, %dma_start3A_335, %dma_start3A_336] : memref<2x250x72xf32, #tpu.memory_space<vmem>> -> memref<1x250x72xf32, #tpu.memory_space<vmem>>
      %dma_start3A_338 = tpu.memref_squeeze %dma_start3A_337 : memref<1x250x72xf32, #tpu.memory_space<vmem>> -> memref<250x72xf32, #tpu.memory_space<vmem>>
      %dma_start3A_339 = arith.constant 0 : i32
      %dma_start3A_340 = arith.constant 0 : i32
      %dma_start3A_341 = tpu.memref_slice %dma_start3A_338[%dma_start3A_339, %dma_start3A_340] : memref<250x72xf32, #tpu.memory_space<vmem>> -> memref<128x72xf32, #tpu.memory_space<vmem>>
      %dma_start3A_342 = arith.constant 0 : i32
      %dma_start3A_343 = arith.constant 0 : i32
      %dma_start3A_344 = tpu.memref_slice %arg6[%arg0, %dma_start3A_342, %dma_start3A_343] : memref<2x10240x72xf32, #tpu.memory_space<hbm>> -> memref<1x10240x72xf32, #tpu.memory_space<hbm>>
      %dma_start3A_345 = tpu.memref_squeeze %dma_start3A_344 : memref<1x10240x72xf32, #tpu.memory_space<hbm>> -> memref<10240x72xf32, #tpu.memory_space<hbm>>
      %dma_start3A_346 = arith.constant 0 : i32
      %dma_start3A_347 = tpu.memref_slice %dma_start3A_345[%add3A_153, %dma_start3A_346] : memref<10240x72xf32, #tpu.memory_space<hbm>> -> memref<128x72xf32, #tpu.memory_space<hbm>>
      %dma_start3A_348 = arith.constant 0 : i32
      %dma_start3A_349 = arith.constant 0 : i32
      %dma_start3A_350 = tpu.memref_slice %arg6[%arg0, %dma_start3A_348, %dma_start3A_349] : memref<2x10240x72xf32, #tpu.memory_space<hbm>> -> memref<1x10240x72xf32, #tpu.memory_space<hbm>>
      %dma_start3A_351 = tpu.memref_squeeze %dma_start3A_350 : memref<1x10240x72xf32, #tpu.memory_space<hbm>> -> memref<10240x72xf32, #tpu.memory_space<hbm>>
      %dma_start3A_352 = arith.constant 0 : i32
      %dma_start3A_353 = tpu.memref_slice %dma_start3A_351[%add3A_153, %dma_start3A_352] : memref<10240x72xf32, #tpu.memory_space<hbm>> -> memref<128x72xf32, #tpu.memory_space<hbm>>
      %dma_start3A_354 = arith.constant 0 : i32
      %dma_start3A_355 = arith.constant 0 : i32
      %dma_start3A_356 = tpu.memref_slice %arg9[%run_scoped3A_162, %dma_start3A_354, %dma_start3A_355] : memref<2x250x72xf32, #tpu.memory_space<vmem>> -> memref<1x250x72xf32, #tpu.memory_space<vmem>>
      %dma_start3A_357 = tpu.memref_squeeze %dma_start3A_356 : memref<1x250x72xf32, #tpu.memory_space<vmem>> -> memref<250x72xf32, #tpu.memory_space<vmem>>
      %dma_start3A_358 = arith.constant 0 : i32
      %dma_start3A_359 = arith.constant 0 : i32
      %dma_start3A_360 = tpu.memref_slice %dma_start3A_357[%dma_start3A_358, %dma_start3A_359] : memref<250x72xf32, #tpu.memory_space<vmem>> -> memref<128x72xf32, #tpu.memory_space<vmem>>
      tpu.enqueue_dma source(%dma_start3A_360 : memref<128x72xf32, #tpu.memory_space<vmem>>) target(%dma_start3A_353 : memref<128x72xf32, #tpu.memory_space<hbm>>) target_semaphore(%run_scoped3A_334 : memref<!tpu.dma_semaphore, #tpu.memory_space<semaphore_mem>>)
      %dma_wait3A_361 = arith.constant 0 : i32
      %dma_wait3A_362 = arith.constant 0 : i32
      %dma_wait3A_363 = tpu.memref_slice %arg9[%run_scoped3A_162, %dma_wait3A_361, %dma_wait3A_362] : memref<2x250x72xf32, #tpu.memory_space<vmem>> -> memref<1x250x72xf32, #tpu.memory_space<vmem>>
      %dma_wait3A_364 = tpu.memref_squeeze %dma_wait3A_363 : memref<1x250x72xf32, #tpu.memory_space<vmem>> -> memref<250x72xf32, #tpu.memory_space<vmem>>
      %dma_wait3A_365 = arith.constant 0 : i32
      %dma_wait3A_366 = arith.constant 0 : i32
      %dma_wait3A_367 = tpu.memref_slice %dma_wait3A_364[%dma_wait3A_365, %dma_wait3A_366] : memref<250x72xf32, #tpu.memory_space<vmem>> -> memref<128x72xf32, #tpu.memory_space<vmem>>
      %dma_wait3A_368 = arith.constant 0 : i32
      %dma_wait3A_369 = arith.constant 0 : i32
      %dma_wait3A_370 = tpu.memref_slice %arg6[%arg0, %dma_wait3A_368, %dma_wait3A_369] : memref<2x10240x72xf32, #tpu.memory_space<hbm>> -> memref<1x10240x72xf32, #tpu.memory_space<hbm>>
      %dma_wait3A_371 = tpu.memref_squeeze %dma_wait3A_370 : memref<1x10240x72xf32, #tpu.memory_space<hbm>> -> memref<10240x72xf32, #tpu.memory_space<hbm>>
      %dma_wait3A_372 = arith.constant 0 : i32
      %dma_wait3A_373 = tpu.memref_slice %dma_wait3A_371[%add3A_153, %dma_wait3A_372] : memref<10240x72xf32, #tpu.memory_space<hbm>> -> memref<128x72xf32, #tpu.memory_space<hbm>>
      %dma_wait3A_374 = arith.constant 0 : i32
      %dma_wait3A_375 = arith.constant 0 : i32
      %dma_wait3A_376 = tpu.memref_slice %arg6[%arg0, %dma_wait3A_374, %dma_wait3A_375] : memref<2x10240x72xf32, #tpu.memory_space<hbm>> -> memref<1x10240x72xf32, #tpu.memory_space<hbm>>
      %dma_wait3A_377 = tpu.memref_squeeze %dma_wait3A_376 : memref<1x10240x72xf32, #tpu.memory_space<hbm>> -> memref<10240x72xf32, #tpu.memory_space<hbm>>
      %dma_wait3A_378 = arith.constant 0 : i32
      %dma_wait3A_379 = tpu.memref_slice %dma_wait3A_377[%add3A_153, %dma_wait3A_378] : memref<10240x72xf32, #tpu.memory_space<hbm>> -> memref<128x72xf32, #tpu.memory_space<hbm>>
      %dma_wait3A_380 = arith.constant 0 : i32
      %dma_wait3A_381 = arith.constant 0 : i32
      %dma_wait3A_382 = tpu.memref_slice %arg9[%run_scoped3A_162, %dma_wait3A_380, %dma_wait3A_381] : memref<2x250x72xf32, #tpu.memory_space<vmem>> -> memref<1x250x72xf32, #tpu.memory_space<vmem>>
      %dma_wait3A_383 = tpu.memref_squeeze %dma_wait3A_382 : memref<1x250x72xf32, #tpu.memory_space<vmem>> -> memref<250x72xf32, #tpu.memory_space<vmem>>
      %dma_wait3A_384 = arith.constant 0 : i32
      %dma_wait3A_385 = arith.constant 0 : i32
      %dma_wait3A_386 = tpu.memref_slice %dma_wait3A_383[%dma_wait3A_384, %dma_wait3A_385] : memref<250x72xf32, #tpu.memory_space<vmem>> -> memref<128x72xf32, #tpu.memory_space<vmem>>
      tpu.wait_dma2 semaphore(%run_scoped3A_334 : memref<!tpu.dma_semaphore, #tpu.memory_space<semaphore_mem>>) src(%dma_wait3A_386 : memref<128x72xf32, #tpu.memory_space<vmem>>) dst(%dma_wait3A_379 : memref<128x72xf32, #tpu.memory_space<hbm>>)
      tpu.yield
    }) : () -> ()
    %broadcast_in_dim3A_163 = arith.constant 0.000000e+00 : f32
    %broadcast_in_dim3A_164 = vector.broadcast %broadcast_in_dim3A_163 : f32 to vector<16xf32>
    %scan3A_165 = arith.constant 0 : i32
    %scan3A_166 = arith.constant 0 : i32
    %scan3A_167 = arith.constant 0 : i32
    %scan3A_168 = arith.constant 128 : i32
    %scan3A_169 = arith.addi %scan3A_167, %scan3A_168 : i32
    %scan3A_170 = arith.constant 1 : i32
    scf.for %scan3A_334 = %scan3A_167 to %scan3A_169 step %scan3A_170  : i32 {
      %swap3A = arith.constant 0 : i32
      %swap3A_335 = arith.constant 0 : i32
      %swap3A_336 = tpu.memref_slice %arg9[%scan3A_166, %swap3A, %swap3A_335] : memref<2x250x72xf32, #tpu.memory_space<vmem>> -> memref<1x250x72xf32, #tpu.memory_space<vmem>>
      %swap3A_337 = tpu.memref_squeeze %swap3A_336 : memref<1x250x72xf32, #tpu.memory_space<vmem>> -> memref<250x72xf32, #tpu.memory_space<vmem>>
      %swap3A_338 = arith.constant 0 : i32
      %swap3A_339 = arith.constant 0 : i32
      %swap3A_340 = tpu.memref_slice %swap3A_337[%swap3A_338, %swap3A_339] : memref<250x72xf32, #tpu.memory_space<vmem>> -> memref<128x72xf32, #tpu.memory_space<vmem>>
      %swap3A_341 = arith.index_cast %scan3A_334 : i32 to index
      %swap3A_342 = arith.constant 0 : index
      %swap3A_343 = tpu.vector_load %swap3A_340[%swap3A_341, %swap3A_342] {strides = array<i32>} : memref<128x72xf32, #tpu.memory_space<vmem>>, vector<1x16xf32>,
      %swap3A_344 = vector.shape_cast %swap3A_343 : vector<1x16xf32> to vector<16xf32>
      %swap3A_345 = vector.shape_cast %broadcast_in_dim3A_164 : vector<16xf32> to vector<1x16xf32>
      tpu.vector_store %swap3A_340[%swap3A_341, %swap3A_342], %swap3A_345 {strides = array<i32>} : memref<128x72xf32, #tpu.memory_space<vmem>>, vector<1x16xf32>,
      %swap3A_346 = arith.constant 0 : i32
      %swap3A_347 = arith.constant 0 : i32
      %swap3A_348 = tpu.memref_slice %arg9[%scan3A_166, %swap3A_346, %swap3A_347] : memref<2x250x72xf32, #tpu.memory_space<vmem>> -> memref<1x250x72xf32, #tpu.memory_space<vmem>>
      %swap3A_349 = tpu.memref_squeeze %swap3A_348 : memref<1x250x72xf32, #tpu.memory_space<vmem>> -> memref<250x72xf32, #tpu.memory_space<vmem>>
      %swap3A_350 = arith.constant 0 : i32
      %swap3A_351 = arith.constant 0 : i32
      %swap3A_352 = tpu.memref_slice %swap3A_349[%swap3A_350, %swap3A_351] : memref<250x72xf32, #tpu.memory_space<vmem>> -> memref<128x72xf32, #tpu.memory_space<vmem>>
      %swap3A_353 = arith.index_cast %scan3A_334 : i32 to index
      %swap3A_354 = arith.constant 16 : index
      %swap3A_355 = tpu.vector_load %swap3A_352[%swap3A_353, %swap3A_354] {strides = array<i32>} : memref<128x72xf32, #tpu.memory_space<vmem>>, vector<1x16xf32>,
      %swap3A_356 = vector.shape_cast %swap3A_355 : vector<1x16xf32> to vector<16xf32>
      %swap3A_357 = vector.shape_cast %broadcast_in_dim3A_164 : vector<16xf32> to vector<1x16xf32>
      tpu.vector_store %swap3A_352[%swap3A_353, %swap3A_354], %swap3A_357 {strides = array<i32>} : memref<128x72xf32, #tpu.memory_space<vmem>>, vector<1x16xf32>,
      %swap3A_358 = arith.constant 0 : i32
      %swap3A_359 = arith.constant 0 : i32
      %swap3A_360 = tpu.memref_slice %arg9[%scan3A_166, %swap3A_358, %swap3A_359] : memref<2x250x72xf32, #tpu.memory_space<vmem>> -> memref<1x250x72xf32, #tpu.memory_space<vmem>>
      %swap3A_361 = tpu.memref_squeeze %swap3A_360 : memref<1x250x72xf32, #tpu.memory_space<vmem>> -> memref<250x72xf32, #tpu.memory_space<vmem>>
      %swap3A_362 = arith.constant 0 : i32
      %swap3A_363 = arith.constant 0 : i32
      %swap3A_364 = tpu.memref_slice %swap3A_361[%swap3A_362, %swap3A_363] : memref<250x72xf32, #tpu.memory_space<vmem>> -> memref<128x72xf32, #tpu.memory_space<vmem>>
      %swap3A_365 = arith.index_cast %scan3A_334 : i32 to index
      %swap3A_366 = arith.constant 32 : index
      %swap3A_367 = tpu.vector_load %swap3A_364[%swap3A_365, %swap3A_366] {strides = array<i32>} : memref<128x72xf32, #tpu.memory_space<vmem>>, vector<1x16xf32>,
      %swap3A_368 = vector.shape_cast %swap3A_367 : vector<1x16xf32> to vector<16xf32>
      %swap3A_369 = vector.shape_cast %broadcast_in_dim3A_164 : vector<16xf32> to vector<1x16xf32>
      tpu.vector_store %swap3A_364[%swap3A_365, %swap3A_366], %swap3A_369 {strides = array<i32>} : memref<128x72xf32, #tpu.memory_space<vmem>>, vector<1x16xf32>,
      %swap3A_370 = arith.constant 0 : i32
      %swap3A_371 = arith.constant 0 : i32
      %swap3A_372 = tpu.memref_slice %arg9[%scan3A_166, %swap3A_370, %swap3A_371] : memref<2x250x72xf32, #tpu.memory_space<vmem>> -> memref<1x250x72xf32, #tpu.memory_space<vmem>>
      %swap3A_373 = tpu.memref_squeeze %swap3A_372 : memref<1x250x72xf32, #tpu.memory_space<vmem>> -> memref<250x72xf32, #tpu.memory_space<vmem>>
      %swap3A_374 = arith.constant 0 : i32
      %swap3A_375 = arith.constant 0 : i32
      %swap3A_376 = tpu.memref_slice %swap3A_373[%swap3A_374, %swap3A_375] : memref<250x72xf32, #tpu.memory_space<vmem>> -> memref<128x72xf32, #tpu.memory_space<vmem>>
      %swap3A_377 = arith.index_cast %scan3A_334 : i32 to index
      %swap3A_378 = arith.constant 48 : index
      %swap3A_379 = tpu.vector_load %swap3A_376[%swap3A_377, %swap3A_378] {strides = array<i32>} : memref<128x72xf32, #tpu.memory_space<vmem>>, vector<1x16xf32>,
      %swap3A_380 = vector.shape_cast %swap3A_379 : vector<1x16xf32> to vector<16xf32>
      %swap3A_381 = vector.shape_cast %broadcast_in_dim3A_164 : vector<16xf32> to vector<1x16xf32>
      tpu.vector_store %swap3A_376[%swap3A_377, %swap3A_378], %swap3A_381 {strides = array<i32>} : memref<128x72xf32, #tpu.memory_space<vmem>>, vector<1x16xf32>,
      %swap3A_382 = arith.constant 0 : i32
      %swap3A_383 = arith.constant 0 : i32
      %swap3A_384 = tpu.memref_slice %arg9[%scan3A_166, %swap3A_382, %swap3A_383] : memref<2x250x72xf32, #tpu.memory_space<vmem>> -> memref<1x250x72xf32, #tpu.memory_space<vmem>>
      %swap3A_385 = tpu.memref_squeeze %swap3A_384 : memref<1x250x72xf32, #tpu.memory_space<vmem>> -> memref<250x72xf32, #tpu.memory_space<vmem>>
      %swap3A_386 = arith.constant 0 : i32
      %swap3A_387 = arith.constant 0 : i32
      %swap3A_388 = tpu.memref_slice %swap3A_385[%swap3A_386, %swap3A_387] : memref<250x72xf32, #tpu.memory_space<vmem>> -> memref<128x72xf32, #tpu.memory_space<vmem>>
      %swap3A_389 = arith.index_cast %scan3A_334 : i32 to index
      %swap3A_390 = arith.constant 56 : index
      %swap3A_391 = tpu.vector_load %swap3A_388[%swap3A_389, %swap3A_390] {strides = array<i32>} : memref<128x72xf32, #tpu.memory_space<vmem>>, vector<1x16xf32>,
      %swap3A_392 = vector.shape_cast %swap3A_391 : vector<1x16xf32> to vector<16xf32>
      %swap3A_393 = vector.shape_cast %broadcast_in_dim3A_164 : vector<16xf32> to vector<1x16xf32>
      tpu.vector_store %swap3A_388[%swap3A_389, %swap3A_390], %swap3A_393 {strides = array<i32>} : memref<128x72xf32, #tpu.memory_space<vmem>>, vector<1x16xf32>,
    }
    %scan3A_171 = arith.constant 128 : i32
    %mul3A_172 = arith.constant 640 : i32
    %mul3A_173 = arith.muli %arg1, %mul3A_172 : i32
    %add3A_174 = arith.constant 0 : i32
    %add3A_175 = arith.addi %mul3A_173, %add3A_174 : i32
    %run_scoped3A_176 = arith.constant 0 : i32
    "tpu.region"() ({
      %run_scoped3A_334 = tpu.sem_alloc : memref<!tpu.dma_semaphore, #tpu.memory_space<semaphore_mem>>
      %dma_start3A_335 = arith.constant 0 : i32
      %dma_start3A_336 = arith.constant 0 : i32
      %dma_start3A_337 = tpu.memref_slice %arg9[%run_scoped3A_176, %dma_start3A_335, %dma_start3A_336] : memref<2x250x72xf32, #tpu.memory_space<vmem>> -> memref<1x250x72xf32, #tpu.memory_space<vmem>>
      %dma_start3A_338 = tpu.memref_squeeze %dma_start3A_337 : memref<1x250x72xf32, #tpu.memory_space<vmem>> -> memref<250x72xf32, #tpu.memory_space<vmem>>
      %dma_start3A_339 = arith.constant 0 : i32
      %dma_start3A_340 = arith.constant 0 : i32
      %dma_start3A_341 = tpu.memref_slice %dma_start3A_338[%dma_start3A_339, %dma_start3A_340] : memref<250x72xf32, #tpu.memory_space<vmem>> -> memref<128x72xf32, #tpu.memory_space<vmem>>
      %dma_start3A_342 = arith.constant 0 : i32
      %dma_start3A_343 = tpu.memref_slice %arg10[%add3A_175, %dma_start3A_342] : memref<10240x72xf32, #tpu.memory_space<vmem_shared>> -> memref<128x72xf32, #tpu.memory_space<vmem_shared>>
      %dma_start3A_344 = arith.constant 0 : i32
      %dma_start3A_345 = tpu.memref_slice %arg10[%add3A_175, %dma_start3A_344] : memref<10240x72xf32, #tpu.memory_space<vmem_shared>> -> memref<128x72xf32, #tpu.memory_space<vmem_shared>>
      %dma_start3A_346 = arith.constant 0 : i32
      %dma_start3A_347 = arith.constant 0 : i32
      %dma_start3A_348 = tpu.memref_slice %arg9[%run_scoped3A_176, %dma_start3A_346, %dma_start3A_347] : memref<2x250x72xf32, #tpu.memory_space<vmem>> -> memref<1x250x72xf32, #tpu.memory_space<vmem>>
      %dma_start3A_349 = tpu.memref_squeeze %dma_start3A_348 : memref<1x250x72xf32, #tpu.memory_space<vmem>> -> memref<250x72xf32, #tpu.memory_space<vmem>>
      %dma_start3A_350 = arith.constant 0 : i32
      %dma_start3A_351 = arith.constant 0 : i32
      %dma_start3A_352 = tpu.memref_slice %dma_start3A_349[%dma_start3A_350, %dma_start3A_351] : memref<250x72xf32, #tpu.memory_space<vmem>> -> memref<128x72xf32, #tpu.memory_space<vmem>>
      tpu.enqueue_dma source(%dma_start3A_352 : memref<128x72xf32, #tpu.memory_space<vmem>>) target(%dma_start3A_345 : memref<128x72xf32, #tpu.memory_space<vmem_shared>>) target_semaphore(%run_scoped3A_334 : memref<!tpu.dma_semaphore, #tpu.memory_space<semaphore_mem>>)
      %dma_wait3A_353 = arith.constant 0 : i32
      %dma_wait3A_354 = arith.constant 0 : i32
      %dma_wait3A_355 = tpu.memref_slice %arg9[%run_scoped3A_176, %dma_wait3A_353, %dma_wait3A_354] : memref<2x250x72xf32, #tpu.memory_space<vmem>> -> memref<1x250x72xf32, #tpu.memory_space<vmem>>
      %dma_wait3A_356 = tpu.memref_squeeze %dma_wait3A_355 : memref<1x250x72xf32, #tpu.memory_space<vmem>> -> memref<250x72xf32, #tpu.memory_space<vmem>>
      %dma_wait3A_357 = arith.constant 0 : i32
      %dma_wait3A_358 = arith.constant 0 : i32
      %dma_wait3A_359 = tpu.memref_slice %dma_wait3A_356[%dma_wait3A_357, %dma_wait3A_358] : memref<250x72xf32, #tpu.memory_space<vmem>> -> memref<128x72xf32, #tpu.memory_space<vmem>>
      %dma_wait3A_360 = arith.constant 0 : i32
      %dma_wait3A_361 = tpu.memref_slice %arg10[%add3A_175, %dma_wait3A_360] : memref<10240x72xf32, #tpu.memory_space<vmem_shared>> -> memref<128x72xf32, #tpu.memory_space<vmem_shared>>
      %dma_wait3A_362 = arith.constant 0 : i32
      %dma_wait3A_363 = tpu.memref_slice %arg10[%add3A_175, %dma_wait3A_362] : memref<10240x72xf32, #tpu.memory_space<vmem_shared>> -> memref<128x72xf32, #tpu.memory_space<vmem_shared>>
      %dma_wait3A_364 = arith.constant 0 : i32
      %dma_wait3A_365 = arith.constant 0 : i32
      %dma_wait3A_366 = tpu.memref_slice %arg9[%run_scoped3A_176, %dma_wait3A_364, %dma_wait3A_365] : memref<2x250x72xf32, #tpu.memory_space<vmem>> -> memref<1x250x72xf32, #tpu.memory_space<vmem>>
      %dma_wait3A_367 = tpu.memref_squeeze %dma_wait3A_366 : memref<1x250x72xf32, #tpu.memory_space<vmem>> -> memref<250x72xf32, #tpu.memory_space<vmem>>
      %dma_wait3A_368 = arith.constant 0 : i32
      %dma_wait3A_369 = arith.constant 0 : i32
      %dma_wait3A_370 = tpu.memref_slice %dma_wait3A_367[%dma_wait3A_368, %dma_wait3A_369] : memref<250x72xf32, #tpu.memory_space<vmem>> -> memref<128x72xf32, #tpu.memory_space<vmem>>
      tpu.wait_dma2 semaphore(%run_scoped3A_334 : memref<!tpu.dma_semaphore, #tpu.memory_space<semaphore_mem>>) src(%dma_wait3A_370 : memref<128x72xf32, #tpu.memory_space<vmem>>) dst(%dma_wait3A_363 : memref<128x72xf32, #tpu.memory_space<vmem_shared>>)
      tpu.yield
    }) : () -> ()
    %mul3A_177 = arith.constant 640 : i32
    %mul3A_178 = arith.muli %arg1, %mul3A_177 : i32
    %add3A_179 = arith.constant 128 : i32
    %add3A_180 = arith.addi %mul3A_178, %add3A_179 : i32
    %run_scoped3A_181 = arith.constant 0 : i32
    "tpu.region"() ({
      %run_scoped3A_334 = tpu.sem_alloc : memref<!tpu.dma_semaphore, #tpu.memory_space<semaphore_mem>>
      %dma_start3A_335 = arith.constant 0 : i32
      %dma_start3A_336 = arith.constant 0 : i32
      %dma_start3A_337 = tpu.memref_slice %arg9[%run_scoped3A_181, %dma_start3A_335, %dma_start3A_336] : memref<2x250x72xf32, #tpu.memory_space<vmem>> -> memref<1x250x72xf32, #tpu.memory_space<vmem>>
      %dma_start3A_338 = tpu.memref_squeeze %dma_start3A_337 : memref<1x250x72xf32, #tpu.memory_space<vmem>> -> memref<250x72xf32, #tpu.memory_space<vmem>>
      %dma_start3A_339 = arith.constant 0 : i32
      %dma_start3A_340 = arith.constant 0 : i32
      %dma_start3A_341 = tpu.memref_slice %dma_start3A_338[%dma_start3A_339, %dma_start3A_340] : memref<250x72xf32, #tpu.memory_space<vmem>> -> memref<128x72xf32, #tpu.memory_space<vmem>>
      %dma_start3A_342 = arith.constant 0 : i32
      %dma_start3A_343 = tpu.memref_slice %arg10[%add3A_180, %dma_start3A_342] : memref<10240x72xf32, #tpu.memory_space<vmem_shared>> -> memref<128x72xf32, #tpu.memory_space<vmem_shared>>
      %dma_start3A_344 = arith.constant 0 : i32
      %dma_start3A_345 = tpu.memref_slice %arg10[%add3A_180, %dma_start3A_344] : memref<10240x72xf32, #tpu.memory_space<vmem_shared>> -> memref<128x72xf32, #tpu.memory_space<vmem_shared>>
      %dma_start3A_346 = arith.constant 0 : i32
      %dma_start3A_347 = arith.constant 0 : i32
      %dma_start3A_348 = tpu.memref_slice %arg9[%run_scoped3A_181, %dma_start3A_346, %dma_start3A_347] : memref<2x250x72xf32, #tpu.memory_space<vmem>> -> memref<1x250x72xf32, #tpu.memory_space<vmem>>
      %dma_start3A_349 = tpu.memref_squeeze %dma_start3A_348 : memref<1x250x72xf32, #tpu.memory_space<vmem>> -> memref<250x72xf32, #tpu.memory_space<vmem>>
      %dma_start3A_350 = arith.constant 0 : i32
      %dma_start3A_351 = arith.constant 0 : i32
      %dma_start3A_352 = tpu.memref_slice %dma_start3A_349[%dma_start3A_350, %dma_start3A_351] : memref<250x72xf32, #tpu.memory_space<vmem>> -> memref<128x72xf32, #tpu.memory_space<vmem>>
      tpu.enqueue_dma source(%dma_start3A_352 : memref<128x72xf32, #tpu.memory_space<vmem>>) target(%dma_start3A_345 : memref<128x72xf32, #tpu.memory_space<vmem_shared>>) target_semaphore(%run_scoped3A_334 : memref<!tpu.dma_semaphore, #tpu.memory_space<semaphore_mem>>)
      %dma_wait3A_353 = arith.constant 0 : i32
      %dma_wait3A_354 = arith.constant 0 : i32
      %dma_wait3A_355 = tpu.memref_slice %arg9[%run_scoped3A_181, %dma_wait3A_353, %dma_wait3A_354] : memref<2x250x72xf32, #tpu.memory_space<vmem>> -> memref<1x250x72xf32, #tpu.memory_space<vmem>>
      %dma_wait3A_356 = tpu.memref_squeeze %dma_wait3A_355 : memref<1x250x72xf32, #tpu.memory_space<vmem>> -> memref<250x72xf32, #tpu.memory_space<vmem>>
      %dma_wait3A_357 = arith.constant 0 : i32
      %dma_wait3A_358 = arith.constant 0 : i32
      %dma_wait3A_359 = tpu.memref_slice %dma_wait3A_356[%dma_wait3A_357, %dma_wait3A_358] : memref<250x72xf32, #tpu.memory_space<vmem>> -> memref<128x72xf32, #tpu.memory_space<vmem>>
      %dma_wait3A_360 = arith.constant 0 : i32
      %dma_wait3A_361 = tpu.memref_slice %arg10[%add3A_180, %dma_wait3A_360] : memref<10240x72xf32, #tpu.memory_space<vmem_shared>> -> memref<128x72xf32, #tpu.memory_space<vmem_shared>>
      %dma_wait3A_362 = arith.constant 0 : i32
      %dma_wait3A_363 = tpu.memref_slice %arg10[%add3A_180, %dma_wait3A_362] : memref<10240x72xf32, #tpu.memory_space<vmem_shared>> -> memref<128x72xf32, #tpu.memory_space<vmem_shared>>
      %dma_wait3A_364 = arith.constant 0 : i32
      %dma_wait3A_365 = arith.constant 0 : i32
      %dma_wait3A_366 = tpu.memref_slice %arg9[%run_scoped3A_181, %dma_wait3A_364, %dma_wait3A_365] : memref<2x250x72xf32, #tpu.memory_space<vmem>> -> memref<1x250x72xf32, #tpu.memory_space<vmem>>
      %dma_wait3A_367 = tpu.memref_squeeze %dma_wait3A_366 : memref<1x250x72xf32, #tpu.memory_space<vmem>> -> memref<250x72xf32, #tpu.memory_space<vmem>>
      %dma_wait3A_368 = arith.constant 0 : i32
      %dma_wait3A_369 = arith.constant 0 : i32
      %dma_wait3A_370 = tpu.memref_slice %dma_wait3A_367[%dma_wait3A_368, %dma_wait3A_369] : memref<250x72xf32, #tpu.memory_space<vmem>> -> memref<128x72xf32, #tpu.memory_space<vmem>>
      tpu.wait_dma2 semaphore(%run_scoped3A_334 : memref<!tpu.dma_semaphore, #tpu.memory_space<semaphore_mem>>) src(%dma_wait3A_370 : memref<128x72xf32, #tpu.memory_space<vmem>>) dst(%dma_wait3A_363 : memref<128x72xf32, #tpu.memory_space<vmem_shared>>)
      tpu.yield
    }) : () -> ()
    %mul3A_182 = arith.constant 640 : i32
    %mul3A_183 = arith.muli %arg1, %mul3A_182 : i32
    %add3A_184 = arith.constant 256 : i32
    %add3A_185 = arith.addi %mul3A_183, %add3A_184 : i32
    %run_scoped3A_186 = arith.constant 0 : i32
    "tpu.region"() ({
      %run_scoped3A_334 = tpu.sem_alloc : memref<!tpu.dma_semaphore, #tpu.memory_space<semaphore_mem>>
      %dma_start3A_335 = arith.constant 0 : i32
      %dma_start3A_336 = arith.constant 0 : i32
      %dma_start3A_337 = tpu.memref_slice %arg9[%run_scoped3A_186, %dma_start3A_335, %dma_start3A_336] : memref<2x250x72xf32, #tpu.memory_space<vmem>> -> memref<1x250x72xf32, #tpu.memory_space<vmem>>
      %dma_start3A_338 = tpu.memref_squeeze %dma_start3A_337 : memref<1x250x72xf32, #tpu.memory_space<vmem>> -> memref<250x72xf32, #tpu.memory_space<vmem>>
      %dma_start3A_339 = arith.constant 0 : i32
      %dma_start3A_340 = arith.constant 0 : i32
      %dma_start3A_341 = tpu.memref_slice %dma_start3A_338[%dma_start3A_339, %dma_start3A_340] : memref<250x72xf32, #tpu.memory_space<vmem>> -> memref<128x72xf32, #tpu.memory_space<vmem>>
      %dma_start3A_342 = arith.constant 0 : i32
      %dma_start3A_343 = tpu.memref_slice %arg10[%add3A_185, %dma_start3A_342] : memref<10240x72xf32, #tpu.memory_space<vmem_shared>> -> memref<128x72xf32, #tpu.memory_space<vmem_shared>>
      %dma_start3A_344 = arith.constant 0 : i32
      %dma_start3A_345 = tpu.memref_slice %arg10[%add3A_185, %dma_start3A_344] : memref<10240x72xf32, #tpu.memory_space<vmem_shared>> -> memref<128x72xf32, #tpu.memory_space<vmem_shared>>
      %dma_start3A_346 = arith.constant 0 : i32
      %dma_start3A_347 = arith.constant 0 : i32
      %dma_start3A_348 = tpu.memref_slice %arg9[%run_scoped3A_186, %dma_start3A_346, %dma_start3A_347] : memref<2x250x72xf32, #tpu.memory_space<vmem>> -> memref<1x250x72xf32, #tpu.memory_space<vmem>>
      %dma_start3A_349 = tpu.memref_squeeze %dma_start3A_348 : memref<1x250x72xf32, #tpu.memory_space<vmem>> -> memref<250x72xf32, #tpu.memory_space<vmem>>
      %dma_start3A_350 = arith.constant 0 : i32
      %dma_start3A_351 = arith.constant 0 : i32
      %dma_start3A_352 = tpu.memref_slice %dma_start3A_349[%dma_start3A_350, %dma_start3A_351] : memref<250x72xf32, #tpu.memory_space<vmem>> -> memref<128x72xf32, #tpu.memory_space<vmem>>
      tpu.enqueue_dma source(%dma_start3A_352 : memref<128x72xf32, #tpu.memory_space<vmem>>) target(%dma_start3A_345 : memref<128x72xf32, #tpu.memory_space<vmem_shared>>) target_semaphore(%run_scoped3A_334 : memref<!tpu.dma_semaphore, #tpu.memory_space<semaphore_mem>>)
      %dma_wait3A_353 = arith.constant 0 : i32
      %dma_wait3A_354 = arith.constant 0 : i32
      %dma_wait3A_355 = tpu.memref_slice %arg9[%run_scoped3A_186, %dma_wait3A_353, %dma_wait3A_354] : memref<2x250x72xf32, #tpu.memory_space<vmem>> -> memref<1x250x72xf32, #tpu.memory_space<vmem>>
      %dma_wait3A_356 = tpu.memref_squeeze %dma_wait3A_355 : memref<1x250x72xf32, #tpu.memory_space<vmem>> -> memref<250x72xf32, #tpu.memory_space<vmem>>
      %dma_wait3A_357 = arith.constant 0 : i32
      %dma_wait3A_358 = arith.constant 0 : i32
      %dma_wait3A_359 = tpu.memref_slice %dma_wait3A_356[%dma_wait3A_357, %dma_wait3A_358] : memref<250x72xf32, #tpu.memory_space<vmem>> -> memref<128x72xf32, #tpu.memory_space<vmem>>
      %dma_wait3A_360 = arith.constant 0 : i32
      %dma_wait3A_361 = tpu.memref_slice %arg10[%add3A_185, %dma_wait3A_360] : memref<10240x72xf32, #tpu.memory_space<vmem_shared>> -> memref<128x72xf32, #tpu.memory_space<vmem_shared>>
      %dma_wait3A_362 = arith.constant 0 : i32
      %dma_wait3A_363 = tpu.memref_slice %arg10[%add3A_185, %dma_wait3A_362] : memref<10240x72xf32, #tpu.memory_space<vmem_shared>> -> memref<128x72xf32, #tpu.memory_space<vmem_shared>>
      %dma_wait3A_364 = arith.constant 0 : i32
      %dma_wait3A_365 = arith.constant 0 : i32
      %dma_wait3A_366 = tpu.memref_slice %arg9[%run_scoped3A_186, %dma_wait3A_364, %dma_wait3A_365] : memref<2x250x72xf32, #tpu.memory_space<vmem>> -> memref<1x250x72xf32, #tpu.memory_space<vmem>>
      %dma_wait3A_367 = tpu.memref_squeeze %dma_wait3A_366 : memref<1x250x72xf32, #tpu.memory_space<vmem>> -> memref<250x72xf32, #tpu.memory_space<vmem>>
      %dma_wait3A_368 = arith.constant 0 : i32
      %dma_wait3A_369 = arith.constant 0 : i32
      %dma_wait3A_370 = tpu.memref_slice %dma_wait3A_367[%dma_wait3A_368, %dma_wait3A_369] : memref<250x72xf32, #tpu.memory_space<vmem>> -> memref<128x72xf32, #tpu.memory_space<vmem>>
      tpu.wait_dma2 semaphore(%run_scoped3A_334 : memref<!tpu.dma_semaphore, #tpu.memory_space<semaphore_mem>>) src(%dma_wait3A_370 : memref<128x72xf32, #tpu.memory_space<vmem>>) dst(%dma_wait3A_363 : memref<128x72xf32, #tpu.memory_space<vmem_shared>>)
      tpu.yield
    }) : () -> ()
    %mul3A_187 = arith.constant 640 : i32
    %mul3A_188 = arith.muli %arg1, %mul3A_187 : i32
    %add3A_189 = arith.constant 384 : i32
    %add3A_190 = arith.addi %mul3A_188, %add3A_189 : i32
    %run_scoped3A_191 = arith.constant 0 : i32
    "tpu.region"() ({
      %run_scoped3A_334 = tpu.sem_alloc : memref<!tpu.dma_semaphore, #tpu.memory_space<semaphore_mem>>
      %dma_start3A_335 = arith.constant 0 : i32
      %dma_start3A_336 = arith.constant 0 : i32
      %dma_start3A_337 = tpu.memref_slice %arg9[%run_scoped3A_191, %dma_start3A_335, %dma_start3A_336] : memref<2x250x72xf32, #tpu.memory_space<vmem>> -> memref<1x250x72xf32, #tpu.memory_space<vmem>>
      %dma_start3A_338 = tpu.memref_squeeze %dma_start3A_337 : memref<1x250x72xf32, #tpu.memory_space<vmem>> -> memref<250x72xf32, #tpu.memory_space<vmem>>
      %dma_start3A_339 = arith.constant 0 : i32
      %dma_start3A_340 = arith.constant 0 : i32
      %dma_start3A_341 = tpu.memref_slice %dma_start3A_338[%dma_start3A_339, %dma_start3A_340] : memref<250x72xf32, #tpu.memory_space<vmem>> -> memref<128x72xf32, #tpu.memory_space<vmem>>
      %dma_start3A_342 = arith.constant 0 : i32
      %dma_start3A_343 = tpu.memref_slice %arg10[%add3A_190, %dma_start3A_342] : memref<10240x72xf32, #tpu.memory_space<vmem_shared>> -> memref<128x72xf32, #tpu.memory_space<vmem_shared>>
      %dma_start3A_344 = arith.constant 0 : i32
      %dma_start3A_345 = tpu.memref_slice %arg10[%add3A_190, %dma_start3A_344] : memref<10240x72xf32, #tpu.memory_space<vmem_shared>> -> memref<128x72xf32, #tpu.memory_space<vmem_shared>>
      %dma_start3A_346 = arith.constant 0 : i32
      %dma_start3A_347 = arith.constant 0 : i32
      %dma_start3A_348 = tpu.memref_slice %arg9[%run_scoped3A_191, %dma_start3A_346, %dma_start3A_347] : memref<2x250x72xf32, #tpu.memory_space<vmem>> -> memref<1x250x72xf32, #tpu.memory_space<vmem>>
      %dma_start3A_349 = tpu.memref_squeeze %dma_start3A_348 : memref<1x250x72xf32, #tpu.memory_space<vmem>> -> memref<250x72xf32, #tpu.memory_space<vmem>>
      %dma_start3A_350 = arith.constant 0 : i32
      %dma_start3A_351 = arith.constant 0 : i32
      %dma_start3A_352 = tpu.memref_slice %dma_start3A_349[%dma_start3A_350, %dma_start3A_351] : memref<250x72xf32, #tpu.memory_space<vmem>> -> memref<128x72xf32, #tpu.memory_space<vmem>>
      tpu.enqueue_dma source(%dma_start3A_352 : memref<128x72xf32, #tpu.memory_space<vmem>>) target(%dma_start3A_345 : memref<128x72xf32, #tpu.memory_space<vmem_shared>>) target_semaphore(%run_scoped3A_334 : memref<!tpu.dma_semaphore, #tpu.memory_space<semaphore_mem>>)
      %dma_wait3A_353 = arith.constant 0 : i32
      %dma_wait3A_354 = arith.constant 0 : i32
      %dma_wait3A_355 = tpu.memref_slice %arg9[%run_scoped3A_191, %dma_wait3A_353, %dma_wait3A_354] : memref<2x250x72xf32, #tpu.memory_space<vmem>> -> memref<1x250x72xf32, #tpu.memory_space<vmem>>
      %dma_wait3A_356 = tpu.memref_squeeze %dma_wait3A_355 : memref<1x250x72xf32, #tpu.memory_space<vmem>> -> memref<250x72xf32, #tpu.memory_space<vmem>>
      %dma_wait3A_357 = arith.constant 0 : i32
      %dma_wait3A_358 = arith.constant 0 : i32
      %dma_wait3A_359 = tpu.memref_slice %dma_wait3A_356[%dma_wait3A_357, %dma_wait3A_358] : memref<250x72xf32, #tpu.memory_space<vmem>> -> memref<128x72xf32, #tpu.memory_space<vmem>>
      %dma_wait3A_360 = arith.constant 0 : i32
      %dma_wait3A_361 = tpu.memref_slice %arg10[%add3A_190, %dma_wait3A_360] : memref<10240x72xf32, #tpu.memory_space<vmem_shared>> -> memref<128x72xf32, #tpu.memory_space<vmem_shared>>
      %dma_wait3A_362 = arith.constant 0 : i32
      %dma_wait3A_363 = tpu.memref_slice %arg10[%add3A_190, %dma_wait3A_362] : memref<10240x72xf32, #tpu.memory_space<vmem_shared>> -> memref<128x72xf32, #tpu.memory_space<vmem_shared>>
      %dma_wait3A_364 = arith.constant 0 : i32
      %dma_wait3A_365 = arith.constant 0 : i32
      %dma_wait3A_366 = tpu.memref_slice %arg9[%run_scoped3A_191, %dma_wait3A_364, %dma_wait3A_365] : memref<2x250x72xf32, #tpu.memory_space<vmem>> -> memref<1x250x72xf32, #tpu.memory_space<vmem>>
      %dma_wait3A_367 = tpu.memref_squeeze %dma_wait3A_366 : memref<1x250x72xf32, #tpu.memory_space<vmem>> -> memref<250x72xf32, #tpu.memory_space<vmem>>
      %dma_wait3A_368 = arith.constant 0 : i32
      %dma_wait3A_369 = arith.constant 0 : i32
      %dma_wait3A_370 = tpu.memref_slice %dma_wait3A_367[%dma_wait3A_368, %dma_wait3A_369] : memref<250x72xf32, #tpu.memory_space<vmem>> -> memref<128x72xf32, #tpu.memory_space<vmem>>
      tpu.wait_dma2 semaphore(%run_scoped3A_334 : memref<!tpu.dma_semaphore, #tpu.memory_space<semaphore_mem>>) src(%dma_wait3A_370 : memref<128x72xf32, #tpu.memory_space<vmem>>) dst(%dma_wait3A_363 : memref<128x72xf32, #tpu.memory_space<vmem_shared>>)
      tpu.yield
    }) : () -> ()
    %mul3A_192 = arith.constant 640 : i32
    %mul3A_193 = arith.muli %arg1, %mul3A_192 : i32
    %add3A_194 = arith.constant 512 : i32
    %add3A_195 = arith.addi %mul3A_193, %add3A_194 : i32
    %run_scoped3A_196 = arith.constant 0 : i32
    "tpu.region"() ({
      %run_scoped3A_334 = tpu.sem_alloc : memref<!tpu.dma_semaphore, #tpu.memory_space<semaphore_mem>>
      %dma_start3A_335 = arith.constant 0 : i32
      %dma_start3A_336 = arith.constant 0 : i32
      %dma_start3A_337 = tpu.memref_slice %arg9[%run_scoped3A_196, %dma_start3A_335, %dma_start3A_336] : memref<2x250x72xf32, #tpu.memory_space<vmem>> -> memref<1x250x72xf32, #tpu.memory_space<vmem>>
      %dma_start3A_338 = tpu.memref_squeeze %dma_start3A_337 : memref<1x250x72xf32, #tpu.memory_space<vmem>> -> memref<250x72xf32, #tpu.memory_space<vmem>>
      %dma_start3A_339 = arith.constant 0 : i32
      %dma_start3A_340 = arith.constant 0 : i32
      %dma_start3A_341 = tpu.memref_slice %dma_start3A_338[%dma_start3A_339, %dma_start3A_340] : memref<250x72xf32, #tpu.memory_space<vmem>> -> memref<128x72xf32, #tpu.memory_space<vmem>>
      %dma_start3A_342 = arith.constant 0 : i32
      %dma_start3A_343 = tpu.memref_slice %arg10[%add3A_195, %dma_start3A_342] : memref<10240x72xf32, #tpu.memory_space<vmem_shared>> -> memref<128x72xf32, #tpu.memory_space<vmem_shared>>
      %dma_start3A_344 = arith.constant 0 : i32
      %dma_start3A_345 = tpu.memref_slice %arg10[%add3A_195, %dma_start3A_344] : memref<10240x72xf32, #tpu.memory_space<vmem_shared>> -> memref<128x72xf32, #tpu.memory_space<vmem_shared>>
      %dma_start3A_346 = arith.constant 0 : i32
      %dma_start3A_347 = arith.constant 0 : i32
      %dma_start3A_348 = tpu.memref_slice %arg9[%run_scoped3A_196, %dma_start3A_346, %dma_start3A_347] : memref<2x250x72xf32, #tpu.memory_space<vmem>> -> memref<1x250x72xf32, #tpu.memory_space<vmem>>
      %dma_start3A_349 = tpu.memref_squeeze %dma_start3A_348 : memref<1x250x72xf32, #tpu.memory_space<vmem>> -> memref<250x72xf32, #tpu.memory_space<vmem>>
      %dma_start3A_350 = arith.constant 0 : i32
      %dma_start3A_351 = arith.constant 0 : i32
      %dma_start3A_352 = tpu.memref_slice %dma_start3A_349[%dma_start3A_350, %dma_start3A_351] : memref<250x72xf32, #tpu.memory_space<vmem>> -> memref<128x72xf32, #tpu.memory_space<vmem>>
      tpu.enqueue_dma source(%dma_start3A_352 : memref<128x72xf32, #tpu.memory_space<vmem>>) target(%dma_start3A_345 : memref<128x72xf32, #tpu.memory_space<vmem_shared>>) target_semaphore(%run_scoped3A_334 : memref<!tpu.dma_semaphore, #tpu.memory_space<semaphore_mem>>)
      %dma_wait3A_353 = arith.constant 0 : i32
      %dma_wait3A_354 = arith.constant 0 : i32
      %dma_wait3A_355 = tpu.memref_slice %arg9[%run_scoped3A_196, %dma_wait3A_353, %dma_wait3A_354] : memref<2x250x72xf32, #tpu.memory_space<vmem>> -> memref<1x250x72xf32, #tpu.memory_space<vmem>>
      %dma_wait3A_356 = tpu.memref_squeeze %dma_wait3A_355 : memref<1x250x72xf32, #tpu.memory_space<vmem>> -> memref<250x72xf32, #tpu.memory_space<vmem>>
      %dma_wait3A_357 = arith.constant 0 : i32
      %dma_wait3A_358 = arith.constant 0 : i32
      %dma_wait3A_359 = tpu.memref_slice %dma_wait3A_356[%dma_wait3A_357, %dma_wait3A_358] : memref<250x72xf32, #tpu.memory_space<vmem>> -> memref<128x72xf32, #tpu.memory_space<vmem>>
      %dma_wait3A_360 = arith.constant 0 : i32
      %dma_wait3A_361 = tpu.memref_slice %arg10[%add3A_195, %dma_wait3A_360] : memref<10240x72xf32, #tpu.memory_space<vmem_shared>> -> memref<128x72xf32, #tpu.memory_space<vmem_shared>>
      %dma_wait3A_362 = arith.constant 0 : i32
      %dma_wait3A_363 = tpu.memref_slice %arg10[%add3A_195, %dma_wait3A_362] : memref<10240x72xf32, #tpu.memory_space<vmem_shared>> -> memref<128x72xf32, #tpu.memory_space<vmem_shared>>
      %dma_wait3A_364 = arith.constant 0 : i32
      %dma_wait3A_365 = arith.constant 0 : i32
      %dma_wait3A_366 = tpu.memref_slice %arg9[%run_scoped3A_196, %dma_wait3A_364, %dma_wait3A_365] : memref<2x250x72xf32, #tpu.memory_space<vmem>> -> memref<1x250x72xf32, #tpu.memory_space<vmem>>
      %dma_wait3A_367 = tpu.memref_squeeze %dma_wait3A_366 : memref<1x250x72xf32, #tpu.memory_space<vmem>> -> memref<250x72xf32, #tpu.memory_space<vmem>>
      %dma_wait3A_368 = arith.constant 0 : i32
      %dma_wait3A_369 = arith.constant 0 : i32
      %dma_wait3A_370 = tpu.memref_slice %dma_wait3A_367[%dma_wait3A_368, %dma_wait3A_369] : memref<250x72xf32, #tpu.memory_space<vmem>> -> memref<128x72xf32, #tpu.memory_space<vmem>>
      tpu.wait_dma2 semaphore(%run_scoped3A_334 : memref<!tpu.dma_semaphore, #tpu.memory_space<semaphore_mem>>) src(%dma_wait3A_370 : memref<128x72xf32, #tpu.memory_space<vmem>>) dst(%dma_wait3A_363 : memref<128x72xf32, #tpu.memory_space<vmem_shared>>)
      tpu.yield
    }) : () -> ()
    %barrier3A_197 = arith.constant 0 : index
    tpu.barrier barrier_id(%barrier3A_197)
    %dma_start3A_198 = arith.constant 0 : i32
    %dma_start3A_199 = arith.constant 0 : i32
    "tpu.trace_stop"() : () -> ()
    "tpu.trace_start"() <{level = 10 : i32, message = "ph3_pass2"}> : () -> ()
    %dma_start3A_200 = arith.constant 0 : i32
    %dma_start3A_201 = arith.constant 0 : i32
    %dma_start3A_202 = tpu.memref_slice %arg9[%dma_start3A_199, %dma_start3A_200, %dma_start3A_201] : memref<2x250x72xf32, #tpu.memory_space<vmem>> -> memref<1x250x72xf32, #tpu.memory_space<vmem>>
    %dma_start3A_203 = tpu.memref_squeeze %dma_start3A_202 : memref<1x250x72xf32, #tpu.memory_space<vmem>> -> memref<250x72xf32, #tpu.memory_space<vmem>>
    %dma_start3A_204 = arith.constant 0 : i32
    %dma_start3A_205 = tpu.memref_slice %arg8[%dma_start3A_198, %dma_start3A_204] : memref<80x250xi32, #tpu.memory_space<vmem>> -> memref<1x250xi32, #tpu.memory_space<vmem>>
    %dma_start3A_206 = tpu.memref_squeeze %dma_start3A_205 : memref<1x250xi32, #tpu.memory_space<vmem>> -> memref<250xi32, #tpu.memory_space<vmem>>
    %dma_start3A_207 = arith.constant 0 : i32
    %dma_start3A_208 = arith.constant 0 : i32
    %dma_start3A_209 = tpu.memref_slice %arg6[%arg0, %dma_start3A_207, %dma_start3A_208] : memref<2x10240x72xf32, #tpu.memory_space<hbm>> -> memref<1x10240x72xf32, #tpu.memory_space<hbm>>
    %dma_start3A_210 = tpu.memref_squeeze %dma_start3A_209 : memref<1x10240x72xf32, #tpu.memory_space<hbm>> -> memref<10240x72xf32, #tpu.memory_space<hbm>>
    %dma_start3A_211 = arith.constant 0 : i32
    %dma_start3A_212 = arith.constant 0 : i32
    %dma_start3A_213 = tpu.memref_slice %dma_start3A_210[%dma_start3A_211, %dma_start3A_212] : memref<10240x72xf32, #tpu.memory_space<hbm>> -> memref<10240x72xf32, #tpu.memory_space<hbm>>
    tpu.enqueue_indirect_dma source(%dma_start3A_213 : memref<10240x72xf32, #tpu.memory_space<hbm>>) target(%dma_start3A_203 : memref<250x72xf32, #tpu.memory_space<vmem>>) offsets(%dma_start3A_206 : memref<250xi32, #tpu.memory_space<vmem>>) semaphore(%arg11 : memref<!tpu.dma_semaphore, #tpu.memory_space<semaphore_mem>>)
    %dma_start3A_214 = arith.constant 1 : i32
    %dma_start3A_215 = arith.constant 1 : i32
    %dma_start3A_216 = arith.constant 0 : i32
    %dma_start3A_217 = arith.constant 0 : i32
    %dma_start3A_218 = tpu.memref_slice %arg9[%dma_start3A_215, %dma_start3A_216, %dma_start3A_217] : memref<2x250x72xf32, #tpu.memory_space<vmem>> -> memref<1x250x72xf32, #tpu.memory_space<vmem>>
    %dma_start3A_219 = tpu.memref_squeeze %dma_start3A_218 : memref<1x250x72xf32, #tpu.memory_space<vmem>> -> memref<250x72xf32, #tpu.memory_space<vmem>>
    %dma_start3A_220 = arith.constant 0 : i32
    %dma_start3A_221 = tpu.memref_slice %arg8[%dma_start3A_214, %dma_start3A_220] : memref<80x250xi32, #tpu.memory_space<vmem>> -> memref<1x250xi32, #tpu.memory_space<vmem>>
    %dma_start3A_222 = tpu.memref_squeeze %dma_start3A_221 : memref<1x250xi32, #tpu.memory_space<vmem>> -> memref<250xi32, #tpu.memory_space<vmem>>
    %dma_start3A_223 = arith.constant 0 : i32
    %dma_start3A_224 = arith.constant 0 : i32
    %dma_start3A_225 = tpu.memref_slice %arg6[%arg0, %dma_start3A_223, %dma_start3A_224] : memref<2x10240x72xf32, #tpu.memory_space<hbm>> -> memref<1x10240x72xf32, #tpu.memory_space<hbm>>
    %dma_start3A_226 = tpu.memref_squeeze %dma_start3A_225 : memref<1x10240x72xf32, #tpu.memory_space<hbm>> -> memref<10240x72xf32, #tpu.memory_space<hbm>>
    %dma_start3A_227 = arith.constant 0 : i32
    %dma_start3A_228 = arith.constant 0 : i32
    %dma_start3A_229 = tpu.memref_slice %dma_start3A_226[%dma_start3A_227, %dma_start3A_228] : memref<10240x72xf32, #tpu.memory_space<hbm>> -> memref<10240x72xf32, #tpu.memory_space<hbm>>
    tpu.enqueue_indirect_dma source(%dma_start3A_229 : memref<10240x72xf32, #tpu.memory_space<hbm>>) target(%dma_start3A_219 : memref<250x72xf32, #tpu.memory_space<vmem>>) offsets(%dma_start3A_222 : memref<250xi32, #tpu.memory_space<vmem>>) semaphore(%arg12 : memref<!tpu.dma_semaphore, #tpu.memory_space<semaphore_mem>>)
    %scan3A_230 = arith.constant 0 : i32
    %scan3A_231 = arith.constant 0 : i32
    %scan3A_232 = arith.constant 40 : i32
    %scan3A_233 = arith.addi %scan3A_231, %scan3A_232 : i32
    %scan3A_234 = arith.constant 1 : i32
    scf.for %scan3A_334 = %scan3A_231 to %scan3A_233 step %scan3A_234  : i32 {
      %mul3A_335 = arith.constant 2 : i32
      %mul3A_336 = arith.muli %mul3A_335, %scan3A_334 : i32
      %mul3A_337 = arith.constant 2 : i32
      %mul3A_338 = arith.muli %mul3A_337, %scan3A_334 : i32
      %add3A_339 = arith.constant 1 : i32
      %add3A_340 = arith.addi %mul3A_338, %add3A_339 : i32
      %mul3A_341 = arith.constant 2 : i32
      %mul3A_342 = arith.muli %mul3A_341, %scan3A_334 : i32
      %add3A_343 = arith.constant 2 : i32
      %add3A_344 = arith.addi %mul3A_342, %add3A_343 : i32
      %rem3A = arith.constant 80 : i32
      %rem3A_345 = arith.remsi %add3A_344, %rem3A : i32
      %mul3A_346 = arith.constant 2 : i32
      %mul3A_347 = arith.muli %mul3A_346, %scan3A_334 : i32
      %add3A_348 = arith.constant 3 : i32
      %add3A_349 = arith.addi %mul3A_347, %add3A_348 : i32
      %rem3A_350 = arith.constant 80 : i32
      %rem3A_351 = arith.remsi %add3A_349, %rem3A_350 : i32
      %dma_wait3A_352 = arith.constant 0 : i32
      %dma_wait3A_353 = arith.constant 0 : i32
      %dma_wait3A_354 = arith.constant 0 : i32
      %dma_wait3A_355 = tpu.memref_slice %arg9[%dma_wait3A_352, %dma_wait3A_353, %dma_wait3A_354] : memref<2x250x72xf32, #tpu.memory_space<vmem>> -> memref<1x250x72xf32, #tpu.memory_space<vmem>>
      %dma_wait3A_356 = tpu.memref_squeeze %dma_wait3A_355 : memref<1x250x72xf32, #tpu.memory_space<vmem>> -> memref<250x72xf32, #tpu.memory_space<vmem>>
      %dma_wait3A_357 = arith.constant 0 : i32
      %dma_wait3A_358 = tpu.memref_slice %arg8[%mul3A_336, %dma_wait3A_357] : memref<80x250xi32, #tpu.memory_space<vmem>> -> memref<1x250xi32, #tpu.memory_space<vmem>>
      %dma_wait3A_359 = tpu.memref_squeeze %dma_wait3A_358 : memref<1x250xi32, #tpu.memory_space<vmem>> -> memref<250xi32, #tpu.memory_space<vmem>>
      %dma_wait3A_360 = arith.constant 0 : i32
      %dma_wait3A_361 = arith.constant 0 : i32
      %dma_wait3A_362 = tpu.memref_slice %arg6[%arg0, %dma_wait3A_360, %dma_wait3A_361] : memref<2x10240x72xf32, #tpu.memory_space<hbm>> -> memref<1x10240x72xf32, #tpu.memory_space<hbm>>
      %dma_wait3A_363 = tpu.memref_squeeze %dma_wait3A_362 : memref<1x10240x72xf32, #tpu.memory_space<hbm>> -> memref<10240x72xf32, #tpu.memory_space<hbm>>
      %dma_wait3A_364 = arith.constant 0 : i32
      %dma_wait3A_365 = arith.constant 0 : i32
      %dma_wait3A_366 = tpu.memref_slice %dma_wait3A_363[%dma_wait3A_364, %dma_wait3A_365] : memref<10240x72xf32, #tpu.memory_space<hbm>> -> memref<10240x72xf32, #tpu.memory_space<hbm>>
      tpu.wait_indirect_dma semaphore(%arg11 : memref<!tpu.dma_semaphore, #tpu.memory_space<semaphore_mem>>) src(%dma_wait3A_366 : memref<10240x72xf32, #tpu.memory_space<hbm>>) dst(%dma_wait3A_356 : memref<250x72xf32, #tpu.memory_space<vmem>>)
      %dma_start3A_367 = arith.constant 0 : i32
      %dma_start3A_368 = arith.constant 0 : i32
      %dma_start3A_369 = arith.constant 0 : i32
      %dma_start3A_370 = tpu.memref_slice %arg9[%dma_start3A_367, %dma_start3A_368, %dma_start3A_369] : memref<2x250x72xf32, #tpu.memory_space<vmem>> -> memref<1x250x72xf32, #tpu.memory_space<vmem>>
      %dma_start3A_371 = tpu.memref_squeeze %dma_start3A_370 : memref<1x250x72xf32, #tpu.memory_space<vmem>> -> memref<250x72xf32, #tpu.memory_space<vmem>>
      %dma_start3A_372 = arith.constant 0 : i32
      %dma_start3A_373 = tpu.memref_slice %arg7[%mul3A_336, %dma_start3A_372] : memref<80x250xi32, #tpu.memory_space<vmem>> -> memref<1x250xi32, #tpu.memory_space<vmem>>
      %dma_start3A_374 = tpu.memref_squeeze %dma_start3A_373 : memref<1x250xi32, #tpu.memory_space<vmem>> -> memref<250xi32, #tpu.memory_space<vmem>>
      %dma_start3A_375 = arith.constant 0 : i32
      %dma_start3A_376 = arith.constant 0 : i32
      %dma_start3A_377 = tpu.memref_slice %arg10[%dma_start3A_375, %dma_start3A_376] : memref<10240x72xf32, #tpu.memory_space<vmem_shared>> -> memref<10240x72xf32, #tpu.memory_space<vmem_shared>>
      tpu.enqueue_indirect_dma source(%dma_start3A_371 : memref<250x72xf32, #tpu.memory_space<vmem>>) target(%dma_start3A_377 : memref<10240x72xf32, #tpu.memory_space<vmem_shared>>) offsets(%dma_start3A_374 : memref<250xi32, #tpu.memory_space<vmem>>) semaphore(%arg13 : memref<!tpu.dma_semaphore, #tpu.memory_space<semaphore_mem>>) {add = true}
      %dma_wait3A_378 = arith.constant 1 : i32
      %dma_wait3A_379 = arith.constant 0 : i32
      %dma_wait3A_380 = arith.constant 0 : i32
      %dma_wait3A_381 = tpu.memref_slice %arg9[%dma_wait3A_378, %dma_wait3A_379, %dma_wait3A_380] : memref<2x250x72xf32, #tpu.memory_space<vmem>> -> memref<1x250x72xf32, #tpu.memory_space<vmem>>
      %dma_wait3A_382 = tpu.memref_squeeze %dma_wait3A_381 : memref<1x250x72xf32, #tpu.memory_space<vmem>> -> memref<250x72xf32, #tpu.memory_space<vmem>>
      %dma_wait3A_383 = arith.constant 0 : i32
      %dma_wait3A_384 = tpu.memref_slice %arg8[%add3A_340, %dma_wait3A_383] : memref<80x250xi32, #tpu.memory_space<vmem>> -> memref<1x250xi32, #tpu.memory_space<vmem>>
      %dma_wait3A_385 = tpu.memref_squeeze %dma_wait3A_384 : memref<1x250xi32, #tpu.memory_space<vmem>> -> memref<250xi32, #tpu.memory_space<vmem>>
      %dma_wait3A_386 = arith.constant 0 : i32
      %dma_wait3A_387 = arith.constant 0 : i32
      %dma_wait3A_388 = tpu.memref_slice %arg6[%arg0, %dma_wait3A_386, %dma_wait3A_387] : memref<2x10240x72xf32, #tpu.memory_space<hbm>> -> memref<1x10240x72xf32, #tpu.memory_space<hbm>>
      %dma_wait3A_389 = tpu.memref_squeeze %dma_wait3A_388 : memref<1x10240x72xf32, #tpu.memory_space<hbm>> -> memref<10240x72xf32, #tpu.memory_space<hbm>>
      %dma_wait3A_390 = arith.constant 0 : i32
      %dma_wait3A_391 = arith.constant 0 : i32
      %dma_wait3A_392 = tpu.memref_slice %dma_wait3A_389[%dma_wait3A_390, %dma_wait3A_391] : memref<10240x72xf32, #tpu.memory_space<hbm>> -> memref<10240x72xf32, #tpu.memory_space<hbm>>
      tpu.wait_indirect_dma semaphore(%arg12 : memref<!tpu.dma_semaphore, #tpu.memory_space<semaphore_mem>>) src(%dma_wait3A_392 : memref<10240x72xf32, #tpu.memory_space<hbm>>) dst(%dma_wait3A_382 : memref<250x72xf32, #tpu.memory_space<vmem>>)
      %dma_start3A_393 = arith.constant 1 : i32
      %dma_start3A_394 = arith.constant 0 : i32
      %dma_start3A_395 = arith.constant 0 : i32
      %dma_start3A_396 = tpu.memref_slice %arg9[%dma_start3A_393, %dma_start3A_394, %dma_start3A_395] : memref<2x250x72xf32, #tpu.memory_space<vmem>> -> memref<1x250x72xf32, #tpu.memory_space<vmem>>
      %dma_start3A_397 = tpu.memref_squeeze %dma_start3A_396 : memref<1x250x72xf32, #tpu.memory_space<vmem>> -> memref<250x72xf32, #tpu.memory_space<vmem>>
      %dma_start3A_398 = arith.constant 0 : i32
      %dma_start3A_399 = tpu.memref_slice %arg7[%add3A_340, %dma_start3A_398] : memref<80x250xi32, #tpu.memory_space<vmem>> -> memref<1x250xi32, #tpu.memory_space<vmem>>
      %dma_start3A_400 = tpu.memref_squeeze %dma_start3A_399 : memref<1x250xi32, #tpu.memory_space<vmem>> -> memref<250xi32, #tpu.memory_space<vmem>>
      %dma_start3A_401 = arith.constant 0 : i32
      %dma_start3A_402 = arith.constant 0 : i32
      %dma_start3A_403 = tpu.memref_slice %arg10[%dma_start3A_401, %dma_start3A_402] : memref<10240x72xf32, #tpu.memory_space<vmem_shared>> -> memref<10240x72xf32, #tpu.memory_space<vmem_shared>>
      tpu.enqueue_indirect_dma source(%dma_start3A_397 : memref<250x72xf32, #tpu.memory_space<vmem>>) target(%dma_start3A_403 : memref<10240x72xf32, #tpu.memory_space<vmem_shared>>) offsets(%dma_start3A_400 : memref<250xi32, #tpu.memory_space<vmem>>) semaphore(%arg14 : memref<!tpu.dma_semaphore, #tpu.memory_space<semaphore_mem>>) {add = true}
      %dma_wait3A_404 = arith.constant 0 : i32
      %dma_wait3A_405 = arith.constant 0 : i32
      %dma_wait3A_406 = arith.constant 0 : i32
      %dma_wait3A_407 = tpu.memref_slice %arg9[%dma_wait3A_404, %dma_wait3A_405, %dma_wait3A_406] : memref<2x250x72xf32, #tpu.memory_space<vmem>> -> memref<1x250x72xf32, #tpu.memory_space<vmem>>
      %dma_wait3A_408 = tpu.memref_squeeze %dma_wait3A_407 : memref<1x250x72xf32, #tpu.memory_space<vmem>> -> memref<250x72xf32, #tpu.memory_space<vmem>>
      %dma_wait3A_409 = arith.constant 0 : i32
      %dma_wait3A_410 = tpu.memref_slice %arg7[%mul3A_336, %dma_wait3A_409] : memref<80x250xi32, #tpu.memory_space<vmem>> -> memref<1x250xi32, #tpu.memory_space<vmem>>
      %dma_wait3A_411 = tpu.memref_squeeze %dma_wait3A_410 : memref<1x250xi32, #tpu.memory_space<vmem>> -> memref<250xi32, #tpu.memory_space<vmem>>
      %dma_wait3A_412 = arith.constant 0 : i32
      %dma_wait3A_413 = arith.constant 0 : i32
      %dma_wait3A_414 = tpu.memref_slice %arg10[%dma_wait3A_412, %dma_wait3A_413] : memref<10240x72xf32, #tpu.memory_space<vmem_shared>> -> memref<10240x72xf32, #tpu.memory_space<vmem_shared>>
      tpu.wait_indirect_dma semaphore(%arg13 : memref<!tpu.dma_semaphore, #tpu.memory_space<semaphore_mem>>) src(%dma_wait3A_408 : memref<250x72xf32, #tpu.memory_space<vmem>>) dst(%dma_wait3A_414 : memref<10240x72xf32, #tpu.memory_space<vmem_shared>>)
      %dma_start3A_415 = arith.constant 0 : i32
      %dma_start3A_416 = arith.constant 0 : i32
      %dma_start3A_417 = arith.constant 0 : i32
      %dma_start3A_418 = tpu.memref_slice %arg9[%dma_start3A_415, %dma_start3A_416, %dma_start3A_417] : memref<2x250x72xf32, #tpu.memory_space<vmem>> -> memref<1x250x72xf32, #tpu.memory_space<vmem>>
      %dma_start3A_419 = tpu.memref_squeeze %dma_start3A_418 : memref<1x250x72xf32, #tpu.memory_space<vmem>> -> memref<250x72xf32, #tpu.memory_space<vmem>>
      %dma_start3A_420 = arith.constant 0 : i32
      %dma_start3A_421 = tpu.memref_slice %arg8[%rem3A_345, %dma_start3A_420] : memref<80x250xi32, #tpu.memory_space<vmem>> -> memref<1x250xi32, #tpu.memory_space<vmem>>
      %dma_start3A_422 = tpu.memref_squeeze %dma_start3A_421 : memref<1x250xi32, #tpu.memory_space<vmem>> -> memref<250xi32, #tpu.memory_space<vmem>>
      %dma_start3A_423 = arith.constant 0 : i32
      %dma_start3A_424 = arith.constant 0 : i32
      %dma_start3A_425 = tpu.memref_slice %arg6[%arg0, %dma_start3A_423, %dma_start3A_424] : memref<2x10240x72xf32, #tpu.memory_space<hbm>> -> memref<1x10240x72xf32, #tpu.memory_space<hbm>>
      %dma_start3A_426 = tpu.memref_squeeze %dma_start3A_425 : memref<1x10240x72xf32, #tpu.memory_space<hbm>> -> memref<10240x72xf32, #tpu.memory_space<hbm>>
      %dma_start3A_427 = arith.constant 0 : i32
      %dma_start3A_428 = arith.constant 0 : i32
      %dma_start3A_429 = tpu.memref_slice %dma_start3A_426[%dma_start3A_427, %dma_start3A_428] : memref<10240x72xf32, #tpu.memory_space<hbm>> -> memref<10240x72xf32, #tpu.memory_space<hbm>>
      tpu.enqueue_indirect_dma source(%dma_start3A_429 : memref<10240x72xf32, #tpu.memory_space<hbm>>) target(%dma_start3A_419 : memref<250x72xf32, #tpu.memory_space<vmem>>) offsets(%dma_start3A_422 : memref<250xi32, #tpu.memory_space<vmem>>) semaphore(%arg11 : memref<!tpu.dma_semaphore, #tpu.memory_space<semaphore_mem>>)
      %dma_wait3A_430 = arith.constant 1 : i32
      %dma_wait3A_431 = arith.constant 0 : i32
      %dma_wait3A_432 = arith.constant 0 : i32
      %dma_wait3A_433 = tpu.memref_slice %arg9[%dma_wait3A_430, %dma_wait3A_431, %dma_wait3A_432] : memref<2x250x72xf32, #tpu.memory_space<vmem>> -> memref<1x250x72xf32, #tpu.memory_space<vmem>>
      %dma_wait3A_434 = tpu.memref_squeeze %dma_wait3A_433 : memref<1x250x72xf32, #tpu.memory_space<vmem>> -> memref<250x72xf32, #tpu.memory_space<vmem>>
      %dma_wait3A_435 = arith.constant 0 : i32
      %dma_wait3A_436 = tpu.memref_slice %arg7[%add3A_340, %dma_wait3A_435] : memref<80x250xi32, #tpu.memory_space<vmem>> -> memref<1x250xi32, #tpu.memory_space<vmem>>
      %dma_wait3A_437 = tpu.memref_squeeze %dma_wait3A_436 : memref<1x250xi32, #tpu.memory_space<vmem>> -> memref<250xi32, #tpu.memory_space<vmem>>
      %dma_wait3A_438 = arith.constant 0 : i32
      %dma_wait3A_439 = arith.constant 0 : i32
      %dma_wait3A_440 = tpu.memref_slice %arg10[%dma_wait3A_438, %dma_wait3A_439] : memref<10240x72xf32, #tpu.memory_space<vmem_shared>> -> memref<10240x72xf32, #tpu.memory_space<vmem_shared>>
      tpu.wait_indirect_dma semaphore(%arg14 : memref<!tpu.dma_semaphore, #tpu.memory_space<semaphore_mem>>) src(%dma_wait3A_434 : memref<250x72xf32, #tpu.memory_space<vmem>>) dst(%dma_wait3A_440 : memref<10240x72xf32, #tpu.memory_space<vmem_shared>>)
      %dma_start3A_441 = arith.constant 1 : i32
      %dma_start3A_442 = arith.constant 0 : i32
      %dma_start3A_443 = arith.constant 0 : i32
      %dma_start3A_444 = tpu.memref_slice %arg9[%dma_start3A_441, %dma_start3A_442, %dma_start3A_443] : memref<2x250x72xf32, #tpu.memory_space<vmem>> -> memref<1x250x72xf32, #tpu.memory_space<vmem>>
      %dma_start3A_445 = tpu.memref_squeeze %dma_start3A_444 : memref<1x250x72xf32, #tpu.memory_space<vmem>> -> memref<250x72xf32, #tpu.memory_space<vmem>>
      %dma_start3A_446 = arith.constant 0 : i32
      %dma_start3A_447 = tpu.memref_slice %arg8[%rem3A_351, %dma_start3A_446] : memref<80x250xi32, #tpu.memory_space<vmem>> -> memref<1x250xi32, #tpu.memory_space<vmem>>
      %dma_start3A_448 = tpu.memref_squeeze %dma_start3A_447 : memref<1x250xi32, #tpu.memory_space<vmem>> -> memref<250xi32, #tpu.memory_space<vmem>>
      %dma_start3A_449 = arith.constant 0 : i32
      %dma_start3A_450 = arith.constant 0 : i32
      %dma_start3A_451 = tpu.memref_slice %arg6[%arg0, %dma_start3A_449, %dma_start3A_450] : memref<2x10240x72xf32, #tpu.memory_space<hbm>> -> memref<1x10240x72xf32, #tpu.memory_space<hbm>>
      %dma_start3A_452 = tpu.memref_squeeze %dma_start3A_451 : memref<1x10240x72xf32, #tpu.memory_space<hbm>> -> memref<10240x72xf32, #tpu.memory_space<hbm>>
      %dma_start3A_453 = arith.constant 0 : i32
      %dma_start3A_454 = arith.constant 0 : i32
      %dma_start3A_455 = tpu.memref_slice %dma_start3A_452[%dma_start3A_453, %dma_start3A_454] : memref<10240x72xf32, #tpu.memory_space<hbm>> -> memref<10240x72xf32, #tpu.memory_space<hbm>>
      tpu.enqueue_indirect_dma source(%dma_start3A_455 : memref<10240x72xf32, #tpu.memory_space<hbm>>) target(%dma_start3A_445 : memref<250x72xf32, #tpu.memory_space<vmem>>) offsets(%dma_start3A_448 : memref<250xi32, #tpu.memory_space<vmem>>) semaphore(%arg12 : memref<!tpu.dma_semaphore, #tpu.memory_space<semaphore_mem>>)
    }
    %scan3A_235 = arith.constant 40 : i32
    %dma_wait3A_236 = arith.constant 0 : i32
    %dma_wait3A_237 = arith.constant 0 : i32
    %dma_wait3A_238 = arith.constant 0 : i32
    %dma_wait3A_239 = arith.constant 0 : i32
    %dma_wait3A_240 = tpu.memref_slice %arg9[%dma_wait3A_237, %dma_wait3A_238, %dma_wait3A_239] : memref<2x250x72xf32, #tpu.memory_space<vmem>> -> memref<1x250x72xf32, #tpu.memory_space<vmem>>
    %dma_wait3A_241 = tpu.memref_squeeze %dma_wait3A_240 : memref<1x250x72xf32, #tpu.memory_space<vmem>> -> memref<250x72xf32, #tpu.memory_space<vmem>>
    %dma_wait3A_242 = arith.constant 0 : i32
    %dma_wait3A_243 = tpu.memref_slice %arg8[%dma_wait3A_236, %dma_wait3A_242] : memref<80x250xi32, #tpu.memory_space<vmem>> -> memref<1x250xi32, #tpu.memory_space<vmem>>
    %dma_wait3A_244 = tpu.memref_squeeze %dma_wait3A_243 : memref<1x250xi32, #tpu.memory_space<vmem>> -> memref<250xi32, #tpu.memory_space<vmem>>
    %dma_wait3A_245 = arith.constant 0 : i32
    %dma_wait3A_246 = arith.constant 0 : i32
    %dma_wait3A_247 = tpu.memref_slice %arg6[%arg0, %dma_wait3A_245, %dma_wait3A_246] : memref<2x10240x72xf32, #tpu.memory_space<hbm>> -> memref<1x10240x72xf32, #tpu.memory_space<hbm>>
    %dma_wait3A_248 = tpu.memref_squeeze %dma_wait3A_247 : memref<1x10240x72xf32, #tpu.memory_space<hbm>> -> memref<10240x72xf32, #tpu.memory_space<hbm>>
    %dma_wait3A_249 = arith.constant 0 : i32
    %dma_wait3A_250 = arith.constant 0 : i32
    %dma_wait3A_251 = tpu.memref_slice %dma_wait3A_248[%dma_wait3A_249, %dma_wait3A_250] : memref<10240x72xf32, #tpu.memory_space<hbm>> -> memref<10240x72xf32, #tpu.memory_space<hbm>>
    tpu.wait_indirect_dma semaphore(%arg11 : memref<!tpu.dma_semaphore, #tpu.memory_space<semaphore_mem>>) src(%dma_wait3A_251 : memref<10240x72xf32, #tpu.memory_space<hbm>>) dst(%dma_wait3A_241 : memref<250x72xf32, #tpu.memory_space<vmem>>)
    %dma_wait3A_252 = arith.constant 1 : i32
    %dma_wait3A_253 = arith.constant 1 : i32
    %dma_wait3A_254 = arith.constant 0 : i32
    %dma_wait3A_255 = arith.constant 0 : i32
    %dma_wait3A_256 = tpu.memref_slice %arg9[%dma_wait3A_253, %dma_wait3A_254, %dma_wait3A_255] : memref<2x250x72xf32, #tpu.memory_space<vmem>> -> memref<1x250x72xf32, #tpu.memory_space<vmem>>
    %dma_wait3A_257 = tpu.memref_squeeze %dma_wait3A_256 : memref<1x250x72xf32, #tpu.memory_space<vmem>> -> memref<250x72xf32, #tpu.memory_space<vmem>>
    %dma_wait3A_258 = arith.constant 0 : i32
    %dma_wait3A_259 = tpu.memref_slice %arg8[%dma_wait3A_252, %dma_wait3A_258] : memref<80x250xi32, #tpu.memory_space<vmem>> -> memref<1x250xi32, #tpu.memory_space<vmem>>
    %dma_wait3A_260 = tpu.memref_squeeze %dma_wait3A_259 : memref<1x250xi32, #tpu.memory_space<vmem>> -> memref<250xi32, #tpu.memory_space<vmem>>
    %dma_wait3A_261 = arith.constant 0 : i32
    %dma_wait3A_262 = arith.constant 0 : i32
    %dma_wait3A_263 = tpu.memref_slice %arg6[%arg0, %dma_wait3A_261, %dma_wait3A_262] : memref<2x10240x72xf32, #tpu.memory_space<hbm>> -> memref<1x10240x72xf32, #tpu.memory_space<hbm>>
    %dma_wait3A_264 = tpu.memref_squeeze %dma_wait3A_263 : memref<1x10240x72xf32, #tpu.memory_space<hbm>> -> memref<10240x72xf32, #tpu.memory_space<hbm>>
    %dma_wait3A_265 = arith.constant 0 : i32
    %dma_wait3A_266 = arith.constant 0 : i32
    %dma_wait3A_267 = tpu.memref_slice %dma_wait3A_264[%dma_wait3A_265, %dma_wait3A_266] : memref<10240x72xf32, #tpu.memory_space<hbm>> -> memref<10240x72xf32, #tpu.memory_space<hbm>>
    tpu.wait_indirect_dma semaphore(%arg12 : memref<!tpu.dma_semaphore, #tpu.memory_space<semaphore_mem>>) src(%dma_wait3A_267 : memref<10240x72xf32, #tpu.memory_space<hbm>>) dst(%dma_wait3A_257 : memref<250x72xf32, #tpu.memory_space<vmem>>)
    %barrier3A_268 = arith.constant 0 : index
    tpu.barrier barrier_id(%barrier3A_268)
    "tpu.trace_stop"() : () -> ()
    "tpu.trace_start"() <{level = 10 : i32, message = "ph4_scale_out"}> : () -> ()
    %mul3A_269 = arith.constant 640 : i32
    %mul3A_270 = arith.muli %arg1, %mul3A_269 : i32
    %add3A_271 = arith.constant 0 : i32
    %add3A_272 = arith.addi %mul3A_270, %add3A_271 : i32
    %run_scoped3A_273 = arith.constant 0 : i32
    "tpu.region"() ({
      %run_scoped3A_334 = tpu.sem_alloc : memref<!tpu.dma_semaphore, #tpu.memory_space<semaphore_mem>>
      %dma_start3A_335 = arith.constant 0 : i32
      %dma_start3A_336 = arith.constant 0 : i32
      %dma_start3A_337 = tpu.memref_slice %arg9[%run_scoped3A_273, %dma_start3A_335, %dma_start3A_336] : memref<2x250x72xf32, #tpu.memory_space<vmem>> -> memref<1x250x72xf32, #tpu.memory_space<vmem>>
      %dma_start3A_338 = tpu.memref_squeeze %dma_start3A_337 : memref<1x250x72xf32, #tpu.memory_space<vmem>> -> memref<250x72xf32, #tpu.memory_space<vmem>>
      %dma_start3A_339 = arith.constant 0 : i32
      %dma_start3A_340 = arith.constant 0 : i32
      %dma_start3A_341 = tpu.memref_slice %dma_start3A_338[%dma_start3A_339, %dma_start3A_340] : memref<250x72xf32, #tpu.memory_space<vmem>> -> memref<128x72xf32, #tpu.memory_space<vmem>>
      %dma_start3A_342 = arith.constant 0 : i32
      %dma_start3A_343 = tpu.memref_slice %arg10[%add3A_272, %dma_start3A_342] : memref<10240x72xf32, #tpu.memory_space<vmem_shared>> -> memref<128x72xf32, #tpu.memory_space<vmem_shared>>
      %dma_start3A_344 = arith.constant 0 : i32
      %dma_start3A_345 = arith.constant 0 : i32
      %dma_start3A_346 = tpu.memref_slice %arg9[%run_scoped3A_273, %dma_start3A_344, %dma_start3A_345] : memref<2x250x72xf32, #tpu.memory_space<vmem>> -> memref<1x250x72xf32, #tpu.memory_space<vmem>>
      %dma_start3A_347 = tpu.memref_squeeze %dma_start3A_346 : memref<1x250x72xf32, #tpu.memory_space<vmem>> -> memref<250x72xf32, #tpu.memory_space<vmem>>
      %dma_start3A_348 = arith.constant 0 : i32
      %dma_start3A_349 = arith.constant 0 : i32
      %dma_start3A_350 = tpu.memref_slice %dma_start3A_347[%dma_start3A_348, %dma_start3A_349] : memref<250x72xf32, #tpu.memory_space<vmem>> -> memref<128x72xf32, #tpu.memory_space<vmem>>
      %dma_start3A_351 = arith.constant 0 : i32
      %dma_start3A_352 = tpu.memref_slice %arg10[%add3A_272, %dma_start3A_351] : memref<10240x72xf32, #tpu.memory_space<vmem_shared>> -> memref<128x72xf32, #tpu.memory_space<vmem_shared>>
      tpu.enqueue_dma source(%dma_start3A_352 : memref<128x72xf32, #tpu.memory_space<vmem_shared>>) target(%dma_start3A_350 : memref<128x72xf32, #tpu.memory_space<vmem>>) target_semaphore(%run_scoped3A_334 : memref<!tpu.dma_semaphore, #tpu.memory_space<semaphore_mem>>)
      %dma_wait3A_353 = arith.constant 0 : i32
      %dma_wait3A_354 = arith.constant 0 : i32
      %dma_wait3A_355 = tpu.memref_slice %arg9[%run_scoped3A_273, %dma_wait3A_353, %dma_wait3A_354] : memref<2x250x72xf32, #tpu.memory_space<vmem>> -> memref<1x250x72xf32, #tpu.memory_space<vmem>>
      %dma_wait3A_356 = tpu.memref_squeeze %dma_wait3A_355 : memref<1x250x72xf32, #tpu.memory_space<vmem>> -> memref<250x72xf32, #tpu.memory_space<vmem>>
      %dma_wait3A_357 = arith.constant 0 : i32
      %dma_wait3A_358 = arith.constant 0 : i32
      %dma_wait3A_359 = tpu.memref_slice %dma_wait3A_356[%dma_wait3A_357, %dma_wait3A_358] : memref<250x72xf32, #tpu.memory_space<vmem>> -> memref<128x72xf32, #tpu.memory_space<vmem>>
      %dma_wait3A_360 = arith.constant 0 : i32
      %dma_wait3A_361 = tpu.memref_slice %arg10[%add3A_272, %dma_wait3A_360] : memref<10240x72xf32, #tpu.memory_space<vmem_shared>> -> memref<128x72xf32, #tpu.memory_space<vmem_shared>>
      %dma_wait3A_362 = arith.constant 0 : i32
      %dma_wait3A_363 = arith.constant 0 : i32
      %dma_wait3A_364 = tpu.memref_slice %arg9[%run_scoped3A_273, %dma_wait3A_362, %dma_wait3A_363] : memref<2x250x72xf32, #tpu.memory_space<vmem>> -> memref<1x250x72xf32, #tpu.memory_space<vmem>>
      %dma_wait3A_365 = tpu.memref_squeeze %dma_wait3A_364 : memref<1x250x72xf32, #tpu.memory_space<vmem>> -> memref<250x72xf32, #tpu.memory_space<vmem>>
      %dma_wait3A_366 = arith.constant 0 : i32
      %dma_wait3A_367 = arith.constant 0 : i32
      %dma_wait3A_368 = tpu.memref_slice %dma_wait3A_365[%dma_wait3A_366, %dma_wait3A_367] : memref<250x72xf32, #tpu.memory_space<vmem>> -> memref<128x72xf32, #tpu.memory_space<vmem>>
      %dma_wait3A_369 = arith.constant 0 : i32
      %dma_wait3A_370 = tpu.memref_slice %arg10[%add3A_272, %dma_wait3A_369] : memref<10240x72xf32, #tpu.memory_space<vmem_shared>> -> memref<128x72xf32, #tpu.memory_space<vmem_shared>>
      tpu.wait_dma2 semaphore(%run_scoped3A_334 : memref<!tpu.dma_semaphore, #tpu.memory_space<semaphore_mem>>) src(%dma_wait3A_370 : memref<128x72xf32, #tpu.memory_space<vmem_shared>>) dst(%dma_wait3A_368 : memref<128x72xf32, #tpu.memory_space<vmem>>)
      tpu.yield
    }) : () -> ()
    %scan3A_274 = arith.constant 0 : i32
    %scan3A_275 = arith.constant 0 : i32
    %scan3A_276 = arith.constant 0 : i32
    %scan3A_277 = arith.constant 128 : i32
    %scan3A_278 = arith.addi %scan3A_276, %scan3A_277 : i32
    %scan3A_279 = arith.constant 1 : i32
    scf.for %scan3A_334 = %scan3A_276 to %scan3A_278 step %scan3A_279  : i32 {
      %get3A = arith.constant 0 : i32
      %get3A_335 = arith.constant 0 : i32
      %get3A_336 = tpu.memref_slice %arg9[%scan3A_275, %get3A, %get3A_335] : memref<2x250x72xf32, #tpu.memory_space<vmem>> -> memref<1x250x72xf32, #tpu.memory_space<vmem>>
      %get3A_337 = tpu.memref_squeeze %get3A_336 : memref<1x250x72xf32, #tpu.memory_space<vmem>> -> memref<250x72xf32, #tpu.memory_space<vmem>>
      %get3A_338 = arith.constant 0 : i32
      %get3A_339 = arith.constant 0 : i32
      %get3A_340 = tpu.memref_slice %get3A_337[%get3A_338, %get3A_339] : memref<250x72xf32, #tpu.memory_space<vmem>> -> memref<128x72xf32, #tpu.memory_space<vmem>>
      %get3A_341 = arith.index_cast %scan3A_334 : i32 to index
      %get3A_342 = arith.constant 56 : index
      %get3A_343 = tpu.vector_load %get3A_340[%get3A_341, %get3A_342] {strides = array<i32>} : memref<128x72xf32, #tpu.memory_space<vmem>>, vector<1x16xf32>,
      %get3A_344 = vector.shape_cast %get3A_343 : vector<1x16xf32> to vector<16xf32>
      %gt3A = arith.constant 0.000000e+00 : f32
      %gt3A_345 = vector.broadcast %gt3A : f32 to vector<16xf32>
      %gt3A_346 = arith.cmpf ogt, %get3A_344, %gt3A_345 : vector<16xf32>
      %div3A = arith.constant 1.000000e+00 : f32
      %div3A_347 = vector.broadcast %div3A : f32 to vector<16xf32>
      %div3A_348 = arith.divf %div3A_347, %get3A_344 : vector<16xf32>
      %jit3A = arith.constant 0.000000e+00 : f32
      %broadcast_in_dim3A_349 = vector.broadcast %jit3A : f32 to vector<16xf32>
      %select_n3A = arith.select %gt3A_346, %div3A_348, %broadcast_in_dim3A_349 : vector<16xi1>, vector<16xf32>
      %slice3A = vector.extract_strided_slice %select_n3A {offsets = [8], sizes = [1], strides = [1]} : vector<16xf32> to vector<1xf32>
      %squeeze3A = vector.extract %slice3A[0] : f32 from vector<1xf32>
      %broadcast_in_dim3A_350 = vector.broadcast %squeeze3A : f32 to vector<16xf32>
      %get3A_351 = arith.constant 0 : i32
      %get3A_352 = arith.constant 0 : i32
      %get3A_353 = tpu.memref_slice %arg9[%scan3A_275, %get3A_351, %get3A_352] : memref<2x250x72xf32, #tpu.memory_space<vmem>> -> memref<1x250x72xf32, #tpu.memory_space<vmem>>
      %get3A_354 = tpu.memref_squeeze %get3A_353 : memref<1x250x72xf32, #tpu.memory_space<vmem>> -> memref<250x72xf32, #tpu.memory_space<vmem>>
      %get3A_355 = arith.constant 0 : i32
      %get3A_356 = arith.constant 0 : i32
      %get3A_357 = tpu.memref_slice %get3A_354[%get3A_355, %get3A_356] : memref<250x72xf32, #tpu.memory_space<vmem>> -> memref<128x72xf32, #tpu.memory_space<vmem>>
      %get3A_358 = arith.index_cast %scan3A_334 : i32 to index
      %get3A_359 = arith.constant 0 : index
      %get3A_360 = tpu.vector_load %get3A_357[%get3A_358, %get3A_359] {strides = array<i32>} : memref<128x72xf32, #tpu.memory_space<vmem>>, vector<1x16xf32>,
      %get3A_361 = vector.shape_cast %get3A_360 : vector<1x16xf32> to vector<16xf32>
      %mul3A_362 = arith.mulf %get3A_361, %broadcast_in_dim3A_350 : vector<16xf32>
      %swap3A = arith.constant 0 : i32
      %swap3A_363 = arith.constant 0 : i32
      %swap3A_364 = tpu.memref_slice %arg9[%scan3A_275, %swap3A, %swap3A_363] : memref<2x250x72xf32, #tpu.memory_space<vmem>> -> memref<1x250x72xf32, #tpu.memory_space<vmem>>
      %swap3A_365 = tpu.memref_squeeze %swap3A_364 : memref<1x250x72xf32, #tpu.memory_space<vmem>> -> memref<250x72xf32, #tpu.memory_space<vmem>>
      %swap3A_366 = arith.constant 0 : i32
      %swap3A_367 = arith.constant 0 : i32
      %swap3A_368 = tpu.memref_slice %swap3A_365[%swap3A_366, %swap3A_367] : memref<250x72xf32, #tpu.memory_space<vmem>> -> memref<128x72xf32, #tpu.memory_space<vmem>>
      %swap3A_369 = arith.index_cast %scan3A_334 : i32 to index
      %swap3A_370 = arith.constant 0 : index
      %swap3A_371 = tpu.vector_load %swap3A_368[%swap3A_369, %swap3A_370] {strides = array<i32>} : memref<128x72xf32, #tpu.memory_space<vmem>>, vector<1x16xf32>,
      %swap3A_372 = vector.shape_cast %swap3A_371 : vector<1x16xf32> to vector<16xf32>
      %swap3A_373 = vector.shape_cast %mul3A_362 : vector<16xf32> to vector<1x16xf32>
      tpu.vector_store %swap3A_368[%swap3A_369, %swap3A_370], %swap3A_373 {strides = array<i32>} : memref<128x72xf32, #tpu.memory_space<vmem>>, vector<1x16xf32>,
      %get3A_374 = arith.constant 0 : i32
      %get3A_375 = arith.constant 0 : i32
      %get3A_376 = tpu.memref_slice %arg9[%scan3A_275, %get3A_374, %get3A_375] : memref<2x250x72xf32, #tpu.memory_space<vmem>> -> memref<1x250x72xf32, #tpu.memory_space<vmem>>
      %get3A_377 = tpu.memref_squeeze %get3A_376 : memref<1x250x72xf32, #tpu.memory_space<vmem>> -> memref<250x72xf32, #tpu.memory_space<vmem>>
      %get3A_378 = arith.constant 0 : i32
      %get3A_379 = arith.constant 0 : i32
      %get3A_380 = tpu.memref_slice %get3A_377[%get3A_378, %get3A_379] : memref<250x72xf32, #tpu.memory_space<vmem>> -> memref<128x72xf32, #tpu.memory_space<vmem>>
      %get3A_381 = arith.index_cast %scan3A_334 : i32 to index
      %get3A_382 = arith.constant 16 : index
      %get3A_383 = tpu.vector_load %get3A_380[%get3A_381, %get3A_382] {strides = array<i32>} : memref<128x72xf32, #tpu.memory_space<vmem>>, vector<1x16xf32>,
      %get3A_384 = vector.shape_cast %get3A_383 : vector<1x16xf32> to vector<16xf32>
      %mul3A_385 = arith.mulf %get3A_384, %broadcast_in_dim3A_350 : vector<16xf32>
      %swap3A_386 = arith.constant 0 : i32
      %swap3A_387 = arith.constant 0 : i32
      %swap3A_388 = tpu.memref_slice %arg9[%scan3A_275, %swap3A_386, %swap3A_387] : memref<2x250x72xf32, #tpu.memory_space<vmem>> -> memref<1x250x72xf32, #tpu.memory_space<vmem>>
      %swap3A_389 = tpu.memref_squeeze %swap3A_388 : memref<1x250x72xf32, #tpu.memory_space<vmem>> -> memref<250x72xf32, #tpu.memory_space<vmem>>
      %swap3A_390 = arith.constant 0 : i32
      %swap3A_391 = arith.constant 0 : i32
      %swap3A_392 = tpu.memref_slice %swap3A_389[%swap3A_390, %swap3A_391] : memref<250x72xf32, #tpu.memory_space<vmem>> -> memref<128x72xf32, #tpu.memory_space<vmem>>
      %swap3A_393 = arith.index_cast %scan3A_334 : i32 to index
      %swap3A_394 = arith.constant 16 : index
      %swap3A_395 = tpu.vector_load %swap3A_392[%swap3A_393, %swap3A_394] {strides = array<i32>} : memref<128x72xf32, #tpu.memory_space<vmem>>, vector<1x16xf32>,
      %swap3A_396 = vector.shape_cast %swap3A_395 : vector<1x16xf32> to vector<16xf32>
      %swap3A_397 = vector.shape_cast %mul3A_385 : vector<16xf32> to vector<1x16xf32>
      tpu.vector_store %swap3A_392[%swap3A_393, %swap3A_394], %swap3A_397 {strides = array<i32>} : memref<128x72xf32, #tpu.memory_space<vmem>>, vector<1x16xf32>,
      %get3A_398 = arith.constant 0 : i32
      %get3A_399 = arith.constant 0 : i32
      %get3A_400 = tpu.memref_slice %arg9[%scan3A_275, %get3A_398, %get3A_399] : memref<2x250x72xf32, #tpu.memory_space<vmem>> -> memref<1x250x72xf32, #tpu.memory_space<vmem>>
      %get3A_401 = tpu.memref_squeeze %get3A_400 : memref<1x250x72xf32, #tpu.memory_space<vmem>> -> memref<250x72xf32, #tpu.memory_space<vmem>>
      %get3A_402 = arith.constant 0 : i32
      %get3A_403 = arith.constant 0 : i32
      %get3A_404 = tpu.memref_slice %get3A_401[%get3A_402, %get3A_403] : memref<250x72xf32, #tpu.memory_space<vmem>> -> memref<128x72xf32, #tpu.memory_space<vmem>>
      %get3A_405 = arith.index_cast %scan3A_334 : i32 to index
      %get3A_406 = arith.constant 32 : index
      %get3A_407 = tpu.vector_load %get3A_404[%get3A_405, %get3A_406] {strides = array<i32>} : memref<128x72xf32, #tpu.memory_space<vmem>>, vector<1x16xf32>,
      %get3A_408 = vector.shape_cast %get3A_407 : vector<1x16xf32> to vector<16xf32>
      %mul3A_409 = arith.mulf %get3A_408, %broadcast_in_dim3A_350 : vector<16xf32>
      %swap3A_410 = arith.constant 0 : i32
      %swap3A_411 = arith.constant 0 : i32
      %swap3A_412 = tpu.memref_slice %arg9[%scan3A_275, %swap3A_410, %swap3A_411] : memref<2x250x72xf32, #tpu.memory_space<vmem>> -> memref<1x250x72xf32, #tpu.memory_space<vmem>>
      %swap3A_413 = tpu.memref_squeeze %swap3A_412 : memref<1x250x72xf32, #tpu.memory_space<vmem>> -> memref<250x72xf32, #tpu.memory_space<vmem>>
      %swap3A_414 = arith.constant 0 : i32
      %swap3A_415 = arith.constant 0 : i32
      %swap3A_416 = tpu.memref_slice %swap3A_413[%swap3A_414, %swap3A_415] : memref<250x72xf32, #tpu.memory_space<vmem>> -> memref<128x72xf32, #tpu.memory_space<vmem>>
      %swap3A_417 = arith.index_cast %scan3A_334 : i32 to index
      %swap3A_418 = arith.constant 32 : index
      %swap3A_419 = tpu.vector_load %swap3A_416[%swap3A_417, %swap3A_418] {strides = array<i32>} : memref<128x72xf32, #tpu.memory_space<vmem>>, vector<1x16xf32>,
      %swap3A_420 = vector.shape_cast %swap3A_419 : vector<1x16xf32> to vector<16xf32>
      %swap3A_421 = vector.shape_cast %mul3A_409 : vector<16xf32> to vector<1x16xf32>
      tpu.vector_store %swap3A_416[%swap3A_417, %swap3A_418], %swap3A_421 {strides = array<i32>} : memref<128x72xf32, #tpu.memory_space<vmem>>, vector<1x16xf32>,
      %get3A_422 = arith.constant 0 : i32
      %get3A_423 = arith.constant 0 : i32
      %get3A_424 = tpu.memref_slice %arg9[%scan3A_275, %get3A_422, %get3A_423] : memref<2x250x72xf32, #tpu.memory_space<vmem>> -> memref<1x250x72xf32, #tpu.memory_space<vmem>>
      %get3A_425 = tpu.memref_squeeze %get3A_424 : memref<1x250x72xf32, #tpu.memory_space<vmem>> -> memref<250x72xf32, #tpu.memory_space<vmem>>
      %get3A_426 = arith.constant 0 : i32
      %get3A_427 = arith.constant 0 : i32
      %get3A_428 = tpu.memref_slice %get3A_425[%get3A_426, %get3A_427] : memref<250x72xf32, #tpu.memory_space<vmem>> -> memref<128x72xf32, #tpu.memory_space<vmem>>
      %get3A_429 = arith.index_cast %scan3A_334 : i32 to index
      %get3A_430 = arith.constant 48 : index
      %get3A_431 = tpu.vector_load %get3A_428[%get3A_429, %get3A_430] {strides = array<i32>} : memref<128x72xf32, #tpu.memory_space<vmem>>, vector<1x16xf32>,
      %get3A_432 = vector.shape_cast %get3A_431 : vector<1x16xf32> to vector<16xf32>
      %mul3A_433 = arith.mulf %get3A_432, %broadcast_in_dim3A_350 : vector<16xf32>
      %swap3A_434 = arith.constant 0 : i32
      %swap3A_435 = arith.constant 0 : i32
      %swap3A_436 = tpu.memref_slice %arg9[%scan3A_275, %swap3A_434, %swap3A_435] : memref<2x250x72xf32, #tpu.memory_space<vmem>> -> memref<1x250x72xf32, #tpu.memory_space<vmem>>
      %swap3A_437 = tpu.memref_squeeze %swap3A_436 : memref<1x250x72xf32, #tpu.memory_space<vmem>> -> memref<250x72xf32, #tpu.memory_space<vmem>>
      %swap3A_438 = arith.constant 0 : i32
      %swap3A_439 = arith.constant 0 : i32
      %swap3A_440 = tpu.memref_slice %swap3A_437[%swap3A_438, %swap3A_439] : memref<250x72xf32, #tpu.memory_space<vmem>> -> memref<128x72xf32, #tpu.memory_space<vmem>>
      %swap3A_441 = arith.index_cast %scan3A_334 : i32 to index
      %swap3A_442 = arith.constant 48 : index
      %swap3A_443 = tpu.vector_load %swap3A_440[%swap3A_441, %swap3A_442] {strides = array<i32>} : memref<128x72xf32, #tpu.memory_space<vmem>>, vector<1x16xf32>,
      %swap3A_444 = vector.shape_cast %swap3A_443 : vector<1x16xf32> to vector<16xf32>
      %swap3A_445 = vector.shape_cast %mul3A_433 : vector<16xf32> to vector<1x16xf32>
      tpu.vector_store %swap3A_440[%swap3A_441, %swap3A_442], %swap3A_445 {strides = array<i32>} : memref<128x72xf32, #tpu.memory_space<vmem>>, vector<1x16xf32>,
      %mul3A_446 = arith.mulf %get3A_344, %broadcast_in_dim3A_350 : vector<16xf32>
      %swap3A_447 = arith.constant 0 : i32
      %swap3A_448 = arith.constant 0 : i32
      %swap3A_449 = tpu.memref_slice %arg9[%scan3A_275, %swap3A_447, %swap3A_448] : memref<2x250x72xf32, #tpu.memory_space<vmem>> -> memref<1x250x72xf32, #tpu.memory_space<vmem>>
      %swap3A_450 = tpu.memref_squeeze %swap3A_449 : memref<1x250x72xf32, #tpu.memory_space<vmem>> -> memref<250x72xf32, #tpu.memory_space<vmem>>
      %swap3A_451 = arith.constant 0 : i32
      %swap3A_452 = arith.constant 0 : i32
      %swap3A_453 = tpu.memref_slice %swap3A_450[%swap3A_451, %swap3A_452] : memref<250x72xf32, #tpu.memory_space<vmem>> -> memref<128x72xf32, #tpu.memory_space<vmem>>
      %swap3A_454 = arith.index_cast %scan3A_334 : i32 to index
      %swap3A_455 = arith.constant 56 : index
      %swap3A_456 = tpu.vector_load %swap3A_453[%swap3A_454, %swap3A_455] {strides = array<i32>} : memref<128x72xf32, #tpu.memory_space<vmem>>, vector<1x16xf32>,
      %swap3A_457 = vector.shape_cast %swap3A_456 : vector<1x16xf32> to vector<16xf32>
      %swap3A_458 = vector.shape_cast %mul3A_446 : vector<16xf32> to vector<1x16xf32>
      tpu.vector_store %swap3A_453[%swap3A_454, %swap3A_455], %swap3A_458 {strides = array<i32>} : memref<128x72xf32, #tpu.memory_space<vmem>>, vector<1x16xf32>,
    }
    %scan3A_280 = arith.constant 128 : i32
    %run_scoped3A_281 = arith.constant 0 : i32
    "tpu.region"() ({
      %run_scoped3A_334 = tpu.sem_alloc : memref<!tpu.dma_semaphore, #tpu.memory_space<semaphore_mem>>
      %dma_start3A_335 = arith.constant 0 : i32
      %dma_start3A_336 = arith.constant 0 : i32
      %dma_start3A_337 = tpu.memref_slice %arg9[%run_scoped3A_281, %dma_start3A_335, %dma_start3A_336] : memref<2x250x72xf32, #tpu.memory_space<vmem>> -> memref<1x250x72xf32, #tpu.memory_space<vmem>>
      %dma_start3A_338 = tpu.memref_squeeze %dma_start3A_337 : memref<1x250x72xf32, #tpu.memory_space<vmem>> -> memref<250x72xf32, #tpu.memory_space<vmem>>
      %dma_start3A_339 = arith.constant 0 : i32
      %dma_start3A_340 = arith.constant 0 : i32
      %dma_start3A_341 = tpu.memref_slice %dma_start3A_338[%dma_start3A_339, %dma_start3A_340] : memref<250x72xf32, #tpu.memory_space<vmem>> -> memref<128x72xf32, #tpu.memory_space<vmem>>
      %dma_start3A_342 = arith.constant 0 : i32
      %dma_start3A_343 = arith.constant 0 : i32
      %dma_start3A_344 = tpu.memref_slice %arg5[%arg0, %dma_start3A_342, %dma_start3A_343] : memref<2x10240x72xf32, #tpu.memory_space<hbm>> -> memref<1x10240x72xf32, #tpu.memory_space<hbm>>
      %dma_start3A_345 = tpu.memref_squeeze %dma_start3A_344 : memref<1x10240x72xf32, #tpu.memory_space<hbm>> -> memref<10240x72xf32, #tpu.memory_space<hbm>>
      %dma_start3A_346 = arith.constant 0 : i32
      %dma_start3A_347 = tpu.memref_slice %dma_start3A_345[%add3A_272, %dma_start3A_346] : memref<10240x72xf32, #tpu.memory_space<hbm>> -> memref<128x72xf32, #tpu.memory_space<hbm>>
      %dma_start3A_348 = arith.constant 0 : i32
      %dma_start3A_349 = arith.constant 0 : i32
      %dma_start3A_350 = tpu.memref_slice %arg5[%arg0, %dma_start3A_348, %dma_start3A_349] : memref<2x10240x72xf32, #tpu.memory_space<hbm>> -> memref<1x10240x72xf32, #tpu.memory_space<hbm>>
      %dma_start3A_351 = tpu.memref_squeeze %dma_start3A_350 : memref<1x10240x72xf32, #tpu.memory_space<hbm>> -> memref<10240x72xf32, #tpu.memory_space<hbm>>
      %dma_start3A_352 = arith.constant 0 : i32
      %dma_start3A_353 = tpu.memref_slice %dma_start3A_351[%add3A_272, %dma_start3A_352] : memref<10240x72xf32, #tpu.memory_space<hbm>> -> memref<128x72xf32, #tpu.memory_space<hbm>>
      %dma_start3A_354 = arith.constant 0 : i32
      %dma_start3A_355 = arith.constant 0 : i32
      %dma_start3A_356 = tpu.memref_slice %arg9[%run_scoped3A_281, %dma_start3A_354, %dma_start3A_355] : memref<2x250x72xf32, #tpu.memory_space<vmem>> -> memref<1x250x72xf32, #tpu.memory_space<vmem>>
      %dma_start3A_357 = tpu.memref_squeeze %dma_start3A_356 : memref<1x250x72xf32, #tpu.memory_space<vmem>> -> memref<250x72xf32, #tpu.memory_space<vmem>>
      %dma_start3A_358 = arith.constant 0 : i32
      %dma_start3A_359 = arith.constant 0 : i32
      %dma_start3A_360 = tpu.memref_slice %dma_start3A_357[%dma_start3A_358, %dma_start3A_359] : memref<250x72xf32, #tpu.memory_space<vmem>> -> memref<128x72xf32, #tpu.memory_space<vmem>>
      tpu.enqueue_dma source(%dma_start3A_360 : memref<128x72xf32, #tpu.memory_space<vmem>>) target(%dma_start3A_353 : memref<128x72xf32, #tpu.memory_space<hbm>>) target_semaphore(%run_scoped3A_334 : memref<!tpu.dma_semaphore, #tpu.memory_space<semaphore_mem>>)
      %dma_wait3A_361 = arith.constant 0 : i32
      %dma_wait3A_362 = arith.constant 0 : i32
      %dma_wait3A_363 = tpu.memref_slice %arg9[%run_scoped3A_281, %dma_wait3A_361, %dma_wait3A_362] : memref<2x250x72xf32, #tpu.memory_space<vmem>> -> memref<1x250x72xf32, #tpu.memory_space<vmem>>
      %dma_wait3A_364 = tpu.memref_squeeze %dma_wait3A_363 : memref<1x250x72xf32, #tpu.memory_space<vmem>> -> memref<250x72xf32, #tpu.memory_space<vmem>>
      %dma_wait3A_365 = arith.constant 0 : i32
      %dma_wait3A_366 = arith.constant 0 : i32
      %dma_wait3A_367 = tpu.memref_slice %dma_wait3A_364[%dma_wait3A_365, %dma_wait3A_366] : memref<250x72xf32, #tpu.memory_space<vmem>> -> memref<128x72xf32, #tpu.memory_space<vmem>>
      %dma_wait3A_368 = arith.constant 0 : i32
      %dma_wait3A_369 = arith.constant 0 : i32
      %dma_wait3A_370 = tpu.memref_slice %arg5[%arg0, %dma_wait3A_368, %dma_wait3A_369] : memref<2x10240x72xf32, #tpu.memory_space<hbm>> -> memref<1x10240x72xf32, #tpu.memory_space<hbm>>
      %dma_wait3A_371 = tpu.memref_squeeze %dma_wait3A_370 : memref<1x10240x72xf32, #tpu.memory_space<hbm>> -> memref<10240x72xf32, #tpu.memory_space<hbm>>
      %dma_wait3A_372 = arith.constant 0 : i32
      %dma_wait3A_373 = tpu.memref_slice %dma_wait3A_371[%add3A_272, %dma_wait3A_372] : memref<10240x72xf32, #tpu.memory_space<hbm>> -> memref<128x72xf32, #tpu.memory_space<hbm>>
      %dma_wait3A_374 = arith.constant 0 : i32
      %dma_wait3A_375 = arith.constant 0 : i32
      %dma_wait3A_376 = tpu.memref_slice %arg5[%arg0, %dma_wait3A_374, %dma_wait3A_375] : memref<2x10240x72xf32, #tpu.memory_space<hbm>> -> memref<1x10240x72xf32, #tpu.memory_space<hbm>>
      %dma_wait3A_377 = tpu.memref_squeeze %dma_wait3A_376 : memref<1x10240x72xf32, #tpu.memory_space<hbm>> -> memref<10240x72xf32, #tpu.memory_space<hbm>>
      %dma_wait3A_378 = arith.constant 0 : i32
      %dma_wait3A_379 = tpu.memref_slice %dma_wait3A_377[%add3A_272, %dma_wait3A_378] : memref<10240x72xf32, #tpu.memory_space<hbm>> -> memref<128x72xf32, #tpu.memory_space<hbm>>
      %dma_wait3A_380 = arith.constant 0 : i32
      %dma_wait3A_381 = arith.constant 0 : i32
      %dma_wait3A_382 = tpu.memref_slice %arg9[%run_scoped3A_281, %dma_wait3A_380, %dma_wait3A_381] : memref<2x250x72xf32, #tpu.memory_space<vmem>> -> memref<1x250x72xf32, #tpu.memory_space<vmem>>
      %dma_wait3A_383 = tpu.memref_squeeze %dma_wait3A_382 : memref<1x250x72xf32, #tpu.memory_space<vmem>> -> memref<250x72xf32, #tpu.memory_space<vmem>>
      %dma_wait3A_384 = arith.constant 0 : i32
      %dma_wait3A_385 = arith.constant 0 : i32
      %dma_wait3A_386 = tpu.memref_slice %dma_wait3A_383[%dma_wait3A_384, %dma_wait3A_385] : memref<250x72xf32, #tpu.memory_space<vmem>> -> memref<128x72xf32, #tpu.memory_space<vmem>>
      tpu.wait_dma2 semaphore(%run_scoped3A_334 : memref<!tpu.dma_semaphore, #tpu.memory_space<semaphore_mem>>) src(%dma_wait3A_386 : memref<128x72xf32, #tpu.memory_space<vmem>>) dst(%dma_wait3A_379 : memref<128x72xf32, #tpu.memory_space<hbm>>)
      tpu.yield
    }) : () -> ()
    %mul3A_282 = arith.constant 640 : i32
    %mul3A_283 = arith.muli %arg1, %mul3A_282 : i32
    %add3A_284 = arith.constant 128 : i32
    %add3A_285 = arith.addi %mul3A_283, %add3A_284 : i32
    %run_scoped3A_286 = arith.constant 0 : i32
    "tpu.region"() ({
      %run_scoped3A_334 = tpu.sem_alloc : memref<!tpu.dma_semaphore, #tpu.memory_space<semaphore_mem>>
      %dma_start3A_335 = arith.constant 0 : i32
      %dma_start3A_336 = arith.constant 0 : i32
      %dma_start3A_337 = tpu.memref_slice %arg9[%run_scoped3A_286, %dma_start3A_335, %dma_start3A_336] : memref<2x250x72xf32, #tpu.memory_space<vmem>> -> memref<1x250x72xf32, #tpu.memory_space<vmem>>
      %dma_start3A_338 = tpu.memref_squeeze %dma_start3A_337 : memref<1x250x72xf32, #tpu.memory_space<vmem>> -> memref<250x72xf32, #tpu.memory_space<vmem>>
      %dma_start3A_339 = arith.constant 0 : i32
      %dma_start3A_340 = arith.constant 0 : i32
      %dma_start3A_341 = tpu.memref_slice %dma_start3A_338[%dma_start3A_339, %dma_start3A_340] : memref<250x72xf32, #tpu.memory_space<vmem>> -> memref<128x72xf32, #tpu.memory_space<vmem>>
      %dma_start3A_342 = arith.constant 0 : i32
      %dma_start3A_343 = tpu.memref_slice %arg10[%add3A_285, %dma_start3A_342] : memref<10240x72xf32, #tpu.memory_space<vmem_shared>> -> memref<128x72xf32, #tpu.memory_space<vmem_shared>>
      %dma_start3A_344 = arith.constant 0 : i32
      %dma_start3A_345 = arith.constant 0 : i32
      %dma_start3A_346 = tpu.memref_slice %arg9[%run_scoped3A_286, %dma_start3A_344, %dma_start3A_345] : memref<2x250x72xf32, #tpu.memory_space<vmem>> -> memref<1x250x72xf32, #tpu.memory_space<vmem>>
      %dma_start3A_347 = tpu.memref_squeeze %dma_start3A_346 : memref<1x250x72xf32, #tpu.memory_space<vmem>> -> memref<250x72xf32, #tpu.memory_space<vmem>>
      %dma_start3A_348 = arith.constant 0 : i32
      %dma_start3A_349 = arith.constant 0 : i32
      %dma_start3A_350 = tpu.memref_slice %dma_start3A_347[%dma_start3A_348, %dma_start3A_349] : memref<250x72xf32, #tpu.memory_space<vmem>> -> memref<128x72xf32, #tpu.memory_space<vmem>>
      %dma_start3A_351 = arith.constant 0 : i32
      %dma_start3A_352 = tpu.memref_slice %arg10[%add3A_285, %dma_start3A_351] : memref<10240x72xf32, #tpu.memory_space<vmem_shared>> -> memref<128x72xf32, #tpu.memory_space<vmem_shared>>
      tpu.enqueue_dma source(%dma_start3A_352 : memref<128x72xf32, #tpu.memory_space<vmem_shared>>) target(%dma_start3A_350 : memref<128x72xf32, #tpu.memory_space<vmem>>) target_semaphore(%run_scoped3A_334 : memref<!tpu.dma_semaphore, #tpu.memory_space<semaphore_mem>>)
      %dma_wait3A_353 = arith.constant 0 : i32
      %dma_wait3A_354 = arith.constant 0 : i32
      %dma_wait3A_355 = tpu.memref_slice %arg9[%run_scoped3A_286, %dma_wait3A_353, %dma_wait3A_354] : memref<2x250x72xf32, #tpu.memory_space<vmem>> -> memref<1x250x72xf32, #tpu.memory_space<vmem>>
      %dma_wait3A_356 = tpu.memref_squeeze %dma_wait3A_355 : memref<1x250x72xf32, #tpu.memory_space<vmem>> -> memref<250x72xf32, #tpu.memory_space<vmem>>
      %dma_wait3A_357 = arith.constant 0 : i32
      %dma_wait3A_358 = arith.constant 0 : i32
      %dma_wait3A_359 = tpu.memref_slice %dma_wait3A_356[%dma_wait3A_357, %dma_wait3A_358] : memref<250x72xf32, #tpu.memory_space<vmem>> -> memref<128x72xf32, #tpu.memory_space<vmem>>
      %dma_wait3A_360 = arith.constant 0 : i32
      %dma_wait3A_361 = tpu.memref_slice %arg10[%add3A_285, %dma_wait3A_360] : memref<10240x72xf32, #tpu.memory_space<vmem_shared>> -> memref<128x72xf32, #tpu.memory_space<vmem_shared>>
      %dma_wait3A_362 = arith.constant 0 : i32
      %dma_wait3A_363 = arith.constant 0 : i32
      %dma_wait3A_364 = tpu.memref_slice %arg9[%run_scoped3A_286, %dma_wait3A_362, %dma_wait3A_363] : memref<2x250x72xf32, #tpu.memory_space<vmem>> -> memref<1x250x72xf32, #tpu.memory_space<vmem>>
      %dma_wait3A_365 = tpu.memref_squeeze %dma_wait3A_364 : memref<1x250x72xf32, #tpu.memory_space<vmem>> -> memref<250x72xf32, #tpu.memory_space<vmem>>
      %dma_wait3A_366 = arith.constant 0 : i32
      %dma_wait3A_367 = arith.constant 0 : i32
      %dma_wait3A_368 = tpu.memref_slice %dma_wait3A_365[%dma_wait3A_366, %dma_wait3A_367] : memref<250x72xf32, #tpu.memory_space<vmem>> -> memref<128x72xf32, #tpu.memory_space<vmem>>
      %dma_wait3A_369 = arith.constant 0 : i32
      %dma_wait3A_370 = tpu.memref_slice %arg10[%add3A_285, %dma_wait3A_369] : memref<10240x72xf32, #tpu.memory_space<vmem_shared>> -> memref<128x72xf32, #tpu.memory_space<vmem_shared>>
      tpu.wait_dma2 semaphore(%run_scoped3A_334 : memref<!tpu.dma_semaphore, #tpu.memory_space<semaphore_mem>>) src(%dma_wait3A_370 : memref<128x72xf32, #tpu.memory_space<vmem_shared>>) dst(%dma_wait3A_368 : memref<128x72xf32, #tpu.memory_space<vmem>>)
      tpu.yield
    }) : () -> ()
    %scan3A_287 = arith.constant 0 : i32
    %scan3A_288 = arith.constant 0 : i32
    %scan3A_289 = arith.constant 0 : i32
    %scan3A_290 = arith.constant 128 : i32
    %scan3A_291 = arith.addi %scan3A_289, %scan3A_290 : i32
    %scan3A_292 = arith.constant 1 : i32
    scf.for %scan3A_334 = %scan3A_289 to %scan3A_291 step %scan3A_292  : i32 {
      %get3A = arith.constant 0 : i32
      %get3A_335 = arith.constant 0 : i32
      %get3A_336 = tpu.memref_slice %arg9[%scan3A_288, %get3A, %get3A_335] : memref<2x250x72xf32, #tpu.memory_space<vmem>> -> memref<1x250x72xf32, #tpu.memory_space<vmem>>
      %get3A_337 = tpu.memref_squeeze %get3A_336 : memref<1x250x72xf32, #tpu.memory_space<vmem>> -> memref<250x72xf32, #tpu.memory_space<vmem>>
      %get3A_338 = arith.constant 0 : i32
      %get3A_339 = arith.constant 0 : i32
      %get3A_340 = tpu.memref_slice %get3A_337[%get3A_338, %get3A_339] : memref<250x72xf32, #tpu.memory_space<vmem>> -> memref<128x72xf32, #tpu.memory_space<vmem>>
      %get3A_341 = arith.index_cast %scan3A_334 : i32 to index
      %get3A_342 = arith.constant 56 : index
      %get3A_343 = tpu.vector_load %get3A_340[%get3A_341, %get3A_342] {strides = array<i32>} : memref<128x72xf32, #tpu.memory_space<vmem>>, vector<1x16xf32>,
      %get3A_344 = vector.shape_cast %get3A_343 : vector<1x16xf32> to vector<16xf32>
      %gt3A = arith.constant 0.000000e+00 : f32
      %gt3A_345 = vector.broadcast %gt3A : f32 to vector<16xf32>
      %gt3A_346 = arith.cmpf ogt, %get3A_344, %gt3A_345 : vector<16xf32>
      %div3A = arith.constant 1.000000e+00 : f32
      %div3A_347 = vector.broadcast %div3A : f32 to vector<16xf32>
      %div3A_348 = arith.divf %div3A_347, %get3A_344 : vector<16xf32>
      %jit3A = arith.constant 0.000000e+00 : f32
      %broadcast_in_dim3A_349 = vector.broadcast %jit3A : f32 to vector<16xf32>
      %select_n3A = arith.select %gt3A_346, %div3A_348, %broadcast_in_dim3A_349 : vector<16xi1>, vector<16xf32>
      %slice3A = vector.extract_strided_slice %select_n3A {offsets = [8], sizes = [1], strides = [1]} : vector<16xf32> to vector<1xf32>
      %squeeze3A = vector.extract %slice3A[0] : f32 from vector<1xf32>
      %broadcast_in_dim3A_350 = vector.broadcast %squeeze3A : f32 to vector<16xf32>
      %get3A_351 = arith.constant 0 : i32
      %get3A_352 = arith.constant 0 : i32
      %get3A_353 = tpu.memref_slice %arg9[%scan3A_288, %get3A_351, %get3A_352] : memref<2x250x72xf32, #tpu.memory_space<vmem>> -> memref<1x250x72xf32, #tpu.memory_space<vmem>>
      %get3A_354 = tpu.memref_squeeze %get3A_353 : memref<1x250x72xf32, #tpu.memory_space<vmem>> -> memref<250x72xf32, #tpu.memory_space<vmem>>
      %get3A_355 = arith.constant 0 : i32
      %get3A_356 = arith.constant 0 : i32
      %get3A_357 = tpu.memref_slice %get3A_354[%get3A_355, %get3A_356] : memref<250x72xf32, #tpu.memory_space<vmem>> -> memref<128x72xf32, #tpu.memory_space<vmem>>
      %get3A_358 = arith.index_cast %scan3A_334 : i32 to index
      %get3A_359 = arith.constant 0 : index
      %get3A_360 = tpu.vector_load %get3A_357[%get3A_358, %get3A_359] {strides = array<i32>} : memref<128x72xf32, #tpu.memory_space<vmem>>, vector<1x16xf32>,
      %get3A_361 = vector.shape_cast %get3A_360 : vector<1x16xf32> to vector<16xf32>
      %mul3A_362 = arith.mulf %get3A_361, %broadcast_in_dim3A_350 : vector<16xf32>
      %swap3A = arith.constant 0 : i32
      %swap3A_363 = arith.constant 0 : i32
      %swap3A_364 = tpu.memref_slice %arg9[%scan3A_288, %swap3A, %swap3A_363] : memref<2x250x72xf32, #tpu.memory_space<vmem>> -> memref<1x250x72xf32, #tpu.memory_space<vmem>>
      %swap3A_365 = tpu.memref_squeeze %swap3A_364 : memref<1x250x72xf32, #tpu.memory_space<vmem>> -> memref<250x72xf32, #tpu.memory_space<vmem>>
      %swap3A_366 = arith.constant 0 : i32
      %swap3A_367 = arith.constant 0 : i32
      %swap3A_368 = tpu.memref_slice %swap3A_365[%swap3A_366, %swap3A_367] : memref<250x72xf32, #tpu.memory_space<vmem>> -> memref<128x72xf32, #tpu.memory_space<vmem>>
      %swap3A_369 = arith.index_cast %scan3A_334 : i32 to index
      %swap3A_370 = arith.constant 0 : index
      %swap3A_371 = tpu.vector_load %swap3A_368[%swap3A_369, %swap3A_370] {strides = array<i32>} : memref<128x72xf32, #tpu.memory_space<vmem>>, vector<1x16xf32>,
      %swap3A_372 = vector.shape_cast %swap3A_371 : vector<1x16xf32> to vector<16xf32>
      %swap3A_373 = vector.shape_cast %mul3A_362 : vector<16xf32> to vector<1x16xf32>
      tpu.vector_store %swap3A_368[%swap3A_369, %swap3A_370], %swap3A_373 {strides = array<i32>} : memref<128x72xf32, #tpu.memory_space<vmem>>, vector<1x16xf32>,
      %get3A_374 = arith.constant 0 : i32
      %get3A_375 = arith.constant 0 : i32
      %get3A_376 = tpu.memref_slice %arg9[%scan3A_288, %get3A_374, %get3A_375] : memref<2x250x72xf32, #tpu.memory_space<vmem>> -> memref<1x250x72xf32, #tpu.memory_space<vmem>>
      %get3A_377 = tpu.memref_squeeze %get3A_376 : memref<1x250x72xf32, #tpu.memory_space<vmem>> -> memref<250x72xf32, #tpu.memory_space<vmem>>
      %get3A_378 = arith.constant 0 : i32
      %get3A_379 = arith.constant 0 : i32
      %get3A_380 = tpu.memref_slice %get3A_377[%get3A_378, %get3A_379] : memref<250x72xf32, #tpu.memory_space<vmem>> -> memref<128x72xf32, #tpu.memory_space<vmem>>
      %get3A_381 = arith.index_cast %scan3A_334 : i32 to index
      %get3A_382 = arith.constant 16 : index
      %get3A_383 = tpu.vector_load %get3A_380[%get3A_381, %get3A_382] {strides = array<i32>} : memref<128x72xf32, #tpu.memory_space<vmem>>, vector<1x16xf32>,
      %get3A_384 = vector.shape_cast %get3A_383 : vector<1x16xf32> to vector<16xf32>
      %mul3A_385 = arith.mulf %get3A_384, %broadcast_in_dim3A_350 : vector<16xf32>
      %swap3A_386 = arith.constant 0 : i32
      %swap3A_387 = arith.constant 0 : i32
      %swap3A_388 = tpu.memref_slice %arg9[%scan3A_288, %swap3A_386, %swap3A_387] : memref<2x250x72xf32, #tpu.memory_space<vmem>> -> memref<1x250x72xf32, #tpu.memory_space<vmem>>
      %swap3A_389 = tpu.memref_squeeze %swap3A_388 : memref<1x250x72xf32, #tpu.memory_space<vmem>> -> memref<250x72xf32, #tpu.memory_space<vmem>>
      %swap3A_390 = arith.constant 0 : i32
      %swap3A_391 = arith.constant 0 : i32
      %swap3A_392 = tpu.memref_slice %swap3A_389[%swap3A_390, %swap3A_391] : memref<250x72xf32, #tpu.memory_space<vmem>> -> memref<128x72xf32, #tpu.memory_space<vmem>>
      %swap3A_393 = arith.index_cast %scan3A_334 : i32 to index
      %swap3A_394 = arith.constant 16 : index
      %swap3A_395 = tpu.vector_load %swap3A_392[%swap3A_393, %swap3A_394] {strides = array<i32>} : memref<128x72xf32, #tpu.memory_space<vmem>>, vector<1x16xf32>,
      %swap3A_396 = vector.shape_cast %swap3A_395 : vector<1x16xf32> to vector<16xf32>
      %swap3A_397 = vector.shape_cast %mul3A_385 : vector<16xf32> to vector<1x16xf32>
      tpu.vector_store %swap3A_392[%swap3A_393, %swap3A_394], %swap3A_397 {strides = array<i32>} : memref<128x72xf32, #tpu.memory_space<vmem>>, vector<1x16xf32>,
      %get3A_398 = arith.constant 0 : i32
      %get3A_399 = arith.constant 0 : i32
      %get3A_400 = tpu.memref_slice %arg9[%scan3A_288, %get3A_398, %get3A_399] : memref<2x250x72xf32, #tpu.memory_space<vmem>> -> memref<1x250x72xf32, #tpu.memory_space<vmem>>
      %get3A_401 = tpu.memref_squeeze %get3A_400 : memref<1x250x72xf32, #tpu.memory_space<vmem>> -> memref<250x72xf32, #tpu.memory_space<vmem>>
      %get3A_402 = arith.constant 0 : i32
      %get3A_403 = arith.constant 0 : i32
      %get3A_404 = tpu.memref_slice %get3A_401[%get3A_402, %get3A_403] : memref<250x72xf32, #tpu.memory_space<vmem>> -> memref<128x72xf32, #tpu.memory_space<vmem>>
      %get3A_405 = arith.index_cast %scan3A_334 : i32 to index
      %get3A_406 = arith.constant 32 : index
      %get3A_407 = tpu.vector_load %get3A_404[%get3A_405, %get3A_406] {strides = array<i32>} : memref<128x72xf32, #tpu.memory_space<vmem>>, vector<1x16xf32>,
      %get3A_408 = vector.shape_cast %get3A_407 : vector<1x16xf32> to vector<16xf32>
      %mul3A_409 = arith.mulf %get3A_408, %broadcast_in_dim3A_350 : vector<16xf32>
      %swap3A_410 = arith.constant 0 : i32
      %swap3A_411 = arith.constant 0 : i32
      %swap3A_412 = tpu.memref_slice %arg9[%scan3A_288, %swap3A_410, %swap3A_411] : memref<2x250x72xf32, #tpu.memory_space<vmem>> -> memref<1x250x72xf32, #tpu.memory_space<vmem>>
      %swap3A_413 = tpu.memref_squeeze %swap3A_412 : memref<1x250x72xf32, #tpu.memory_space<vmem>> -> memref<250x72xf32, #tpu.memory_space<vmem>>
      %swap3A_414 = arith.constant 0 : i32
      %swap3A_415 = arith.constant 0 : i32
      %swap3A_416 = tpu.memref_slice %swap3A_413[%swap3A_414, %swap3A_415] : memref<250x72xf32, #tpu.memory_space<vmem>> -> memref<128x72xf32, #tpu.memory_space<vmem>>
      %swap3A_417 = arith.index_cast %scan3A_334 : i32 to index
      %swap3A_418 = arith.constant 32 : index
      %swap3A_419 = tpu.vector_load %swap3A_416[%swap3A_417, %swap3A_418] {strides = array<i32>} : memref<128x72xf32, #tpu.memory_space<vmem>>, vector<1x16xf32>,
      %swap3A_420 = vector.shape_cast %swap3A_419 : vector<1x16xf32> to vector<16xf32>
      %swap3A_421 = vector.shape_cast %mul3A_409 : vector<16xf32> to vector<1x16xf32>
      tpu.vector_store %swap3A_416[%swap3A_417, %swap3A_418], %swap3A_421 {strides = array<i32>} : memref<128x72xf32, #tpu.memory_space<vmem>>, vector<1x16xf32>,
      %get3A_422 = arith.constant 0 : i32
      %get3A_423 = arith.constant 0 : i32
      %get3A_424 = tpu.memref_slice %arg9[%scan3A_288, %get3A_422, %get3A_423] : memref<2x250x72xf32, #tpu.memory_space<vmem>> -> memref<1x250x72xf32, #tpu.memory_space<vmem>>
      %get3A_425 = tpu.memref_squeeze %get3A_424 : memref<1x250x72xf32, #tpu.memory_space<vmem>> -> memref<250x72xf32, #tpu.memory_space<vmem>>
      %get3A_426 = arith.constant 0 : i32
      %get3A_427 = arith.constant 0 : i32
      %get3A_428 = tpu.memref_slice %get3A_425[%get3A_426, %get3A_427] : memref<250x72xf32, #tpu.memory_space<vmem>> -> memref<128x72xf32, #tpu.memory_space<vmem>>
      %get3A_429 = arith.index_cast %scan3A_334 : i32 to index
      %get3A_430 = arith.constant 48 : index
      %get3A_431 = tpu.vector_load %get3A_428[%get3A_429, %get3A_430] {strides = array<i32>} : memref<128x72xf32, #tpu.memory_space<vmem>>, vector<1x16xf32>,
      %get3A_432 = vector.shape_cast %get3A_431 : vector<1x16xf32> to vector<16xf32>
      %mul3A_433 = arith.mulf %get3A_432, %broadcast_in_dim3A_350 : vector<16xf32>
      %swap3A_434 = arith.constant 0 : i32
      %swap3A_435 = arith.constant 0 : i32
      %swap3A_436 = tpu.memref_slice %arg9[%scan3A_288, %swap3A_434, %swap3A_435] : memref<2x250x72xf32, #tpu.memory_space<vmem>> -> memref<1x250x72xf32, #tpu.memory_space<vmem>>
      %swap3A_437 = tpu.memref_squeeze %swap3A_436 : memref<1x250x72xf32, #tpu.memory_space<vmem>> -> memref<250x72xf32, #tpu.memory_space<vmem>>
      %swap3A_438 = arith.constant 0 : i32
      %swap3A_439 = arith.constant 0 : i32
      %swap3A_440 = tpu.memref_slice %swap3A_437[%swap3A_438, %swap3A_439] : memref<250x72xf32, #tpu.memory_space<vmem>> -> memref<128x72xf32, #tpu.memory_space<vmem>>
      %swap3A_441 = arith.index_cast %scan3A_334 : i32 to index
      %swap3A_442 = arith.constant 48 : index
      %swap3A_443 = tpu.vector_load %swap3A_440[%swap3A_441, %swap3A_442] {strides = array<i32>} : memref<128x72xf32, #tpu.memory_space<vmem>>, vector<1x16xf32>,
      %swap3A_444 = vector.shape_cast %swap3A_443 : vector<1x16xf32> to vector<16xf32>
      %swap3A_445 = vector.shape_cast %mul3A_433 : vector<16xf32> to vector<1x16xf32>
      tpu.vector_store %swap3A_440[%swap3A_441, %swap3A_442], %swap3A_445 {strides = array<i32>} : memref<128x72xf32, #tpu.memory_space<vmem>>, vector<1x16xf32>,
      %mul3A_446 = arith.mulf %get3A_344, %broadcast_in_dim3A_350 : vector<16xf32>
      %swap3A_447 = arith.constant 0 : i32
      %swap3A_448 = arith.constant 0 : i32
      %swap3A_449 = tpu.memref_slice %arg9[%scan3A_288, %swap3A_447, %swap3A_448] : memref<2x250x72xf32, #tpu.memory_space<vmem>> -> memref<1x250x72xf32, #tpu.memory_space<vmem>>
      %swap3A_450 = tpu.memref_squeeze %swap3A_449 : memref<1x250x72xf32, #tpu.memory_space<vmem>> -> memref<250x72xf32, #tpu.memory_space<vmem>>
      %swap3A_451 = arith.constant 0 : i32
      %swap3A_452 = arith.constant 0 : i32
      %swap3A_453 = tpu.memref_slice %swap3A_450[%swap3A_451, %swap3A_452] : memref<250x72xf32, #tpu.memory_space<vmem>> -> memref<128x72xf32, #tpu.memory_space<vmem>>
      %swap3A_454 = arith.index_cast %scan3A_334 : i32 to index
      %swap3A_455 = arith.constant 56 : index
      %swap3A_456 = tpu.vector_load %swap3A_453[%swap3A_454, %swap3A_455] {strides = array<i32>} : memref<128x72xf32, #tpu.memory_space<vmem>>, vector<1x16xf32>,
      %swap3A_457 = vector.shape_cast %swap3A_456 : vector<1x16xf32> to vector<16xf32>
      %swap3A_458 = vector.shape_cast %mul3A_446 : vector<16xf32> to vector<1x16xf32>
      tpu.vector_store %swap3A_453[%swap3A_454, %swap3A_455], %swap3A_458 {strides = array<i32>} : memref<128x72xf32, #tpu.memory_space<vmem>>, vector<1x16xf32>,
    }
    %scan3A_293 = arith.constant 128 : i32
    %run_scoped3A_294 = arith.constant 0 : i32
    "tpu.region"() ({
      %run_scoped3A_334 = tpu.sem_alloc : memref<!tpu.dma_semaphore, #tpu.memory_space<semaphore_mem>>
      %dma_start3A_335 = arith.constant 0 : i32
      %dma_start3A_336 = arith.constant 0 : i32
      %dma_start3A_337 = tpu.memref_slice %arg9[%run_scoped3A_294, %dma_start3A_335, %dma_start3A_336] : memref<2x250x72xf32, #tpu.memory_space<vmem>> -> memref<1x250x72xf32, #tpu.memory_space<vmem>>
      %dma_start3A_338 = tpu.memref_squeeze %dma_start3A_337 : memref<1x250x72xf32, #tpu.memory_space<vmem>> -> memref<250x72xf32, #tpu.memory_space<vmem>>
      %dma_start3A_339 = arith.constant 0 : i32
      %dma_start3A_340 = arith.constant 0 : i32
      %dma_start3A_341 = tpu.memref_slice %dma_start3A_338[%dma_start3A_339, %dma_start3A_340] : memref<250x72xf32, #tpu.memory_space<vmem>> -> memref<128x72xf32, #tpu.memory_space<vmem>>
      %dma_start3A_342 = arith.constant 0 : i32
      %dma_start3A_343 = arith.constant 0 : i32
      %dma_start3A_344 = tpu.memref_slice %arg5[%arg0, %dma_start3A_342, %dma_start3A_343] : memref<2x10240x72xf32, #tpu.memory_space<hbm>> -> memref<1x10240x72xf32, #tpu.memory_space<hbm>>
      %dma_start3A_345 = tpu.memref_squeeze %dma_start3A_344 : memref<1x10240x72xf32, #tpu.memory_space<hbm>> -> memref<10240x72xf32, #tpu.memory_space<hbm>>
      %dma_start3A_346 = arith.constant 0 : i32
      %dma_start3A_347 = tpu.memref_slice %dma_start3A_345[%add3A_285, %dma_start3A_346] : memref<10240x72xf32, #tpu.memory_space<hbm>> -> memref<128x72xf32, #tpu.memory_space<hbm>>
      %dma_start3A_348 = arith.constant 0 : i32
      %dma_start3A_349 = arith.constant 0 : i32
      %dma_start3A_350 = tpu.memref_slice %arg5[%arg0, %dma_start3A_348, %dma_start3A_349] : memref<2x10240x72xf32, #tpu.memory_space<hbm>> -> memref<1x10240x72xf32, #tpu.memory_space<hbm>>
      %dma_start3A_351 = tpu.memref_squeeze %dma_start3A_350 : memref<1x10240x72xf32, #tpu.memory_space<hbm>> -> memref<10240x72xf32, #tpu.memory_space<hbm>>
      %dma_start3A_352 = arith.constant 0 : i32
      %dma_start3A_353 = tpu.memref_slice %dma_start3A_351[%add3A_285, %dma_start3A_352] : memref<10240x72xf32, #tpu.memory_space<hbm>> -> memref<128x72xf32, #tpu.memory_space<hbm>>
      %dma_start3A_354 = arith.constant 0 : i32
      %dma_start3A_355 = arith.constant 0 : i32
      %dma_start3A_356 = tpu.memref_slice %arg9[%run_scoped3A_294, %dma_start3A_354, %dma_start3A_355] : memref<2x250x72xf32, #tpu.memory_space<vmem>> -> memref<1x250x72xf32, #tpu.memory_space<vmem>>
      %dma_start3A_357 = tpu.memref_squeeze %dma_start3A_356 : memref<1x250x72xf32, #tpu.memory_space<vmem>> -> memref<250x72xf32, #tpu.memory_space<vmem>>
      %dma_start3A_358 = arith.constant 0 : i32
      %dma_start3A_359 = arith.constant 0 : i32
      %dma_start3A_360 = tpu.memref_slice %dma_start3A_357[%dma_start3A_358, %dma_start3A_359] : memref<250x72xf32, #tpu.memory_space<vmem>> -> memref<128x72xf32, #tpu.memory_space<vmem>>
      tpu.enqueue_dma source(%dma_start3A_360 : memref<128x72xf32, #tpu.memory_space<vmem>>) target(%dma_start3A_353 : memref<128x72xf32, #tpu.memory_space<hbm>>) target_semaphore(%run_scoped3A_334 : memref<!tpu.dma_semaphore, #tpu.memory_space<semaphore_mem>>)
      %dma_wait3A_361 = arith.constant 0 : i32
      %dma_wait3A_362 = arith.constant 0 : i32
      %dma_wait3A_363 = tpu.memref_slice %arg9[%run_scoped3A_294, %dma_wait3A_361, %dma_wait3A_362] : memref<2x250x72xf32, #tpu.memory_space<vmem>> -> memref<1x250x72xf32, #tpu.memory_space<vmem>>
      %dma_wait3A_364 = tpu.memref_squeeze %dma_wait3A_363 : memref<1x250x72xf32, #tpu.memory_space<vmem>> -> memref<250x72xf32, #tpu.memory_space<vmem>>
      %dma_wait3A_365 = arith.constant 0 : i32
      %dma_wait3A_366 = arith.constant 0 : i32
      %dma_wait3A_367 = tpu.memref_slice %dma_wait3A_364[%dma_wait3A_365, %dma_wait3A_366] : memref<250x72xf32, #tpu.memory_space<vmem>> -> memref<128x72xf32, #tpu.memory_space<vmem>>
      %dma_wait3A_368 = arith.constant 0 : i32
      %dma_wait3A_369 = arith.constant 0 : i32
      %dma_wait3A_370 = tpu.memref_slice %arg5[%arg0, %dma_wait3A_368, %dma_wait3A_369] : memref<2x10240x72xf32, #tpu.memory_space<hbm>> -> memref<1x10240x72xf32, #tpu.memory_space<hbm>>
      %dma_wait3A_371 = tpu.memref_squeeze %dma_wait3A_370 : memref<1x10240x72xf32, #tpu.memory_space<hbm>> -> memref<10240x72xf32, #tpu.memory_space<hbm>>
      %dma_wait3A_372 = arith.constant 0 : i32
      %dma_wait3A_373 = tpu.memref_slice %dma_wait3A_371[%add3A_285, %dma_wait3A_372] : memref<10240x72xf32, #tpu.memory_space<hbm>> -> memref<128x72xf32, #tpu.memory_space<hbm>>
      %dma_wait3A_374 = arith.constant 0 : i32
      %dma_wait3A_375 = arith.constant 0 : i32
      %dma_wait3A_376 = tpu.memref_slice %arg5[%arg0, %dma_wait3A_374, %dma_wait3A_375] : memref<2x10240x72xf32, #tpu.memory_space<hbm>> -> memref<1x10240x72xf32, #tpu.memory_space<hbm>>
      %dma_wait3A_377 = tpu.memref_squeeze %dma_wait3A_376 : memref<1x10240x72xf32, #tpu.memory_space<hbm>> -> memref<10240x72xf32, #tpu.memory_space<hbm>>
      %dma_wait3A_378 = arith.constant 0 : i32
      %dma_wait3A_379 = tpu.memref_slice %dma_wait3A_377[%add3A_285, %dma_wait3A_378] : memref<10240x72xf32, #tpu.memory_space<hbm>> -> memref<128x72xf32, #tpu.memory_space<hbm>>
      %dma_wait3A_380 = arith.constant 0 : i32
      %dma_wait3A_381 = arith.constant 0 : i32
      %dma_wait3A_382 = tpu.memref_slice %arg9[%run_scoped3A_294, %dma_wait3A_380, %dma_wait3A_381] : memref<2x250x72xf32, #tpu.memory_space<vmem>> -> memref<1x250x72xf32, #tpu.memory_space<vmem>>
      %dma_wait3A_383 = tpu.memref_squeeze %dma_wait3A_382 : memref<1x250x72xf32, #tpu.memory_space<vmem>> -> memref<250x72xf32, #tpu.memory_space<vmem>>
      %dma_wait3A_384 = arith.constant 0 : i32
      %dma_wait3A_385 = arith.constant 0 : i32
      %dma_wait3A_386 = tpu.memref_slice %dma_wait3A_383[%dma_wait3A_384, %dma_wait3A_385] : memref<250x72xf32, #tpu.memory_space<vmem>> -> memref<128x72xf32, #tpu.memory_space<vmem>>
      tpu.wait_dma2 semaphore(%run_scoped3A_334 : memref<!tpu.dma_semaphore, #tpu.memory_space<semaphore_mem>>) src(%dma_wait3A_386 : memref<128x72xf32, #tpu.memory_space<vmem>>) dst(%dma_wait3A_379 : memref<128x72xf32, #tpu.memory_space<hbm>>)
      tpu.yield
    }) : () -> ()
    %mul3A_295 = arith.constant 640 : i32
    %mul3A_296 = arith.muli %arg1, %mul3A_295 : i32
    %add3A_297 = arith.constant 256 : i32
    %add3A_298 = arith.addi %mul3A_296, %add3A_297 : i32
    %run_scoped3A_299 = arith.constant 0 : i32
    "tpu.region"() ({
      %run_scoped3A_334 = tpu.sem_alloc : memref<!tpu.dma_semaphore, #tpu.memory_space<semaphore_mem>>
      %dma_start3A_335 = arith.constant 0 : i32
      %dma_start3A_336 = arith.constant 0 : i32
      %dma_start3A_337 = tpu.memref_slice %arg9[%run_scoped3A_299, %dma_start3A_335, %dma_start3A_336] : memref<2x250x72xf32, #tpu.memory_space<vmem>> -> memref<1x250x72xf32, #tpu.memory_space<vmem>>
      %dma_start3A_338 = tpu.memref_squeeze %dma_start3A_337 : memref<1x250x72xf32, #tpu.memory_space<vmem>> -> memref<250x72xf32, #tpu.memory_space<vmem>>
      %dma_start3A_339 = arith.constant 0 : i32
      %dma_start3A_340 = arith.constant 0 : i32
      %dma_start3A_341 = tpu.memref_slice %dma_start3A_338[%dma_start3A_339, %dma_start3A_340] : memref<250x72xf32, #tpu.memory_space<vmem>> -> memref<128x72xf32, #tpu.memory_space<vmem>>
      %dma_start3A_342 = arith.constant 0 : i32
      %dma_start3A_343 = tpu.memref_slice %arg10[%add3A_298, %dma_start3A_342] : memref<10240x72xf32, #tpu.memory_space<vmem_shared>> -> memref<128x72xf32, #tpu.memory_space<vmem_shared>>
      %dma_start3A_344 = arith.constant 0 : i32
      %dma_start3A_345 = arith.constant 0 : i32
      %dma_start3A_346 = tpu.memref_slice %arg9[%run_scoped3A_299, %dma_start3A_344, %dma_start3A_345] : memref<2x250x72xf32, #tpu.memory_space<vmem>> -> memref<1x250x72xf32, #tpu.memory_space<vmem>>
      %dma_start3A_347 = tpu.memref_squeeze %dma_start3A_346 : memref<1x250x72xf32, #tpu.memory_space<vmem>> -> memref<250x72xf32, #tpu.memory_space<vmem>>
      %dma_start3A_348 = arith.constant 0 : i32
      %dma_start3A_349 = arith.constant 0 : i32
      %dma_start3A_350 = tpu.memref_slice %dma_start3A_347[%dma_start3A_348, %dma_start3A_349] : memref<250x72xf32, #tpu.memory_space<vmem>> -> memref<128x72xf32, #tpu.memory_space<vmem>>
      %dma_start3A_351 = arith.constant 0 : i32
      %dma_start3A_352 = tpu.memref_slice %arg10[%add3A_298, %dma_start3A_351] : memref<10240x72xf32, #tpu.memory_space<vmem_shared>> -> memref<128x72xf32, #tpu.memory_space<vmem_shared>>
      tpu.enqueue_dma source(%dma_start3A_352 : memref<128x72xf32, #tpu.memory_space<vmem_shared>>) target(%dma_start3A_350 : memref<128x72xf32, #tpu.memory_space<vmem>>) target_semaphore(%run_scoped3A_334 : memref<!tpu.dma_semaphore, #tpu.memory_space<semaphore_mem>>)
      %dma_wait3A_353 = arith.constant 0 : i32
      %dma_wait3A_354 = arith.constant 0 : i32
      %dma_wait3A_355 = tpu.memref_slice %arg9[%run_scoped3A_299, %dma_wait3A_353, %dma_wait3A_354] : memref<2x250x72xf32, #tpu.memory_space<vmem>> -> memref<1x250x72xf32, #tpu.memory_space<vmem>>
      %dma_wait3A_356 = tpu.memref_squeeze %dma_wait3A_355 : memref<1x250x72xf32, #tpu.memory_space<vmem>> -> memref<250x72xf32, #tpu.memory_space<vmem>>
      %dma_wait3A_357 = arith.constant 0 : i32
      %dma_wait3A_358 = arith.constant 0 : i32
      %dma_wait3A_359 = tpu.memref_slice %dma_wait3A_356[%dma_wait3A_357, %dma_wait3A_358] : memref<250x72xf32, #tpu.memory_space<vmem>> -> memref<128x72xf32, #tpu.memory_space<vmem>>
      %dma_wait3A_360 = arith.constant 0 : i32
      %dma_wait3A_361 = tpu.memref_slice %arg10[%add3A_298, %dma_wait3A_360] : memref<10240x72xf32, #tpu.memory_space<vmem_shared>> -> memref<128x72xf32, #tpu.memory_space<vmem_shared>>
      %dma_wait3A_362 = arith.constant 0 : i32
      %dma_wait3A_363 = arith.constant 0 : i32
      %dma_wait3A_364 = tpu.memref_slice %arg9[%run_scoped3A_299, %dma_wait3A_362, %dma_wait3A_363] : memref<2x250x72xf32, #tpu.memory_space<vmem>> -> memref<1x250x72xf32, #tpu.memory_space<vmem>>
      %dma_wait3A_365 = tpu.memref_squeeze %dma_wait3A_364 : memref<1x250x72xf32, #tpu.memory_space<vmem>> -> memref<250x72xf32, #tpu.memory_space<vmem>>
      %dma_wait3A_366 = arith.constant 0 : i32
      %dma_wait3A_367 = arith.constant 0 : i32
      %dma_wait3A_368 = tpu.memref_slice %dma_wait3A_365[%dma_wait3A_366, %dma_wait3A_367] : memref<250x72xf32, #tpu.memory_space<vmem>> -> memref<128x72xf32, #tpu.memory_space<vmem>>
      %dma_wait3A_369 = arith.constant 0 : i32
      %dma_wait3A_370 = tpu.memref_slice %arg10[%add3A_298, %dma_wait3A_369] : memref<10240x72xf32, #tpu.memory_space<vmem_shared>> -> memref<128x72xf32, #tpu.memory_space<vmem_shared>>
      tpu.wait_dma2 semaphore(%run_scoped3A_334 : memref<!tpu.dma_semaphore, #tpu.memory_space<semaphore_mem>>) src(%dma_wait3A_370 : memref<128x72xf32, #tpu.memory_space<vmem_shared>>) dst(%dma_wait3A_368 : memref<128x72xf32, #tpu.memory_space<vmem>>)
      tpu.yield
    }) : () -> ()
    %scan3A_300 = arith.constant 0 : i32
    %scan3A_301 = arith.constant 0 : i32
    %scan3A_302 = arith.constant 0 : i32
    %scan3A_303 = arith.constant 128 : i32
    %scan3A_304 = arith.addi %scan3A_302, %scan3A_303 : i32
    %scan3A_305 = arith.constant 1 : i32
    scf.for %scan3A_334 = %scan3A_302 to %scan3A_304 step %scan3A_305  : i32 {
      %get3A = arith.constant 0 : i32
      %get3A_335 = arith.constant 0 : i32
      %get3A_336 = tpu.memref_slice %arg9[%scan3A_301, %get3A, %get3A_335] : memref<2x250x72xf32, #tpu.memory_space<vmem>> -> memref<1x250x72xf32, #tpu.memory_space<vmem>>
      %get3A_337 = tpu.memref_squeeze %get3A_336 : memref<1x250x72xf32, #tpu.memory_space<vmem>> -> memref<250x72xf32, #tpu.memory_space<vmem>>
      %get3A_338 = arith.constant 0 : i32
      %get3A_339 = arith.constant 0 : i32
      %get3A_340 = tpu.memref_slice %get3A_337[%get3A_338, %get3A_339] : memref<250x72xf32, #tpu.memory_space<vmem>> -> memref<128x72xf32, #tpu.memory_space<vmem>>
      %get3A_341 = arith.index_cast %scan3A_334 : i32 to index
      %get3A_342 = arith.constant 56 : index
      %get3A_343 = tpu.vector_load %get3A_340[%get3A_341, %get3A_342] {strides = array<i32>} : memref<128x72xf32, #tpu.memory_space<vmem>>, vector<1x16xf32>,
      %get3A_344 = vector.shape_cast %get3A_343 : vector<1x16xf32> to vector<16xf32>
      %gt3A = arith.constant 0.000000e+00 : f32
      %gt3A_345 = vector.broadcast %gt3A : f32 to vector<16xf32>
      %gt3A_346 = arith.cmpf ogt, %get3A_344, %gt3A_345 : vector<16xf32>
      %div3A = arith.constant 1.000000e+00 : f32
      %div3A_347 = vector.broadcast %div3A : f32 to vector<16xf32>
      %div3A_348 = arith.divf %div3A_347, %get3A_344 : vector<16xf32>
      %jit3A = arith.constant 0.000000e+00 : f32
      %broadcast_in_dim3A_349 = vector.broadcast %jit3A : f32 to vector<16xf32>
      %select_n3A = arith.select %gt3A_346, %div3A_348, %broadcast_in_dim3A_349 : vector<16xi1>, vector<16xf32>
      %slice3A = vector.extract_strided_slice %select_n3A {offsets = [8], sizes = [1], strides = [1]} : vector<16xf32> to vector<1xf32>
      %squeeze3A = vector.extract %slice3A[0] : f32 from vector<1xf32>
      %broadcast_in_dim3A_350 = vector.broadcast %squeeze3A : f32 to vector<16xf32>
      %get3A_351 = arith.constant 0 : i32
      %get3A_352 = arith.constant 0 : i32
      %get3A_353 = tpu.memref_slice %arg9[%scan3A_301, %get3A_351, %get3A_352] : memref<2x250x72xf32, #tpu.memory_space<vmem>> -> memref<1x250x72xf32, #tpu.memory_space<vmem>>
      %get3A_354 = tpu.memref_squeeze %get3A_353 : memref<1x250x72xf32, #tpu.memory_space<vmem>> -> memref<250x72xf32, #tpu.memory_space<vmem>>
      %get3A_355 = arith.constant 0 : i32
      %get3A_356 = arith.constant 0 : i32
      %get3A_357 = tpu.memref_slice %get3A_354[%get3A_355, %get3A_356] : memref<250x72xf32, #tpu.memory_space<vmem>> -> memref<128x72xf32, #tpu.memory_space<vmem>>
      %get3A_358 = arith.index_cast %scan3A_334 : i32 to index
      %get3A_359 = arith.constant 0 : index
      %get3A_360 = tpu.vector_load %get3A_357[%get3A_358, %get3A_359] {strides = array<i32>} : memref<128x72xf32, #tpu.memory_space<vmem>>, vector<1x16xf32>,
      %get3A_361 = vector.shape_cast %get3A_360 : vector<1x16xf32> to vector<16xf32>
      %mul3A_362 = arith.mulf %get3A_361, %broadcast_in_dim3A_350 : vector<16xf32>
      %swap3A = arith.constant 0 : i32
      %swap3A_363 = arith.constant 0 : i32
      %swap3A_364 = tpu.memref_slice %arg9[%scan3A_301, %swap3A, %swap3A_363] : memref<2x250x72xf32, #tpu.memory_space<vmem>> -> memref<1x250x72xf32, #tpu.memory_space<vmem>>
      %swap3A_365 = tpu.memref_squeeze %swap3A_364 : memref<1x250x72xf32, #tpu.memory_space<vmem>> -> memref<250x72xf32, #tpu.memory_space<vmem>>
      %swap3A_366 = arith.constant 0 : i32
      %swap3A_367 = arith.constant 0 : i32
      %swap3A_368 = tpu.memref_slice %swap3A_365[%swap3A_366, %swap3A_367] : memref<250x72xf32, #tpu.memory_space<vmem>> -> memref<128x72xf32, #tpu.memory_space<vmem>>
      %swap3A_369 = arith.index_cast %scan3A_334 : i32 to index
      %swap3A_370 = arith.constant 0 : index
      %swap3A_371 = tpu.vector_load %swap3A_368[%swap3A_369, %swap3A_370] {strides = array<i32>} : memref<128x72xf32, #tpu.memory_space<vmem>>, vector<1x16xf32>,
      %swap3A_372 = vector.shape_cast %swap3A_371 : vector<1x16xf32> to vector<16xf32>
      %swap3A_373 = vector.shape_cast %mul3A_362 : vector<16xf32> to vector<1x16xf32>
      tpu.vector_store %swap3A_368[%swap3A_369, %swap3A_370], %swap3A_373 {strides = array<i32>} : memref<128x72xf32, #tpu.memory_space<vmem>>, vector<1x16xf32>,
      %get3A_374 = arith.constant 0 : i32
      %get3A_375 = arith.constant 0 : i32
      %get3A_376 = tpu.memref_slice %arg9[%scan3A_301, %get3A_374, %get3A_375] : memref<2x250x72xf32, #tpu.memory_space<vmem>> -> memref<1x250x72xf32, #tpu.memory_space<vmem>>
      %get3A_377 = tpu.memref_squeeze %get3A_376 : memref<1x250x72xf32, #tpu.memory_space<vmem>> -> memref<250x72xf32, #tpu.memory_space<vmem>>
      %get3A_378 = arith.constant 0 : i32
      %get3A_379 = arith.constant 0 : i32
      %get3A_380 = tpu.memref_slice %get3A_377[%get3A_378, %get3A_379] : memref<250x72xf32, #tpu.memory_space<vmem>> -> memref<128x72xf32, #tpu.memory_space<vmem>>
      %get3A_381 = arith.index_cast %scan3A_334 : i32 to index
      %get3A_382 = arith.constant 16 : index
      %get3A_383 = tpu.vector_load %get3A_380[%get3A_381, %get3A_382] {strides = array<i32>} : memref<128x72xf32, #tpu.memory_space<vmem>>, vector<1x16xf32>,
      %get3A_384 = vector.shape_cast %get3A_383 : vector<1x16xf32> to vector<16xf32>
      %mul3A_385 = arith.mulf %get3A_384, %broadcast_in_dim3A_350 : vector<16xf32>
      %swap3A_386 = arith.constant 0 : i32
      %swap3A_387 = arith.constant 0 : i32
      %swap3A_388 = tpu.memref_slice %arg9[%scan3A_301, %swap3A_386, %swap3A_387] : memref<2x250x72xf32, #tpu.memory_space<vmem>> -> memref<1x250x72xf32, #tpu.memory_space<vmem>>
      %swap3A_389 = tpu.memref_squeeze %swap3A_388 : memref<1x250x72xf32, #tpu.memory_space<vmem>> -> memref<250x72xf32, #tpu.memory_space<vmem>>
      %swap3A_390 = arith.constant 0 : i32
      %swap3A_391 = arith.constant 0 : i32
      %swap3A_392 = tpu.memref_slice %swap3A_389[%swap3A_390, %swap3A_391] : memref<250x72xf32, #tpu.memory_space<vmem>> -> memref<128x72xf32, #tpu.memory_space<vmem>>
      %swap3A_393 = arith.index_cast %scan3A_334 : i32 to index
      %swap3A_394 = arith.constant 16 : index
      %swap3A_395 = tpu.vector_load %swap3A_392[%swap3A_393, %swap3A_394] {strides = array<i32>} : memref<128x72xf32, #tpu.memory_space<vmem>>, vector<1x16xf32>,
      %swap3A_396 = vector.shape_cast %swap3A_395 : vector<1x16xf32> to vector<16xf32>
      %swap3A_397 = vector.shape_cast %mul3A_385 : vector<16xf32> to vector<1x16xf32>
      tpu.vector_store %swap3A_392[%swap3A_393, %swap3A_394], %swap3A_397 {strides = array<i32>} : memref<128x72xf32, #tpu.memory_space<vmem>>, vector<1x16xf32>,
      %get3A_398 = arith.constant 0 : i32
      %get3A_399 = arith.constant 0 : i32
      %get3A_400 = tpu.memref_slice %arg9[%scan3A_301, %get3A_398, %get3A_399] : memref<2x250x72xf32, #tpu.memory_space<vmem>> -> memref<1x250x72xf32, #tpu.memory_space<vmem>>
      %get3A_401 = tpu.memref_squeeze %get3A_400 : memref<1x250x72xf32, #tpu.memory_space<vmem>> -> memref<250x72xf32, #tpu.memory_space<vmem>>
      %get3A_402 = arith.constant 0 : i32
      %get3A_403 = arith.constant 0 : i32
      %get3A_404 = tpu.memref_slice %get3A_401[%get3A_402, %get3A_403] : memref<250x72xf32, #tpu.memory_space<vmem>> -> memref<128x72xf32, #tpu.memory_space<vmem>>
      %get3A_405 = arith.index_cast %scan3A_334 : i32 to index
      %get3A_406 = arith.constant 32 : index
      %get3A_407 = tpu.vector_load %get3A_404[%get3A_405, %get3A_406] {strides = array<i32>} : memref<128x72xf32, #tpu.memory_space<vmem>>, vector<1x16xf32>,
      %get3A_408 = vector.shape_cast %get3A_407 : vector<1x16xf32> to vector<16xf32>
      %mul3A_409 = arith.mulf %get3A_408, %broadcast_in_dim3A_350 : vector<16xf32>
      %swap3A_410 = arith.constant 0 : i32
      %swap3A_411 = arith.constant 0 : i32
      %swap3A_412 = tpu.memref_slice %arg9[%scan3A_301, %swap3A_410, %swap3A_411] : memref<2x250x72xf32, #tpu.memory_space<vmem>> -> memref<1x250x72xf32, #tpu.memory_space<vmem>>
      %swap3A_413 = tpu.memref_squeeze %swap3A_412 : memref<1x250x72xf32, #tpu.memory_space<vmem>> -> memref<250x72xf32, #tpu.memory_space<vmem>>
      %swap3A_414 = arith.constant 0 : i32
      %swap3A_415 = arith.constant 0 : i32
      %swap3A_416 = tpu.memref_slice %swap3A_413[%swap3A_414, %swap3A_415] : memref<250x72xf32, #tpu.memory_space<vmem>> -> memref<128x72xf32, #tpu.memory_space<vmem>>
      %swap3A_417 = arith.index_cast %scan3A_334 : i32 to index
      %swap3A_418 = arith.constant 32 : index
      %swap3A_419 = tpu.vector_load %swap3A_416[%swap3A_417, %swap3A_418] {strides = array<i32>} : memref<128x72xf32, #tpu.memory_space<vmem>>, vector<1x16xf32>,
      %swap3A_420 = vector.shape_cast %swap3A_419 : vector<1x16xf32> to vector<16xf32>
      %swap3A_421 = vector.shape_cast %mul3A_409 : vector<16xf32> to vector<1x16xf32>
      tpu.vector_store %swap3A_416[%swap3A_417, %swap3A_418], %swap3A_421 {strides = array<i32>} : memref<128x72xf32, #tpu.memory_space<vmem>>, vector<1x16xf32>,
      %get3A_422 = arith.constant 0 : i32
      %get3A_423 = arith.constant 0 : i32
      %get3A_424 = tpu.memref_slice %arg9[%scan3A_301, %get3A_422, %get3A_423] : memref<2x250x72xf32, #tpu.memory_space<vmem>> -> memref<1x250x72xf32, #tpu.memory_space<vmem>>
      %get3A_425 = tpu.memref_squeeze %get3A_424 : memref<1x250x72xf32, #tpu.memory_space<vmem>> -> memref<250x72xf32, #tpu.memory_space<vmem>>
      %get3A_426 = arith.constant 0 : i32
      %get3A_427 = arith.constant 0 : i32
      %get3A_428 = tpu.memref_slice %get3A_425[%get3A_426, %get3A_427] : memref<250x72xf32, #tpu.memory_space<vmem>> -> memref<128x72xf32, #tpu.memory_space<vmem>>
      %get3A_429 = arith.index_cast %scan3A_334 : i32 to index
      %get3A_430 = arith.constant 48 : index
      %get3A_431 = tpu.vector_load %get3A_428[%get3A_429, %get3A_430] {strides = array<i32>} : memref<128x72xf32, #tpu.memory_space<vmem>>, vector<1x16xf32>,
      %get3A_432 = vector.shape_cast %get3A_431 : vector<1x16xf32> to vector<16xf32>
      %mul3A_433 = arith.mulf %get3A_432, %broadcast_in_dim3A_350 : vector<16xf32>
      %swap3A_434 = arith.constant 0 : i32
      %swap3A_435 = arith.constant 0 : i32
      %swap3A_436 = tpu.memref_slice %arg9[%scan3A_301, %swap3A_434, %swap3A_435] : memref<2x250x72xf32, #tpu.memory_space<vmem>> -> memref<1x250x72xf32, #tpu.memory_space<vmem>>
      %swap3A_437 = tpu.memref_squeeze %swap3A_436 : memref<1x250x72xf32, #tpu.memory_space<vmem>> -> memref<250x72xf32, #tpu.memory_space<vmem>>
      %swap3A_438 = arith.constant 0 : i32
      %swap3A_439 = arith.constant 0 : i32
      %swap3A_440 = tpu.memref_slice %swap3A_437[%swap3A_438, %swap3A_439] : memref<250x72xf32, #tpu.memory_space<vmem>> -> memref<128x72xf32, #tpu.memory_space<vmem>>
      %swap3A_441 = arith.index_cast %scan3A_334 : i32 to index
      %swap3A_442 = arith.constant 48 : index
      %swap3A_443 = tpu.vector_load %swap3A_440[%swap3A_441, %swap3A_442] {strides = array<i32>} : memref<128x72xf32, #tpu.memory_space<vmem>>, vector<1x16xf32>,
      %swap3A_444 = vector.shape_cast %swap3A_443 : vector<1x16xf32> to vector<16xf32>
      %swap3A_445 = vector.shape_cast %mul3A_433 : vector<16xf32> to vector<1x16xf32>
      tpu.vector_store %swap3A_440[%swap3A_441, %swap3A_442], %swap3A_445 {strides = array<i32>} : memref<128x72xf32, #tpu.memory_space<vmem>>, vector<1x16xf32>,
      %mul3A_446 = arith.mulf %get3A_344, %broadcast_in_dim3A_350 : vector<16xf32>
      %swap3A_447 = arith.constant 0 : i32
      %swap3A_448 = arith.constant 0 : i32
      %swap3A_449 = tpu.memref_slice %arg9[%scan3A_301, %swap3A_447, %swap3A_448] : memref<2x250x72xf32, #tpu.memory_space<vmem>> -> memref<1x250x72xf32, #tpu.memory_space<vmem>>
      %swap3A_450 = tpu.memref_squeeze %swap3A_449 : memref<1x250x72xf32, #tpu.memory_space<vmem>> -> memref<250x72xf32, #tpu.memory_space<vmem>>
      %swap3A_451 = arith.constant 0 : i32
      %swap3A_452 = arith.constant 0 : i32
      %swap3A_453 = tpu.memref_slice %swap3A_450[%swap3A_451, %swap3A_452] : memref<250x72xf32, #tpu.memory_space<vmem>> -> memref<128x72xf32, #tpu.memory_space<vmem>>
      %swap3A_454 = arith.index_cast %scan3A_334 : i32 to index
      %swap3A_455 = arith.constant 56 : index
      %swap3A_456 = tpu.vector_load %swap3A_453[%swap3A_454, %swap3A_455] {strides = array<i32>} : memref<128x72xf32, #tpu.memory_space<vmem>>, vector<1x16xf32>,
      %swap3A_457 = vector.shape_cast %swap3A_456 : vector<1x16xf32> to vector<16xf32>
      %swap3A_458 = vector.shape_cast %mul3A_446 : vector<16xf32> to vector<1x16xf32>
      tpu.vector_store %swap3A_453[%swap3A_454, %swap3A_455], %swap3A_458 {strides = array<i32>} : memref<128x72xf32, #tpu.memory_space<vmem>>, vector<1x16xf32>,
    }
    %scan3A_306 = arith.constant 128 : i32
    %run_scoped3A_307 = arith.constant 0 : i32
    "tpu.region"() ({
      %run_scoped3A_334 = tpu.sem_alloc : memref<!tpu.dma_semaphore, #tpu.memory_space<semaphore_mem>>
      %dma_start3A_335 = arith.constant 0 : i32
      %dma_start3A_336 = arith.constant 0 : i32
      %dma_start3A_337 = tpu.memref_slice %arg9[%run_scoped3A_307, %dma_start3A_335, %dma_start3A_336] : memref<2x250x72xf32, #tpu.memory_space<vmem>> -> memref<1x250x72xf32, #tpu.memory_space<vmem>>
      %dma_start3A_338 = tpu.memref_squeeze %dma_start3A_337 : memref<1x250x72xf32, #tpu.memory_space<vmem>> -> memref<250x72xf32, #tpu.memory_space<vmem>>
      %dma_start3A_339 = arith.constant 0 : i32
      %dma_start3A_340 = arith.constant 0 : i32
      %dma_start3A_341 = tpu.memref_slice %dma_start3A_338[%dma_start3A_339, %dma_start3A_340] : memref<250x72xf32, #tpu.memory_space<vmem>> -> memref<128x72xf32, #tpu.memory_space<vmem>>
      %dma_start3A_342 = arith.constant 0 : i32
      %dma_start3A_343 = arith.constant 0 : i32
      %dma_start3A_344 = tpu.memref_slice %arg5[%arg0, %dma_start3A_342, %dma_start3A_343] : memref<2x10240x72xf32, #tpu.memory_space<hbm>> -> memref<1x10240x72xf32, #tpu.memory_space<hbm>>
      %dma_start3A_345 = tpu.memref_squeeze %dma_start3A_344 : memref<1x10240x72xf32, #tpu.memory_space<hbm>> -> memref<10240x72xf32, #tpu.memory_space<hbm>>
      %dma_start3A_346 = arith.constant 0 : i32
      %dma_start3A_347 = tpu.memref_slice %dma_start3A_345[%add3A_298, %dma_start3A_346] : memref<10240x72xf32, #tpu.memory_space<hbm>> -> memref<128x72xf32, #tpu.memory_space<hbm>>
      %dma_start3A_348 = arith.constant 0 : i32
      %dma_start3A_349 = arith.constant 0 : i32
      %dma_start3A_350 = tpu.memref_slice %arg5[%arg0, %dma_start3A_348, %dma_start3A_349] : memref<2x10240x72xf32, #tpu.memory_space<hbm>> -> memref<1x10240x72xf32, #tpu.memory_space<hbm>>
      %dma_start3A_351 = tpu.memref_squeeze %dma_start3A_350 : memref<1x10240x72xf32, #tpu.memory_space<hbm>> -> memref<10240x72xf32, #tpu.memory_space<hbm>>
      %dma_start3A_352 = arith.constant 0 : i32
      %dma_start3A_353 = tpu.memref_slice %dma_start3A_351[%add3A_298, %dma_start3A_352] : memref<10240x72xf32, #tpu.memory_space<hbm>> -> memref<128x72xf32, #tpu.memory_space<hbm>>
      %dma_start3A_354 = arith.constant 0 : i32
      %dma_start3A_355 = arith.constant 0 : i32
      %dma_start3A_356 = tpu.memref_slice %arg9[%run_scoped3A_307, %dma_start3A_354, %dma_start3A_355] : memref<2x250x72xf32, #tpu.memory_space<vmem>> -> memref<1x250x72xf32, #tpu.memory_space<vmem>>
      %dma_start3A_357 = tpu.memref_squeeze %dma_start3A_356 : memref<1x250x72xf32, #tpu.memory_space<vmem>> -> memref<250x72xf32, #tpu.memory_space<vmem>>
      %dma_start3A_358 = arith.constant 0 : i32
      %dma_start3A_359 = arith.constant 0 : i32
      %dma_start3A_360 = tpu.memref_slice %dma_start3A_357[%dma_start3A_358, %dma_start3A_359] : memref<250x72xf32, #tpu.memory_space<vmem>> -> memref<128x72xf32, #tpu.memory_space<vmem>>
      tpu.enqueue_dma source(%dma_start3A_360 : memref<128x72xf32, #tpu.memory_space<vmem>>) target(%dma_start3A_353 : memref<128x72xf32, #tpu.memory_space<hbm>>) target_semaphore(%run_scoped3A_334 : memref<!tpu.dma_semaphore, #tpu.memory_space<semaphore_mem>>)
      %dma_wait3A_361 = arith.constant 0 : i32
      %dma_wait3A_362 = arith.constant 0 : i32
      %dma_wait3A_363 = tpu.memref_slice %arg9[%run_scoped3A_307, %dma_wait3A_361, %dma_wait3A_362] : memref<2x250x72xf32, #tpu.memory_space<vmem>> -> memref<1x250x72xf32, #tpu.memory_space<vmem>>
      %dma_wait3A_364 = tpu.memref_squeeze %dma_wait3A_363 : memref<1x250x72xf32, #tpu.memory_space<vmem>> -> memref<250x72xf32, #tpu.memory_space<vmem>>
      %dma_wait3A_365 = arith.constant 0 : i32
      %dma_wait3A_366 = arith.constant 0 : i32
      %dma_wait3A_367 = tpu.memref_slice %dma_wait3A_364[%dma_wait3A_365, %dma_wait3A_366] : memref<250x72xf32, #tpu.memory_space<vmem>> -> memref<128x72xf32, #tpu.memory_space<vmem>>
      %dma_wait3A_368 = arith.constant 0 : i32
      %dma_wait3A_369 = arith.constant 0 : i32
      %dma_wait3A_370 = tpu.memref_slice %arg5[%arg0, %dma_wait3A_368, %dma_wait3A_369] : memref<2x10240x72xf32, #tpu.memory_space<hbm>> -> memref<1x10240x72xf32, #tpu.memory_space<hbm>>
      %dma_wait3A_371 = tpu.memref_squeeze %dma_wait3A_370 : memref<1x10240x72xf32, #tpu.memory_space<hbm>> -> memref<10240x72xf32, #tpu.memory_space<hbm>>
      %dma_wait3A_372 = arith.constant 0 : i32
      %dma_wait3A_373 = tpu.memref_slice %dma_wait3A_371[%add3A_298, %dma_wait3A_372] : memref<10240x72xf32, #tpu.memory_space<hbm>> -> memref<128x72xf32, #tpu.memory_space<hbm>>
      %dma_wait3A_374 = arith.constant 0 : i32
      %dma_wait3A_375 = arith.constant 0 : i32
      %dma_wait3A_376 = tpu.memref_slice %arg5[%arg0, %dma_wait3A_374, %dma_wait3A_375] : memref<2x10240x72xf32, #tpu.memory_space<hbm>> -> memref<1x10240x72xf32, #tpu.memory_space<hbm>>
      %dma_wait3A_377 = tpu.memref_squeeze %dma_wait3A_376 : memref<1x10240x72xf32, #tpu.memory_space<hbm>> -> memref<10240x72xf32, #tpu.memory_space<hbm>>
      %dma_wait3A_378 = arith.constant 0 : i32
      %dma_wait3A_379 = tpu.memref_slice %dma_wait3A_377[%add3A_298, %dma_wait3A_378] : memref<10240x72xf32, #tpu.memory_space<hbm>> -> memref<128x72xf32, #tpu.memory_space<hbm>>
      %dma_wait3A_380 = arith.constant 0 : i32
      %dma_wait3A_381 = arith.constant 0 : i32
      %dma_wait3A_382 = tpu.memref_slice %arg9[%run_scoped3A_307, %dma_wait3A_380, %dma_wait3A_381] : memref<2x250x72xf32, #tpu.memory_space<vmem>> -> memref<1x250x72xf32, #tpu.memory_space<vmem>>
      %dma_wait3A_383 = tpu.memref_squeeze %dma_wait3A_382 : memref<1x250x72xf32, #tpu.memory_space<vmem>> -> memref<250x72xf32, #tpu.memory_space<vmem>>
      %dma_wait3A_384 = arith.constant 0 : i32
      %dma_wait3A_385 = arith.constant 0 : i32
      %dma_wait3A_386 = tpu.memref_slice %dma_wait3A_383[%dma_wait3A_384, %dma_wait3A_385] : memref<250x72xf32, #tpu.memory_space<vmem>> -> memref<128x72xf32, #tpu.memory_space<vmem>>
      tpu.wait_dma2 semaphore(%run_scoped3A_334 : memref<!tpu.dma_semaphore, #tpu.memory_space<semaphore_mem>>) src(%dma_wait3A_386 : memref<128x72xf32, #tpu.memory_space<vmem>>) dst(%dma_wait3A_379 : memref<128x72xf32, #tpu.memory_space<hbm>>)
      tpu.yield
    }) : () -> ()
    %mul3A_308 = arith.constant 640 : i32
    %mul3A_309 = arith.muli %arg1, %mul3A_308 : i32
    %add3A_310 = arith.constant 384 : i32
    %add3A_311 = arith.addi %mul3A_309, %add3A_310 : i32
    %run_scoped3A_312 = arith.constant 0 : i32
    "tpu.region"() ({
      %run_scoped3A_334 = tpu.sem_alloc : memref<!tpu.dma_semaphore, #tpu.memory_space<semaphore_mem>>
      %dma_start3A_335 = arith.constant 0 : i32
      %dma_start3A_336 = arith.constant 0 : i32
      %dma_start3A_337 = tpu.memref_slice %arg9[%run_scoped3A_312, %dma_start3A_335, %dma_start3A_336] : memref<2x250x72xf32, #tpu.memory_space<vmem>> -> memref<1x250x72xf32, #tpu.memory_space<vmem>>
      %dma_start3A_338 = tpu.memref_squeeze %dma_start3A_337 : memref<1x250x72xf32, #tpu.memory_space<vmem>> -> memref<250x72xf32, #tpu.memory_space<vmem>>
      %dma_start3A_339 = arith.constant 0 : i32
      %dma_start3A_340 = arith.constant 0 : i32
      %dma_start3A_341 = tpu.memref_slice %dma_start3A_338[%dma_start3A_339, %dma_start3A_340] : memref<250x72xf32, #tpu.memory_space<vmem>> -> memref<128x72xf32, #tpu.memory_space<vmem>>
      %dma_start3A_342 = arith.constant 0 : i32
      %dma_start3A_343 = tpu.memref_slice %arg10[%add3A_311, %dma_start3A_342] : memref<10240x72xf32, #tpu.memory_space<vmem_shared>> -> memref<128x72xf32, #tpu.memory_space<vmem_shared>>
      %dma_start3A_344 = arith.constant 0 : i32
      %dma_start3A_345 = arith.constant 0 : i32
      %dma_start3A_346 = tpu.memref_slice %arg9[%run_scoped3A_312, %dma_start3A_344, %dma_start3A_345] : memref<2x250x72xf32, #tpu.memory_space<vmem>> -> memref<1x250x72xf32, #tpu.memory_space<vmem>>
      %dma_start3A_347 = tpu.memref_squeeze %dma_start3A_346 : memref<1x250x72xf32, #tpu.memory_space<vmem>> -> memref<250x72xf32, #tpu.memory_space<vmem>>
      %dma_start3A_348 = arith.constant 0 : i32
      %dma_start3A_349 = arith.constant 0 : i32
      %dma_start3A_350 = tpu.memref_slice %dma_start3A_347[%dma_start3A_348, %dma_start3A_349] : memref<250x72xf32, #tpu.memory_space<vmem>> -> memref<128x72xf32, #tpu.memory_space<vmem>>
      %dma_start3A_351 = arith.constant 0 : i32
      %dma_start3A_352 = tpu.memref_slice %arg10[%add3A_311, %dma_start3A_351] : memref<10240x72xf32, #tpu.memory_space<vmem_shared>> -> memref<128x72xf32, #tpu.memory_space<vmem_shared>>
      tpu.enqueue_dma source(%dma_start3A_352 : memref<128x72xf32, #tpu.memory_space<vmem_shared>>) target(%dma_start3A_350 : memref<128x72xf32, #tpu.memory_space<vmem>>) target_semaphore(%run_scoped3A_334 : memref<!tpu.dma_semaphore, #tpu.memory_space<semaphore_mem>>)
      %dma_wait3A_353 = arith.constant 0 : i32
      %dma_wait3A_354 = arith.constant 0 : i32
      %dma_wait3A_355 = tpu.memref_slice %arg9[%run_scoped3A_312, %dma_wait3A_353, %dma_wait3A_354] : memref<2x250x72xf32, #tpu.memory_space<vmem>> -> memref<1x250x72xf32, #tpu.memory_space<vmem>>
      %dma_wait3A_356 = tpu.memref_squeeze %dma_wait3A_355 : memref<1x250x72xf32, #tpu.memory_space<vmem>> -> memref<250x72xf32, #tpu.memory_space<vmem>>
      %dma_wait3A_357 = arith.constant 0 : i32
      %dma_wait3A_358 = arith.constant 0 : i32
      %dma_wait3A_359 = tpu.memref_slice %dma_wait3A_356[%dma_wait3A_357, %dma_wait3A_358] : memref<250x72xf32, #tpu.memory_space<vmem>> -> memref<128x72xf32, #tpu.memory_space<vmem>>
      %dma_wait3A_360 = arith.constant 0 : i32
      %dma_wait3A_361 = tpu.memref_slice %arg10[%add3A_311, %dma_wait3A_360] : memref<10240x72xf32, #tpu.memory_space<vmem_shared>> -> memref<128x72xf32, #tpu.memory_space<vmem_shared>>
      %dma_wait3A_362 = arith.constant 0 : i32
      %dma_wait3A_363 = arith.constant 0 : i32
      %dma_wait3A_364 = tpu.memref_slice %arg9[%run_scoped3A_312, %dma_wait3A_362, %dma_wait3A_363] : memref<2x250x72xf32, #tpu.memory_space<vmem>> -> memref<1x250x72xf32, #tpu.memory_space<vmem>>
      %dma_wait3A_365 = tpu.memref_squeeze %dma_wait3A_364 : memref<1x250x72xf32, #tpu.memory_space<vmem>> -> memref<250x72xf32, #tpu.memory_space<vmem>>
      %dma_wait3A_366 = arith.constant 0 : i32
      %dma_wait3A_367 = arith.constant 0 : i32
      %dma_wait3A_368 = tpu.memref_slice %dma_wait3A_365[%dma_wait3A_366, %dma_wait3A_367] : memref<250x72xf32, #tpu.memory_space<vmem>> -> memref<128x72xf32, #tpu.memory_space<vmem>>
      %dma_wait3A_369 = arith.constant 0 : i32
      %dma_wait3A_370 = tpu.memref_slice %arg10[%add3A_311, %dma_wait3A_369] : memref<10240x72xf32, #tpu.memory_space<vmem_shared>> -> memref<128x72xf32, #tpu.memory_space<vmem_shared>>
      tpu.wait_dma2 semaphore(%run_scoped3A_334 : memref<!tpu.dma_semaphore, #tpu.memory_space<semaphore_mem>>) src(%dma_wait3A_370 : memref<128x72xf32, #tpu.memory_space<vmem_shared>>) dst(%dma_wait3A_368 : memref<128x72xf32, #tpu.memory_space<vmem>>)
      tpu.yield
    }) : () -> ()
    %scan3A_313 = arith.constant 0 : i32
    %scan3A_314 = arith.constant 0 : i32
    %scan3A_315 = arith.constant 0 : i32
    %scan3A_316 = arith.constant 128 : i32
    %scan3A_317 = arith.addi %scan3A_315, %scan3A_316 : i32
    %scan3A_318 = arith.constant 1 : i32
    scf.for %scan3A_334 = %scan3A_315 to %scan3A_317 step %scan3A_318  : i32 {
      %get3A = arith.constant 0 : i32
      %get3A_335 = arith.constant 0 : i32
      %get3A_336 = tpu.memref_slice %arg9[%scan3A_314, %get3A, %get3A_335] : memref<2x250x72xf32, #tpu.memory_space<vmem>> -> memref<1x250x72xf32, #tpu.memory_space<vmem>>
      %get3A_337 = tpu.memref_squeeze %get3A_336 : memref<1x250x72xf32, #tpu.memory_space<vmem>> -> memref<250x72xf32, #tpu.memory_space<vmem>>
      %get3A_338 = arith.constant 0 : i32
      %get3A_339 = arith.constant 0 : i32
      %get3A_340 = tpu.memref_slice %get3A_337[%get3A_338, %get3A_339] : memref<250x72xf32, #tpu.memory_space<vmem>> -> memref<128x72xf32, #tpu.memory_space<vmem>>
      %get3A_341 = arith.index_cast %scan3A_334 : i32 to index
      %get3A_342 = arith.constant 56 : index
      %get3A_343 = tpu.vector_load %get3A_340[%get3A_341, %get3A_342] {strides = array<i32>} : memref<128x72xf32, #tpu.memory_space<vmem>>, vector<1x16xf32>,
      %get3A_344 = vector.shape_cast %get3A_343 : vector<1x16xf32> to vector<16xf32>
      %gt3A = arith.constant 0.000000e+00 : f32
      %gt3A_345 = vector.broadcast %gt3A : f32 to vector<16xf32>
      %gt3A_346 = arith.cmpf ogt, %get3A_344, %gt3A_345 : vector<16xf32>
      %div3A = arith.constant 1.000000e+00 : f32
      %div3A_347 = vector.broadcast %div3A : f32 to vector<16xf32>
      %div3A_348 = arith.divf %div3A_347, %get3A_344 : vector<16xf32>
      %jit3A = arith.constant 0.000000e+00 : f32
      %broadcast_in_dim3A_349 = vector.broadcast %jit3A : f32 to vector<16xf32>
      %select_n3A = arith.select %gt3A_346, %div3A_348, %broadcast_in_dim3A_349 : vector<16xi1>, vector<16xf32>
      %slice3A = vector.extract_strided_slice %select_n3A {offsets = [8], sizes = [1], strides = [1]} : vector<16xf32> to vector<1xf32>
      %squeeze3A = vector.extract %slice3A[0] : f32 from vector<1xf32>
      %broadcast_in_dim3A_350 = vector.broadcast %squeeze3A : f32 to vector<16xf32>
      %get3A_351 = arith.constant 0 : i32
      %get3A_352 = arith.constant 0 : i32
      %get3A_353 = tpu.memref_slice %arg9[%scan3A_314, %get3A_351, %get3A_352] : memref<2x250x72xf32, #tpu.memory_space<vmem>> -> memref<1x250x72xf32, #tpu.memory_space<vmem>>
      %get3A_354 = tpu.memref_squeeze %get3A_353 : memref<1x250x72xf32, #tpu.memory_space<vmem>> -> memref<250x72xf32, #tpu.memory_space<vmem>>
      %get3A_355 = arith.constant 0 : i32
      %get3A_356 = arith.constant 0 : i32
      %get3A_357 = tpu.memref_slice %get3A_354[%get3A_355, %get3A_356] : memref<250x72xf32, #tpu.memory_space<vmem>> -> memref<128x72xf32, #tpu.memory_space<vmem>>
      %get3A_358 = arith.index_cast %scan3A_334 : i32 to index
      %get3A_359 = arith.constant 0 : index
      %get3A_360 = tpu.vector_load %get3A_357[%get3A_358, %get3A_359] {strides = array<i32>} : memref<128x72xf32, #tpu.memory_space<vmem>>, vector<1x16xf32>,
      %get3A_361 = vector.shape_cast %get3A_360 : vector<1x16xf32> to vector<16xf32>
      %mul3A_362 = arith.mulf %get3A_361, %broadcast_in_dim3A_350 : vector<16xf32>
      %swap3A = arith.constant 0 : i32
      %swap3A_363 = arith.constant 0 : i32
      %swap3A_364 = tpu.memref_slice %arg9[%scan3A_314, %swap3A, %swap3A_363] : memref<2x250x72xf32, #tpu.memory_space<vmem>> -> memref<1x250x72xf32, #tpu.memory_space<vmem>>
      %swap3A_365 = tpu.memref_squeeze %swap3A_364 : memref<1x250x72xf32, #tpu.memory_space<vmem>> -> memref<250x72xf32, #tpu.memory_space<vmem>>
      %swap3A_366 = arith.constant 0 : i32
      %swap3A_367 = arith.constant 0 : i32
      %swap3A_368 = tpu.memref_slice %swap3A_365[%swap3A_366, %swap3A_367] : memref<250x72xf32, #tpu.memory_space<vmem>> -> memref<128x72xf32, #tpu.memory_space<vmem>>
      %swap3A_369 = arith.index_cast %scan3A_334 : i32 to index
      %swap3A_370 = arith.constant 0 : index
      %swap3A_371 = tpu.vector_load %swap3A_368[%swap3A_369, %swap3A_370] {strides = array<i32>} : memref<128x72xf32, #tpu.memory_space<vmem>>, vector<1x16xf32>,
      %swap3A_372 = vector.shape_cast %swap3A_371 : vector<1x16xf32> to vector<16xf32>
      %swap3A_373 = vector.shape_cast %mul3A_362 : vector<16xf32> to vector<1x16xf32>
      tpu.vector_store %swap3A_368[%swap3A_369, %swap3A_370], %swap3A_373 {strides = array<i32>} : memref<128x72xf32, #tpu.memory_space<vmem>>, vector<1x16xf32>,
      %get3A_374 = arith.constant 0 : i32
      %get3A_375 = arith.constant 0 : i32
      %get3A_376 = tpu.memref_slice %arg9[%scan3A_314, %get3A_374, %get3A_375] : memref<2x250x72xf32, #tpu.memory_space<vmem>> -> memref<1x250x72xf32, #tpu.memory_space<vmem>>
      %get3A_377 = tpu.memref_squeeze %get3A_376 : memref<1x250x72xf32, #tpu.memory_space<vmem>> -> memref<250x72xf32, #tpu.memory_space<vmem>>
      %get3A_378 = arith.constant 0 : i32
      %get3A_379 = arith.constant 0 : i32
      %get3A_380 = tpu.memref_slice %get3A_377[%get3A_378, %get3A_379] : memref<250x72xf32, #tpu.memory_space<vmem>> -> memref<128x72xf32, #tpu.memory_space<vmem>>
      %get3A_381 = arith.index_cast %scan3A_334 : i32 to index
      %get3A_382 = arith.constant 16 : index
      %get3A_383 = tpu.vector_load %get3A_380[%get3A_381, %get3A_382] {strides = array<i32>} : memref<128x72xf32, #tpu.memory_space<vmem>>, vector<1x16xf32>,
      %get3A_384 = vector.shape_cast %get3A_383 : vector<1x16xf32> to vector<16xf32>
      %mul3A_385 = arith.mulf %get3A_384, %broadcast_in_dim3A_350 : vector<16xf32>
      %swap3A_386 = arith.constant 0 : i32
      %swap3A_387 = arith.constant 0 : i32
      %swap3A_388 = tpu.memref_slice %arg9[%scan3A_314, %swap3A_386, %swap3A_387] : memref<2x250x72xf32, #tpu.memory_space<vmem>> -> memref<1x250x72xf32, #tpu.memory_space<vmem>>
      %swap3A_389 = tpu.memref_squeeze %swap3A_388 : memref<1x250x72xf32, #tpu.memory_space<vmem>> -> memref<250x72xf32, #tpu.memory_space<vmem>>
      %swap3A_390 = arith.constant 0 : i32
      %swap3A_391 = arith.constant 0 : i32
      %swap3A_392 = tpu.memref_slice %swap3A_389[%swap3A_390, %swap3A_391] : memref<250x72xf32, #tpu.memory_space<vmem>> -> memref<128x72xf32, #tpu.memory_space<vmem>>
      %swap3A_393 = arith.index_cast %scan3A_334 : i32 to index
      %swap3A_394 = arith.constant 16 : index
      %swap3A_395 = tpu.vector_load %swap3A_392[%swap3A_393, %swap3A_394] {strides = array<i32>} : memref<128x72xf32, #tpu.memory_space<vmem>>, vector<1x16xf32>,
      %swap3A_396 = vector.shape_cast %swap3A_395 : vector<1x16xf32> to vector<16xf32>
      %swap3A_397 = vector.shape_cast %mul3A_385 : vector<16xf32> to vector<1x16xf32>
      tpu.vector_store %swap3A_392[%swap3A_393, %swap3A_394], %swap3A_397 {strides = array<i32>} : memref<128x72xf32, #tpu.memory_space<vmem>>, vector<1x16xf32>,
      %get3A_398 = arith.constant 0 : i32
      %get3A_399 = arith.constant 0 : i32
      %get3A_400 = tpu.memref_slice %arg9[%scan3A_314, %get3A_398, %get3A_399] : memref<2x250x72xf32, #tpu.memory_space<vmem>> -> memref<1x250x72xf32, #tpu.memory_space<vmem>>
      %get3A_401 = tpu.memref_squeeze %get3A_400 : memref<1x250x72xf32, #tpu.memory_space<vmem>> -> memref<250x72xf32, #tpu.memory_space<vmem>>
      %get3A_402 = arith.constant 0 : i32
      %get3A_403 = arith.constant 0 : i32
      %get3A_404 = tpu.memref_slice %get3A_401[%get3A_402, %get3A_403] : memref<250x72xf32, #tpu.memory_space<vmem>> -> memref<128x72xf32, #tpu.memory_space<vmem>>
      %get3A_405 = arith.index_cast %scan3A_334 : i32 to index
      %get3A_406 = arith.constant 32 : index
      %get3A_407 = tpu.vector_load %get3A_404[%get3A_405, %get3A_406] {strides = array<i32>} : memref<128x72xf32, #tpu.memory_space<vmem>>, vector<1x16xf32>,
      %get3A_408 = vector.shape_cast %get3A_407 : vector<1x16xf32> to vector<16xf32>
      %mul3A_409 = arith.mulf %get3A_408, %broadcast_in_dim3A_350 : vector<16xf32>
      %swap3A_410 = arith.constant 0 : i32
      %swap3A_411 = arith.constant 0 : i32
      %swap3A_412 = tpu.memref_slice %arg9[%scan3A_314, %swap3A_410, %swap3A_411] : memref<2x250x72xf32, #tpu.memory_space<vmem>> -> memref<1x250x72xf32, #tpu.memory_space<vmem>>
      %swap3A_413 = tpu.memref_squeeze %swap3A_412 : memref<1x250x72xf32, #tpu.memory_space<vmem>> -> memref<250x72xf32, #tpu.memory_space<vmem>>
      %swap3A_414 = arith.constant 0 : i32
      %swap3A_415 = arith.constant 0 : i32
      %swap3A_416 = tpu.memref_slice %swap3A_413[%swap3A_414, %swap3A_415] : memref<250x72xf32, #tpu.memory_space<vmem>> -> memref<128x72xf32, #tpu.memory_space<vmem>>
      %swap3A_417 = arith.index_cast %scan3A_334 : i32 to index
      %swap3A_418 = arith.constant 32 : index
      %swap3A_419 = tpu.vector_load %swap3A_416[%swap3A_417, %swap3A_418] {strides = array<i32>} : memref<128x72xf32, #tpu.memory_space<vmem>>, vector<1x16xf32>,
      %swap3A_420 = vector.shape_cast %swap3A_419 : vector<1x16xf32> to vector<16xf32>
      %swap3A_421 = vector.shape_cast %mul3A_409 : vector<16xf32> to vector<1x16xf32>
      tpu.vector_store %swap3A_416[%swap3A_417, %swap3A_418], %swap3A_421 {strides = array<i32>} : memref<128x72xf32, #tpu.memory_space<vmem>>, vector<1x16xf32>,
      %get3A_422 = arith.constant 0 : i32
      %get3A_423 = arith.constant 0 : i32
      %get3A_424 = tpu.memref_slice %arg9[%scan3A_314, %get3A_422, %get3A_423] : memref<2x250x72xf32, #tpu.memory_space<vmem>> -> memref<1x250x72xf32, #tpu.memory_space<vmem>>
      %get3A_425 = tpu.memref_squeeze %get3A_424 : memref<1x250x72xf32, #tpu.memory_space<vmem>> -> memref<250x72xf32, #tpu.memory_space<vmem>>
      %get3A_426 = arith.constant 0 : i32
      %get3A_427 = arith.constant 0 : i32
      %get3A_428 = tpu.memref_slice %get3A_425[%get3A_426, %get3A_427] : memref<250x72xf32, #tpu.memory_space<vmem>> -> memref<128x72xf32, #tpu.memory_space<vmem>>
      %get3A_429 = arith.index_cast %scan3A_334 : i32 to index
      %get3A_430 = arith.constant 48 : index
      %get3A_431 = tpu.vector_load %get3A_428[%get3A_429, %get3A_430] {strides = array<i32>} : memref<128x72xf32, #tpu.memory_space<vmem>>, vector<1x16xf32>,
      %get3A_432 = vector.shape_cast %get3A_431 : vector<1x16xf32> to vector<16xf32>
      %mul3A_433 = arith.mulf %get3A_432, %broadcast_in_dim3A_350 : vector<16xf32>
      %swap3A_434 = arith.constant 0 : i32
      %swap3A_435 = arith.constant 0 : i32
      %swap3A_436 = tpu.memref_slice %arg9[%scan3A_314, %swap3A_434, %swap3A_435] : memref<2x250x72xf32, #tpu.memory_space<vmem>> -> memref<1x250x72xf32, #tpu.memory_space<vmem>>
      %swap3A_437 = tpu.memref_squeeze %swap3A_436 : memref<1x250x72xf32, #tpu.memory_space<vmem>> -> memref<250x72xf32, #tpu.memory_space<vmem>>
      %swap3A_438 = arith.constant 0 : i32
      %swap3A_439 = arith.constant 0 : i32
      %swap3A_440 = tpu.memref_slice %swap3A_437[%swap3A_438, %swap3A_439] : memref<250x72xf32, #tpu.memory_space<vmem>> -> memref<128x72xf32, #tpu.memory_space<vmem>>
      %swap3A_441 = arith.index_cast %scan3A_334 : i32 to index
      %swap3A_442 = arith.constant 48 : index
      %swap3A_443 = tpu.vector_load %swap3A_440[%swap3A_441, %swap3A_442] {strides = array<i32>} : memref<128x72xf32, #tpu.memory_space<vmem>>, vector<1x16xf32>,
      %swap3A_444 = vector.shape_cast %swap3A_443 : vector<1x16xf32> to vector<16xf32>
      %swap3A_445 = vector.shape_cast %mul3A_433 : vector<16xf32> to vector<1x16xf32>
      tpu.vector_store %swap3A_440[%swap3A_441, %swap3A_442], %swap3A_445 {strides = array<i32>} : memref<128x72xf32, #tpu.memory_space<vmem>>, vector<1x16xf32>,
      %mul3A_446 = arith.mulf %get3A_344, %broadcast_in_dim3A_350 : vector<16xf32>
      %swap3A_447 = arith.constant 0 : i32
      %swap3A_448 = arith.constant 0 : i32
      %swap3A_449 = tpu.memref_slice %arg9[%scan3A_314, %swap3A_447, %swap3A_448] : memref<2x250x72xf32, #tpu.memory_space<vmem>> -> memref<1x250x72xf32, #tpu.memory_space<vmem>>
      %swap3A_450 = tpu.memref_squeeze %swap3A_449 : memref<1x250x72xf32, #tpu.memory_space<vmem>> -> memref<250x72xf32, #tpu.memory_space<vmem>>
      %swap3A_451 = arith.constant 0 : i32
      %swap3A_452 = arith.constant 0 : i32
      %swap3A_453 = tpu.memref_slice %swap3A_450[%swap3A_451, %swap3A_452] : memref<250x72xf32, #tpu.memory_space<vmem>> -> memref<128x72xf32, #tpu.memory_space<vmem>>
      %swap3A_454 = arith.index_cast %scan3A_334 : i32 to index
      %swap3A_455 = arith.constant 56 : index
      %swap3A_456 = tpu.vector_load %swap3A_453[%swap3A_454, %swap3A_455] {strides = array<i32>} : memref<128x72xf32, #tpu.memory_space<vmem>>, vector<1x16xf32>,
      %swap3A_457 = vector.shape_cast %swap3A_456 : vector<1x16xf32> to vector<16xf32>
      %swap3A_458 = vector.shape_cast %mul3A_446 : vector<16xf32> to vector<1x16xf32>
      tpu.vector_store %swap3A_453[%swap3A_454, %swap3A_455], %swap3A_458 {strides = array<i32>} : memref<128x72xf32, #tpu.memory_space<vmem>>, vector<1x16xf32>,
    }
    %scan3A_319 = arith.constant 128 : i32
    %run_scoped3A_320 = arith.constant 0 : i32
    "tpu.region"() ({
      %run_scoped3A_334 = tpu.sem_alloc : memref<!tpu.dma_semaphore, #tpu.memory_space<semaphore_mem>>
      %dma_start3A_335 = arith.constant 0 : i32
      %dma_start3A_336 = arith.constant 0 : i32
      %dma_start3A_337 = tpu.memref_slice %arg9[%run_scoped3A_320, %dma_start3A_335, %dma_start3A_336] : memref<2x250x72xf32, #tpu.memory_space<vmem>> -> memref<1x250x72xf32, #tpu.memory_space<vmem>>
      %dma_start3A_338 = tpu.memref_squeeze %dma_start3A_337 : memref<1x250x72xf32, #tpu.memory_space<vmem>> -> memref<250x72xf32, #tpu.memory_space<vmem>>
      %dma_start3A_339 = arith.constant 0 : i32
      %dma_start3A_340 = arith.constant 0 : i32
      %dma_start3A_341 = tpu.memref_slice %dma_start3A_338[%dma_start3A_339, %dma_start3A_340] : memref<250x72xf32, #tpu.memory_space<vmem>> -> memref<128x72xf32, #tpu.memory_space<vmem>>
      %dma_start3A_342 = arith.constant 0 : i32
      %dma_start3A_343 = arith.constant 0 : i32
      %dma_start3A_344 = tpu.memref_slice %arg5[%arg0, %dma_start3A_342, %dma_start3A_343] : memref<2x10240x72xf32, #tpu.memory_space<hbm>> -> memref<1x10240x72xf32, #tpu.memory_space<hbm>>
      %dma_start3A_345 = tpu.memref_squeeze %dma_start3A_344 : memref<1x10240x72xf32, #tpu.memory_space<hbm>> -> memref<10240x72xf32, #tpu.memory_space<hbm>>
      %dma_start3A_346 = arith.constant 0 : i32
      %dma_start3A_347 = tpu.memref_slice %dma_start3A_345[%add3A_311, %dma_start3A_346] : memref<10240x72xf32, #tpu.memory_space<hbm>> -> memref<128x72xf32, #tpu.memory_space<hbm>>
      %dma_start3A_348 = arith.constant 0 : i32
      %dma_start3A_349 = arith.constant 0 : i32
      %dma_start3A_350 = tpu.memref_slice %arg5[%arg0, %dma_start3A_348, %dma_start3A_349] : memref<2x10240x72xf32, #tpu.memory_space<hbm>> -> memref<1x10240x72xf32, #tpu.memory_space<hbm>>
      %dma_start3A_351 = tpu.memref_squeeze %dma_start3A_350 : memref<1x10240x72xf32, #tpu.memory_space<hbm>> -> memref<10240x72xf32, #tpu.memory_space<hbm>>
      %dma_start3A_352 = arith.constant 0 : i32
      %dma_start3A_353 = tpu.memref_slice %dma_start3A_351[%add3A_311, %dma_start3A_352] : memref<10240x72xf32, #tpu.memory_space<hbm>> -> memref<128x72xf32, #tpu.memory_space<hbm>>
      %dma_start3A_354 = arith.constant 0 : i32
      %dma_start3A_355 = arith.constant 0 : i32
      %dma_start3A_356 = tpu.memref_slice %arg9[%run_scoped3A_320, %dma_start3A_354, %dma_start3A_355] : memref<2x250x72xf32, #tpu.memory_space<vmem>> -> memref<1x250x72xf32, #tpu.memory_space<vmem>>
      %dma_start3A_357 = tpu.memref_squeeze %dma_start3A_356 : memref<1x250x72xf32, #tpu.memory_space<vmem>> -> memref<250x72xf32, #tpu.memory_space<vmem>>
      %dma_start3A_358 = arith.constant 0 : i32
      %dma_start3A_359 = arith.constant 0 : i32
      %dma_start3A_360 = tpu.memref_slice %dma_start3A_357[%dma_start3A_358, %dma_start3A_359] : memref<250x72xf32, #tpu.memory_space<vmem>> -> memref<128x72xf32, #tpu.memory_space<vmem>>
      tpu.enqueue_dma source(%dma_start3A_360 : memref<128x72xf32, #tpu.memory_space<vmem>>) target(%dma_start3A_353 : memref<128x72xf32, #tpu.memory_space<hbm>>) target_semaphore(%run_scoped3A_334 : memref<!tpu.dma_semaphore, #tpu.memory_space<semaphore_mem>>)
      %dma_wait3A_361 = arith.constant 0 : i32
      %dma_wait3A_362 = arith.constant 0 : i32
      %dma_wait3A_363 = tpu.memref_slice %arg9[%run_scoped3A_320, %dma_wait3A_361, %dma_wait3A_362] : memref<2x250x72xf32, #tpu.memory_space<vmem>> -> memref<1x250x72xf32, #tpu.memory_space<vmem>>
      %dma_wait3A_364 = tpu.memref_squeeze %dma_wait3A_363 : memref<1x250x72xf32, #tpu.memory_space<vmem>> -> memref<250x72xf32, #tpu.memory_space<vmem>>
      %dma_wait3A_365 = arith.constant 0 : i32
      %dma_wait3A_366 = arith.constant 0 : i32
      %dma_wait3A_367 = tpu.memref_slice %dma_wait3A_364[%dma_wait3A_365, %dma_wait3A_366] : memref<250x72xf32, #tpu.memory_space<vmem>> -> memref<128x72xf32, #tpu.memory_space<vmem>>
      %dma_wait3A_368 = arith.constant 0 : i32
      %dma_wait3A_369 = arith.constant 0 : i32
      %dma_wait3A_370 = tpu.memref_slice %arg5[%arg0, %dma_wait3A_368, %dma_wait3A_369] : memref<2x10240x72xf32, #tpu.memory_space<hbm>> -> memref<1x10240x72xf32, #tpu.memory_space<hbm>>
      %dma_wait3A_371 = tpu.memref_squeeze %dma_wait3A_370 : memref<1x10240x72xf32, #tpu.memory_space<hbm>> -> memref<10240x72xf32, #tpu.memory_space<hbm>>
      %dma_wait3A_372 = arith.constant 0 : i32
      %dma_wait3A_373 = tpu.memref_slice %dma_wait3A_371[%add3A_311, %dma_wait3A_372] : memref<10240x72xf32, #tpu.memory_space<hbm>> -> memref<128x72xf32, #tpu.memory_space<hbm>>
      %dma_wait3A_374 = arith.constant 0 : i32
      %dma_wait3A_375 = arith.constant 0 : i32
      %dma_wait3A_376 = tpu.memref_slice %arg5[%arg0, %dma_wait3A_374, %dma_wait3A_375] : memref<2x10240x72xf32, #tpu.memory_space<hbm>> -> memref<1x10240x72xf32, #tpu.memory_space<hbm>>
      %dma_wait3A_377 = tpu.memref_squeeze %dma_wait3A_376 : memref<1x10240x72xf32, #tpu.memory_space<hbm>> -> memref<10240x72xf32, #tpu.memory_space<hbm>>
      %dma_wait3A_378 = arith.constant 0 : i32
      %dma_wait3A_379 = tpu.memref_slice %dma_wait3A_377[%add3A_311, %dma_wait3A_378] : memref<10240x72xf32, #tpu.memory_space<hbm>> -> memref<128x72xf32, #tpu.memory_space<hbm>>
      %dma_wait3A_380 = arith.constant 0 : i32
      %dma_wait3A_381 = arith.constant 0 : i32
      %dma_wait3A_382 = tpu.memref_slice %arg9[%run_scoped3A_320, %dma_wait3A_380, %dma_wait3A_381] : memref<2x250x72xf32, #tpu.memory_space<vmem>> -> memref<1x250x72xf32, #tpu.memory_space<vmem>>
      %dma_wait3A_383 = tpu.memref_squeeze %dma_wait3A_382 : memref<1x250x72xf32, #tpu.memory_space<vmem>> -> memref<250x72xf32, #tpu.memory_space<vmem>>
      %dma_wait3A_384 = arith.constant 0 : i32
      %dma_wait3A_385 = arith.constant 0 : i32
      %dma_wait3A_386 = tpu.memref_slice %dma_wait3A_383[%dma_wait3A_384, %dma_wait3A_385] : memref<250x72xf32, #tpu.memory_space<vmem>> -> memref<128x72xf32, #tpu.memory_space<vmem>>
      tpu.wait_dma2 semaphore(%run_scoped3A_334 : memref<!tpu.dma_semaphore, #tpu.memory_space<semaphore_mem>>) src(%dma_wait3A_386 : memref<128x72xf32, #tpu.memory_space<vmem>>) dst(%dma_wait3A_379 : memref<128x72xf32, #tpu.memory_space<hbm>>)
      tpu.yield
    }) : () -> ()
    %mul3A_321 = arith.constant 640 : i32
    %mul3A_322 = arith.muli %arg1, %mul3A_321 : i32
    %add3A_323 = arith.constant 512 : i32
    %add3A_324 = arith.addi %mul3A_322, %add3A_323 : i32
    %run_scoped3A_325 = arith.constant 0 : i32
    "tpu.region"() ({
      %run_scoped3A_334 = tpu.sem_alloc : memref<!tpu.dma_semaphore, #tpu.memory_space<semaphore_mem>>
      %dma_start3A_335 = arith.constant 0 : i32
      %dma_start3A_336 = arith.constant 0 : i32
      %dma_start3A_337 = tpu.memref_slice %arg9[%run_scoped3A_325, %dma_start3A_335, %dma_start3A_336] : memref<2x250x72xf32, #tpu.memory_space<vmem>> -> memref<1x250x72xf32, #tpu.memory_space<vmem>>
      %dma_start3A_338 = tpu.memref_squeeze %dma_start3A_337 : memref<1x250x72xf32, #tpu.memory_space<vmem>> -> memref<250x72xf32, #tpu.memory_space<vmem>>
      %dma_start3A_339 = arith.constant 0 : i32
      %dma_start3A_340 = arith.constant 0 : i32
      %dma_start3A_341 = tpu.memref_slice %dma_start3A_338[%dma_start3A_339, %dma_start3A_340] : memref<250x72xf32, #tpu.memory_space<vmem>> -> memref<128x72xf32, #tpu.memory_space<vmem>>
      %dma_start3A_342 = arith.constant 0 : i32
      %dma_start3A_343 = tpu.memref_slice %arg10[%add3A_324, %dma_start3A_342] : memref<10240x72xf32, #tpu.memory_space<vmem_shared>> -> memref<128x72xf32, #tpu.memory_space<vmem_shared>>
      %dma_start3A_344 = arith.constant 0 : i32
      %dma_start3A_345 = arith.constant 0 : i32
      %dma_start3A_346 = tpu.memref_slice %arg9[%run_scoped3A_325, %dma_start3A_344, %dma_start3A_345] : memref<2x250x72xf32, #tpu.memory_space<vmem>> -> memref<1x250x72xf32, #tpu.memory_space<vmem>>
      %dma_start3A_347 = tpu.memref_squeeze %dma_start3A_346 : memref<1x250x72xf32, #tpu.memory_space<vmem>> -> memref<250x72xf32, #tpu.memory_space<vmem>>
      %dma_start3A_348 = arith.constant 0 : i32
      %dma_start3A_349 = arith.constant 0 : i32
      %dma_start3A_350 = tpu.memref_slice %dma_start3A_347[%dma_start3A_348, %dma_start3A_349] : memref<250x72xf32, #tpu.memory_space<vmem>> -> memref<128x72xf32, #tpu.memory_space<vmem>>
      %dma_start3A_351 = arith.constant 0 : i32
      %dma_start3A_352 = tpu.memref_slice %arg10[%add3A_324, %dma_start3A_351] : memref<10240x72xf32, #tpu.memory_space<vmem_shared>> -> memref<128x72xf32, #tpu.memory_space<vmem_shared>>
      tpu.enqueue_dma source(%dma_start3A_352 : memref<128x72xf32, #tpu.memory_space<vmem_shared>>) target(%dma_start3A_350 : memref<128x72xf32, #tpu.memory_space<vmem>>) target_semaphore(%run_scoped3A_334 : memref<!tpu.dma_semaphore, #tpu.memory_space<semaphore_mem>>)
      %dma_wait3A_353 = arith.constant 0 : i32
      %dma_wait3A_354 = arith.constant 0 : i32
      %dma_wait3A_355 = tpu.memref_slice %arg9[%run_scoped3A_325, %dma_wait3A_353, %dma_wait3A_354] : memref<2x250x72xf32, #tpu.memory_space<vmem>> -> memref<1x250x72xf32, #tpu.memory_space<vmem>>
      %dma_wait3A_356 = tpu.memref_squeeze %dma_wait3A_355 : memref<1x250x72xf32, #tpu.memory_space<vmem>> -> memref<250x72xf32, #tpu.memory_space<vmem>>
      %dma_wait3A_357 = arith.constant 0 : i32
      %dma_wait3A_358 = arith.constant 0 : i32
      %dma_wait3A_359 = tpu.memref_slice %dma_wait3A_356[%dma_wait3A_357, %dma_wait3A_358] : memref<250x72xf32, #tpu.memory_space<vmem>> -> memref<128x72xf32, #tpu.memory_space<vmem>>
      %dma_wait3A_360 = arith.constant 0 : i32
      %dma_wait3A_361 = tpu.memref_slice %arg10[%add3A_324, %dma_wait3A_360] : memref<10240x72xf32, #tpu.memory_space<vmem_shared>> -> memref<128x72xf32, #tpu.memory_space<vmem_shared>>
      %dma_wait3A_362 = arith.constant 0 : i32
      %dma_wait3A_363 = arith.constant 0 : i32
      %dma_wait3A_364 = tpu.memref_slice %arg9[%run_scoped3A_325, %dma_wait3A_362, %dma_wait3A_363] : memref<2x250x72xf32, #tpu.memory_space<vmem>> -> memref<1x250x72xf32, #tpu.memory_space<vmem>>
      %dma_wait3A_365 = tpu.memref_squeeze %dma_wait3A_364 : memref<1x250x72xf32, #tpu.memory_space<vmem>> -> memref<250x72xf32, #tpu.memory_space<vmem>>
      %dma_wait3A_366 = arith.constant 0 : i32
      %dma_wait3A_367 = arith.constant 0 : i32
      %dma_wait3A_368 = tpu.memref_slice %dma_wait3A_365[%dma_wait3A_366, %dma_wait3A_367] : memref<250x72xf32, #tpu.memory_space<vmem>> -> memref<128x72xf32, #tpu.memory_space<vmem>>
      %dma_wait3A_369 = arith.constant 0 : i32
      %dma_wait3A_370 = tpu.memref_slice %arg10[%add3A_324, %dma_wait3A_369] : memref<10240x72xf32, #tpu.memory_space<vmem_shared>> -> memref<128x72xf32, #tpu.memory_space<vmem_shared>>
      tpu.wait_dma2 semaphore(%run_scoped3A_334 : memref<!tpu.dma_semaphore, #tpu.memory_space<semaphore_mem>>) src(%dma_wait3A_370 : memref<128x72xf32, #tpu.memory_space<vmem_shared>>) dst(%dma_wait3A_368 : memref<128x72xf32, #tpu.memory_space<vmem>>)
      tpu.yield
    }) : () -> ()
    %scan3A_326 = arith.constant 0 : i32
    %scan3A_327 = arith.constant 0 : i32
    %scan3A_328 = arith.constant 0 : i32
    %scan3A_329 = arith.constant 128 : i32
    %scan3A_330 = arith.addi %scan3A_328, %scan3A_329 : i32
    %scan3A_331 = arith.constant 1 : i32
    scf.for %scan3A_334 = %scan3A_328 to %scan3A_330 step %scan3A_331  : i32 {
      %get3A = arith.constant 0 : i32
      %get3A_335 = arith.constant 0 : i32
      %get3A_336 = tpu.memref_slice %arg9[%scan3A_327, %get3A, %get3A_335] : memref<2x250x72xf32, #tpu.memory_space<vmem>> -> memref<1x250x72xf32, #tpu.memory_space<vmem>>
      %get3A_337 = tpu.memref_squeeze %get3A_336 : memref<1x250x72xf32, #tpu.memory_space<vmem>> -> memref<250x72xf32, #tpu.memory_space<vmem>>
      %get3A_338 = arith.constant 0 : i32
      %get3A_339 = arith.constant 0 : i32
      %get3A_340 = tpu.memref_slice %get3A_337[%get3A_338, %get3A_339] : memref<250x72xf32, #tpu.memory_space<vmem>> -> memref<128x72xf32, #tpu.memory_space<vmem>>
      %get3A_341 = arith.index_cast %scan3A_334 : i32 to index
      %get3A_342 = arith.constant 56 : index
      %get3A_343 = tpu.vector_load %get3A_340[%get3A_341, %get3A_342] {strides = array<i32>} : memref<128x72xf32, #tpu.memory_space<vmem>>, vector<1x16xf32>,
      %get3A_344 = vector.shape_cast %get3A_343 : vector<1x16xf32> to vector<16xf32>
      %gt3A = arith.constant 0.000000e+00 : f32
      %gt3A_345 = vector.broadcast %gt3A : f32 to vector<16xf32>
      %gt3A_346 = arith.cmpf ogt, %get3A_344, %gt3A_345 : vector<16xf32>
      %div3A = arith.constant 1.000000e+00 : f32
      %div3A_347 = vector.broadcast %div3A : f32 to vector<16xf32>
      %div3A_348 = arith.divf %div3A_347, %get3A_344 : vector<16xf32>
      %jit3A = arith.constant 0.000000e+00 : f32
      %broadcast_in_dim3A_349 = vector.broadcast %jit3A : f32 to vector<16xf32>
      %select_n3A = arith.select %gt3A_346, %div3A_348, %broadcast_in_dim3A_349 : vector<16xi1>, vector<16xf32>
      %slice3A = vector.extract_strided_slice %select_n3A {offsets = [8], sizes = [1], strides = [1]} : vector<16xf32> to vector<1xf32>
      %squeeze3A = vector.extract %slice3A[0] : f32 from vector<1xf32>
      %broadcast_in_dim3A_350 = vector.broadcast %squeeze3A : f32 to vector<16xf32>
      %get3A_351 = arith.constant 0 : i32
      %get3A_352 = arith.constant 0 : i32
      %get3A_353 = tpu.memref_slice %arg9[%scan3A_327, %get3A_351, %get3A_352] : memref<2x250x72xf32, #tpu.memory_space<vmem>> -> memref<1x250x72xf32, #tpu.memory_space<vmem>>
      %get3A_354 = tpu.memref_squeeze %get3A_353 : memref<1x250x72xf32, #tpu.memory_space<vmem>> -> memref<250x72xf32, #tpu.memory_space<vmem>>
      %get3A_355 = arith.constant 0 : i32
      %get3A_356 = arith.constant 0 : i32
      %get3A_357 = tpu.memref_slice %get3A_354[%get3A_355, %get3A_356] : memref<250x72xf32, #tpu.memory_space<vmem>> -> memref<128x72xf32, #tpu.memory_space<vmem>>
      %get3A_358 = arith.index_cast %scan3A_334 : i32 to index
      %get3A_359 = arith.constant 0 : index
      %get3A_360 = tpu.vector_load %get3A_357[%get3A_358, %get3A_359] {strides = array<i32>} : memref<128x72xf32, #tpu.memory_space<vmem>>, vector<1x16xf32>,
      %get3A_361 = vector.shape_cast %get3A_360 : vector<1x16xf32> to vector<16xf32>
      %mul3A_362 = arith.mulf %get3A_361, %broadcast_in_dim3A_350 : vector<16xf32>
      %swap3A = arith.constant 0 : i32
      %swap3A_363 = arith.constant 0 : i32
      %swap3A_364 = tpu.memref_slice %arg9[%scan3A_327, %swap3A, %swap3A_363] : memref<2x250x72xf32, #tpu.memory_space<vmem>> -> memref<1x250x72xf32, #tpu.memory_space<vmem>>
      %swap3A_365 = tpu.memref_squeeze %swap3A_364 : memref<1x250x72xf32, #tpu.memory_space<vmem>> -> memref<250x72xf32, #tpu.memory_space<vmem>>
      %swap3A_366 = arith.constant 0 : i32
      %swap3A_367 = arith.constant 0 : i32
      %swap3A_368 = tpu.memref_slice %swap3A_365[%swap3A_366, %swap3A_367] : memref<250x72xf32, #tpu.memory_space<vmem>> -> memref<128x72xf32, #tpu.memory_space<vmem>>
      %swap3A_369 = arith.index_cast %scan3A_334 : i32 to index
      %swap3A_370 = arith.constant 0 : index
      %swap3A_371 = tpu.vector_load %swap3A_368[%swap3A_369, %swap3A_370] {strides = array<i32>} : memref<128x72xf32, #tpu.memory_space<vmem>>, vector<1x16xf32>,
      %swap3A_372 = vector.shape_cast %swap3A_371 : vector<1x16xf32> to vector<16xf32>
      %swap3A_373 = vector.shape_cast %mul3A_362 : vector<16xf32> to vector<1x16xf32>
      tpu.vector_store %swap3A_368[%swap3A_369, %swap3A_370], %swap3A_373 {strides = array<i32>} : memref<128x72xf32, #tpu.memory_space<vmem>>, vector<1x16xf32>,
      %get3A_374 = arith.constant 0 : i32
      %get3A_375 = arith.constant 0 : i32
      %get3A_376 = tpu.memref_slice %arg9[%scan3A_327, %get3A_374, %get3A_375] : memref<2x250x72xf32, #tpu.memory_space<vmem>> -> memref<1x250x72xf32, #tpu.memory_space<vmem>>
      %get3A_377 = tpu.memref_squeeze %get3A_376 : memref<1x250x72xf32, #tpu.memory_space<vmem>> -> memref<250x72xf32, #tpu.memory_space<vmem>>
      %get3A_378 = arith.constant 0 : i32
      %get3A_379 = arith.constant 0 : i32
      %get3A_380 = tpu.memref_slice %get3A_377[%get3A_378, %get3A_379] : memref<250x72xf32, #tpu.memory_space<vmem>> -> memref<128x72xf32, #tpu.memory_space<vmem>>
      %get3A_381 = arith.index_cast %scan3A_334 : i32 to index
      %get3A_382 = arith.constant 16 : index
      %get3A_383 = tpu.vector_load %get3A_380[%get3A_381, %get3A_382] {strides = array<i32>} : memref<128x72xf32, #tpu.memory_space<vmem>>, vector<1x16xf32>,
      %get3A_384 = vector.shape_cast %get3A_383 : vector<1x16xf32> to vector<16xf32>
      %mul3A_385 = arith.mulf %get3A_384, %broadcast_in_dim3A_350 : vector<16xf32>
      %swap3A_386 = arith.constant 0 : i32
      %swap3A_387 = arith.constant 0 : i32
      %swap3A_388 = tpu.memref_slice %arg9[%scan3A_327, %swap3A_386, %swap3A_387] : memref<2x250x72xf32, #tpu.memory_space<vmem>> -> memref<1x250x72xf32, #tpu.memory_space<vmem>>
      %swap3A_389 = tpu.memref_squeeze %swap3A_388 : memref<1x250x72xf32, #tpu.memory_space<vmem>> -> memref<250x72xf32, #tpu.memory_space<vmem>>
      %swap3A_390 = arith.constant 0 : i32
      %swap3A_391 = arith.constant 0 : i32
      %swap3A_392 = tpu.memref_slice %swap3A_389[%swap3A_390, %swap3A_391] : memref<250x72xf32, #tpu.memory_space<vmem>> -> memref<128x72xf32, #tpu.memory_space<vmem>>
      %swap3A_393 = arith.index_cast %scan3A_334 : i32 to index
      %swap3A_394 = arith.constant 16 : index
      %swap3A_395 = tpu.vector_load %swap3A_392[%swap3A_393, %swap3A_394] {strides = array<i32>} : memref<128x72xf32, #tpu.memory_space<vmem>>, vector<1x16xf32>,
      %swap3A_396 = vector.shape_cast %swap3A_395 : vector<1x16xf32> to vector<16xf32>
      %swap3A_397 = vector.shape_cast %mul3A_385 : vector<16xf32> to vector<1x16xf32>
      tpu.vector_store %swap3A_392[%swap3A_393, %swap3A_394], %swap3A_397 {strides = array<i32>} : memref<128x72xf32, #tpu.memory_space<vmem>>, vector<1x16xf32>,
      %get3A_398 = arith.constant 0 : i32
      %get3A_399 = arith.constant 0 : i32
      %get3A_400 = tpu.memref_slice %arg9[%scan3A_327, %get3A_398, %get3A_399] : memref<2x250x72xf32, #tpu.memory_space<vmem>> -> memref<1x250x72xf32, #tpu.memory_space<vmem>>
      %get3A_401 = tpu.memref_squeeze %get3A_400 : memref<1x250x72xf32, #tpu.memory_space<vmem>> -> memref<250x72xf32, #tpu.memory_space<vmem>>
      %get3A_402 = arith.constant 0 : i32
      %get3A_403 = arith.constant 0 : i32
      %get3A_404 = tpu.memref_slice %get3A_401[%get3A_402, %get3A_403] : memref<250x72xf32, #tpu.memory_space<vmem>> -> memref<128x72xf32, #tpu.memory_space<vmem>>
      %get3A_405 = arith.index_cast %scan3A_334 : i32 to index
      %get3A_406 = arith.constant 32 : index
      %get3A_407 = tpu.vector_load %get3A_404[%get3A_405, %get3A_406] {strides = array<i32>} : memref<128x72xf32, #tpu.memory_space<vmem>>, vector<1x16xf32>,
      %get3A_408 = vector.shape_cast %get3A_407 : vector<1x16xf32> to vector<16xf32>
      %mul3A_409 = arith.mulf %get3A_408, %broadcast_in_dim3A_350 : vector<16xf32>
      %swap3A_410 = arith.constant 0 : i32
      %swap3A_411 = arith.constant 0 : i32
      %swap3A_412 = tpu.memref_slice %arg9[%scan3A_327, %swap3A_410, %swap3A_411] : memref<2x250x72xf32, #tpu.memory_space<vmem>> -> memref<1x250x72xf32, #tpu.memory_space<vmem>>
      %swap3A_413 = tpu.memref_squeeze %swap3A_412 : memref<1x250x72xf32, #tpu.memory_space<vmem>> -> memref<250x72xf32, #tpu.memory_space<vmem>>
      %swap3A_414 = arith.constant 0 : i32
      %swap3A_415 = arith.constant 0 : i32
      %swap3A_416 = tpu.memref_slice %swap3A_413[%swap3A_414, %swap3A_415] : memref<250x72xf32, #tpu.memory_space<vmem>> -> memref<128x72xf32, #tpu.memory_space<vmem>>
      %swap3A_417 = arith.index_cast %scan3A_334 : i32 to index
      %swap3A_418 = arith.constant 32 : index
      %swap3A_419 = tpu.vector_load %swap3A_416[%swap3A_417, %swap3A_418] {strides = array<i32>} : memref<128x72xf32, #tpu.memory_space<vmem>>, vector<1x16xf32>,
      %swap3A_420 = vector.shape_cast %swap3A_419 : vector<1x16xf32> to vector<16xf32>
      %swap3A_421 = vector.shape_cast %mul3A_409 : vector<16xf32> to vector<1x16xf32>
      tpu.vector_store %swap3A_416[%swap3A_417, %swap3A_418], %swap3A_421 {strides = array<i32>} : memref<128x72xf32, #tpu.memory_space<vmem>>, vector<1x16xf32>,
      %get3A_422 = arith.constant 0 : i32
      %get3A_423 = arith.constant 0 : i32
      %get3A_424 = tpu.memref_slice %arg9[%scan3A_327, %get3A_422, %get3A_423] : memref<2x250x72xf32, #tpu.memory_space<vmem>> -> memref<1x250x72xf32, #tpu.memory_space<vmem>>
      %get3A_425 = tpu.memref_squeeze %get3A_424 : memref<1x250x72xf32, #tpu.memory_space<vmem>> -> memref<250x72xf32, #tpu.memory_space<vmem>>
      %get3A_426 = arith.constant 0 : i32
      %get3A_427 = arith.constant 0 : i32
      %get3A_428 = tpu.memref_slice %get3A_425[%get3A_426, %get3A_427] : memref<250x72xf32, #tpu.memory_space<vmem>> -> memref<128x72xf32, #tpu.memory_space<vmem>>
      %get3A_429 = arith.index_cast %scan3A_334 : i32 to index
      %get3A_430 = arith.constant 48 : index
      %get3A_431 = tpu.vector_load %get3A_428[%get3A_429, %get3A_430] {strides = array<i32>} : memref<128x72xf32, #tpu.memory_space<vmem>>, vector<1x16xf32>,
      %get3A_432 = vector.shape_cast %get3A_431 : vector<1x16xf32> to vector<16xf32>
      %mul3A_433 = arith.mulf %get3A_432, %broadcast_in_dim3A_350 : vector<16xf32>
      %swap3A_434 = arith.constant 0 : i32
      %swap3A_435 = arith.constant 0 : i32
      %swap3A_436 = tpu.memref_slice %arg9[%scan3A_327, %swap3A_434, %swap3A_435] : memref<2x250x72xf32, #tpu.memory_space<vmem>> -> memref<1x250x72xf32, #tpu.memory_space<vmem>>
      %swap3A_437 = tpu.memref_squeeze %swap3A_436 : memref<1x250x72xf32, #tpu.memory_space<vmem>> -> memref<250x72xf32, #tpu.memory_space<vmem>>
      %swap3A_438 = arith.constant 0 : i32
      %swap3A_439 = arith.constant 0 : i32
      %swap3A_440 = tpu.memref_slice %swap3A_437[%swap3A_438, %swap3A_439] : memref<250x72xf32, #tpu.memory_space<vmem>> -> memref<128x72xf32, #tpu.memory_space<vmem>>
      %swap3A_441 = arith.index_cast %scan3A_334 : i32 to index
      %swap3A_442 = arith.constant 48 : index
      %swap3A_443 = tpu.vector_load %swap3A_440[%swap3A_441, %swap3A_442] {strides = array<i32>} : memref<128x72xf32, #tpu.memory_space<vmem>>, vector<1x16xf32>,
      %swap3A_444 = vector.shape_cast %swap3A_443 : vector<1x16xf32> to vector<16xf32>
      %swap3A_445 = vector.shape_cast %mul3A_433 : vector<16xf32> to vector<1x16xf32>
      tpu.vector_store %swap3A_440[%swap3A_441, %swap3A_442], %swap3A_445 {strides = array<i32>} : memref<128x72xf32, #tpu.memory_space<vmem>>, vector<1x16xf32>,
      %mul3A_446 = arith.mulf %get3A_344, %broadcast_in_dim3A_350 : vector<16xf32>
      %swap3A_447 = arith.constant 0 : i32
      %swap3A_448 = arith.constant 0 : i32
      %swap3A_449 = tpu.memref_slice %arg9[%scan3A_327, %swap3A_447, %swap3A_448] : memref<2x250x72xf32, #tpu.memory_space<vmem>> -> memref<1x250x72xf32, #tpu.memory_space<vmem>>
      %swap3A_450 = tpu.memref_squeeze %swap3A_449 : memref<1x250x72xf32, #tpu.memory_space<vmem>> -> memref<250x72xf32, #tpu.memory_space<vmem>>
      %swap3A_451 = arith.constant 0 : i32
      %swap3A_452 = arith.constant 0 : i32
      %swap3A_453 = tpu.memref_slice %swap3A_450[%swap3A_451, %swap3A_452] : memref<250x72xf32, #tpu.memory_space<vmem>> -> memref<128x72xf32, #tpu.memory_space<vmem>>
      %swap3A_454 = arith.index_cast %scan3A_334 : i32 to index
      %swap3A_455 = arith.constant 56 : index
      %swap3A_456 = tpu.vector_load %swap3A_453[%swap3A_454, %swap3A_455] {strides = array<i32>} : memref<128x72xf32, #tpu.memory_space<vmem>>, vector<1x16xf32>,
      %swap3A_457 = vector.shape_cast %swap3A_456 : vector<1x16xf32> to vector<16xf32>
      %swap3A_458 = vector.shape_cast %mul3A_446 : vector<16xf32> to vector<1x16xf32>
      tpu.vector_store %swap3A_453[%swap3A_454, %swap3A_455], %swap3A_458 {strides = array<i32>} : memref<128x72xf32, #tpu.memory_space<vmem>>, vector<1x16xf32>,
    }
    %scan3A_332 = arith.constant 128 : i32
    %run_scoped3A_333 = arith.constant 0 : i32
    "tpu.region"() ({
      %run_scoped3A_334 = tpu.sem_alloc : memref<!tpu.dma_semaphore, #tpu.memory_space<semaphore_mem>>
      %dma_start3A_335 = arith.constant 0 : i32
      %dma_start3A_336 = arith.constant 0 : i32
      %dma_start3A_337 = tpu.memref_slice %arg9[%run_scoped3A_333, %dma_start3A_335, %dma_start3A_336] : memref<2x250x72xf32, #tpu.memory_space<vmem>> -> memref<1x250x72xf32, #tpu.memory_space<vmem>>
      %dma_start3A_338 = tpu.memref_squeeze %dma_start3A_337 : memref<1x250x72xf32, #tpu.memory_space<vmem>> -> memref<250x72xf32, #tpu.memory_space<vmem>>
      %dma_start3A_339 = arith.constant 0 : i32
      %dma_start3A_340 = arith.constant 0 : i32
      %dma_start3A_341 = tpu.memref_slice %dma_start3A_338[%dma_start3A_339, %dma_start3A_340] : memref<250x72xf32, #tpu.memory_space<vmem>> -> memref<128x72xf32, #tpu.memory_space<vmem>>
      %dma_start3A_342 = arith.constant 0 : i32
      %dma_start3A_343 = arith.constant 0 : i32
      %dma_start3A_344 = tpu.memref_slice %arg5[%arg0, %dma_start3A_342, %dma_start3A_343] : memref<2x10240x72xf32, #tpu.memory_space<hbm>> -> memref<1x10240x72xf32, #tpu.memory_space<hbm>>
      %dma_start3A_345 = tpu.memref_squeeze %dma_start3A_344 : memref<1x10240x72xf32, #tpu.memory_space<hbm>> -> memref<10240x72xf32, #tpu.memory_space<hbm>>
      %dma_start3A_346 = arith.constant 0 : i32
      %dma_start3A_347 = tpu.memref_slice %dma_start3A_345[%add3A_324, %dma_start3A_346] : memref<10240x72xf32, #tpu.memory_space<hbm>> -> memref<128x72xf32, #tpu.memory_space<hbm>>
      %dma_start3A_348 = arith.constant 0 : i32
      %dma_start3A_349 = arith.constant 0 : i32
      %dma_start3A_350 = tpu.memref_slice %arg5[%arg0, %dma_start3A_348, %dma_start3A_349] : memref<2x10240x72xf32, #tpu.memory_space<hbm>> -> memref<1x10240x72xf32, #tpu.memory_space<hbm>>
      %dma_start3A_351 = tpu.memref_squeeze %dma_start3A_350 : memref<1x10240x72xf32, #tpu.memory_space<hbm>> -> memref<10240x72xf32, #tpu.memory_space<hbm>>
      %dma_start3A_352 = arith.constant 0 : i32
      %dma_start3A_353 = tpu.memref_slice %dma_start3A_351[%add3A_324, %dma_start3A_352] : memref<10240x72xf32, #tpu.memory_space<hbm>> -> memref<128x72xf32, #tpu.memory_space<hbm>>
      %dma_start3A_354 = arith.constant 0 : i32
      %dma_start3A_355 = arith.constant 0 : i32
      %dma_start3A_356 = tpu.memref_slice %arg9[%run_scoped3A_333, %dma_start3A_354, %dma_start3A_355] : memref<2x250x72xf32, #tpu.memory_space<vmem>> -> memref<1x250x72xf32, #tpu.memory_space<vmem>>
      %dma_start3A_357 = tpu.memref_squeeze %dma_start3A_356 : memref<1x250x72xf32, #tpu.memory_space<vmem>> -> memref<250x72xf32, #tpu.memory_space<vmem>>
      %dma_start3A_358 = arith.constant 0 : i32
      %dma_start3A_359 = arith.constant 0 : i32
      %dma_start3A_360 = tpu.memref_slice %dma_start3A_357[%dma_start3A_358, %dma_start3A_359] : memref<250x72xf32, #tpu.memory_space<vmem>> -> memref<128x72xf32, #tpu.memory_space<vmem>>
      tpu.enqueue_dma source(%dma_start3A_360 : memref<128x72xf32, #tpu.memory_space<vmem>>) target(%dma_start3A_353 : memref<128x72xf32, #tpu.memory_space<hbm>>) target_semaphore(%run_scoped3A_334 : memref<!tpu.dma_semaphore, #tpu.memory_space<semaphore_mem>>)
      %dma_wait3A_361 = arith.constant 0 : i32
      %dma_wait3A_362 = arith.constant 0 : i32
      %dma_wait3A_363 = tpu.memref_slice %arg9[%run_scoped3A_333, %dma_wait3A_361, %dma_wait3A_362] : memref<2x250x72xf32, #tpu.memory_space<vmem>> -> memref<1x250x72xf32, #tpu.memory_space<vmem>>
      %dma_wait3A_364 = tpu.memref_squeeze %dma_wait3A_363 : memref<1x250x72xf32, #tpu.memory_space<vmem>> -> memref<250x72xf32, #tpu.memory_space<vmem>>
      %dma_wait3A_365 = arith.constant 0 : i32
      %dma_wait3A_366 = arith.constant 0 : i32
      %dma_wait3A_367 = tpu.memref_slice %dma_wait3A_364[%dma_wait3A_365, %dma_wait3A_366] : memref<250x72xf32, #tpu.memory_space<vmem>> -> memref<128x72xf32, #tpu.memory_space<vmem>>
      %dma_wait3A_368 = arith.constant 0 : i32
      %dma_wait3A_369 = arith.constant 0 : i32
      %dma_wait3A_370 = tpu.memref_slice %arg5[%arg0, %dma_wait3A_368, %dma_wait3A_369] : memref<2x10240x72xf32, #tpu.memory_space<hbm>> -> memref<1x10240x72xf32, #tpu.memory_space<hbm>>
      %dma_wait3A_371 = tpu.memref_squeeze %dma_wait3A_370 : memref<1x10240x72xf32, #tpu.memory_space<hbm>> -> memref<10240x72xf32, #tpu.memory_space<hbm>>
      %dma_wait3A_372 = arith.constant 0 : i32
      %dma_wait3A_373 = tpu.memref_slice %dma_wait3A_371[%add3A_324, %dma_wait3A_372] : memref<10240x72xf32, #tpu.memory_space<hbm>> -> memref<128x72xf32, #tpu.memory_space<hbm>>
      %dma_wait3A_374 = arith.constant 0 : i32
      %dma_wait3A_375 = arith.constant 0 : i32
      %dma_wait3A_376 = tpu.memref_slice %arg5[%arg0, %dma_wait3A_374, %dma_wait3A_375] : memref<2x10240x72xf32, #tpu.memory_space<hbm>> -> memref<1x10240x72xf32, #tpu.memory_space<hbm>>
      %dma_wait3A_377 = tpu.memref_squeeze %dma_wait3A_376 : memref<1x10240x72xf32, #tpu.memory_space<hbm>> -> memref<10240x72xf32, #tpu.memory_space<hbm>>
      %dma_wait3A_378 = arith.constant 0 : i32
      %dma_wait3A_379 = tpu.memref_slice %dma_wait3A_377[%add3A_324, %dma_wait3A_378] : memref<10240x72xf32, #tpu.memory_space<hbm>> -> memref<128x72xf32, #tpu.memory_space<hbm>>
      %dma_wait3A_380 = arith.constant 0 : i32
      %dma_wait3A_381 = arith.constant 0 : i32
      %dma_wait3A_382 = tpu.memref_slice %arg9[%run_scoped3A_333, %dma_wait3A_380, %dma_wait3A_381] : memref<2x250x72xf32, #tpu.memory_space<vmem>> -> memref<1x250x72xf32, #tpu.memory_space<vmem>>
      %dma_wait3A_383 = tpu.memref_squeeze %dma_wait3A_382 : memref<1x250x72xf32, #tpu.memory_space<vmem>> -> memref<250x72xf32, #tpu.memory_space<vmem>>
      %dma_wait3A_384 = arith.constant 0 : i32
      %dma_wait3A_385 = arith.constant 0 : i32
      %dma_wait3A_386 = tpu.memref_slice %dma_wait3A_383[%dma_wait3A_384, %dma_wait3A_385] : memref<250x72xf32, #tpu.memory_space<vmem>> -> memref<128x72xf32, #tpu.memory_space<vmem>>
      tpu.wait_dma2 semaphore(%run_scoped3A_334 : memref<!tpu.dma_semaphore, #tpu.memory_space<semaphore_mem>>) src(%dma_wait3A_386 : memref<128x72xf32, #tpu.memory_space<vmem>>) dst(%dma_wait3A_379 : memref<128x72xf32, #tpu.memory_space<hbm>>)
      tpu.yield
    }) : () -> ()
    "tpu.trace_stop"() : () -> ()
    return
  }
}

module attributes {stable_mosaic.version = 14 : i64} {
  func.func @_pre_x_body(%arg0: i32, %arg1: memref<1000x128xf32, #tpu.memory_space<vmem>>, %arg2: memref<128x128xf32, #tpu.memory_space<vmem>>, %arg3: memref<2x1000x72xf32, #tpu.memory_space<vmem>>) attributes {dimension_semantics = [#tpu.dimension_semantics<arbitrary>], iteration_bounds = array<i64: 10>, scalar_prefetch = 0 : i64, scratch_operands = 0 : i64, tpu.core_type = #tpu.core_type<tc>, window_params = [{transform_indices = @transform_0, window_bounds = array<i64: 1000, 128>}, {pipeline_mode = #tpu.pipeline_mode<synchronous>, transform_indices = @transform_1, window_bounds = array<i64: 128, 128>}, {transform_indices = @transform_2, window_bounds = array<i64: 2, 1000, 72>}]} {
    %get3A = arith.constant 0 : index
    %get3A_0 = arith.constant 0 : index
    %get3A_1 = vector.load %arg1[%get3A, %get3A_0] : memref<1000x128xf32, #tpu.memory_space<vmem>>, vector<1000x128xf32>
    %get3A_2 = arith.constant 0 : index
    %get3A_3 = arith.constant 0 : index
    %get3A_4 = vector.load %arg2[%get3A_2, %get3A_3] : memref<128x128xf32, #tpu.memory_space<vmem>>, vector<128x128xf32>
    %dot_general3A = arith.constant dense<0.000000e+00> : vector<1000x128xf32>
    %dot_general3A_5 = tpu.matmul %get3A_1, %get3A_4, %dot_general3A {dimension_numbers = #tpu.dot_dimension_numbers<[1], [0], [0], [1], [0, 0, 1, 1], [], []>, transpose_lhs_hint = false} : vector<1000x128xf32>, vector<128x128xf32>, vector<1000x128xf32> -> vector<1000x128xf32>
    %broadcast_in_dim3A = arith.constant 1.000000e+00 : f32
    %broadcast_in_dim3A_6 = vector.broadcast %broadcast_in_dim3A : f32 to vector<1000x1xf32>
    %broadcast_in_dim3A_7 = arith.constant 0.000000e+00 : f32
    %broadcast_in_dim3A_8 = vector.broadcast %broadcast_in_dim3A_7 : f32 to vector<1000x7xf32>
    %slice3A = vector.extract_strided_slice %dot_general3A_5 {offsets = [0, 0], sizes = [1000, 64], strides = [1, 1]} : vector<1000x128xf32> to vector<1000x64xf32>
    %concatenate3A = tpu.concatenate %slice3A, %broadcast_in_dim3A_6, %broadcast_in_dim3A_8 in 1 : vector<1000x64xf32>, vector<1000x1xf32>, vector<1000x7xf32> -> vector<1000x72xf32>
    %slice3A_9 = vector.extract_strided_slice %dot_general3A_5 {offsets = [0, 64], sizes = [1000, 64], strides = [1, 1]} : vector<1000x128xf32> to vector<1000x64xf32>
    %concatenate3A_10 = tpu.concatenate %slice3A_9, %broadcast_in_dim3A_6, %broadcast_in_dim3A_8 in 1 : vector<1000x64xf32>, vector<1000x1xf32>, vector<1000x7xf32> -> vector<1000x72xf32>
    %stack3A = vector.shape_cast %concatenate3A : vector<1000x72xf32> to vector<1x1000x72xf32>
    %stack3A_11 = vector.shape_cast %concatenate3A_10 : vector<1000x72xf32> to vector<1x1000x72xf32>
    %stack3A_12 = tpu.concatenate %stack3A, %stack3A_11 in 0 : vector<1x1000x72xf32>, vector<1x1000x72xf32> -> vector<2x1000x72xf32>
    %swap3A = arith.constant 0 : index
    %swap3A_13 = arith.constant 0 : index
    %swap3A_14 = arith.constant 0 : index
    %swap3A_15 = vector.load %arg3[%swap3A, %swap3A_13, %swap3A_14] : memref<2x1000x72xf32, #tpu.memory_space<vmem>>, vector<2x1000x72xf32>
    tpu.vector_store %arg3[%swap3A, %swap3A_13, %swap3A_14], %stack3A_12 {strides = array<i32>} : memref<2x1000x72xf32, #tpu.memory_space<vmem>>, vector<2x1000x72xf32>,
    return
  }
  func.func @transform_0(%arg0: i32) -> (i32, i32) {
    %c0_i32 = arith.constant 0 : i32
    %c0_i32_0 = arith.constant 0 : i32
    return %arg0, %c0_i32 : i32, i32
  }
  func.func @transform_1(%arg0: i32) -> (i32, i32) {
    %c0_i32 = arith.constant 0 : i32
    %c0_i32_0 = arith.constant 0 : i32
    %c0_i32_1 = arith.constant 0 : i32
    return %c0_i32, %c0_i32_0 : i32, i32
  }
  func.func @transform_2(%arg0: i32) -> (i32, i32, i32) {
    %c0_i32 = arith.constant 0 : i32
    %c0_i32_0 = arith.constant 0 : i32
    %c0_i32_1 = arith.constant 0 : i32
    return %c0_i32, %arg0, %c0_i32_0 : i32, i32, i32
  }
}

module attributes {stable_mosaic.version = 14 : i64} {
  func.func @_post_body(%arg0: i32, %arg1: memref<2x1000x72xf32, #tpu.memory_space<vmem>>, %arg2: memref<1000x512xf32, #tpu.memory_space<vmem>>, %arg3: memref<512x128xf32, #tpu.memory_space<vmem>>, %arg4: memref<1x128xf32, #tpu.memory_space<vmem>>, %arg5: memref<1x128xf32, #tpu.memory_space<vmem>>, %arg6: memref<128x128xf32, #tpu.memory_space<vmem>>, %arg7: memref<1x128xf32, #tpu.memory_space<vmem>>, %arg8: memref<1000x128xf32, #tpu.memory_space<vmem>>, %arg9: memref<1000x128xf32, #tpu.memory_space<vmem>>) attributes {dimension_semantics = [#tpu.dimension_semantics<arbitrary>], iteration_bounds = array<i64: 10>, scalar_prefetch = 0 : i64, scratch_operands = 0 : i64, tpu.core_type = #tpu.core_type<tc>, window_params = [{transform_indices = @transform_0, window_bounds = array<i64: 2, 1000, 72>}, {transform_indices = @transform_1, window_bounds = array<i64: 1000, 512>}, {pipeline_mode = #tpu.pipeline_mode<synchronous>, transform_indices = @transform_2, window_bounds = array<i64: 512, 128>}, {pipeline_mode = #tpu.pipeline_mode<synchronous>, transform_indices = @transform_3, window_bounds = array<i64: 1, 128>}, {pipeline_mode = #tpu.pipeline_mode<synchronous>, transform_indices = @transform_4, window_bounds = array<i64: 1, 128>}, {pipeline_mode = #tpu.pipeline_mode<synchronous>, transform_indices = @transform_5, window_bounds = array<i64: 128, 128>}, {pipeline_mode = #tpu.pipeline_mode<synchronous>, transform_indices = @transform_6, window_bounds = array<i64: 1, 128>}, {transform_indices = @transform_7, window_bounds = array<i64: 1000, 128>}, {transform_indices = @transform_8, window_bounds = array<i64: 1000, 128>}]} {
    %get3A = arith.constant 0 : index
    %get3A_0 = arith.constant 0 : index
    %get3A_1 = vector.load %arg2[%get3A, %get3A_0] : memref<1000x512xf32, #tpu.memory_space<vmem>>, vector<1000x512xf32>
    %logistic3A = arith.negf %get3A_1 : vector<1000x512xf32>
    %logistic3A_2 = math.exp %logistic3A : vector<1000x512xf32>
    %logistic3A_3 = arith.constant 1.000000e+00 : f32
    %logistic3A_4 = vector.broadcast %logistic3A_3 : f32 to vector<1000x512xf32>
    %logistic3A_5 = arith.addf %logistic3A_4, %logistic3A_2 : vector<1000x512xf32>
    %logistic3A_6 = arith.divf %logistic3A_4, %logistic3A_5 : vector<1000x512xf32>
    %mul3A = arith.mulf %get3A_1, %logistic3A_6 : vector<1000x512xf32>
    %get3A_7 = arith.constant 0 : index
    %get3A_8 = arith.constant 0 : index
    %get3A_9 = vector.load %arg3[%get3A_7, %get3A_8] : memref<512x128xf32, #tpu.memory_space<vmem>>, vector<512x128xf32>
    %dot_general3A = arith.constant dense<0.000000e+00> : vector<1000x128xf32>
    %dot_general3A_10 = tpu.matmul %mul3A, %get3A_9, %dot_general3A {dimension_numbers = #tpu.dot_dimension_numbers<[1], [0], [0], [1], [0, 0, 1, 1], [], []>, transpose_lhs_hint = false} : vector<1000x512xf32>, vector<512x128xf32>, vector<1000x128xf32> -> vector<1000x128xf32>
    %get3A_11 = arith.constant 0 : index
    %get3A_12 = arith.constant 0 : index
    %get3A_13 = vector.load %arg4[%get3A_11, %get3A_12] : memref<1x128xf32, #tpu.memory_space<vmem>>, vector<1x128xf32>
    %add3A = vector.broadcast %get3A_13 : vector<1x128xf32> to vector<1000x128xf32>
    %add3A_14 = arith.addf %dot_general3A_10, %add3A : vector<1000x128xf32>
    %get3A_15 = arith.constant 0 : index
    %get3A_16 = arith.constant 0 : index
    %get3A_17 = arith.constant 0 : index
    %get3A_18 = vector.load %arg1[%get3A_15, %get3A_16, %get3A_17] : memref<2x1000x72xf32, #tpu.memory_space<vmem>>, vector<1x1000x64xf32>
    %get3A_19 = vector.shape_cast %get3A_18 : vector<1x1000x64xf32> to vector<1000x64xf32>
    %get3A_20 = arith.constant 1 : index
    %get3A_21 = arith.constant 0 : index
    %get3A_22 = arith.constant 0 : index
    %get3A_23 = vector.load %arg1[%get3A_20, %get3A_21, %get3A_22] : memref<2x1000x72xf32, #tpu.memory_space<vmem>>, vector<1x1000x64xf32>
    %get3A_24 = vector.shape_cast %get3A_23 : vector<1x1000x64xf32> to vector<1000x64xf32>
    %concatenate3A = tpu.concatenate %get3A_19, %get3A_24 in 1 : vector<1000x64xf32>, vector<1000x64xf32> -> vector<1000x128xf32>
    %get3A_25 = arith.constant 0 : index
    %get3A_26 = arith.constant 0 : index
    %get3A_27 = vector.load %arg5[%get3A_25, %get3A_26] : memref<1x128xf32, #tpu.memory_space<vmem>>, vector<1x128xf32>
    %add3A_28 = vector.broadcast %get3A_27 : vector<1x128xf32> to vector<1000x128xf32>
    %add3A_29 = arith.addf %concatenate3A, %add3A_28 : vector<1000x128xf32>
    %get3A_30 = arith.constant 0 : index
    %get3A_31 = arith.constant 0 : index
    %get3A_32 = vector.load %arg6[%get3A_30, %get3A_31] : memref<128x128xf32, #tpu.memory_space<vmem>>, vector<128x128xf32>
    %dot_general3A_33 = arith.constant dense<0.000000e+00> : vector<1000x128xf32>
    %dot_general3A_34 = tpu.matmul %add3A_29, %get3A_32, %dot_general3A_33 {dimension_numbers = #tpu.dot_dimension_numbers<[1], [0], [0], [1], [0, 0, 1, 1], [], []>, transpose_lhs_hint = false} : vector<1000x128xf32>, vector<128x128xf32>, vector<1000x128xf32> -> vector<1000x128xf32>
    %get3A_35 = arith.constant 0 : index
    %get3A_36 = arith.constant 0 : index
    %get3A_37 = vector.load %arg7[%get3A_35, %get3A_36] : memref<1x128xf32, #tpu.memory_space<vmem>>, vector<1x128xf32>
    %add3A_38 = vector.broadcast %get3A_37 : vector<1x128xf32> to vector<1000x128xf32>
    %add3A_39 = arith.addf %dot_general3A_34, %add3A_38 : vector<1000x128xf32>
    %add3A_40 = arith.addf %add3A_39, %add3A_14 : vector<1000x128xf32>
    %logistic3A_41 = arith.negf %add3A_40 : vector<1000x128xf32>
    %logistic3A_42 = math.exp %logistic3A_41 : vector<1000x128xf32>
    %logistic3A_43 = arith.constant 1.000000e+00 : f32
    %logistic3A_44 = vector.broadcast %logistic3A_43 : f32 to vector<1000x128xf32>
    %logistic3A_45 = arith.addf %logistic3A_44, %logistic3A_42 : vector<1000x128xf32>
    %logistic3A_46 = arith.divf %logistic3A_44, %logistic3A_45 : vector<1000x128xf32>
    %mul3A_47 = arith.mulf %add3A_40, %logistic3A_46 : vector<1000x128xf32>
    %swap3A = arith.constant 0 : index
    %swap3A_48 = arith.constant 0 : index
    %swap3A_49 = vector.load %arg8[%swap3A, %swap3A_48] : memref<1000x128xf32, #tpu.memory_space<vmem>>, vector<1000x128xf32>
    tpu.vector_store %arg8[%swap3A, %swap3A_48], %mul3A_47 {strides = array<i32>} : memref<1000x128xf32, #tpu.memory_space<vmem>>, vector<1000x128xf32>,
    %broadcast_in_dim3A = arith.constant 0.000000e+00 : f32
    %broadcast_in_dim3A_50 = vector.broadcast %broadcast_in_dim3A : f32 to vector<1000x128xf32>
    %swap3A_51 = arith.constant 0 : index
    %swap3A_52 = arith.constant 0 : index
    %swap3A_53 = vector.load %arg9[%swap3A_51, %swap3A_52] : memref<1000x128xf32, #tpu.memory_space<vmem>>, vector<1000x128xf32>
    tpu.vector_store %arg9[%swap3A_51, %swap3A_52], %broadcast_in_dim3A_50 {strides = array<i32>} : memref<1000x128xf32, #tpu.memory_space<vmem>>, vector<1000x128xf32>,
    return
  }
  func.func @transform_0(%arg0: i32) -> (i32, i32, i32) {
    %c0_i32 = arith.constant 0 : i32
    %c0_i32_0 = arith.constant 0 : i32
    %c0_i32_1 = arith.constant 0 : i32
    return %c0_i32, %arg0, %c0_i32_0 : i32, i32, i32
  }
  func.func @transform_1(%arg0: i32) -> (i32, i32) {
    %c0_i32 = arith.constant 0 : i32
    %c0_i32_0 = arith.constant 0 : i32
    return %arg0, %c0_i32 : i32, i32
  }
  func.func @transform_2(%arg0: i32) -> (i32, i32) {
    %c0_i32 = arith.constant 0 : i32
    %c0_i32_0 = arith.constant 0 : i32
    %c0_i32_1 = arith.constant 0 : i32
    return %c0_i32, %c0_i32_0 : i32, i32
  }
  func.func @transform_3(%arg0: i32) -> (i32, i32) {
    %c0_i32 = arith.constant 0 : i32
    %c0_i32_0 = arith.constant 0 : i32
    %c0_i32_1 = arith.constant 0 : i32
    return %c0_i32, %c0_i32_0 : i32, i32
  }
  func.func @transform_4(%arg0: i32) -> (i32, i32) {
    %c0_i32 = arith.constant 0 : i32
    %c0_i32_0 = arith.constant 0 : i32
    %c0_i32_1 = arith.constant 0 : i32
    return %c0_i32, %c0_i32_0 : i32, i32
  }
  func.func @transform_5(%arg0: i32) -> (i32, i32) {
    %c0_i32 = arith.constant 0 : i32
    %c0_i32_0 = arith.constant 0 : i32
    %c0_i32_1 = arith.constant 0 : i32
    return %c0_i32, %c0_i32_0 : i32, i32
  }
  func.func @transform_6(%arg0: i32) -> (i32, i32) {
    %c0_i32 = arith.constant 0 : i32
    %c0_i32_0 = arith.constant 0 : i32
    %c0_i32_1 = arith.constant 0 : i32
    return %c0_i32, %c0_i32_0 : i32, i32
  }
  func.func @transform_7(%arg0: i32) -> (i32, i32) {
    %c0_i32 = arith.constant 0 : i32
    %c0_i32_0 = arith.constant 0 : i32
    return %arg0, %c0_i32 : i32, i32
  }
  func.func @transform_8(%arg0: i32) -> (i32, i32) {
    %c0_i32 = arith.constant 0 : i32
    %c0_i32_0 = arith.constant 0 : i32
    return %arg0, %c0_i32 : i32, i32
  }
}

</mosaic_0001>

<sc_bundles>
// kernel: kernel.5.cloned.1.call-start
scs
__scs_entry_jumppad:
0x0: {  	(pc) =	sbr.rel $0x88, $3  }
0x1: {  	(tag) =	ssettag $0x0;
	lr =	simm.s32 $0x1  }
0x2: {  	[smem:$0x3F98] =	sst lr;
	_ =	strace $0xD0000000  }
0x3: {  	_ = 	snop  }
0x4: {  	_ = 	snop  }
0x5: {  	_ = 	snop  }
0x6: {  	_ = 	snop  }
0x7: {  	_ = 	snop  }
__scs_overlays_trampoline_lowered:
0x8: {  	[smem:$0x3FA7] =	sst s0  }
0x9: {  	[smem:$0x3FA8] =	sst s1  }
0xa: {  	[smem:$0x3FA9] =	sst s2  }
0xb: {  	[smem:$0x3FAA] =	sst s3  }
0xc: {  	[smem:$0x3FAB] =	sst s4  }
0xd: {  	[smem:$0x3FAC] =	sst s5  }
0xe: {  	[smem:$0x3FAD] =	sst s6  }
0xf: {  	[smem:$0x3FAE] =	sst s7  }
0x10: {  	[smem:$0x3FAF] =	sst s8  }
0x11: {  	[smem:$0x3FB0] =	sst s9;
	s0 =	simm.s32 @!p0 $0x0  }
0x12: {  	s1 =	sld [smem:$0x3F96];
	s0 =	simm.s32 @p0 $0x1  }
0x13: {  	[smem:$0x3FB1] =	sst s0;
	s0 =	simm.s32 @!p1 $0x0  }
0x14: {  	s2 =	sld [smem:$0x3F95];
	s0 =	simm.s32 @p1 $0x1  }
0x15: {  	[smem:$0x3FB2] =	sst s0;
	s0 =	simm.s32 @!p2 $0x0  }
0x16: {  	s3 =	sld [smem:$0x3FDB];
	s0 =	simm.s32 @p2 $0x1  }
0x17: {  	s4 =	simm.s32 $0x1BF5;
	[smem:$0x3FB4] =	sst s0  }
0x18: {  	s0 =	sld [smem:$0x3F97];
	_ =	swait.ge [sflag:s4], $0x0  }
0x19: {  	s7 =	sld [smem:$0x3F98]  }
0x1a: {  	s8 =	sadd.s32 $0xFFFFE003, lr  }
0x1b: {  	s9 =	sadd.s32 $0xFFFFFEF7, lr;
	s5 =	simm.s32 $0xFFFFFFFF;
	p2 =	slt.u32 s8, $0xFFFFF086  }
0x1c: {  	p1 =	slt.u32 s9, $0xF7A;
	s5 =	simm.s32 @!p2 $0x0  }
0x1d: {  	s5 =	simm.s32 @p1 $0x1;
	p0 =	seq.s32 s7, s2  }
0x1e: {  	s7 =	smul.u32 @!p0 $0xF7A, s2;
	p2 =	seq.s32 @!p0 s5, $0x0  }
0x1f: {  	s9 =	smul.u32 $0xF7A, s1;
	s8 =	simm.s32 @!p0 $0x1BF5;
	p2 =	por !p2, p0  }
0x20: {  	[sflag:s8] =	ssyncset.s32 @!p0 $0xFFFFF086;
	s6 =	sadd.s32 @!p0 s3, s7;
	s7 =	simm.s32 @!p0 $0x108  }
0x21: {  	s3 =	sadd.s32 s3, s9;
	s6 =	sadd.s32 @!p0 $0x88, s6;
	s7 =	simm.s32 @p2 $0x1082  }
0x22: {  	[simem:s7], [sflag:s8] =	dma.local @!p0 [hbm:s6], $0xF7A  }
0x23: {  	s9 =	sor.u32 $0xD0000000, s2;
	s6 =	simm.s32 $0x108;
	_ =	swait.ge @!p0 [sflag:s8], $0x0  }
0x24: {  	s3 =	sadd.s32 $0x88, s3;
	s6 =	simm.s32 @!p1 $0x1082;
	[sflag:s4] =	ssyncset.s32 $0xFFFFF086  }
0x25: {  	[simem:s6], [sflag:s4] =	dma.local [hbm:s3], $0xF7A  }
0x26: {  	[smem:$0x3F98] =	sst s1;
	(tag) =	ssettag s2;
	_ =	strace s9  }
0x27: {  	s1 =	sld [smem:$0x3FA8]  }
0x28: {  	s2 =	sld [smem:$0x3FA9]  }
0x29: {  	s4 =	sld [smem:$0x3FAB]  }
0x2a: {  	p0 =	seq.s32 s5, $0x0;
	s5 =	sld [smem:$0x3FAC]  }
0x2b: {  	s6 =	sld [smem:$0x3FAD]  }
0x2c: {  	s7 =	sld [smem:$0x3FAE]  }
0x2d: {  	s3 =	simm.s32 $0x108;
	s8 =	sld [smem:$0x3FAF]  }
0x2e: {  	s3 =	simm.s32 @!p0 $0x1082;
	s9 =	sld [smem:$0x3FB0]  }
0x2f: {  	lr =	sadd.s32 s0, s3;
	s0 =	sld [smem:$0x3FA7]  }
0x30: {  	s3 =	sld [smem:$0x3FAA]  }
0x31: {  	[smem:$0x3FB3] =	sst s10  }
0x32: {  	s10 =	sld [smem:$0x3FB1];
	_ =	sdelay $0x3  }
0x33: {  	p0 =	seq.s32 s10, $0x1;
	s10 =	sld [smem:$0x3FB3];
	_ =	sdelay $0x3  }
0x34: {  	[smem:$0x3FB3] =	sst s10  }
0x35: {  	s10 =	sld [smem:$0x3FB2];
	_ =	sdelay $0x3  }
0x36: {  	p1 =	seq.s32 s10, $0x1;
	s10 =	sld [smem:$0x3FB3];
	_ =	sdelay $0x3  }
0x37: {  	[smem:$0x3FB3] =	sst s10  }
0x38: {  	s10 =	sld [smem:$0x3FB4]  }
0x39: {  	_ = 	snop;
	(pc) =	sbr.ind lr, $3  }
0x3a: {  	_ = 	snop  }
0x3b: {  	_ = 	snop  }
0x3c: {  	p2 =	seq.s32 s10, $0x1;
	s10 =	sld [smem:$0x3FB3]  }
0x3d: {  	_ =	shalt  }
0x3e: {  	_ =	shalt  }
0x3f: {  	_ =	shalt  }
0x40: {  	_ =	shalt  }
0x41: {  	_ =	shalt  }
0x42: {  	_ =	shalt  }
0x43: {  	_ =	shalt  }
0x44: {  	_ =	shalt  }
0x45: {  	_ =	shalt  }
0x46: {  	_ =	shalt  }
0x47: {  	_ =	shalt  }
0x48: {  	_ =	shalt  }
0x49: {  	_ =	shalt  }
0x4a: {  	_ =	shalt  }
0x4b: {  	_ =	shalt  }
0x4c: {  	_ =	shalt  }
0x4d: {  	_ =	shalt  }
0x4e: {  	_ =	shalt  }
0x4f: {  	_ =	shalt  }
0x50: {  	_ =	shalt  }
0x51: {  	_ =	shalt  }
0x52: {  	_ =	shalt  }
0x53: {  	_ =	shalt  }
0x54: {  	_ =	shalt  }
0x55: {  	_ =	shalt  }
0x56: {  	_ =	shalt  }
0x57: {  	_ =	shalt  }
0x58: {  	_ =	shalt  }
0x59: {  	_ =	shalt  }
0x5a: {  	_ =	shalt  }
0x5b: {  	_ =	shalt  }
0x5c: {  	_ =	shalt  }
0x5d: {  	_ =	shalt  }
0x5e: {  	_ =	shalt  }
0x5f: {  	_ =	shalt  }
0x60: {  	_ =	shalt  }
0x61: {  	_ =	shalt  }
0x62: {  	_ =	shalt  }
0x63: {  	_ =	shalt  }
0x64: {  	_ =	shalt  }
0x65: {  	_ =	shalt  }
0x66: {  	_ =	shalt  }
0x67: {  	_ =	shalt  }
0x68: {  	_ =	shalt  }
0x69: {  	_ =	shalt  }
0x6a: {  	_ =	shalt  }
0x6b: {  	_ =	shalt  }
0x6c: {  	_ =	shalt  }
0x6d: {  	_ =	shalt  }
0x6e: {  	_ =	shalt  }
0x6f: {  	_ =	shalt  }
0x70: {  	_ =	shalt  }
0x71: {  	_ =	shalt  }
0x72: {  	_ =	shalt  }
0x73: {  	_ =	shalt  }
0x74: {  	_ =	shalt  }
0x75: {  	_ =	shalt  }
0x76: {  	_ =	shalt  }
0x77: {  	_ =	shalt  }
0x78: {  	_ =	shalt  }
0x79: {  	_ =	shalt  }
0x7a: {  	_ =	shalt  }
0x7b: {  	_ =	shalt  }
0x7c: {  	_ =	shalt  }
0x7d: {  	_ =	shalt  }
0x7e: {  	_ =	shalt  }
0x7f: {  	_ =	shalt  }
0x80: {  	_ =	shalt  }
0x81: {  	_ =	shalt  }
0x82: {  	_ =	shalt  }
0x83: {  	_ =	shalt  }
0x84: {  	_ =	shalt  }
0x85: {  	_ =	shalt  }
0x86: {  	_ =	shalt  }
0x87: {  	_ =	shalt  }
.Lfunc_end0:
.L_simem_size_0:
called_computation_lowered:
.L_overlay_start_0:
0x88: {  	s2 =	sld [smem:$0x3FD9]  }
0x89: {  	s3 =	sld [smem:$0x3FFE];
	_ =	sdelay $0x1  }
0x8a: {  	s1 =	srdreg.scid  }
0x8b: {  	s0 =	sand.u32 $0x1, s1  }
0x8c: {  	s14 =	sshll.u32 s0, $0xA;
	s2 =	sadd.s32 s3, s2  }
0x8d: {  	s2 =	sadd.s32 s2, s14  }
0x8e: {  	[smem:$0x3FBF] =	sst s2  }
0x8f: {  	_ = 	snop  }
0x90: {  	s2 =	sld [smem:$0x3FD0];
	_ =	sdelay $0x2  }
0x91: {  	s15 =	simm.s32 $0xA;
	s4 =	simm.s32 $0x10  }
0x92: {  	[smem:s4], [sflag:s15] =	dma.local [hbm:s2], $0x1  }
0x93: {  	_ =	swait.eq [sflag:s15], $0x1  }
0x94: {  	[sflag:s15] =	ssyncset.done $0x0  }
0x95: {  	s16 =	sld [smem:$0x10];
	[sflag:s15] =	ssyncadd.s32 $0xFFFFFFFF  }
0x96: {  	s17 =	sld [smem:$0x11];
	(tm) =	ssettm $0x1  }
0x97: {  	s18 =	sld [smem:$0x3FFB];
	_ =	sdelay $0x3  }
0x98: {  	_ =	strace s18  }
0x99: {  	s4 =	sld [smem:$0x3FFC];
	_ =	sdelay $0x3  }
0x9a: {  	_ =	strace s4  }
0x9b: {  	s4 =	sld [smem:$0x3FFD];
	_ =	sdelay $0x3  }
0x9c: {  	_ =	strace s4  }
0x9d: {  	_ =	strace $0x8FFFFFFF  }
0x9e: {  	s19 =	sld [smem:$0x3FDB];
	_ =	sdelay $0x1  }
0x9f: {  	s5 =	simm.s32 $_scs_section_size  }
0xa0: {  	s6 =	simm.s32 $_size__tile_overlayer_lowered;
	s7 =	simm.s32 $_tile_overlayer_lowered  }
0xa1: {  	s22 =	simm.s32 $0x1BFF;
	s21 =	sshll.u32 s7, $0x1;
	s4 =	sadd.s32 s5, s19  }
0xa2: {  	s8 =	simm.s32 $0x0;
	s20 =	sshll.u32 s6, $0x1;
	s6 =	sadd.s32 s21, s4  }
0xa3: {  	[timem:s8], [sflag:s22] =	dma.local [hbm:s6], s20  }
0xa4: {  	_ =	swait.ge [sflag:s22], s20  }
0xa5: {  	s5 =	ssub.s32 $0x0, s20;
	[sflag:s22] =	ssyncset.done $0x0  }
0xa6: {  	[sflag:s22] =	ssyncadd.s32 s5;
	_ =	sdelay $0x1  }
0xa7: {  	s23 =	simm.s32 $0x1B8B  }
0xa8: {  	_ =	swait.ge [sflag:s23], $0x1  }
0xa9: {  	[sflag:s23] =	ssyncset.done $0x0  }
0xaa: {  	s25 =	simm.s32 $0x1B8E;
	s24 =	sld [smem:$0x3FFE];
	[sflag:s23] =	ssyncadd.s32 $0xFFFFFFFF  }
0xab: {  	s26 =	simm.s32 $execute0_lowered;
	[smem:$0x3FD2] =	sst s25  }
0xac: {  	s6 =	sshll.u32 s26, $0x1;
	_ =	strace $0x80000046;
	[dreg:$0x1] =	wrdreg $0xFFFFFFFF  }
0xad: {  	s28 =	simm.s32 $_size_execute0_lowered;
	s4 =	sadd.s32 s4, s6;
	[dreg:$0x0] =	wrdreg $0x0  }
0xae: {  	s6 =	sshll.u32 s28, $0x1;
	[dreg:$0x2] =	wrdreg s4  }
0xaf: {  	[dreg:$0x3] =	wrdreg s6  }
0xb0: {  	[dreg:$0x4] =	wrdreg $0xC0  }
0xb1: {  	_ =	task [dreg:s8], $0x5FFFF  }
0xb2: {  	[dreg:$0x1] =	wrdreg $0xFFFFFFFF  }
0xb3: {  	[dreg:$0x0] =	wrdreg $0x60  }
0xb4: {  	[dreg:$0x2] =	wrdreg s24  }
0xb5: {  	[dreg:$0x3] =	wrdreg s17  }
0xb6: {  	[dreg:$0x4] =	wrdreg s16  }
0xb7: {  	[dreg:$0x5] =	wrdreg $0x12CA00  }
0xb8: {  	[dreg:$0x6] =	wrdreg $0x9  }
0xb9: {  	_ =	task.clear_ibuf [dreg:s8], $0x7FFFF;
	_ =	strace $0x90000046  }
0xba: {  	s29 =	simm.s32 $0x9;
	_ =	strace $0x8000004B  }
0xbb: {  	_ =	swait.ge [sflag:s29], $0x1  }
0xbc: {  	[sflag:s29] =	ssyncadd.s32 $0xFFFFFFFF  }
0xbd: {  	_ =	strace $0x9000004B  }
0xbe: {  	_ =	sfence  }
0xbf: {  	s30 =	sld [smem:$0x0];
	_ =	sdelay $0x2  }
0xc0: {  	s31 =	sshll.u32 s1, $0xD;
	s1 =	sshrl.u32 s1, $0x2  }
0xc1: {  	s3 =	sand.u32 $0x4000, s31;
	s1 =	sadd.s32 s1, s30  }
0xc2: {  	s0 =	sor.u32 s3, s0;
	s1 =	sshll.u32 s1, $0x11  }
0xc3: {  	s0 =	sor.u32 s1, s0  }
0xc4: {  	s0 =	sadd.s32 $0x8F2B, s0  }
0xc5: {  	[sflag:s0] =	ssyncadd.remote.s32 $0x1  }
0xc6: {  	_ =	sfence.sel $0xFFFF  }
0xc7: {  	[dreg:$0x0] =	wrdreg $0xFFFFFFFF;
	(pc) =	sbr.abs _section_cstart, $3  }
0xc8: {  	[dreg:$0x1] =	wrdreg $0xFFFFFFFF  }
0xc9: {  	_ =	task.clear_ibuf [dreg:s8], $0x2FFFF;
	_ =	strace $0x9FFFFFFF  }
0xca: {  	(tm) =	ssettm $0x7FFFFFFF  }
0xcb: {  	_ =	shalt  }
tec
execute0_lowered:
.L_overlay_start_1:
0x0: {  	(tag) =	ssettag $0x1  }
0x1: {  	s0 =	rddreg [dreg:$0x0]  }
0x2: {  	s2 =	rddreg [dreg:$0x1]  }
0x3: {  	s4 =	rddreg [dreg:$0x2]  }
0x4: {  	s3 =	srdreg.scid;
	s1 =	rddreg [dreg:$0x3]  }
0x5: {  	s10 =	stileid.u32;
	s20 =	simm.s32 $0x5;
	s21 =	simm.s32 $0x5000  }
0x6: {  	s22 =	simm.s32 $0xA000;
	s23 =	simm.s32 $0xFA;
	s28 =	simm.s32 $0x2  }
0x7: {  	s29 =	simm.s32 $0x3;
	s30 =	simm.s32 $0x4;
	s8 =	smul.u32 $0xA00, s10  }
0x8: {  	s5 =	sand.u32 $0x1, s3;
	s3 =	simm.s32 $0x0;
	s13 =	smul.u32 $0xB400, s10  }
0x9: {  	s31 =	simm.s32 $0x0;
	s6 =	smul.u32 $0x15F90, s5;
	[smem:$0x7FF] =	sst s3  }
0xa: {  	s7 =	smul.u32 $0x16800, s5;
	s5 =	ssub.s32 $0x2, s5;
	_ =	strace $0x80000047  }
0xb: {  	s9 =	sshrl.u32 s5, $0x1;
	s2 =	sadd.s32 s2, s8;
	s24 =	sadd.s32 s4, s8  }
0xc: {  	s25 =	sadd.s32 $0x2400, s13;
	s26 =	sadd.s32 $0x4800, s13;
	s16 =	sadd.s32 $0x6C00, s13  }
0xd: {  	s17 =	sadd.s32 $0x9000, s13;
	s11 =	sadd.s32 s6, s0;
	[dreg:$0x5] =	wrdreg s2  }
0xe: {  	s0 =	sadd.s32 s7, s0;
	s5 =	ssub.s32 s5, s9;
	[dreg:$0x6] =	wrdreg s24  }
0xf: {  	s6 =	sadd.s32 s13, s1;
	s7 =	sadd.s32 s25, s1;
	s8 =	sadd.s32 s26, s1  }
0x10: {  	s9 =	sadd.s32 s16, s1;
	s10 =	sadd.s32 s17, s1;
	s13 =	sshrl.u32 s13, $0x3  }
0x11: {  	s14 =	sshrl.u32 s25, $0x3;
	s15 =	sshrl.u32 s26, $0x3;
	s16 =	sshrl.u32 s16, $0x3  }
0x12: {  	s17 =	sshrl.u32 s17, $0x3;
	s24 =	simm.s32 $0x100;
	s25 =	simm.s32 $0xE650  }
0x13: {  	s26 =	simm.s32 $0x1;
	s2 =	simm.s32 $0x5100;
	s11 =	sadd.s32 $0x1400, s11  }
0x14: {  	v0 =	vimm.f32 $0.0e+00;
	s12 =	sadd.s32 $0x2D400, s0;
	s18 =	sadd.s32 $0x5A400, s0;
	s19 =	smax.u32 s5, $0x1  }
.LBB2_1:
0x15: {  	s0 =	rddreg [dreg:$0x5]  }
0x16: {  	[tilespmem:s3], [sflag:$0x5] =	stream.linear.gather [hbm4b:s0+s3], $0x5000, $0x38;
	[tilespmem:$0x1E0A0] =	vst v63  }
0x17: {  	_ =	swait.ge [sflag:s20], $0x5000  }
0x18: {  	[sflag:s20] =	ssyncset.done $0x0  }
0x19: {  	s5 =	rddreg [dreg:$0x6];
	[sflag:s20] =	ssyncadd.s32 $0xFFFFB000  }
0x1a: {  	[tilespmem:s21], [sflag:$0x5] =	stream.linear.gather [hbm4b:s5+s3], $0x5000, $0x38;
	[tilespmem:$0x1E0A0] =	vst v63  }
0x1b: {  	_ =	swait.ge [sflag:s20], $0x5000  }
0x1c: {  	[sflag:s20] =	ssyncset.done $0x0  }
0x1d: {  	s0 =	simm.s32 $0x0;
	[sflag:s20] =	ssyncadd.s32 $0xFFFFB000  }
0x1e: {  	s4 =	simm.s32 $0x120;
	[tilespmem:s0+$0xA020] =	vst v0  }
.LBB2_2:
0x1f: {  	p0 =	sne.s32 s4, $0x8EE0;
	[tilespmem:s0+$0xA010] =	vst v0;
	s5 =	smov.u32 s4;
	s4 =	sadd.s32 $0x120, s4  }
.Ltmp0:
0x20: {  	[tilespmem:s0+$0xA030] =	vst v0;
	(pc) =	sbr.rel @p0 .LBB2_2-.Ltmp0, $4  }
0x21: {  	[tilespmem:s0+$0xA038] =	vst v0  }
0x22: {  	[tilespmem:s0+$0xA000] =	vst v0  }
0x23: {  	s0 =	sshra.s32 s5, $0x2  }
0x24: {  	[tilespmem:s0+$0xA020] =	vst v0  }
0x25: {  	[tilespmem:s0+$0xA010] =	vst v0  }
0x26: {  	[tilespmem:s0+$0xA030] =	vst v0  }
0x27: {  	[tilespmem:s0+$0xA000] =	vst v0  }
0x28: {  	[tilespmem:s0+$0xA038] =	vst v0  }
0x29: {  	[spmem:s6] =	stream.linear.scatter [tilespmem:s22], [sflag:$0x5], $0x2400, $0x38;
	[tilespmem:$0x1E0A0] =	vst v63  }
0x2a: {  	_ =	swait.ge [sflag:s20], $0x2400  }
0x2b: {  	[sflag:s20] =	ssyncset.done $0x0  }
0x2c: {  	[sflag:s20] =	ssyncadd.s32 $0xFFFFDC00  }
0x2d: {  	[spmem:s7] =	stream.linear.scatter [tilespmem:s22], [sflag:$0x5], $0x2400, $0x38;
	[tilespmem:$0x1E0A0] =	vst v63  }
0x2e: {  	_ =	swait.ge [sflag:s20], $0x2400  }
0x2f: {  	[sflag:s20] =	ssyncset.done $0x0  }
0x30: {  	[sflag:s20] =	ssyncadd.s32 $0xFFFFDC00  }
0x31: {  	[spmem:s8] =	stream.linear.scatter [tilespmem:s22], [sflag:$0x5], $0x2400, $0x38;
	[tilespmem:$0x1E0A0] =	vst v63  }
0x32: {  	_ =	swait.ge [sflag:s20], $0x2400  }
0x33: {  	[sflag:s20] =	ssyncset.done $0x0  }
0x34: {  	[sflag:s20] =	ssyncadd.s32 $0xFFFFDC00  }
0x35: {  	[spmem:s9] =	stream.linear.scatter [tilespmem:s22], [sflag:$0x5], $0x2400, $0x38;
	[tilespmem:$0x1E0A0] =	vst v63  }
0x36: {  	_ =	swait.ge [sflag:s20], $0x2400  }
0x37: {  	[sflag:s20] =	ssyncset.done $0x0  }
0x38: {  	[sflag:s20] =	ssyncadd.s32 $0xFFFFDC00  }
0x39: {  	[spmem:s10] =	stream.linear.scatter [tilespmem:s22], [sflag:$0x5], $0x2400, $0x38;
	[tilespmem:$0x1E0A0] =	vst v63  }
0x3a: {  	_ =	swait.ge [sflag:s20], $0x2400  }
0x3b: {  	[sflag:s20] =	ssyncset.done $0x0  }
0x3c: {  	[sflag:s20] =	ssyncadd.s32 $0xFFFFDC00  }
0x3d: {  	s4 =	simm.s32 $0x0;
	[bflag:$0x0] =	sbarrier.arrive $0xFFFF  }
0x3e: {  	[tilespmem:s22], [sflag:$0x1] =	stream.indirect.gather [hbm4b:s11+s23], $0x48, s4, s23, $0xb8;
	[tilespmem:$0x1E0A0] =	vst v63  }
0x3f: {  	_ = 	snop  }
0x40: {  	[tilespmem:s25], [sflag:$0x2] =	stream.indirect.gather [hbm4b:s11+s23], $0x48, s24, s23, $0xb8;
	[tilespmem:$0x1E0A0] =	vst v63  }
0x41: {  	_ =	swait.ge [sflag:s26], $0x4650  }
0x42: {  	[sflag:s26] =	ssyncset.done $0x0  }
0x43: {  	s5 =	simm.s32 $0x5000;
	[sflag:s26] =	ssyncadd.s32 $0xFFFFB9B0  }
0x44: {  	[spmem:s1] =	stream.indirect.scatter.add.f32 [tilespmem:s22], [sflag:$0x3], $0x48, s5, s23, $0xb8;
	[tilespmem:$0x1E0A0] =	vst v63  }
0x45: {  	_ =	swait.ge [sflag:s28], $0x4650  }
0x46: {  	[sflag:s28] =	ssyncset.done $0x0  }
0x47: {  	s4 =	simm.s32 $0x5100;
	[sflag:s28] =	ssyncadd.s32 $0xFFFFB9B0  }
0x48: {  	[spmem:s1] =	stream.indirect.scatter.add.f32 [tilespmem:s25], [sflag:$0x4], $0x48, s4, s23, $0xb8;
	[tilespmem:$0x1E0A0] =	vst v63  }
0x49: {  	_ =	swait.ge [sflag:s29], $0x4650  }
0x4a: {  	[sflag:s29] =	ssyncset.done $0x0  }
0x4b: {  	s5 =	simm.s32 $0x200;
	[sflag:s29] =	ssyncadd.s32 $0xFFFFB9B0  }
0x4c: {  	[tilespmem:s22], [sflag:$0x1] =	stream.indirect.gather [hbm4b:s11+s23], $0x48, s5, s23, $0xb8;
	[tilespmem:$0x1E0A0] =	vst v63  }
0x4d: {  	_ =	swait.ge [sflag:s30], $0x4650  }
0x4e: {  	[sflag:s30] =	ssyncset.done $0x0  }
0x4f: {  	s0 =	simm.s32 $0x800;
	s4 =	simm.s32 $0x300;
	[sflag:s30] =	ssyncadd.s32 $0xFFFFB9B0  }
.LBB2_4:
0x50: {  	[tilespmem:s25], [sflag:$0x2] =	stream.indirect.gather [hbm4b:s11+s23], $0x48, s4, s23, $0xb8;
	[tilespmem:$0x1E0A0] =	vst v63  }
0x51: {  	s4 =	smov.u32 s0  }
0x52: {  	p0 =	sne.s32 s0, $0x13000;
	s0 =	sadd.s32 $0x800, s0;
	_ =	swait.ge [sflag:s26], $0x4650  }
0x53: {  	s4 =	sshra.s32 s4, $0x2;
	[sflag:s26] =	ssyncset.done $0x0  }
0x54: {  	s5 =	sadd.s32 $0x5000, s4;
	[sflag:s26] =	ssyncadd.s32 $0xFFFFB9B0  }
0x55: {  	[spmem:s1] =	stream.indirect.scatter.add.f32 [tilespmem:s22], [sflag:$0x3], $0x48, s5, s23, $0xb8;
	[tilespmem:$0x1E0A0] =	vst v63  }
0x56: {  	_ =	swait.ge [sflag:s28], $0x4650  }
0x57: {  	[sflag:s28] =	ssyncset.done $0x0  }
0x58: {  	s5 =	sadd.s32 $0x5100, s4;
	[sflag:s28] =	ssyncadd.s32 $0xFFFFB9B0  }
0x59: {  	[spmem:s1] =	stream.indirect.scatter.add.f32 [tilespmem:s25], [sflag:$0x4], $0x48, s5, s23, $0xb8;
	[tilespmem:$0x1E0A0] =	vst v63  }
0x5a: {  	_ =	swait.ge [sflag:s29], $0x4650  }
0x5b: {  	[sflag:s29] =	ssyncset.done $0x0  }
.Ltmp1:
0x5c: {  	s5 =	sadd.s32 $0x200, s4;
	[sflag:s29] =	ssyncadd.s32 $0xFFFFB9B0;
	(pc) =	sbr.rel @p0 .LBB2_4-.Ltmp1, $4  }
0x5d: {  	[tilespmem:s22], [sflag:$0x1] =	stream.indirect.gather [hbm4b:s11+s23], $0x48, s5, s23, $0xb8;
	[tilespmem:$0x1E0A0] =	vst v63  }
0x5e: {  	_ =	swait.ge [sflag:s30], $0x4650  }
0x5f: {  	[sflag:s30] =	ssyncset.done $0x0  }
0x60: {  	s4 =	sadd.s32 $0x300, s4;
	[sflag:s30] =	ssyncadd.s32 $0xFFFFB9B0  }
0x61: {  	[tilespmem:s25], [sflag:$0x2] =	stream.indirect.gather [hbm4b:s11+s23], $0x48, s4, s23, $0xb8;
	[tilespmem:$0x1E0A0] =	vst v63  }
0x62: {  	_ =	swait.ge [sflag:s26], $0x4650  }
0x63: {  	[sflag:s26] =	ssyncset.done $0x0  }
0x64: {  	s0 =	simm.s32 $0x9E00;
	[sflag:s26] =	ssyncadd.s32 $0xFFFFB9B0  }
0x65: {  	[spmem:s1] =	stream.indirect.scatter.add.f32 [tilespmem:s22], [sflag:$0x3], $0x48, s0, s23, $0xb8;
	[tilespmem:$0x1E0A0] =	vst v63  }
0x66: {  	_ =	swait.ge [sflag:s28], $0x4650  }
0x67: {  	[sflag:s28] =	ssyncset.done $0x0  }
0x68: {  	s4 =	simm.s32 $0x9F00;
	[sflag:s28] =	ssyncadd.s32 $0xFFFFB9B0  }
0x69: {  	[spmem:s1] =	stream.indirect.scatter.add.f32 [tilespmem:s25], [sflag:$0x4], $0x48, s4, s23, $0xb8;
	[tilespmem:$0x1E0A0] =	vst v63  }
0x6a: {  	_ =	swait.ge [sflag:s29], $0x4650  }
0x6b: {  	[sflag:s29] =	ssyncset.done $0x0  }
0x6c: {  	s5 =	simm.s32 $0x0;
	[sflag:s29] =	ssyncadd.s32 $0xFFFFB9B0  }
0x6d: {  	[tilespmem:s22], [sflag:$0x1] =	stream.indirect.gather [hbm4b:s11+s23], $0x48, s5, s23, $0xb8;
	[tilespmem:$0x1E0A0] =	vst v63  }
0x6e: {  	_ =	swait.ge [sflag:s30], $0x4650  }
0x6f: {  	[sflag:s30] =	ssyncset.done $0x0  }
0x70: {  	[sflag:s30] =	ssyncadd.s32 $0xFFFFB9B0  }
0x71: {  	[tilespmem:s25], [sflag:$0x2] =	stream.indirect.gather [hbm4b:s11+s23], $0x48, s24, s23, $0xb8;
	[tilespmem:$0x1E0A0] =	vst v63  }
0x72: {  	_ =	swait.ge [sflag:s26], $0x4650  }
0x73: {  	[sflag:s26] =	ssyncset.done $0x0  }
0x74: {  	[sflag:s26] =	ssyncadd.s32 $0xFFFFB9B0  }
0x75: {  	_ =	swait.ge [sflag:s28], $0x4650  }
0x76: {  	[sflag:s28] =	ssyncset.done $0x0  }
0x77: {  	[sflag:s28] =	ssyncadd.s32 $0xFFFFB9B0  }
0x78: {  	[bflag:$0x0] =	sbarrier.arrive $0xFFFF  }
0x79: {  	_ =	strace $0x80000048  }
0x7a: {  	[tilespmem:s22], [sflag:$0x5] =	stream.linear.gather [spmem:s6], $0x2400, $0x200038;
	[tilespmem:$0x1E0A0] =	vst v63  }
0x7b: {  	_ =	swait.ge [sflag:s20], $0x2400  }
0x7c: {  	[sflag:s20] =	ssyncset.done $0x0  }
0x7d: {  	s0 =	simm.s32 $0x0;
	[sflag:s20] =	ssyncadd.s32 $0xFFFFDC00  }
0x7e: {  	v1 =	vld [tilespmem:s0+$0xA038];
	_ =	sdelay $0x4  }
0x7f: {  	(erf) = vrcp.f32 v1;
	_ =	sdelay $0x7  }
0x80: {  	v2 =	vld [tilespmem:s0+$0xA030]  }
0x81: {  	vm0 =	vgt.f32 v1, $0.0e+00;
	v3 =	vpop (erf)  }
0x82: {  	v4 =	vld [tilespmem:s0+$0xA020];
	v3 =	vnsel vm0, $0x0, v3  }
0x83: {  	v5 =	vld [tilespmem:s0+$0xA010];
	v3 =	vbroadcast v3, $0x8  }
0x84: {  	v6 =	vld [tilespmem:s0+$0xA000]  }
0x85: {  	v2 =	vmul.f32 v2, v3  }
0x86: {  	v1 =	vmul.f32 v3, v1  }
0x87: {  	v4 =	vmul.f32 v4, v3;
	[tilespmem:s0+$0xA030] =	vst v2  }
0x88: {  	s5 =	simm.s32 $0x48;
	v2 =	vmul.f32 v3, v5;
	[tilespmem:s0+$0xA038] =	vst v1  }
0x89: {  	s4 =	simm.s32 $0x240;
	v3 =	vmul.f32 v3, v6;
	v1 =	vld [tilespmem:s5+$0xA038];
	[tilespmem:s0+$0xA020] =	vst v4  }
.LBB2_6:
0x8a: {  	p0 =	sne.s32 s4, $0x8EE0;
	[tilespmem:s0+$0xA010] =	vst v2  }
0x8b: {  	[tilespmem:s0+$0xA000] =	vst v3;
	s0 =	smov.u32 s5;
	_ =	sdelay $0x2  }
0x8c: {  	(erf) = vrcp.f32 v1;
	_ =	sdelay $0x6  }
0x8d: {  	v2 =	vld [tilespmem:s0+$0xA010]  }
0x8e: {  	v3 =	vld [tilespmem:s0+$0xA030]  }
0x8f: {  	vm0 =	vgt.f32 v1, $0.0e+00;
	v4 =	vld [tilespmem:s0+$0xA020];
	v5 =	vpop (erf)  }
0x90: {  	v5 =	vnsel vm0, $0x0, v5;
	v6 =	vld [tilespmem:s0+$0xA000]  }
0x91: {  	v5 =	vbroadcast v5, $0x8;
	_ =	sdelay $0x1  }
.Ltmp2:
0x92: {  	v7 =	vmul.f32 v3, v5;
	v1 =	vmul.f32 v5, v1;
	(pc) =	sbr.rel @p0 .LBB2_6-.Ltmp2, $4  }
0x93: {  	v2 =	vmul.f32 v5, v2;
	v4 =	vmul.f32 v4, v5  }
0x94: {  	v3 =	vmul.f32 v5, v6;
	[tilespmem:s0+$0xA030] =	vst v7  }
0x95: {  	s5 =	sshra.s32 s4, $0x2;
	[tilespmem:s0+$0xA038] =	vst v1  }
0x96: {  	s4 =	sadd.s32 $0x120, s4;
	v1 =	vld [tilespmem:s5+$0xA038];
	[tilespmem:s0+$0xA020] =	vst v4  }
0x97: {  	_ =	sdelay $0x3  }
0x98: {  	(erf) = vrcp.f32 v1;
	_ =	sdelay $0x5  }
0x99: {  	[tilespmem:s0+$0xA010] =	vst v2  }
0x9a: {  	[tilespmem:s0+$0xA000] =	vst v3  }
0x9b: {  	v2 =	vld [tilespmem:s5+$0xA030]  }
0x9c: {  	v4 =	vld [tilespmem:s5+$0xA020];
	vm0 =	vgt.f32 v1, $0.0e+00;
	v3 =	vpop (erf)  }
0x9d: {  	v3 =	vnsel vm0, $0x0, v3  }
0x9e: {  	v5 =	vld [tilespmem:s5+$0xA010];
	v3 =	vbroadcast v3, $0x8  }
0x9f: {  	v6 =	vld [tilespmem:s5+$0xA000]  }
0xa0: {  	v2 =	vmul.f32 v2, v3  }
0xa1: {  	v4 =	vmul.f32 v4, v3  }
0xa2: {  	v1 =	vmul.f32 v3, v1;
	[tilespmem:s5+$0xA030] =	vst v2  }
0xa3: {  	v2 =	vmul.f32 v3, v5;
	[tilespmem:s5+$0xA020] =	vst v4  }
0xa4: {  	[tilespmem:s5+$0xA038] =	vst v1;
	v1 =	vmul.f32 v3, v6  }
0xa5: {  	[tilespmem:s5+$0xA010] =	vst v2  }
0xa6: {  	s4 =	simm.s32 $0x0;
	[tilespmem:s5+$0xA000] =	vst v1;
	s5 =	sadd.s32 s13, s12  }
0xa7: {  	[hbm4b:s5+s4] =	stream.linear.scatter [tilespmem:s22], [sflag:$0x5], $0x2400, $0x200038;
	[tilespmem:$0x1E0A0] =	vst v63  }
0xa8: {  	_ =	swait.ge [sflag:s20], $0x2400  }
0xa9: {  	[sflag:s20] =	ssyncset.done $0x0  }
0xaa: {  	[sflag:s20] =	ssyncadd.s32 $0xFFFFDC00  }
0xab: {  	[tilespmem:s22], [sflag:$0x5] =	stream.linear.gather [spmem:s7], $0x2400, $0x200038;
	[tilespmem:$0x1E0A0] =	vst v63  }
0xac: {  	_ =	swait.ge [sflag:s20], $0x2400  }
0xad: {  	[sflag:s20] =	ssyncset.done $0x0  }
0xae: {  	s0 =	simm.s32 $0x0;
	[sflag:s20] =	ssyncadd.s32 $0xFFFFDC00  }
0xaf: {  	v1 =	vld [tilespmem:s0+$0xA038];
	_ =	sdelay $0x4  }
0xb0: {  	(erf) = vrcp.f32 v1;
	_ =	sdelay $0x7  }
0xb1: {  	v2 =	vld [tilespmem:s0+$0xA030]  }
0xb2: {  	vm15 =	vgt.f32 v1, $0.0e+00;
	v3 =	vpop (erf)  }
0xb3: {  	v4 =	vld [tilespmem:s0+$0xA020];
	v3 =	vnsel vm15, $0x0, v3  }
0xb4: {  	v5 =	vld [tilespmem:s0+$0xA010];
	v3 =	vbroadcast v3, $0x8  }
0xb5: {  	v63 =	vld [tilespmem:s0+$0xA000]  }
0xb6: {  	v2 =	vmul.f32 v2, v3  }
0xb7: {  	v1 =	vmul.f32 v3, v1  }
0xb8: {  	v4 =	vmul.f32 v4, v3;
	[tilespmem:s0+$0xA030] =	vst v2  }
0xb9: {  	s5 =	simm.s32 $0x48;
	v2 =	vmul.f32 v3, v5;
	[tilespmem:s0+$0xA038] =	vst v1  }
0xba: {  	s4 =	simm.s32 $0x240;
	v3 =	vmul.f32 v3, v63;
	v1 =	vld [tilespmem:s5+$0xA038];
	[tilespmem:s0+$0xA020] =	vst v4  }
.LBB2_8:
0xbb: {  	p0 =	sne.s32 s4, $0x8EE0;
	[tilespmem:s0+$0xA010] =	vst v2  }
0xbc: {  	[tilespmem:s0+$0xA000] =	vst v3;
	s0 =	smov.u32 s5;
	_ =	sdelay $0x2  }
0xbd: {  	(erf) = vrcp.f32 v1;
	_ =	sdelay $0x6  }
0xbe: {  	v2 =	vld [tilespmem:s0+$0xA010]  }
0xbf: {  	v3 =	vld [tilespmem:s0+$0xA030]  }
0xc0: {  	vm0 =	vgt.f32 v1, $0.0e+00;
	v4 =	vld [tilespmem:s0+$0xA020];
	v5 =	vpop (erf)  }
0xc1: {  	v5 =	vnsel vm0, $0x0, v5;
	v6 =	vld [tilespmem:s0+$0xA000]  }
0xc2: {  	v5 =	vbroadcast v5, $0x8;
	_ =	sdelay $0x1  }
.Ltmp3:
0xc3: {  	v7 =	vmul.f32 v3, v5;
	v1 =	vmul.f32 v5, v1;
	(pc) =	sbr.rel @p0 .LBB2_8-.Ltmp3, $4  }
0xc4: {  	v2 =	vmul.f32 v5, v2;
	v4 =	vmul.f32 v4, v5  }
0xc5: {  	v3 =	vmul.f32 v5, v6;
	[tilespmem:s0+$0xA030] =	vst v7  }
0xc6: {  	s5 =	sshra.s32 s4, $0x2;
	[tilespmem:s0+$0xA038] =	vst v1  }
0xc7: {  	s4 =	sadd.s32 $0x120, s4;
	v1 =	vld [tilespmem:s5+$0xA038];
	[tilespmem:s0+$0xA020] =	vst v4  }
0xc8: {  	_ =	sdelay $0x3  }
0xc9: {  	(erf) = vrcp.f32 v1;
	_ =	sdelay $0x5  }
0xca: {  	[tilespmem:s0+$0xA010] =	vst v2  }
0xcb: {  	[tilespmem:s0+$0xA000] =	vst v3  }
0xcc: {  	v2 =	vld [tilespmem:s5+$0xA030]  }
0xcd: {  	v4 =	vld [tilespmem:s5+$0xA020];
	vm0 =	vgt.f32 v1, $0.0e+00;
	v3 =	vpop (erf)  }
0xce: {  	v3 =	vnsel vm0, $0x0, v3  }
0xcf: {  	v5 =	vld [tilespmem:s5+$0xA010];
	v3 =	vbroadcast v3, $0x8  }
0xd0: {  	v6 =	vld [tilespmem:s5+$0xA000]  }
0xd1: {  	v2 =	vmul.f32 v2, v3  }
0xd2: {  	v4 =	vmul.f32 v4, v3  }
0xd3: {  	v1 =	vmul.f32 v3, v1;
	[tilespmem:s5+$0xA030] =	vst v2  }
0xd4: {  	v2 =	vmul.f32 v3, v5;
	[tilespmem:s5+$0xA020] =	vst v4  }
0xd5: {  	[tilespmem:s5+$0xA038] =	vst v1;
	v1 =	vmul.f32 v3, v6  }
0xd6: {  	[tilespmem:s5+$0xA010] =	vst v2  }
0xd7: {  	s4 =	simm.s32 $0x0;
	[tilespmem:s5+$0xA000] =	vst v1;
	s5 =	sadd.s32 s14, s12  }
0xd8: {  	[hbm4b:s5+s4] =	stream.linear.scatter [tilespmem:s22], [sflag:$0x5], $0x2400, $0x200038;
	[tilespmem:$0x1E0A0] =	vst v63  }
0xd9: {  	_ =	swait.ge [sflag:s20], $0x2400  }
0xda: {  	[sflag:s20] =	ssyncset.done $0x0  }
0xdb: {  	[sflag:s20] =	ssyncadd.s32 $0xFFFFDC00  }
0xdc: {  	[tilespmem:s22], [sflag:$0x5] =	stream.linear.gather [spmem:s8], $0x2400, $0x200038;
	[tilespmem:$0x1E0A0] =	vst v63  }
0xdd: {  	_ =	swait.ge [sflag:s20], $0x2400  }
0xde: {  	[sflag:s20] =	ssyncset.done $0x0  }
0xdf: {  	s0 =	simm.s32 $0x0;
	[sflag:s20] =	ssyncadd.s32 $0xFFFFDC00  }
0xe0: {  	v1 =	vld [tilespmem:s0+$0xA038];
	_ =	sdelay $0x4  }
0xe1: {  	(erf) = vrcp.f32 v1;
	_ =	sdelay $0x7  }
0xe2: {  	v2 =	vld [tilespmem:s0+$0xA030]  }
0xe3: {  	vm15 =	vgt.f32 v1, $0.0e+00;
	v3 =	vpop (erf)  }
0xe4: {  	v4 =	vld [tilespmem:s0+$0xA020];
	v3 =	vnsel vm15, $0x0, v3  }
0xe5: {  	v5 =	vld [tilespmem:s0+$0xA010];
	v3 =	vbroadcast v3, $0x8  }
0xe6: {  	v63 =	vld [tilespmem:s0+$0xA000]  }
0xe7: {  	v2 =	vmul.f32 v2, v3  }
0xe8: {  	v1 =	vmul.f32 v3, v1  }
0xe9: {  	v4 =	vmul.f32 v4, v3;
	[tilespmem:s0+$0xA030] =	vst v2  }
0xea: {  	s5 =	simm.s32 $0x48;
	v2 =	vmul.f32 v3, v5;
	[tilespmem:s0+$0xA038] =	vst v1  }
0xeb: {  	s4 =	simm.s32 $0x240;
	v3 =	vmul.f32 v3, v63;
	v1 =	vld [tilespmem:s5+$0xA038];
	[tilespmem:s0+$0xA020] =	vst v4  }
.LBB2_10:
0xec: {  	p0 =	sne.s32 s4, $0x8EE0;
	[tilespmem:s0+$0xA010] =	vst v2  }
0xed: {  	[tilespmem:s0+$0xA000] =	vst v3;
	s0 =	smov.u32 s5;
	_ =	sdelay $0x2  }
0xee: {  	(erf) = vrcp.f32 v1;
	_ =	sdelay $0x6  }
0xef: {  	v2 =	vld [tilespmem:s0+$0xA010]  }
0xf0: {  	v3 =	vld [tilespmem:s0+$0xA030]  }
0xf1: {  	vm0 =	vgt.f32 v1, $0.0e+00;
	v4 =	vld [tilespmem:s0+$0xA020];
	v5 =	vpop (erf)  }
0xf2: {  	v5 =	vnsel vm0, $0x0, v5;
	v6 =	vld [tilespmem:s0+$0xA000]  }
0xf3: {  	v5 =	vbroadcast v5, $0x8;
	_ =	sdelay $0x1  }
.Ltmp4:
0xf4: {  	v7 =	vmul.f32 v3, v5;
	v1 =	vmul.f32 v5, v1;
	(pc) =	sbr.rel @p0 .LBB2_10-.Ltmp4, $4  }
0xf5: {  	v2 =	vmul.f32 v5, v2;
	v4 =	vmul.f32 v4, v5  }
0xf6: {  	v3 =	vmul.f32 v5, v6;
	[tilespmem:s0+$0xA030] =	vst v7  }
0xf7: {  	s5 =	sshra.s32 s4, $0x2;
	[tilespmem:s0+$0xA038] =	vst v1  }
0xf8: {  	s4 =	sadd.s32 $0x120, s4;
	v1 =	vld [tilespmem:s5+$0xA038];
	[tilespmem:s0+$0xA020] =	vst v4  }
0xf9: {  	_ =	sdelay $0x3  }
0xfa: {  	(erf) = vrcp.f32 v1;
	_ =	sdelay $0x5  }
0xfb: {  	[tilespmem:s0+$0xA010] =	vst v2  }
0xfc: {  	[tilespmem:s0+$0xA000] =	vst v3  }
0xfd: {  	v2 =	vld [tilespmem:s5+$0xA030]  }
0xfe: {  	v4 =	vld [tilespmem:s5+$0xA020];
	vm0 =	vgt.f32 v1, $0.0e+00;
	v3 =	vpop (erf)  }
0xff: {  	v3 =	vnsel vm0, $0x0, v3  }
0x100: {  	v5 =	vld [tilespmem:s5+$0xA010];
	v3 =	vbroadcast v3, $0x8  }
0x101: {  	v6 =	vld [tilespmem:s5+$0xA000]  }
0x102: {  	v2 =	vmul.f32 v2, v3  }
0x103: {  	v4 =	vmul.f32 v4, v3  }
0x104: {  	v1 =	vmul.f32 v3, v1;
	[tilespmem:s5+$0xA030] =	vst v2  }
0x105: {  	v2 =	vmul.f32 v3, v5;
	[tilespmem:s5+$0xA020] =	vst v4  }
0x106: {  	[tilespmem:s5+$0xA038] =	vst v1;
	v1 =	vmul.f32 v3, v6  }
0x107: {  	[tilespmem:s5+$0xA010] =	vst v2  }
0x108: {  	s4 =	simm.s32 $0x0;
	[tilespmem:s5+$0xA000] =	vst v1;
	s5 =	sadd.s32 s15, s12  }
0x109: {  	[hbm4b:s5+s4] =	stream.linear.scatter [tilespmem:s22], [sflag:$0x5], $0x2400, $0x200038;
	[tilespmem:$0x1E0A0] =	vst v63  }
0x10a: {  	_ =	swait.ge [sflag:s20], $0x2400  }
0x10b: {  	[sflag:s20] =	ssyncset.done $0x0  }
0x10c: {  	[sflag:s20] =	ssyncadd.s32 $0xFFFFDC00  }
0x10d: {  	[tilespmem:s22], [sflag:$0x5] =	stream.linear.gather [spmem:s9], $0x2400, $0x200038;
	[tilespmem:$0x1E0A0] =	vst v63  }
0x10e: {  	_ =	swait.ge [sflag:s20], $0x2400  }
0x10f: {  	[sflag:s20] =	ssyncset.done $0x0  }
0x110: {  	s0 =	simm.s32 $0x0;
	[sflag:s20] =	ssyncadd.s32 $0xFFFFDC00  }
0x111: {  	v1 =	vld [tilespmem:s0+$0xA038];
	_ =	sdelay $0x4  }
0x112: {  	(erf) = vrcp.f32 v1;
	_ =	sdelay $0x7  }
0x113: {  	v2 =	vld [tilespmem:s0+$0xA030]  }
0x114: {  	vm15 =	vgt.f32 v1, $0.0e+00;
	v3 =	vpop (erf)  }
0x115: {  	v4 =	vld [tilespmem:s0+$0xA020];
	v3 =	vnsel vm15, $0x0, v3  }
0x116: {  	v5 =	vld [tilespmem:s0+$0xA010];
	v3 =	vbroadcast v3, $0x8  }
0x117: {  	v63 =	vld [tilespmem:s0+$0xA000]  }
0x118: {  	v2 =	vmul.f32 v2, v3  }
0x119: {  	v1 =	vmul.f32 v3, v1  }
0x11a: {  	v4 =	vmul.f32 v4, v3;
	[tilespmem:s0+$0xA030] =	vst v2  }
0x11b: {  	s5 =	simm.s32 $0x48;
	v2 =	vmul.f32 v3, v5;
	[tilespmem:s0+$0xA038] =	vst v1  }
0x11c: {  	s4 =	simm.s32 $0x240;
	v3 =	vmul.f32 v3, v63;
	v1 =	vld [tilespmem:s5+$0xA038];
	[tilespmem:s0+$0xA020] =	vst v4  }
.LBB2_12:
0x11d: {  	p0 =	sne.s32 s4, $0x8EE0;
	[tilespmem:s0+$0xA010] =	vst v2  }
0x11e: {  	[tilespmem:s0+$0xA000] =	vst v3;
	s0 =	smov.u32 s5;
	_ =	sdelay $0x2  }
0x11f: {  	(erf) = vrcp.f32 v1;
	_ =	sdelay $0x6  }
0x120: {  	v2 =	vld [tilespmem:s0+$0xA010]  }
0x121: {  	v3 =	vld [tilespmem:s0+$0xA030]  }
0x122: {  	vm0 =	vgt.f32 v1, $0.0e+00;
	v4 =	vld [tilespmem:s0+$0xA020];
	v5 =	vpop (erf)  }
0x123: {  	v5 =	vnsel vm0, $0x0, v5;
	v6 =	vld [tilespmem:s0+$0xA000]  }
0x124: {  	v5 =	vbroadcast v5, $0x8;
	_ =	sdelay $0x1  }
.Ltmp5:
0x125: {  	v7 =	vmul.f32 v3, v5;
	v1 =	vmul.f32 v5, v1;
	(pc) =	sbr.rel @p0 .LBB2_12-.Ltmp5, $4  }
0x126: {  	v2 =	vmul.f32 v5, v2;
	v4 =	vmul.f32 v4, v5  }
0x127: {  	v3 =	vmul.f32 v5, v6;
	[tilespmem:s0+$0xA030] =	vst v7  }
0x128: {  	s5 =	sshra.s32 s4, $0x2;
	[tilespmem:s0+$0xA038] =	vst v1  }
0x129: {  	s4 =	sadd.s32 $0x120, s4;
	v1 =	vld [tilespmem:s5+$0xA038];
	[tilespmem:s0+$0xA020] =	vst v4  }
0x12a: {  	_ =	sdelay $0x3  }
0x12b: {  	(erf) = vrcp.f32 v1;
	_ =	sdelay $0x5  }
0x12c: {  	[tilespmem:s0+$0xA010] =	vst v2  }
0x12d: {  	[tilespmem:s0+$0xA000] =	vst v3  }
0x12e: {  	v2 =	vld [tilespmem:s5+$0xA030]  }
0x12f: {  	v4 =	vld [tilespmem:s5+$0xA020];
	vm0 =	vgt.f32 v1, $0.0e+00;
	v3 =	vpop (erf)  }
0x130: {  	v3 =	vnsel vm0, $0x0, v3  }
0x131: {  	v5 =	vld [tilespmem:s5+$0xA010];
	v3 =	vbroadcast v3, $0x8  }
0x132: {  	v6 =	vld [tilespmem:s5+$0xA000]  }
0x133: {  	v2 =	vmul.f32 v2, v3  }
0x134: {  	v4 =	vmul.f32 v4, v3  }
0x135: {  	v1 =	vmul.f32 v3, v1;
	[tilespmem:s5+$0xA030] =	vst v2  }
0x136: {  	v2 =	vmul.f32 v3, v5;
	[tilespmem:s5+$0xA020] =	vst v4  }
0x137: {  	[tilespmem:s5+$0xA038] =	vst v1;
	v1 =	vmul.f32 v3, v6  }
0x138: {  	[tilespmem:s5+$0xA010] =	vst v2  }
0x139: {  	s4 =	simm.s32 $0x0;
	[tilespmem:s5+$0xA000] =	vst v1;
	s5 =	sadd.s32 s16, s12  }
0x13a: {  	[hbm4b:s5+s4] =	stream.linear.scatter [tilespmem:s22], [sflag:$0x5], $0x2400, $0x200038;
	[tilespmem:$0x1E0A0] =	vst v63  }
0x13b: {  	_ =	swait.ge [sflag:s20], $0x2400  }
0x13c: {  	[sflag:s20] =	ssyncset.done $0x0  }
0x13d: {  	[sflag:s20] =	ssyncadd.s32 $0xFFFFDC00  }
0x13e: {  	[tilespmem:s22], [sflag:$0x5] =	stream.linear.gather [spmem:s10], $0x2400, $0x200038;
	[tilespmem:$0x1E0A0] =	vst v63  }
0x13f: {  	_ =	swait.ge [sflag:s20], $0x2400  }
0x140: {  	[sflag:s20] =	ssyncset.done $0x0  }
0x141: {  	s0 =	simm.s32 $0x0;
	[sflag:s20] =	ssyncadd.s32 $0xFFFFDC00  }
0x142: {  	v1 =	vld [tilespmem:s0+$0xA038];
	_ =	sdelay $0x4  }
0x143: {  	(erf) = vrcp.f32 v1;
	_ =	sdelay $0x7  }
0x144: {  	v2 =	vld [tilespmem:s0+$0xA030]  }
0x145: {  	vm15 =	vgt.f32 v1, $0.0e+00;
	v3 =	vpop (erf)  }
0x146: {  	v4 =	vld [tilespmem:s0+$0xA020];
	v3 =	vnsel vm15, $0x0, v3  }
0x147: {  	v5 =	vld [tilespmem:s0+$0xA010];
	v3 =	vbroadcast v3, $0x8  }
0x148: {  	v63 =	vld [tilespmem:s0+$0xA000]  }
0x149: {  	v2 =	vmul.f32 v2, v3  }
0x14a: {  	v1 =	vmul.f32 v3, v1  }
0x14b: {  	v4 =	vmul.f32 v4, v3;
	[tilespmem:s0+$0xA030] =	vst v2  }
0x14c: {  	s5 =	simm.s32 $0x48;
	v2 =	vmul.f32 v3, v5;
	[tilespmem:s0+$0xA038] =	vst v1  }
0x14d: {  	s4 =	simm.s32 $0x240;
	v3 =	vmul.f32 v3, v63;
	v1 =	vld [tilespmem:s5+$0xA038];
	[tilespmem:s0+$0xA020] =	vst v4  }
.LBB2_14:
0x14e: {  	p0 =	sne.s32 s4, $0x8EE0;
	[tilespmem:s0+$0xA010] =	vst v2  }
0x14f: {  	[tilespmem:s0+$0xA000] =	vst v3;
	s0 =	smov.u32 s5;
	_ =	sdelay $0x2  }
0x150: {  	(erf) = vrcp.f32 v1;
	_ =	sdelay $0x6  }
0x151: {  	v2 =	vld [tilespmem:s0+$0xA010]  }
0x152: {  	v3 =	vld [tilespmem:s0+$0xA030]  }
0x153: {  	vm0 =	vgt.f32 v1, $0.0e+00;
	v4 =	vld [tilespmem:s0+$0xA020];
	v5 =	vpop (erf)  }
0x154: {  	v5 =	vnsel vm0, $0x0, v5;
	v6 =	vld [tilespmem:s0+$0xA000]  }
0x155: {  	v5 =	vbroadcast v5, $0x8;
	_ =	sdelay $0x1  }
.Ltmp6:
0x156: {  	v7 =	vmul.f32 v3, v5;
	v1 =	vmul.f32 v5, v1;
	(pc) =	sbr.rel @p0 .LBB2_14-.Ltmp6, $4  }
0x157: {  	v2 =	vmul.f32 v5, v2;
	v4 =	vmul.f32 v4, v5  }
0x158: {  	v3 =	vmul.f32 v5, v6;
	[tilespmem:s0+$0xA030] =	vst v7  }
0x159: {  	s5 =	sshra.s32 s4, $0x2;
	[tilespmem:s0+$0xA038] =	vst v1  }
0x15a: {  	s4 =	sadd.s32 $0x120, s4;
	v1 =	vld [tilespmem:s5+$0xA038];
	[tilespmem:s0+$0xA020] =	vst v4  }
0x15b: {  	_ =	sdelay $0x3  }
0x15c: {  	(erf) = vrcp.f32 v1;
	_ =	sdelay $0x5  }
0x15d: {  	[tilespmem:s0+$0xA010] =	vst v2  }
0x15e: {  	[tilespmem:s0+$0xA000] =	vst v3  }
0x15f: {  	v2 =	vld [tilespmem:s5+$0xA030]  }
0x160: {  	v4 =	vld [tilespmem:s5+$0xA020];
	vm0 =	vgt.f32 v1, $0.0e+00;
	v3 =	vpop (erf)  }
0x161: {  	v3 =	vnsel vm0, $0x0, v3  }
0x162: {  	v5 =	vld [tilespmem:s5+$0xA010];
	v3 =	vbroadcast v3, $0x8  }
0x163: {  	v6 =	vld [tilespmem:s5+$0xA000]  }
0x164: {  	v2 =	vmul.f32 v2, v3  }
0x165: {  	v4 =	vmul.f32 v4, v3  }
0x166: {  	v1 =	vmul.f32 v3, v1;
	[tilespmem:s5+$0xA030] =	vst v2  }
0x167: {  	v2 =	vmul.f32 v3, v5;
	[tilespmem:s5+$0xA020] =	vst v4  }
0x168: {  	[tilespmem:s5+$0xA038] =	vst v1;
	v1 =	vmul.f32 v3, v6  }
0x169: {  	[tilespmem:s5+$0xA010] =	vst v2  }
0x16a: {  	s4 =	simm.s32 $0x0;
	[tilespmem:s5+$0xA000] =	vst v1;
	s5 =	sadd.s32 s17, s12  }
0x16b: {  	[hbm4b:s5+s4] =	stream.linear.scatter [tilespmem:s22], [sflag:$0x5], $0x2400, $0x200038;
	[tilespmem:$0x1E0A0] =	vst v63  }
0x16c: {  	_ =	swait.ge [sflag:s20], $0x2400  }
0x16d: {  	[sflag:s20] =	ssyncset.done $0x0  }
0x16e: {  	s0 =	simm.s32 $0x0;
	[sflag:s20] =	ssyncadd.s32 $0xFFFFDC00  }
0x16f: {  	s4 =	simm.s32 $0x120;
	[tilespmem:s0+$0xA020] =	vst v0  }
.LBB2_16:
0x170: {  	p0 =	sne.s32 s4, $0x8EE0;
	[tilespmem:s0+$0xA010] =	vst v0;
	s5 =	smov.u32 s4;
	s4 =	sadd.s32 $0x120, s4  }
.Ltmp7:
0x171: {  	[tilespmem:s0+$0xA030] =	vst v0;
	(pc) =	sbr.rel @p0 .LBB2_16-.Ltmp7, $4  }
0x172: {  	[tilespmem:s0+$0xA038] =	vst v0  }
0x173: {  	[tilespmem:s0+$0xA000] =	vst v0  }
0x174: {  	s0 =	sshra.s32 s5, $0x2  }
0x175: {  	[tilespmem:s0+$0xA020] =	vst v0  }
0x176: {  	[tilespmem:s0+$0xA010] =	vst v0  }
0x177: {  	[tilespmem:s0+$0xA030] =	vst v0  }
0x178: {  	[tilespmem:s0+$0xA000] =	vst v0  }
0x179: {  	[tilespmem:s0+$0xA038] =	vst v0  }
0x17a: {  	[spmem:s6] =	stream.linear.scatter [tilespmem:s22], [sflag:$0x5], $0x2400, $0x200038;
	[tilespmem:$0x1E0A0] =	vst v63  }
0x17b: {  	_ =	swait.ge [sflag:s20], $0x2400  }
0x17c: {  	[sflag:s20] =	ssyncset.done $0x0  }
0x17d: {  	[sflag:s20] =	ssyncadd.s32 $0xFFFFDC00  }
0x17e: {  	[spmem:s7] =	stream.linear.scatter [tilespmem:s22], [sflag:$0x5], $0x2400, $0x200038;
	[tilespmem:$0x1E0A0] =	vst v63  }
0x17f: {  	_ =	swait.ge [sflag:s20], $0x2400  }
0x180: {  	[sflag:s20] =	ssyncset.done $0x0  }
0x181: {  	[sflag:s20] =	ssyncadd.s32 $0xFFFFDC00  }
0x182: {  	[spmem:s8] =	stream.linear.scatter [tilespmem:s22], [sflag:$0x5], $0x2400, $0x200038;
	[tilespmem:$0x1E0A0] =	vst v63  }
0x183: {  	_ =	swait.ge [sflag:s20], $0x2400  }
0x184: {  	[sflag:s20] =	ssyncset.done $0x0  }
0x185: {  	[sflag:s20] =	ssyncadd.s32 $0xFFFFDC00  }
0x186: {  	[spmem:s9] =	stream.linear.scatter [tilespmem:s22], [sflag:$0x5], $0x2400, $0x200038;
	[tilespmem:$0x1E0A0] =	vst v63  }
0x187: {  	_ =	swait.ge [sflag:s20], $0x2400  }
0x188: {  	[sflag:s20] =	ssyncset.done $0x0  }
0x189: {  	[sflag:s20] =	ssyncadd.s32 $0xFFFFDC00  }
0x18a: {  	[spmem:s10] =	stream.linear.scatter [tilespmem:s22], [sflag:$0x5], $0x2400, $0x200038;
	[tilespmem:$0x1E0A0] =	vst v63  }
0x18b: {  	_ =	swait.ge [sflag:s20], $0x2400  }
0x18c: {  	[sflag:s20] =	ssyncset.done $0x0  }
0x18d: {  	[sflag:s20] =	ssyncadd.s32 $0xFFFFDC00  }
0x18e: {  	[bflag:$0x0] =	sbarrier.arrive $0xFFFF  }
0x18f: {  	_ =	strace $0x90000048  }
0x190: {  	_ =	strace $0x80000049  }
0x191: {  	[tilespmem:s22], [sflag:$0x1] =	stream.indirect.gather [hbm4b:s12+s23], $0x48, s21, s23, $0x2000b8;
	[tilespmem:$0x1E0A0] =	vst v63  }
0x192: {  	_ = 	snop  }
0x193: {  	[tilespmem:s25], [sflag:$0x2] =	stream.indirect.gather [hbm4b:s12+s23], $0x48, s2, s23, $0x2000b8;
	[tilespmem:$0x1E0A0] =	vst v63  }
0x194: {  	_ =	swait.ge [sflag:s26], $0x4650  }
0x195: {  	[sflag:s26] =	ssyncset.done $0x0  }
0x196: {  	s5 =	simm.s32 $0x0;
	[sflag:s26] =	ssyncadd.s32 $0xFFFFB9B0  }
0x197: {  	[spmem:s1] =	stream.indirect.scatter.add.f32 [tilespmem:s22], [sflag:$0x3], $0x48, s5, s23, $0x2000b8;
	[tilespmem:$0x1E0A0] =	vst v63  }
0x198: {  	_ =	swait.ge [sflag:s28], $0x4650  }
0x199: {  	[sflag:s28] =	ssyncset.done $0x0  }
0x19a: {  	s4 =	simm.s32 $0x100;
	[sflag:s28] =	ssyncadd.s32 $0xFFFFB9B0  }
0x19b: {  	[spmem:s1] =	stream.indirect.scatter.add.f32 [tilespmem:s25], [sflag:$0x4], $0x48, s4, s23, $0x2000b8;
	[tilespmem:$0x1E0A0] =	vst v63  }
0x19c: {  	_ =	swait.ge [sflag:s29], $0x4650  }
0x19d: {  	[sflag:s29] =	ssyncset.done $0x0  }
0x19e: {  	s5 =	simm.s32 $0x5200;
	[sflag:s29] =	ssyncadd.s32 $0xFFFFB9B0  }
0x19f: {  	[tilespmem:s22], [sflag:$0x1] =	stream.indirect.gather [hbm4b:s12+s23], $0x48, s5, s23, $0x2000b8;
	[tilespmem:$0x1E0A0] =	vst v63  }
0x1a0: {  	_ =	swait.ge [sflag:s30], $0x4650  }
0x1a1: {  	[sflag:s30] =	ssyncset.done $0x0  }
0x1a2: {  	s0 =	simm.s32 $0x800;
	s4 =	simm.s32 $0x5300;
	[sflag:s30] =	ssyncadd.s32 $0xFFFFB9B0  }
.LBB2_18:
0x1a3: {  	[tilespmem:s25], [sflag:$0x2] =	stream.indirect.gather [hbm4b:s12+s23], $0x48, s4, s23, $0x2000b8;
	[tilespmem:$0x1E0A0] =	vst v63  }
0x1a4: {  	s4 =	smov.u32 s0  }
0x1a5: {  	p0 =	sne.s32 s0, $0x13000;
	s0 =	sadd.s32 $0x800, s0;
	_ =	swait.ge [sflag:s26], $0x4650  }
0x1a6: {  	[sflag:s26] =	ssyncset.done $0x0  }
0x1a7: {  	s4 =	sshra.s32 s4, $0x2;
	[sflag:s26] =	ssyncadd.s32 $0xFFFFB9B0  }
0x1a8: {  	[spmem:s1] =	stream.indirect.scatter.add.f32 [tilespmem:s22], [sflag:$0x3], $0x48, s4, s23, $0x2000b8;
	[tilespmem:$0x1E0A0] =	vst v63  }
0x1a9: {  	_ =	swait.ge [sflag:s28], $0x4650  }
0x1aa: {  	[sflag:s28] =	ssyncset.done $0x0  }
0x1ab: {  	s5 =	sadd.s32 $0x100, s4;
	[sflag:s28] =	ssyncadd.s32 $0xFFFFB9B0  }
0x1ac: {  	[spmem:s1] =	stream.indirect.scatter.add.f32 [tilespmem:s25], [sflag:$0x4], $0x48, s5, s23, $0x2000b8;
	[tilespmem:$0x1E0A0] =	vst v63  }
0x1ad: {  	_ =	swait.ge [sflag:s29], $0x4650  }
0x1ae: {  	[sflag:s29] =	ssyncset.done $0x0  }
.Ltmp8:
0x1af: {  	s5 =	sadd.s32 $0x5200, s4;
	[sflag:s29] =	ssyncadd.s32 $0xFFFFB9B0;
	(pc) =	sbr.rel @p0 .LBB2_18-.Ltmp8, $4  }
0x1b0: {  	[tilespmem:s22], [sflag:$0x1] =	stream.indirect.gather [hbm4b:s12+s23], $0x48, s5, s23, $0x2000b8;
	[tilespmem:$0x1E0A0] =	vst v63  }
0x1b1: {  	_ =	swait.ge [sflag:s30], $0x4650  }
0x1b2: {  	[sflag:s30] =	ssyncset.done $0x0  }
0x1b3: {  	s4 =	sadd.s32 $0x5300, s4;
	[sflag:s30] =	ssyncadd.s32 $0xFFFFB9B0  }
0x1b4: {  	[tilespmem:s25], [sflag:$0x2] =	stream.indirect.gather [hbm4b:s12+s23], $0x48, s4, s23, $0x2000b8;
	[tilespmem:$0x1E0A0] =	vst v63  }
0x1b5: {  	_ =	swait.ge [sflag:s26], $0x4650  }
0x1b6: {  	[sflag:s26] =	ssyncset.done $0x0  }
0x1b7: {  	s0 =	simm.s32 $0x4E00;
	[sflag:s26] =	ssyncadd.s32 $0xFFFFB9B0  }
0x1b8: {  	[spmem:s1] =	stream.indirect.scatter.add.f32 [tilespmem:s22], [sflag:$0x3], $0x48, s0, s23, $0x2000b8;
	[tilespmem:$0x1E0A0] =	vst v63  }
0x1b9: {  	_ =	swait.ge [sflag:s28], $0x4650  }
0x1ba: {  	[sflag:s28] =	ssyncset.done $0x0  }
0x1bb: {  	s5 =	simm.s32 $0x4F00;
	[sflag:s28] =	ssyncadd.s32 $0xFFFFB9B0  }
0x1bc: {  	[spmem:s1] =	stream.indirect.scatter.add.f32 [tilespmem:s25], [sflag:$0x4], $0x48, s5, s23, $0x2000b8;
	[tilespmem:$0x1E0A0] =	vst v63  }
0x1bd: {  	_ =	swait.ge [sflag:s29], $0x4650  }
0x1be: {  	[sflag:s29] =	ssyncset.done $0x0  }
0x1bf: {  	[sflag:s29] =	ssyncadd.s32 $0xFFFFB9B0  }
0x1c0: {  	[tilespmem:s22], [sflag:$0x1] =	stream.indirect.gather [hbm4b:s12+s23], $0x48, s21, s23, $0x2000b8;
	[tilespmem:$0x1E0A0] =	vst v63  }
0x1c1: {  	_ =	swait.ge [sflag:s30], $0x4650  }
0x1c2: {  	[sflag:s30] =	ssyncset.done $0x0  }
0x1c3: {  	[sflag:s30] =	ssyncadd.s32 $0xFFFFB9B0  }
0x1c4: {  	[tilespmem:s25], [sflag:$0x2] =	stream.indirect.gather [hbm4b:s12+s23], $0x48, s2, s23, $0x2000b8;
	[tilespmem:$0x1E0A0] =	vst v63  }
0x1c5: {  	_ =	swait.ge [sflag:s26], $0x4650  }
0x1c6: {  	[sflag:s26] =	ssyncset.done $0x0  }
0x1c7: {  	[sflag:s26] =	ssyncadd.s32 $0xFFFFB9B0  }
0x1c8: {  	_ =	swait.ge [sflag:s28], $0x4650  }
0x1c9: {  	[sflag:s28] =	ssyncset.done $0x0  }
0x1ca: {  	[sflag:s28] =	ssyncadd.s32 $0xFFFFB9B0  }
0x1cb: {  	[bflag:$0x0] =	sbarrier.arrive $0xFFFF  }
0x1cc: {  	_ =	strace $0x90000049  }
0x1cd: {  	_ =	strace $0x8000004A  }
0x1ce: {  	[tilespmem:s22], [sflag:$0x5] =	stream.linear.gather [spmem:s6], $0x2400, $0x200038;
	[tilespmem:$0x1E0A0] =	vst v63  }
0x1cf: {  	_ =	swait.ge [sflag:s20], $0x2400  }
0x1d0: {  	[sflag:s20] =	ssyncset.done $0x0  }
0x1d1: {  	s0 =	simm.s32 $0x0;
	[sflag:s20] =	ssyncadd.s32 $0xFFFFDC00  }
0x1d2: {  	v1 =	vld [tilespmem:s0+$0xA038];
	_ =	sdelay $0x4  }
0x1d3: {  	(erf) = vrcp.f32 v1;
	_ =	sdelay $0x7  }
0x1d4: {  	v2 =	vld [tilespmem:s0+$0xA030]  }
0x1d5: {  	vm0 =	vgt.f32 v1, $0.0e+00;
	v3 =	vpop (erf)  }
0x1d6: {  	v4 =	vld [tilespmem:s0+$0xA020];
	v3 =	vnsel vm0, $0x0, v3  }
0x1d7: {  	v5 =	vld [tilespmem:s0+$0xA010];
	v3 =	vbroadcast v3, $0x8  }
0x1d8: {  	v6 =	vld [tilespmem:s0+$0xA000]  }
0x1d9: {  	v2 =	vmul.f32 v2, v3  }
0x1da: {  	v1 =	vmul.f32 v3, v1  }
0x1db: {  	v4 =	vmul.f32 v4, v3;
	[tilespmem:s0+$0xA030] =	vst v2  }
0x1dc: {  	s5 =	simm.s32 $0x48;
	v2 =	vmul.f32 v3, v5;
	[tilespmem:s0+$0xA038] =	vst v1  }
0x1dd: {  	s4 =	simm.s32 $0x240;
	v3 =	vmul.f32 v3, v6;
	v1 =	vld [tilespmem:s5+$0xA038];
	[tilespmem:s0+$0xA020] =	vst v4  }
.LBB2_20:
0x1de: {  	p0 =	sne.s32 s4, $0x8EE0;
	[tilespmem:s0+$0xA010] =	vst v2  }
0x1df: {  	[tilespmem:s0+$0xA000] =	vst v3;
	s0 =	smov.u32 s5;
	_ =	sdelay $0x2  }
0x1e0: {  	(erf) = vrcp.f32 v1;
	_ =	sdelay $0x6  }
0x1e1: {  	v2 =	vld [tilespmem:s0+$0xA010]  }
0x1e2: {  	v3 =	vld [tilespmem:s0+$0xA030]  }
0x1e3: {  	vm0 =	vgt.f32 v1, $0.0e+00;
	v4 =	vld [tilespmem:s0+$0xA020];
	v5 =	vpop (erf)  }
0x1e4: {  	v5 =	vnsel vm0, $0x0, v5;
	v6 =	vld [tilespmem:s0+$0xA000]  }
0x1e5: {  	v5 =	vbroadcast v5, $0x8;
	_ =	sdelay $0x1  }
.Ltmp9:
0x1e6: {  	v7 =	vmul.f32 v3, v5;
	v1 =	vmul.f32 v5, v1;
	(pc) =	sbr.rel @p0 .LBB2_20-.Ltmp9, $4  }
0x1e7: {  	v2 =	vmul.f32 v5, v2;
	v4 =	vmul.f32 v4, v5  }
0x1e8: {  	v3 =	vmul.f32 v5, v6;
	[tilespmem:s0+$0xA030] =	vst v7  }
0x1e9: {  	s5 =	sshra.s32 s4, $0x2;
	[tilespmem:s0+$0xA038] =	vst v1  }
0x1ea: {  	s4 =	sadd.s32 $0x120, s4;
	v1 =	vld [tilespmem:s5+$0xA038];
	[tilespmem:s0+$0xA020] =	vst v4  }
0x1eb: {  	_ =	sdelay $0x3  }
0x1ec: {  	(erf) = vrcp.f32 v1;
	_ =	sdelay $0x5  }
0x1ed: {  	[tilespmem:s0+$0xA010] =	vst v2  }
0x1ee: {  	[tilespmem:s0+$0xA000] =	vst v3  }
0x1ef: {  	v2 =	vld [tilespmem:s5+$0xA030]  }
0x1f0: {  	v4 =	vld [tilespmem:s5+$0xA020];
	vm0 =	vgt.f32 v1, $0.0e+00;
	v3 =	vpop (erf)  }
0x1f1: {  	v3 =	vnsel vm0, $0x0, v3  }
0x1f2: {  	v5 =	vld [tilespmem:s5+$0xA010];
	v3 =	vbroadcast v3, $0x8  }
0x1f3: {  	v6 =	vld [tilespmem:s5+$0xA000]  }
0x1f4: {  	v2 =	vmul.f32 v2, v3  }
0x1f5: {  	v4 =	vmul.f32 v4, v3  }
0x1f6: {  	v1 =	vmul.f32 v3, v1;
	[tilespmem:s5+$0xA030] =	vst v2  }
0x1f7: {  	v2 =	vmul.f32 v3, v5;
	[tilespmem:s5+$0xA020] =	vst v4  }
0x1f8: {  	[tilespmem:s5+$0xA038] =	vst v1;
	v1 =	vmul.f32 v3, v6  }
0x1f9: {  	[tilespmem:s5+$0xA010] =	vst v2  }
0x1fa: {  	s4 =	simm.s32 $0x0;
	[tilespmem:s5+$0xA000] =	vst v1;
	s5 =	sadd.s32 s13, s18  }
0x1fb: {  	[hbm4b:s5+s4] =	stream.linear.scatter [tilespmem:s22], [sflag:$0x5], $0x2400, $0x200038;
	[tilespmem:$0x1E0A0] =	vst v63  }
0x1fc: {  	_ =	swait.ge [sflag:s20], $0x2400  }
0x1fd: {  	[sflag:s20] =	ssyncset.done $0x0  }
0x1fe: {  	[sflag:s20] =	ssyncadd.s32 $0xFFFFDC00  }
0x1ff: {  	[tilespmem:s22], [sflag:$0x5] =	stream.linear.gather [spmem:s7], $0x2400, $0x200038;
	[tilespmem:$0x1E0A0] =	vst v63  }
0x200: {  	_ =	swait.ge [sflag:s20], $0x2400  }
0x201: {  	[sflag:s20] =	ssyncset.done $0x0  }
0x202: {  	s0 =	simm.s32 $0x0;
	[sflag:s20] =	ssyncadd.s32 $0xFFFFDC00  }
0x203: {  	v1 =	vld [tilespmem:s0+$0xA038];
	_ =	sdelay $0x4  }
0x204: {  	(erf) = vrcp.f32 v1;
	_ =	sdelay $0x7  }
0x205: {  	v2 =	vld [tilespmem:s0+$0xA030]  }
0x206: {  	vm15 =	vgt.f32 v1, $0.0e+00;
	v3 =	vpop (erf)  }
0x207: {  	v4 =	vld [tilespmem:s0+$0xA020];
	v3 =	vnsel vm15, $0x0, v3  }
0x208: {  	v5 =	vld [tilespmem:s0+$0xA010];
	v3 =	vbroadcast v3, $0x8  }
0x209: {  	v63 =	vld [tilespmem:s0+$0xA000]  }
0x20a: {  	v2 =	vmul.f32 v2, v3  }
0x20b: {  	v1 =	vmul.f32 v3, v1  }
0x20c: {  	v4 =	vmul.f32 v4, v3;
	[tilespmem:s0+$0xA030] =	vst v2  }
0x20d: {  	s5 =	simm.s32 $0x48;
	v2 =	vmul.f32 v3, v5;
	[tilespmem:s0+$0xA038] =	vst v1  }
0x20e: {  	s4 =	simm.s32 $0x240;
	v3 =	vmul.f32 v3, v63;
	v1 =	vld [tilespmem:s5+$0xA038];
	[tilespmem:s0+$0xA020] =	vst v4  }
.LBB2_22:
0x20f: {  	p0 =	sne.s32 s4, $0x8EE0;
	[tilespmem:s0+$0xA010] =	vst v2  }
0x210: {  	[tilespmem:s0+$0xA000] =	vst v3;
	s0 =	smov.u32 s5;
	_ =	sdelay $0x2  }
0x211: {  	(erf) = vrcp.f32 v1;
	_ =	sdelay $0x6  }
0x212: {  	v2 =	vld [tilespmem:s0+$0xA010]  }
0x213: {  	v3 =	vld [tilespmem:s0+$0xA030]  }
0x214: {  	vm0 =	vgt.f32 v1, $0.0e+00;
	v4 =	vld [tilespmem:s0+$0xA020];
	v5 =	vpop (erf)  }
0x215: {  	v5 =	vnsel vm0, $0x0, v5;
	v6 =	vld [tilespmem:s0+$0xA000]  }
0x216: {  	v5 =	vbroadcast v5, $0x8;
	_ =	sdelay $0x1  }
.Ltmp10:
0x217: {  	v7 =	vmul.f32 v3, v5;
	v1 =	vmul.f32 v5, v1;
	(pc) =	sbr.rel @p0 .LBB2_22-.Ltmp10, $4  }
0x218: {  	v2 =	vmul.f32 v5, v2;
	v4 =	vmul.f32 v4, v5  }
0x219: {  	v3 =	vmul.f32 v5, v6;
	[tilespmem:s0+$0xA030] =	vst v7  }
0x21a: {  	s5 =	sshra.s32 s4, $0x2;
	[tilespmem:s0+$0xA038] =	vst v1  }
0x21b: {  	s4 =	sadd.s32 $0x120, s4;
	v1 =	vld [tilespmem:s5+$0xA038];
	[tilespmem:s0+$0xA020] =	vst v4  }
0x21c: {  	_ =	sdelay $0x3  }
0x21d: {  	(erf) = vrcp.f32 v1;
	_ =	sdelay $0x5  }
0x21e: {  	[tilespmem:s0+$0xA010] =	vst v2  }
0x21f: {  	[tilespmem:s0+$0xA000] =	vst v3  }
0x220: {  	v2 =	vld [tilespmem:s5+$0xA030]  }
0x221: {  	v4 =	vld [tilespmem:s5+$0xA020];
	vm0 =	vgt.f32 v1, $0.0e+00;
	v3 =	vpop (erf)  }
0x222: {  	v3 =	vnsel vm0, $0x0, v3  }
0x223: {  	v5 =	vld [tilespmem:s5+$0xA010];
	v3 =	vbroadcast v3, $0x8  }
0x224: {  	v6 =	vld [tilespmem:s5+$0xA000]  }
0x225: {  	v2 =	vmul.f32 v2, v3  }
0x226: {  	v4 =	vmul.f32 v4, v3  }
0x227: {  	v1 =	vmul.f32 v3, v1;
	[tilespmem:s5+$0xA030] =	vst v2  }
0x228: {  	v2 =	vmul.f32 v3, v5;
	[tilespmem:s5+$0xA020] =	vst v4  }
0x229: {  	[tilespmem:s5+$0xA038] =	vst v1;
	v1 =	vmul.f32 v3, v6  }
0x22a: {  	[tilespmem:s5+$0xA010] =	vst v2  }
0x22b: {  	s4 =	simm.s32 $0x0;
	[tilespmem:s5+$0xA000] =	vst v1;
	s5 =	sadd.s32 s14, s18  }
0x22c: {  	[hbm4b:s5+s4] =	stream.linear.scatter [tilespmem:s22], [sflag:$0x5], $0x2400, $0x200038;
	[tilespmem:$0x1E0A0] =	vst v63  }
0x22d: {  	_ =	swait.ge [sflag:s20], $0x2400  }
0x22e: {  	[sflag:s20] =	ssyncset.done $0x0  }
0x22f: {  	[sflag:s20] =	ssyncadd.s32 $0xFFFFDC00  }
0x230: {  	[tilespmem:s22], [sflag:$0x5] =	stream.linear.gather [spmem:s8], $0x2400, $0x200038;
	[tilespmem:$0x1E0A0] =	vst v63  }
0x231: {  	_ =	swait.ge [sflag:s20], $0x2400  }
0x232: {  	[sflag:s20] =	ssyncset.done $0x0  }
0x233: {  	s0 =	simm.s32 $0x0;
	[sflag:s20] =	ssyncadd.s32 $0xFFFFDC00  }
0x234: {  	v1 =	vld [tilespmem:s0+$0xA038];
	_ =	sdelay $0x4  }
0x235: {  	(erf) = vrcp.f32 v1;
	_ =	sdelay $0x7  }
0x236: {  	v2 =	vld [tilespmem:s0+$0xA030]  }
0x237: {  	vm15 =	vgt.f32 v1, $0.0e+00;
	v3 =	vpop (erf)  }
0x238: {  	v4 =	vld [tilespmem:s0+$0xA020];
	v3 =	vnsel vm15, $0x0, v3  }
0x239: {  	v5 =	vld [tilespmem:s0+$0xA010];
	v3 =	vbroadcast v3, $0x8  }
0x23a: {  	v63 =	vld [tilespmem:s0+$0xA000]  }
0x23b: {  	v2 =	vmul.f32 v2, v3  }
0x23c: {  	v1 =	vmul.f32 v3, v1  }
0x23d: {  	v4 =	vmul.f32 v4, v3;
	[tilespmem:s0+$0xA030] =	vst v2  }
0x23e: {  	s5 =	simm.s32 $0x48;
	v2 =	vmul.f32 v3, v5;
	[tilespmem:s0+$0xA038] =	vst v1  }
0x23f: {  	s4 =	simm.s32 $0x240;
	v3 =	vmul.f32 v3, v63;
	v1 =	vld [tilespmem:s5+$0xA038];
	[tilespmem:s0+$0xA020] =	vst v4  }
.LBB2_24:
0x240: {  	p0 =	sne.s32 s4, $0x8EE0;
	[tilespmem:s0+$0xA010] =	vst v2  }
0x241: {  	[tilespmem:s0+$0xA000] =	vst v3;
	s0 =	smov.u32 s5;
	_ =	sdelay $0x2  }
0x242: {  	(erf) = vrcp.f32 v1;
	_ =	sdelay $0x6  }
0x243: {  	v2 =	vld [tilespmem:s0+$0xA010]  }
0x244: {  	v3 =	vld [tilespmem:s0+$0xA030]  }
0x245: {  	vm0 =	vgt.f32 v1, $0.0e+00;
	v4 =	vld [tilespmem:s0+$0xA020];
	v5 =	vpop (erf)  }
0x246: {  	v5 =	vnsel vm0, $0x0, v5;
	v6 =	vld [tilespmem:s0+$0xA000]  }
0x247: {  	v5 =	vbroadcast v5, $0x8;
	_ =	sdelay $0x1  }
.Ltmp11:
0x248: {  	v7 =	vmul.f32 v3, v5;
	v1 =	vmul.f32 v5, v1;
	(pc) =	sbr.rel @p0 .LBB2_24-.Ltmp11, $4  }
0x249: {  	v2 =	vmul.f32 v5, v2;
	v4 =	vmul.f32 v4, v5  }
0x24a: {  	v3 =	vmul.f32 v5, v6;
	[tilespmem:s0+$0xA030] =	vst v7  }
0x24b: {  	s5 =	sshra.s32 s4, $0x2;
	[tilespmem:s0+$0xA038] =	vst v1  }
0x24c: {  	s4 =	sadd.s32 $0x120, s4;
	v1 =	vld [tilespmem:s5+$0xA038];
	[tilespmem:s0+$0xA020] =	vst v4  }
0x24d: {  	_ =	sdelay $0x3  }
0x24e: {  	(erf) = vrcp.f32 v1;
	_ =	sdelay $0x5  }
0x24f: {  	[tilespmem:s0+$0xA010] =	vst v2  }
0x250: {  	[tilespmem:s0+$0xA000] =	vst v3  }
0x251: {  	v2 =	vld [tilespmem:s5+$0xA030]  }
0x252: {  	v4 =	vld [tilespmem:s5+$0xA020];
	vm0 =	vgt.f32 v1, $0.0e+00;
	v3 =	vpop (erf)  }
0x253: {  	v3 =	vnsel vm0, $0x0, v3  }
0x254: {  	v5 =	vld [tilespmem:s5+$0xA010];
	v3 =	vbroadcast v3, $0x8  }
0x255: {  	v6 =	vld [tilespmem:s5+$0xA000]  }
0x256: {  	v2 =	vmul.f32 v2, v3  }
0x257: {  	v4 =	vmul.f32 v4, v3  }
0x258: {  	v1 =	vmul.f32 v3, v1;
	[tilespmem:s5+$0xA030] =	vst v2  }
0x259: {  	v2 =	vmul.f32 v3, v5;
	[tilespmem:s5+$0xA020] =	vst v4  }
0x25a: {  	[tilespmem:s5+$0xA038] =	vst v1;
	v1 =	vmul.f32 v3, v6  }
0x25b: {  	[tilespmem:s5+$0xA010] =	vst v2  }
0x25c: {  	s4 =	simm.s32 $0x0;
	[tilespmem:s5+$0xA000] =	vst v1;
	s5 =	sadd.s32 s15, s18  }
0x25d: {  	[hbm4b:s5+s4] =	stream.linear.scatter [tilespmem:s22], [sflag:$0x5], $0x2400, $0x200038;
	[tilespmem:$0x1E0A0] =	vst v63  }
0x25e: {  	_ =	swait.ge [sflag:s20], $0x2400  }
0x25f: {  	[sflag:s20] =	ssyncset.done $0x0  }
0x260: {  	[sflag:s20] =	ssyncadd.s32 $0xFFFFDC00  }
0x261: {  	[tilespmem:s22], [sflag:$0x5] =	stream.linear.gather [spmem:s9], $0x2400, $0x200038;
	[tilespmem:$0x1E0A0] =	vst v63  }
0x262: {  	_ =	swait.ge [sflag:s20], $0x2400  }
0x263: {  	[sflag:s20] =	ssyncset.done $0x0  }
0x264: {  	s0 =	simm.s32 $0x0;
	[sflag:s20] =	ssyncadd.s32 $0xFFFFDC00  }
0x265: {  	v1 =	vld [tilespmem:s0+$0xA038];
	_ =	sdelay $0x4  }
0x266: {  	(erf) = vrcp.f32 v1;
	_ =	sdelay $0x7  }
0x267: {  	v2 =	vld [tilespmem:s0+$0xA030]  }
0x268: {  	vm15 =	vgt.f32 v1, $0.0e+00;
	v3 =	vpop (erf)  }
0x269: {  	v4 =	vld [tilespmem:s0+$0xA020];
	v3 =	vnsel vm15, $0x0, v3  }
0x26a: {  	v5 =	vld [tilespmem:s0+$0xA010];
	v3 =	vbroadcast v3, $0x8  }
0x26b: {  	v63 =	vld [tilespmem:s0+$0xA000]  }
0x26c: {  	v2 =	vmul.f32 v2, v3  }
0x26d: {  	v1 =	vmul.f32 v3, v1  }
0x26e: {  	v4 =	vmul.f32 v4, v3;
	[tilespmem:s0+$0xA030] =	vst v2  }
0x26f: {  	s5 =	simm.s32 $0x48;
	v2 =	vmul.f32 v3, v5;
	[tilespmem:s0+$0xA038] =	vst v1  }
0x270: {  	s4 =	simm.s32 $0x240;
	v3 =	vmul.f32 v3, v63;
	v1 =	vld [tilespmem:s5+$0xA038];
	[tilespmem:s0+$0xA020] =	vst v4  }
.LBB2_26:
0x271: {  	p0 =	sne.s32 s4, $0x8EE0;
	[tilespmem:s0+$0xA010] =	vst v2  }
0x272: {  	[tilespmem:s0+$0xA000] =	vst v3;
	s0 =	smov.u32 s5;
	_ =	sdelay $0x2  }
0x273: {  	(erf) = vrcp.f32 v1;
	_ =	sdelay $0x6  }
0x274: {  	v2 =	vld [tilespmem:s0+$0xA010]  }
0x275: {  	v3 =	vld [tilespmem:s0+$0xA030]  }
0x276: {  	vm0 =	vgt.f32 v1, $0.0e+00;
	v4 =	vld [tilespmem:s0+$0xA020];
	v5 =	vpop (erf)  }
0x277: {  	v5 =	vnsel vm0, $0x0, v5;
	v6 =	vld [tilespmem:s0+$0xA000]  }
0x278: {  	v5 =	vbroadcast v5, $0x8;
	_ =	sdelay $0x1  }
.Ltmp12:
0x279: {  	v7 =	vmul.f32 v3, v5;
	v1 =	vmul.f32 v5, v1;
	(pc) =	sbr.rel @p0 .LBB2_26-.Ltmp12, $4  }
0x27a: {  	v2 =	vmul.f32 v5, v2;
	v4 =	vmul.f32 v4, v5  }
0x27b: {  	v3 =	vmul.f32 v5, v6;
	[tilespmem:s0+$0xA030] =	vst v7  }
0x27c: {  	s5 =	sshra.s32 s4, $0x2;
	[tilespmem:s0+$0xA038] =	vst v1  }
0x27d: {  	s4 =	sadd.s32 $0x120, s4;
	v1 =	vld [tilespmem:s5+$0xA038];
	[tilespmem:s0+$0xA020] =	vst v4  }
0x27e: {  	_ =	sdelay $0x3  }
0x27f: {  	(erf) = vrcp.f32 v1;
	_ =	sdelay $0x5  }
0x280: {  	[tilespmem:s0+$0xA010] =	vst v2  }
0x281: {  	[tilespmem:s0+$0xA000] =	vst v3  }
0x282: {  	v2 =	vld [tilespmem:s5+$0xA030]  }
0x283: {  	v4 =	vld [tilespmem:s5+$0xA020];
	vm0 =	vgt.f32 v1, $0.0e+00;
	v3 =	vpop (erf)  }
0x284: {  	v3 =	vnsel vm0, $0x0, v3  }
0x285: {  	v5 =	vld [tilespmem:s5+$0xA010];
	v3 =	vbroadcast v3, $0x8  }
0x286: {  	v6 =	vld [tilespmem:s5+$0xA000]  }
0x287: {  	v2 =	vmul.f32 v2, v3  }
0x288: {  	v4 =	vmul.f32 v4, v3  }
0x289: {  	v1 =	vmul.f32 v3, v1;
	[tilespmem:s5+$0xA030] =	vst v2  }
0x28a: {  	v2 =	vmul.f32 v3, v5;
	[tilespmem:s5+$0xA020] =	vst v4  }
0x28b: {  	[tilespmem:s5+$0xA038] =	vst v1;
	v1 =	vmul.f32 v3, v6  }
0x28c: {  	[tilespmem:s5+$0xA010] =	vst v2  }
0x28d: {  	s4 =	simm.s32 $0x0;
	[tilespmem:s5+$0xA000] =	vst v1;
	s5 =	sadd.s32 s16, s18  }
0x28e: {  	[hbm4b:s5+s4] =	stream.linear.scatter [tilespmem:s22], [sflag:$0x5], $0x2400, $0x200038;
	[tilespmem:$0x1E0A0] =	vst v63  }
0x28f: {  	_ =	swait.ge [sflag:s20], $0x2400  }
0x290: {  	[sflag:s20] =	ssyncset.done $0x0  }
0x291: {  	[sflag:s20] =	ssyncadd.s32 $0xFFFFDC00  }
0x292: {  	[tilespmem:s22], [sflag:$0x5] =	stream.linear.gather [spmem:s10], $0x2400, $0x200038;
	[tilespmem:$0x1E0A0] =	vst v63  }
0x293: {  	_ =	swait.ge [sflag:s20], $0x2400  }
0x294: {  	[sflag:s20] =	ssyncset.done $0x0  }
0x295: {  	s0 =	simm.s32 $0x0;
	[sflag:s20] =	ssyncadd.s32 $0xFFFFDC00  }
0x296: {  	v1 =	vld [tilespmem:s0+$0xA038];
	_ =	sdelay $0x4  }
0x297: {  	(erf) = vrcp.f32 v1;
	_ =	sdelay $0x7  }
0x298: {  	v2 =	vld [tilespmem:s0+$0xA030]  }
0x299: {  	vm15 =	vgt.f32 v1, $0.0e+00;
	v3 =	vpop (erf)  }
0x29a: {  	v4 =	vld [tilespmem:s0+$0xA020];
	v3 =	vnsel vm15, $0x0, v3  }
0x29b: {  	v5 =	vld [tilespmem:s0+$0xA010];
	v3 =	vbroadcast v3, $0x8  }
0x29c: {  	v63 =	vld [tilespmem:s0+$0xA000]  }
0x29d: {  	v2 =	vmul.f32 v2, v3  }
0x29e: {  	v1 =	vmul.f32 v3, v1  }
0x29f: {  	v4 =	vmul.f32 v4, v3;
	[tilespmem:s0+$0xA030] =	vst v2  }
0x2a0: {  	s5 =	simm.s32 $0x48;
	v2 =	vmul.f32 v3, v5;
	[tilespmem:s0+$0xA038] =	vst v1  }
0x2a1: {  	s4 =	simm.s32 $0x240;
	v3 =	vmul.f32 v3, v63;
	v1 =	vld [tilespmem:s5+$0xA038];
	[tilespmem:s0+$0xA020] =	vst v4  }
.LBB2_28:
0x2a2: {  	p0 =	sne.s32 s4, $0x8EE0;
	[tilespmem:s0+$0xA010] =	vst v2  }
0x2a3: {  	[tilespmem:s0+$0xA000] =	vst v3;
	s0 =	smov.u32 s5;
	_ =	sdelay $0x2  }
0x2a4: {  	(erf) = vrcp.f32 v1;
	_ =	sdelay $0x6  }
0x2a5: {  	v2 =	vld [tilespmem:s0+$0xA010]  }
0x2a6: {  	v3 =	vld [tilespmem:s0+$0xA030]  }
0x2a7: {  	vm0 =	vgt.f32 v1, $0.0e+00;
	v4 =	vld [tilespmem:s0+$0xA020];
	v5 =	vpop (erf)  }
0x2a8: {  	v5 =	vnsel vm0, $0x0, v5;
	v6 =	vld [tilespmem:s0+$0xA000]  }
0x2a9: {  	v5 =	vbroadcast v5, $0x8;
	_ =	sdelay $0x1  }
.Ltmp13:
0x2aa: {  	v7 =	vmul.f32 v3, v5;
	v1 =	vmul.f32 v5, v1;
	(pc) =	sbr.rel @p0 .LBB2_28-.Ltmp13, $4  }
0x2ab: {  	v2 =	vmul.f32 v5, v2;
	v4 =	vmul.f32 v4, v5  }
0x2ac: {  	v3 =	vmul.f32 v5, v6;
	[tilespmem:s0+$0xA030] =	vst v7  }
0x2ad: {  	s5 =	sshra.s32 s4, $0x2;
	[tilespmem:s0+$0xA038] =	vst v1  }
0x2ae: {  	s4 =	sadd.s32 $0x120, s4;
	v1 =	vld [tilespmem:s5+$0xA038];
	[tilespmem:s0+$0xA020] =	vst v4  }
0x2af: {  	_ =	sdelay $0x3  }
0x2b0: {  	(erf) = vrcp.f32 v1;
	_ =	sdelay $0x5  }
0x2b1: {  	[tilespmem:s0+$0xA010] =	vst v2  }
0x2b2: {  	[tilespmem:s0+$0xA000] =	vst v3  }
0x2b3: {  	v2 =	vld [tilespmem:s5+$0xA030]  }
0x2b4: {  	v4 =	vld [tilespmem:s5+$0xA020];
	vm0 =	vgt.f32 v1, $0.0e+00;
	v3 =	vpop (erf)  }
0x2b5: {  	v3 =	vnsel vm0, $0x0, v3  }
0x2b6: {  	v5 =	vld [tilespmem:s5+$0xA010];
	v3 =	vbroadcast v3, $0x8  }
0x2b7: {  	v6 =	vld [tilespmem:s5+$0xA000]  }
0x2b8: {  	v2 =	vmul.f32 v2, v3  }
0x2b9: {  	v4 =	vmul.f32 v4, v3  }
0x2ba: {  	v1 =	vmul.f32 v3, v1;
	[tilespmem:s5+$0xA030] =	vst v2  }
0x2bb: {  	v2 =	vmul.f32 v3, v5;
	[tilespmem:s5+$0xA020] =	vst v4  }
0x2bc: {  	[tilespmem:s5+$0xA038] =	vst v1;
	v1 =	vmul.f32 v3, v6  }
0x2bd: {  	s31 =	sadd.s32 $0x1, s31;
	[tilespmem:s5+$0xA010] =	vst v2  }
0x2be: {  	p0 =	sne.s32 s31, s19;
	[tilespmem:s5+$0xA000] =	vst v1;
	s5 =	sadd.s32 s17, s18  }
0x2bf: {  	[hbm4b:s5+s3] =	stream.linear.scatter [tilespmem:s22], [sflag:$0x5], $0x2400, $0x200038;
	[tilespmem:$0x1E0A0] =	vst v63  }
.Ltmp14:
0x2c0: {  	_ = 	snop;
	(pc) =	sbr.rel @p0 .LBB2_1-.Ltmp14, $4  }
0x2c1: {  	_ =	swait.ge [sflag:s20], $0x2400  }
0x2c2: {  	[sflag:s20] =	ssyncset.done $0x0  }
0x2c3: {  	[sflag:s20] =	ssyncadd.s32 $0xFFFFDC00  }
0x2c4: {  	_ =	strace $0x9000004A  }
0x2c5: {  	_ =	sfence.sel $0x180000  }
0x2c6: {  	[bflag:$0x0] =	sbarrier.arrive $0xFFFF  }
0x2c7: {  	_ =	strace $0x90000047  }
0x2c8: {  	s0 =	stileid.u32;
	[bflag:$0x2] =	sbarrier.arrive $0xFFFF  }
0x2c9: {  	p0 =	sne.s32 s0, $0x0;
	s0 =	rddreg [dreg:$0x4]  }
0x2ca: {  	s0 =	sadd.s32 @!p0 $0x100000, s0  }
0x2cb: {  	[sflag:s0] =	ssyncadd.tile.s32 @!p0 $0x1;
	_ =	shalt  }
.Lfunc_end2:
_tile_overlayer_lowered:
.L_overlay_start_2:
0x2cc: {  	(tag) =	ssettag $0x2  }
0x2cd: {  	s0 =	rddreg [dreg:$0x0];
	s2 =	stileid.u32  }
0x2ce: {  	s1 =	rddreg [dreg:$0x1];
	p0 =	sne.s32 s2, $0x0  }
0x2cf: {  	s3 =	rddreg [dreg:$0x2];
	[bflag:$0x3] =	sbarrier.arrive $0xFFFF;
	s2 =	simm.s32 @!p0 $0x1C05  }
0x2d0: {  	[timem:s3], [sflag:s2] =	dma.local @!p0 [hbm:s0], s1  }
0x2d1: {  	s0 =	simm.s32 @!p0 $0x5  }
0x2d2: {  	_ =	swait.ge @!p0 [sflag:s0], s1  }
0x2d3: {  	s1 =	ssub.s32 @!p0 $0x0, s1;
	[sflag:s0] =	ssyncset.done @!p0 $0x0  }
0x2d4: {  	[sflag:s0] =	ssyncadd.s32 @!p0 s1  }
0x2d5: {  	[bflag:$0x3] =	sbarrier.arrive $0xFFFF  }
0x2d6: {  	_ =	shalt  }

</sc_bundles>
